<compile_context>
chip_gen: v7x
topology: tpu7x:2x2x1
jax: 0.10.2.dev20260603
libtpu: 0.0.44.dev20260713+nightly
codegen_flags: <defaults>
</compile_context>

<pallas_src>
import functools

import jax
import jax.numpy as jnp
from jax import lax
from jax.experimental import pallas as pl
from jax.experimental.pallas import tpu as pltpu
from jax.experimental.pallas import tpu_sc as plsc

NN = 10000
DIN = 128
DH = 256
DOUT = 64
EDGES = 320000
NC, NS = 2, 16
CHUNK = 112
ACCR = 10112
TROWS = ACCR // NS
EPAD = 322560
NROWCH = EPAD // CHUNK
CH_AGG = NROWCH // NS
CH_DEG = NROWCH // (NC * NS)
NIB = 30
NBUF = 3
SLAG = 1
ROWB = 400
_MESH = plsc.VectorSubcoreMesh(core_axis_name="c", subcore_axis_name="s")
_SC_PARAMS = pltpu.CompilerParams(use_tc_tiling_on_sc=False,
                                  needs_layout_passes=False)

f32 = jnp.float32


def _zero_fill(ref, nrow, ncol):
    nv = ncol // 16

    def body(i, _):
        r = i // nv
        k = i % nv
        ref[r, pl.ds(k * 16, 16)] = jnp.zeros((16,), f32)
        return 0

    lax.fori_loop(0, nrow * nv, body, 0)


def _zero_acc(stage, acc_sh, base):
    off = 0
    left = TROWS
    while left > 0:
        n = min(CHUNK, left)
        pltpu.sync_copy(stage.at[pl.ds(0, n)], acc_sh.at[pl.ds(base + off, n)])
        off += n
        left -= n


@functools.partial(
    pl.kernel,
    out_type=jax.ShapeDtypeStruct((NC * ACCR, 16), f32),
    mesh=_MESH,
    scratch_types=[
        pltpu.VMEM((CH_DEG, CHUNK), jnp.int32),
        pltpu.VMEM((CHUNK, 16), f32),
        pltpu.VMEM_SHARED((ACCR, 16), f32),
        pltpu.SemaphoreType.DMA,
    ],
    compiler_params=_SC_PARAMS,
)
def _deg(dst2d_hbm, out_hbm, dstb, ones_v, acc_sh, sem):
    c = lax.axis_index("c")
    s = lax.axis_index("s")
    w = c * NS + s
    pltpu.sync_copy(dst2d_hbm.at[pl.ds(w * CH_DEG, CH_DEG)], dstb)
    _zero_fill(ones_v, CHUNK, 16)
    base = s * TROWS
    _zero_acc(ones_v, acc_sh, base)

    def fill(i, _):
        ones_v[i, pl.ds(0, 16)] = jnp.full((16,), 1.0, f32)
        return 0

    lax.fori_loop(0, CHUNK, fill, 0)
    plsc.subcore_barrier()

    def fire(j, _):
        pltpu.async_copy(ones_v, acc_sh.at[dstb.at[j]], sem, add=True)
        return 0

    lax.fori_loop(0, CH_DEG, fire, 0)

    def drain(j, _):
        pltpu.make_async_copy(ones_v, acc_sh.at[dstb.at[0]], sem).wait()
        return 0

    lax.fori_loop(0, CH_DEG, drain, 0)
    plsc.subcore_barrier()
    pltpu.sync_copy(acc_sh.at[pl.ds(base, TROWS)],
                    out_hbm.at[pl.ds(c * ACCR + base, TROWS)])


def _make_agg(dc):
    nvw = CHUNK // 16

    @functools.partial(
        pl.kernel,
        out_type=jax.ShapeDtypeStruct((NC * ACCR, dc), f32),
        mesh=_MESH,
        scratch_types=[
            pltpu.VMEM((NIB, CHUNK), jnp.int32),
            pltpu.VMEM((NIB, CHUNK), jnp.int32),
            pltpu.VMEM((CHUNK, dc), f32),
            pltpu.VMEM((CHUNK, dc), f32),
            pltpu.VMEM((CHUNK, dc), f32),
            pltpu.VMEM_SHARED((ACCR, dc), f32),
            pltpu.SemaphoreType.DMA,
            pltpu.SemaphoreType.DMA,
            pltpu.SemaphoreType.DMA,
            pltpu.SemaphoreType.DMA,
        ],
        compiler_params=_SC_PARAMS,
    )
    def agg(xs_hbm, src2d_hbm, dst2d_hbm, out_hbm,
            srcb, dstb, r0, r1, r2, acc_sh, gs0, gs1, gs2, ssem):
        c = lax.axis_index("c")
        s = lax.axis_index("s")
        off = (c * ACCR).astype(jnp.int32)
        _zero_fill(r0, CHUNK, dc)
        base = s * TROWS
        _zero_acc(r0, acc_sh, base)
        plsc.subcore_barrier()

        bufs = (r0, r1, r2)
        gsems = (gs0, gs1, gs2)

        def gather(j, b):
            pltpu.async_copy(xs_hbm.at[srcb.at[j]], bufs[b], gsems[b])

        def gwait(b):
            pltpu.make_async_copy(xs_hbm.at[pl.ds(0, CHUNK)], bufs[b],
                                  gsems[b]).wait()

        def swait():
            pltpu.make_async_copy(r0, acc_sh.at[dstb.at[0]], ssem).wait()

        def block(g, _):
            hb = s * CH_AGG + g * NIB
            pltpu.sync_copy(src2d_hbm.at[pl.ds(hb, NIB)], srcb)
            pltpu.sync_copy(dst2d_hbm.at[pl.ds(hb, NIB)], dstb)

            def addoff(i, __):
                r = i // nvw
                k = i % nvw
                srcb[r, pl.ds(k * 16, 16)] = srcb[r, pl.ds(k * 16, 16)] + off
                return 0

            lax.fori_loop(0, NIB * nvw, addoff, 0)
            gather(0, 0)
            gather(1, 1)
            for j in range(NIB):
                b = j % NBUF
                gwait(b)
                pltpu.async_copy(bufs[b], acc_sh.at[dstb.at[j]], ssem,
                                 add=True)
                if j >= SLAG:
                    swait()
                if j + 2 < NIB:
                    gather(j + 2, (j + 2) % NBUF)
            for _ in range(min(SLAG, NIB)):
                swait()
            return 0

        lax.fori_loop(0, CH_AGG // NIB, block, 0)
        plsc.subcore_barrier()
        pltpu.sync_copy(acc_sh.at[pl.ds(base, TROWS)],
                        out_hbm.at[pl.ds(c * ACCR + base, TROWS)])

    return agg


_agg64 = _make_agg(64)
_agg128 = _make_agg(128)


def _prep_body(p0, p1, x, xs_s, dinv):
    deg = p0[0, :, :1] + p1[0, :, :1] + 1.0
    div = lax.rsqrt(deg)
    xs = x[:, :] * div
    xs_s[0, :, :] = xs[:, : DIN // 2]
    xs_s[1, :, :] = xs[:, DIN // 2:]
    dinv[:, :] = div


_prep = pl.pallas_call(
    _prep_body,
    grid=(NN // ROWB,),
    in_specs=[
        pl.BlockSpec((1, ROWB, 16), lambda i: (0, i, 0)),
        pl.BlockSpec((1, ROWB, 16), lambda i: (1, i, 0)),
        pl.BlockSpec((ROWB, DIN), lambda i: (i, 0)),
    ],
    out_specs=[
        pl.BlockSpec((NC, ROWB, DIN // 2), lambda i: (0, i, 0)),
        pl.BlockSpec((ROWB, 1), lambda i: (i, 0)),
    ],
    out_shape=[
        jax.ShapeDtypeStruct((NC, ACCR, DIN // 2), f32),
        jax.ShapeDtypeStruct((NN, 1), f32),
    ],
)


def _l1_body(a0, a1, x, dinv, W1, b1, g, bn, g2_s):
    agg = jnp.concatenate([a0[0], a1[0]], axis=1)
    div = dinv[:, :]
    t = (agg + x[:, :] * div) * div
    h = jnp.dot(t, W1[:, :], preferred_element_type=f32) + b1[:, :]
    h = jnp.maximum(h, 0.0)
    mu = jnp.mean(h, axis=1, keepdims=True)
    var = jnp.mean((h - mu) ** 2, axis=1, keepdims=True)
    h = (h - mu) * lax.rsqrt(var + 1e-5) * g[:, :] + bn[:, :]
    h = h * div
    g2_s[0, :, :] = h[:, : DH // 2]
    g2_s[1, :, :] = h[:, DH // 2:]


_l1 = pl.pallas_call(
    _l1_body,
    grid=(NN // ROWB,),
    in_specs=[
        pl.BlockSpec((1, ROWB, DIN // 2), lambda i: (0, i, 0)),
        pl.BlockSpec((1, ROWB, DIN // 2), lambda i: (1, i, 0)),
        pl.BlockSpec((ROWB, DIN), lambda i: (i, 0)),
        pl.BlockSpec((ROWB, 1), lambda i: (i, 0)),
        pl.BlockSpec((DIN, DH), lambda i: (0, 0)),
        pl.BlockSpec((1, DH), lambda i: (0, 0)),
        pl.BlockSpec((1, DH), lambda i: (0, 0)),
        pl.BlockSpec((1, DH), lambda i: (0, 0)),
    ],
    out_specs=[
        pl.BlockSpec((NC, ROWB, DH // 2), lambda i: (0, i, 0)),
    ],
    out_shape=[
        jax.ShapeDtypeStruct((NC, ACCR, DH // 2), f32),
    ],
)


def _l2_body(a0, a1, g0, g1, dinv, W2, b2, l1W, l1b, l2W, l2b, emb, logp):
    agg = jnp.concatenate([a0[0], a1[0]], axis=1)
    g2 = jnp.concatenate([g0[0], g1[0]], axis=1)
    div = dinv[:, :]
    t = (agg + g2) * div
    e = jnp.dot(t, W2[:, :], preferred_element_type=f32) + b2[:, :]
    emb[:, :] = e
    h = jnp.maximum(e, 0.0)
    h = jnp.dot(h, l1W[:, :], preferred_element_type=f32) + l1b[:, :]
    h = jnp.dot(h, l2W[:, :], preferred_element_type=f32) + l2b[:, :]
    m = jnp.max(h, axis=1, keepdims=True)
    lse = jnp.log(jnp.sum(jnp.exp(h - m), axis=1, keepdims=True)) + m
    logp[:, :] = h - lse


_l2 = pl.pallas_call(
    _l2_body,
    grid=(NN // ROWB,),
    in_specs=[
        pl.BlockSpec((1, ROWB, DH // 2), lambda i: (0, i, 0)),
        pl.BlockSpec((1, ROWB, DH // 2), lambda i: (1, i, 0)),
        pl.BlockSpec((1, ROWB, DH // 2), lambda i: (0, i, 0)),
        pl.BlockSpec((1, ROWB, DH // 2), lambda i: (1, i, 0)),
        pl.BlockSpec((ROWB, 1), lambda i: (i, 0)),
        pl.BlockSpec((DH, DH), lambda i: (0, 0)),
        pl.BlockSpec((1, DH), lambda i: (0, 0)),
        pl.BlockSpec((DH, DH), lambda i: (0, 0)),
        pl.BlockSpec((1, DH), lambda i: (0, 0)),
        pl.BlockSpec((DH, DOUT), lambda i: (0, 0)),
        pl.BlockSpec((1, DOUT), lambda i: (0, 0)),
    ],
    out_specs=[
        pl.BlockSpec((ROWB, DH), lambda i: (i, 0)),
        pl.BlockSpec((ROWB, DOUT), lambda i: (i, 0)),
    ],
    out_shape=[
        jax.ShapeDtypeStruct((NN, DH), f32),
        jax.ShapeDtypeStruct((NN, DOUT), f32),
    ],
)


def kernel(x, edge_index, W1, b1, W2, b2, ln_g, ln_b, l1_W, l1_b, l2_W, l2_b):
    src = edge_index[0]
    dst = edge_index[1]
    pad = EPAD - EDGES
    srcp = jnp.concatenate(
        [src, jnp.zeros((pad,), src.dtype)]).reshape(NROWCH, CHUNK)
    dstp = jnp.concatenate(
        [dst, jnp.full((pad,), NN, dst.dtype)]).reshape(NROWCH, CHUNK)

    degs = _deg(dstp).reshape(NC, ACCR, 16)
    xs_s, dinv = _prep(degs, degs, x)

    a1 = _agg64(xs_s.reshape(NC * ACCR, DIN // 2), srcp, dstp)
    a1 = a1.reshape(NC, ACCR, DIN // 2)
    g2_s, = _l1(a1, a1, x, dinv, W1, b1.reshape(1, -1),
                ln_g.reshape(1, -1), ln_b.reshape(1, -1))

    a2 = _agg128(g2_s.reshape(NC * ACCR, DH // 2), srcp, dstp)
    a2 = a2.reshape(NC, ACCR, DH // 2)
    emb, logp = _l2(a2, a2, g2_s, g2_s, dinv, W2, b2.reshape(1, -1),
                    l1_W, l1_b.reshape(1, -1), l2_W, l2_b.reshape(1, -1))
    return (emb, logp)

# --- scband reference (transcript-rebuilt; emitter-appended) ---
"""Pipeline reference for scband-cora-gcn-30915174596780 (READ-ONLY COPY).

The authoritative reference and input builder live on the scoring server;
editing this copy changes nothing except your own understanding.
"""

import jax, jax.numpy as jnp
import numpy as np

N = 10000
DIN = 128
DH = 256
DOUT = 64
E = 320000


def gcn_conv(x, src, dst, W, b, num_nodes):
    # linear transform
    h = x @ W
    # add self loops
    loop = jnp.arange(num_nodes, dtype=src.dtype)
    src2 = jnp.concatenate([src, loop])
    dst2 = jnp.concatenate([dst, loop])
    # symmetric normalization (deg computed at dst, edge_weight=1)
    deg = jnp.zeros((num_nodes,), dtype=h.dtype).at[dst2].add(1.0)
    dinv = jnp.where(deg > 0, deg ** -0.5, 0.0)
    norm = dinv[src2] * dinv[dst2]
    msg = h[src2] * norm[:, None]
    out = jnp.zeros((num_nodes, h.shape[1]), dtype=h.dtype).at[dst2].add(msg)
    return out + b


def layer_norm(x, g, b, eps=1e-5):
    mu = jnp.mean(x, axis=-1, keepdims=True)
    var = jnp.mean((x - mu) ** 2, axis=-1, keepdims=True)
    return (x - mu) / jnp.sqrt(var + eps) * g + b


def setup_inputs(seed: int = 0) -> dict:
    key = jax.random.key(seed)
    ks = jax.random.split(key, 12)
    x = jax.random.normal(ks[0], (N, DIN), dtype=jnp.float32)
    edge_index = jax.random.randint(ks[1], (2, E), 0, N, dtype=jnp.int32)
    W1 = jax.random.normal(ks[2], (DIN, DH), dtype=jnp.float32) * (1.0 / np.sqrt(DIN))
    b1 = jnp.zeros((DH,), dtype=jnp.float32)
    W2 = jax.random.normal(ks[3], (DH, DH), dtype=jnp.float32) * (1.0 / np.sqrt(DH))
    b2 = jnp.zeros((DH,), dtype=jnp.float32)
    ln_g = jnp.ones((DH,), dtype=jnp.float32)
    ln_b = jnp.zeros((DH,), dtype=jnp.float32)
    l1_W = jax.random.normal(ks[4], (DH, DH), dtype=jnp.float32) * (1.0 / np.sqrt(DH))
    l1_b = jnp.zeros((DH,), dtype=jnp.float32)
    l2_W = jax.random.normal(ks[5], (DH, DOUT), dtype=jnp.float32) * (1.0 / np.sqrt(DH))
    l2_b = jnp.zeros((DOUT,), dtype=jnp.float32)
    return {"x": x, "edge_index": edge_index, "W1": W1, "b1": b1, "W2": W2,
            "b2": b2, "ln_g": ln_g, "ln_b": ln_b, "l1_W": l1_W, "l1_b": l1_b,
            "l2_W": l2_W, "l2_b": l2_b}


def reference(x, edge_index, W1, b1, W2, b2, ln_g, ln_b, l1_W, l1_b, l2_W, l2_b):
    src = edge_index[0]
    dst = edge_index[1]
    h = gcn_conv(x, src, dst, W1, b1, N)
    h = jax.nn.relu(h)
    # dropout: identity (eval mode)
    h = layer_norm(h, ln_g, ln_b)
    h = gcn_conv(h, src, dst, W2, b2, N)
    emb = h
    h = jax.nn.relu(h)
    h = h @ l1_W + l1_b
    h = h @ l2_W + l2_b
    return (emb, jax.nn.log_softmax(h, axis=1))

if __name__ == "__main__":
    import jax
    _d = setup_inputs()
    print(jax.jit(kernel)(*tuple(_d.values())))

</pallas_src>

<mosaic_0001>
#map = affine_map<(d0, d1) -> (0, 0)>
module attributes {stable_mosaic.version = 14 : i64} {
  func.func @agg(%arg0: i32, %arg1: i32, %arg2: memref<20224x128xf32, #tpu.memory_space<hbm>>, %arg3: memref<2880x112xi32, #tpu.memory_space<hbm>>, %arg4: memref<2880x112xi32, #tpu.memory_space<hbm>>, %arg5: memref<20224x128xf32, #tpu.memory_space<hbm>>, %arg6: memref<30x112xi32, #tpu.memory_space<vmem>>, %arg7: memref<30x112xi32, #tpu.memory_space<vmem>>, %arg8: memref<112x128xf32, #tpu.memory_space<vmem>>, %arg9: memref<112x128xf32, #tpu.memory_space<vmem>>, %arg10: memref<112x128xf32, #tpu.memory_space<vmem>>, %arg11: memref<10112x128xf32, #tpu.memory_space<vmem_shared>>, %arg12: memref<!tpu.dma_semaphore, #tpu.memory_space<semaphore_mem>>, %arg13: memref<!tpu.dma_semaphore, #tpu.memory_space<semaphore_mem>>, %arg14: memref<!tpu.dma_semaphore, #tpu.memory_space<semaphore_mem>>, %arg15: memref<!tpu.dma_semaphore, #tpu.memory_space<semaphore_mem>>) attributes {dimension_semantics = [#tpu.dimension_semantics<core_parallel>, #tpu.dimension_semantics<subcore_parallel>], iteration_bounds = array<i64: 2, 16>, scalar_prefetch = 0 : i64, scratch_operands = 10 : i64, tpu.core_type = #tpu.core_type<sc_vector_subcore>, window_params = [{transform_indices = #map}, {transform_indices = #map}, {transform_indices = #map}, {transform_indices = #map}]} {
    %mul3A = arith.constant 10112 : i32
    %mul3A_0 = arith.muli %arg0, %mul3A : i32
    %scan3A = arith.constant 0 : i32
    %scan3A_1 = arith.constant 0 : i32
    %scan3A_2 = arith.constant 896 : i32
    %scan3A_3 = arith.addi %scan3A_1, %scan3A_2 : i32
    %scan3A_4 = arith.constant 1 : i32
    %scan3A_5 = scf.for %scan3A_31 = %scan3A_1 to %scan3A_3 step %scan3A_4 iter_args(%scan3A_32 = %scan3A) -> (i32)  : i32 {
      %jit3A = arith.constant 8 : i32
      %div3A = arith.divsi %scan3A_31, %jit3A : i32
      %sign3A = arith.constant 0 : i32
      %sign3A_33 = arith.cmpi sgt, %scan3A_31, %sign3A : i32
      %sign3A_34 = arith.extui %sign3A_33 : i1 to i32
      %sign3A_35 = arith.constant 0 : i32
      %sign3A_36 = arith.cmpi slt, %scan3A_31, %sign3A_35 : i32
      %sign3A_37 = arith.extui %sign3A_36 : i1 to i32
      %sign3A_38 = arith.subi %sign3A_34, %sign3A_37 : i32
      %sign3A_39 = arith.constant 0 : i32
      %sign3A_40 = arith.cmpi sgt, %jit3A, %sign3A_39 : i32
      %sign3A_41 = arith.extui %sign3A_40 : i1 to i32
      %sign3A_42 = arith.constant 0 : i32
      %sign3A_43 = arith.cmpi slt, %jit3A, %sign3A_42 : i32
      %sign3A_44 = arith.extui %sign3A_43 : i1 to i32
      %sign3A_45 = arith.subi %sign3A_41, %sign3A_44 : i32
      %ne3A = arith.cmpi ne, %sign3A_38, %sign3A_45 : i32
      %rem3A = arith.remsi %scan3A_31, %jit3A : i32
      %ne3A_46 = arith.constant 0 : i32
      %ne3A_47 = arith.cmpi ne, %rem3A, %ne3A_46 : i32
      %and3A = arith.andi %ne3A, %ne3A_47 : i1
      %sub3A = arith.constant 1 : i32
      %sub3A_48 = arith.subi %div3A, %sub3A : i32
      %select_n3A = arith.select %and3A, %sub3A_48, %div3A : i32
      %jit3A_49 = arith.constant 8 : i32
      %eq3A = arith.constant 0 : i32
      %eq3A_50 = arith.cmpi eq, %jit3A_49, %eq3A : i32
      %jit3A_51 = arith.constant 1 : i32
      %select_n3A_52 = arith.select %eq3A_50, %jit3A_51, %jit3A_49 : i32
      %rem3A_53 = arith.remsi %scan3A_31, %select_n3A_52 : i32
      %ne3A_54 = arith.constant 0 : i32
      %ne3A_55 = arith.cmpi ne, %rem3A_53, %ne3A_54 : i32
      %lt3A = arith.constant 0 : i32
      %lt3A_56 = arith.cmpi slt, %rem3A_53, %lt3A : i32
      %lt3A_57 = arith.constant 0 : i32
      %lt3A_58 = arith.cmpi slt, %select_n3A_52, %lt3A_57 : i32
      %ne3A_59 = arith.xori %lt3A_56, %lt3A_58 : i1
      %and3A_60 = arith.andi %ne3A_59, %ne3A_55 : i1
      %add3A_61 = arith.addi %rem3A_53, %select_n3A_52 : i32
      %select_n3A_62 = arith.select %and3A_60, %add3A_61, %rem3A_53 : i32
      %broadcast_in_dim3A = arith.constant 0.000000e+00 : f32
      %broadcast_in_dim3A_63 = vector.broadcast %broadcast_in_dim3A : f32 to vector<16xf32>
      %mul3A_64 = arith.constant 16 : i32
      %mul3A_65 = arith.muli %select_n3A_62, %mul3A_64 : i32
      %swap3A = arith.index_cast %select_n3A : i32 to index
      %swap3A_66 = arith.index_cast %mul3A_65 : i32 to index
      %swap3A_67 = tpu.vector_load %arg8[%swap3A, %swap3A_66] {strides = array<i32>} : memref<112x128xf32, #tpu.memory_space<vmem>>, vector<16xf32>,
      tpu.vector_store %arg8[%swap3A, %swap3A_66], %broadcast_in_dim3A_63 {strides = array<i32>} : memref<112x128xf32, #tpu.memory_space<vmem>>, vector<16xf32>,
      %scan3A_68 = arith.constant 0 : i32
      scf.yield %scan3A_68 : i32
    }
    %scan3A_6 = arith.constant 896 : i32
    %mul3A_7 = arith.constant 632 : i32
    %mul3A_8 = arith.muli %arg1, %mul3A_7 : i32
    %add3A = arith.constant 0 : i32
    %add3A_9 = arith.addi %mul3A_8, %add3A : i32
    "tpu.region"() ({
      %run_scoped3A = tpu.sem_alloc : memref<!tpu.dma_semaphore, #tpu.memory_space<semaphore_mem>>
      %dma_start3A = arith.constant 0 : i32
      %dma_start3A_31 = arith.constant 0 : i32
      %dma_start3A_32 = tpu.memref_slice %arg8[%dma_start3A, %dma_start3A_31] : memref<112x128xf32, #tpu.memory_space<vmem>> -> memref<112x128xf32, #tpu.memory_space<vmem>>
      %dma_start3A_33 = arith.constant 0 : i32
      %dma_start3A_34 = tpu.memref_slice %arg11[%add3A_9, %dma_start3A_33] : memref<10112x128xf32, #tpu.memory_space<vmem_shared>> -> memref<112x128xf32, #tpu.memory_space<vmem_shared>>
      %dma_start3A_35 = arith.constant 0 : i32
      %dma_start3A_36 = tpu.memref_slice %arg11[%add3A_9, %dma_start3A_35] : memref<10112x128xf32, #tpu.memory_space<vmem_shared>> -> memref<112x128xf32, #tpu.memory_space<vmem_shared>>
      %dma_start3A_37 = arith.constant 0 : i32
      %dma_start3A_38 = arith.constant 0 : i32
      %dma_start3A_39 = tpu.memref_slice %arg8[%dma_start3A_37, %dma_start3A_38] : memref<112x128xf32, #tpu.memory_space<vmem>> -> memref<112x128xf32, #tpu.memory_space<vmem>>
      tpu.enqueue_dma source(%dma_start3A_39 : memref<112x128xf32, #tpu.memory_space<vmem>>) target(%dma_start3A_36 : memref<112x128xf32, #tpu.memory_space<vmem_shared>>) target_semaphore(%run_scoped3A : memref<!tpu.dma_semaphore, #tpu.memory_space<semaphore_mem>>)
      %dma_wait3A = arith.constant 0 : i32
      %dma_wait3A_40 = arith.constant 0 : i32
      %dma_wait3A_41 = tpu.memref_slice %arg8[%dma_wait3A, %dma_wait3A_40] : memref<112x128xf32, #tpu.memory_space<vmem>> -> memref<112x128xf32, #tpu.memory_space<vmem>>
      %dma_wait3A_42 = arith.constant 0 : i32
      %dma_wait3A_43 = tpu.memref_slice %arg11[%add3A_9, %dma_wait3A_42] : memref<10112x128xf32, #tpu.memory_space<vmem_shared>> -> memref<112x128xf32, #tpu.memory_space<vmem_shared>>
      %dma_wait3A_44 = arith.constant 0 : i32
      %dma_wait3A_45 = tpu.memref_slice %arg11[%add3A_9, %dma_wait3A_44] : memref<10112x128xf32, #tpu.memory_space<vmem_shared>> -> memref<112x128xf32, #tpu.memory_space<vmem_shared>>
      %dma_wait3A_46 = arith.constant 0 : i32
      %dma_wait3A_47 = arith.constant 0 : i32
      %dma_wait3A_48 = tpu.memref_slice %arg8[%dma_wait3A_46, %dma_wait3A_47] : memref<112x128xf32, #tpu.memory_space<vmem>> -> memref<112x128xf32, #tpu.memory_space<vmem>>
      tpu.wait_dma2 semaphore(%run_scoped3A : memref<!tpu.dma_semaphore, #tpu.memory_space<semaphore_mem>>) src(%dma_wait3A_48 : memref<112x128xf32, #tpu.memory_space<vmem>>) dst(%dma_wait3A_45 : memref<112x128xf32, #tpu.memory_space<vmem_shared>>)
      tpu.yield
    }) : () -> ()
    %add3A_10 = arith.constant 112 : i32
    %add3A_11 = arith.addi %mul3A_8, %add3A_10 : i32
    "tpu.region"() ({
      %run_scoped3A = tpu.sem_alloc : memref<!tpu.dma_semaphore, #tpu.memory_space<semaphore_mem>>
      %dma_start3A = arith.constant 0 : i32
      %dma_start3A_31 = arith.constant 0 : i32
      %dma_start3A_32 = tpu.memref_slice %arg8[%dma_start3A, %dma_start3A_31] : memref<112x128xf32, #tpu.memory_space<vmem>> -> memref<112x128xf32, #tpu.memory_space<vmem>>
      %dma_start3A_33 = arith.constant 0 : i32
      %dma_start3A_34 = tpu.memref_slice %arg11[%add3A_11, %dma_start3A_33] : memref<10112x128xf32, #tpu.memory_space<vmem_shared>> -> memref<112x128xf32, #tpu.memory_space<vmem_shared>>
      %dma_start3A_35 = arith.constant 0 : i32
      %dma_start3A_36 = tpu.memref_slice %arg11[%add3A_11, %dma_start3A_35] : memref<10112x128xf32, #tpu.memory_space<vmem_shared>> -> memref<112x128xf32, #tpu.memory_space<vmem_shared>>
      %dma_start3A_37 = arith.constant 0 : i32
      %dma_start3A_38 = arith.constant 0 : i32
      %dma_start3A_39 = tpu.memref_slice %arg8[%dma_start3A_37, %dma_start3A_38] : memref<112x128xf32, #tpu.memory_space<vmem>> -> memref<112x128xf32, #tpu.memory_space<vmem>>
      tpu.enqueue_dma source(%dma_start3A_39 : memref<112x128xf32, #tpu.memory_space<vmem>>) target(%dma_start3A_36 : memref<112x128xf32, #tpu.memory_space<vmem_shared>>) target_semaphore(%run_scoped3A : memref<!tpu.dma_semaphore, #tpu.memory_space<semaphore_mem>>)
      %dma_wait3A = arith.constant 0 : i32
      %dma_wait3A_40 = arith.constant 0 : i32
      %dma_wait3A_41 = tpu.memref_slice %arg8[%dma_wait3A, %dma_wait3A_40] : memref<112x128xf32, #tpu.memory_space<vmem>> -> memref<112x128xf32, #tpu.memory_space<vmem>>
      %dma_wait3A_42 = arith.constant 0 : i32
      %dma_wait3A_43 = tpu.memref_slice %arg11[%add3A_11, %dma_wait3A_42] : memref<10112x128xf32, #tpu.memory_space<vmem_shared>> -> memref<112x128xf32, #tpu.memory_space<vmem_shared>>
      %dma_wait3A_44 = arith.constant 0 : i32
      %dma_wait3A_45 = tpu.memref_slice %arg11[%add3A_11, %dma_wait3A_44] : memref<10112x128xf32, #tpu.memory_space<vmem_shared>> -> memref<112x128xf32, #tpu.memory_space<vmem_shared>>
      %dma_wait3A_46 = arith.constant 0 : i32
      %dma_wait3A_47 = arith.constant 0 : i32
      %dma_wait3A_48 = tpu.memref_slice %arg8[%dma_wait3A_46, %dma_wait3A_47] : memref<112x128xf32, #tpu.memory_space<vmem>> -> memref<112x128xf32, #tpu.memory_space<vmem>>
      tpu.wait_dma2 semaphore(%run_scoped3A : memref<!tpu.dma_semaphore, #tpu.memory_space<semaphore_mem>>) src(%dma_wait3A_48 : memref<112x128xf32, #tpu.memory_space<vmem>>) dst(%dma_wait3A_45 : memref<112x128xf32, #tpu.memory_space<vmem_shared>>)
      tpu.yield
    }) : () -> ()
    %add3A_12 = arith.constant 224 : i32
    %add3A_13 = arith.addi %mul3A_8, %add3A_12 : i32
    "tpu.region"() ({
      %run_scoped3A = tpu.sem_alloc : memref<!tpu.dma_semaphore, #tpu.memory_space<semaphore_mem>>
      %dma_start3A = arith.constant 0 : i32
      %dma_start3A_31 = arith.constant 0 : i32
      %dma_start3A_32 = tpu.memref_slice %arg8[%dma_start3A, %dma_start3A_31] : memref<112x128xf32, #tpu.memory_space<vmem>> -> memref<112x128xf32, #tpu.memory_space<vmem>>
      %dma_start3A_33 = arith.constant 0 : i32
      %dma_start3A_34 = tpu.memref_slice %arg11[%add3A_13, %dma_start3A_33] : memref<10112x128xf32, #tpu.memory_space<vmem_shared>> -> memref<112x128xf32, #tpu.memory_space<vmem_shared>>
      %dma_start3A_35 = arith.constant 0 : i32
      %dma_start3A_36 = tpu.memref_slice %arg11[%add3A_13, %dma_start3A_35] : memref<10112x128xf32, #tpu.memory_space<vmem_shared>> -> memref<112x128xf32, #tpu.memory_space<vmem_shared>>
      %dma_start3A_37 = arith.constant 0 : i32
      %dma_start3A_38 = arith.constant 0 : i32
      %dma_start3A_39 = tpu.memref_slice %arg8[%dma_start3A_37, %dma_start3A_38] : memref<112x128xf32, #tpu.memory_space<vmem>> -> memref<112x128xf32, #tpu.memory_space<vmem>>
      tpu.enqueue_dma source(%dma_start3A_39 : memref<112x128xf32, #tpu.memory_space<vmem>>) target(%dma_start3A_36 : memref<112x128xf32, #tpu.memory_space<vmem_shared>>) target_semaphore(%run_scoped3A : memref<!tpu.dma_semaphore, #tpu.memory_space<semaphore_mem>>)
      %dma_wait3A = arith.constant 0 : i32
      %dma_wait3A_40 = arith.constant 0 : i32
      %dma_wait3A_41 = tpu.memref_slice %arg8[%dma_wait3A, %dma_wait3A_40] : memref<112x128xf32, #tpu.memory_space<vmem>> -> memref<112x128xf32, #tpu.memory_space<vmem>>
      %dma_wait3A_42 = arith.constant 0 : i32
      %dma_wait3A_43 = tpu.memref_slice %arg11[%add3A_13, %dma_wait3A_42] : memref<10112x128xf32, #tpu.memory_space<vmem_shared>> -> memref<112x128xf32, #tpu.memory_space<vmem_shared>>
      %dma_wait3A_44 = arith.constant 0 : i32
      %dma_wait3A_45 = tpu.memref_slice %arg11[%add3A_13, %dma_wait3A_44] : memref<10112x128xf32, #tpu.memory_space<vmem_shared>> -> memref<112x128xf32, #tpu.memory_space<vmem_shared>>
      %dma_wait3A_46 = arith.constant 0 : i32
      %dma_wait3A_47 = arith.constant 0 : i32
      %dma_wait3A_48 = tpu.memref_slice %arg8[%dma_wait3A_46, %dma_wait3A_47] : memref<112x128xf32, #tpu.memory_space<vmem>> -> memref<112x128xf32, #tpu.memory_space<vmem>>
      tpu.wait_dma2 semaphore(%run_scoped3A : memref<!tpu.dma_semaphore, #tpu.memory_space<semaphore_mem>>) src(%dma_wait3A_48 : memref<112x128xf32, #tpu.memory_space<vmem>>) dst(%dma_wait3A_45 : memref<112x128xf32, #tpu.memory_space<vmem_shared>>)
      tpu.yield
    }) : () -> ()
    %add3A_14 = arith.constant 336 : i32
    %add3A_15 = arith.addi %mul3A_8, %add3A_14 : i32
    "tpu.region"() ({
      %run_scoped3A = tpu.sem_alloc : memref<!tpu.dma_semaphore, #tpu.memory_space<semaphore_mem>>
      %dma_start3A = arith.constant 0 : i32
      %dma_start3A_31 = arith.constant 0 : i32
      %dma_start3A_32 = tpu.memref_slice %arg8[%dma_start3A, %dma_start3A_31] : memref<112x128xf32, #tpu.memory_space<vmem>> -> memref<112x128xf32, #tpu.memory_space<vmem>>
      %dma_start3A_33 = arith.constant 0 : i32
      %dma_start3A_34 = tpu.memref_slice %arg11[%add3A_15, %dma_start3A_33] : memref<10112x128xf32, #tpu.memory_space<vmem_shared>> -> memref<112x128xf32, #tpu.memory_space<vmem_shared>>
      %dma_start3A_35 = arith.constant 0 : i32
      %dma_start3A_36 = tpu.memref_slice %arg11[%add3A_15, %dma_start3A_35] : memref<10112x128xf32, #tpu.memory_space<vmem_shared>> -> memref<112x128xf32, #tpu.memory_space<vmem_shared>>
      %dma_start3A_37 = arith.constant 0 : i32
      %dma_start3A_38 = arith.constant 0 : i32
      %dma_start3A_39 = tpu.memref_slice %arg8[%dma_start3A_37, %dma_start3A_38] : memref<112x128xf32, #tpu.memory_space<vmem>> -> memref<112x128xf32, #tpu.memory_space<vmem>>
      tpu.enqueue_dma source(%dma_start3A_39 : memref<112x128xf32, #tpu.memory_space<vmem>>) target(%dma_start3A_36 : memref<112x128xf32, #tpu.memory_space<vmem_shared>>) target_semaphore(%run_scoped3A : memref<!tpu.dma_semaphore, #tpu.memory_space<semaphore_mem>>)
      %dma_wait3A = arith.constant 0 : i32
      %dma_wait3A_40 = arith.constant 0 : i32
      %dma_wait3A_41 = tpu.memref_slice %arg8[%dma_wait3A, %dma_wait3A_40] : memref<112x128xf32, #tpu.memory_space<vmem>> -> memref<112x128xf32, #tpu.memory_space<vmem>>
      %dma_wait3A_42 = arith.constant 0 : i32
      %dma_wait3A_43 = tpu.memref_slice %arg11[%add3A_15, %dma_wait3A_42] : memref<10112x128xf32, #tpu.memory_space<vmem_shared>> -> memref<112x128xf32, #tpu.memory_space<vmem_shared>>
      %dma_wait3A_44 = arith.constant 0 : i32
      %dma_wait3A_45 = tpu.memref_slice %arg11[%add3A_15, %dma_wait3A_44] : memref<10112x128xf32, #tpu.memory_space<vmem_shared>> -> memref<112x128xf32, #tpu.memory_space<vmem_shared>>
      %dma_wait3A_46 = arith.constant 0 : i32
      %dma_wait3A_47 = arith.constant 0 : i32
      %dma_wait3A_48 = tpu.memref_slice %arg8[%dma_wait3A_46, %dma_wait3A_47] : memref<112x128xf32, #tpu.memory_space<vmem>> -> memref<112x128xf32, #tpu.memory_space<vmem>>
      tpu.wait_dma2 semaphore(%run_scoped3A : memref<!tpu.dma_semaphore, #tpu.memory_space<semaphore_mem>>) src(%dma_wait3A_48 : memref<112x128xf32, #tpu.memory_space<vmem>>) dst(%dma_wait3A_45 : memref<112x128xf32, #tpu.memory_space<vmem_shared>>)
      tpu.yield
    }) : () -> ()
    %add3A_16 = arith.constant 448 : i32
    %add3A_17 = arith.addi %mul3A_8, %add3A_16 : i32
    "tpu.region"() ({
      %run_scoped3A = tpu.sem_alloc : memref<!tpu.dma_semaphore, #tpu.memory_space<semaphore_mem>>
      %dma_start3A = arith.constant 0 : i32
      %dma_start3A_31 = arith.constant 0 : i32
      %dma_start3A_32 = tpu.memref_slice %arg8[%dma_start3A, %dma_start3A_31] : memref<112x128xf32, #tpu.memory_space<vmem>> -> memref<112x128xf32, #tpu.memory_space<vmem>>
      %dma_start3A_33 = arith.constant 0 : i32
      %dma_start3A_34 = tpu.memref_slice %arg11[%add3A_17, %dma_start3A_33] : memref<10112x128xf32, #tpu.memory_space<vmem_shared>> -> memref<112x128xf32, #tpu.memory_space<vmem_shared>>
      %dma_start3A_35 = arith.constant 0 : i32
      %dma_start3A_36 = tpu.memref_slice %arg11[%add3A_17, %dma_start3A_35] : memref<10112x128xf32, #tpu.memory_space<vmem_shared>> -> memref<112x128xf32, #tpu.memory_space<vmem_shared>>
      %dma_start3A_37 = arith.constant 0 : i32
      %dma_start3A_38 = arith.constant 0 : i32
      %dma_start3A_39 = tpu.memref_slice %arg8[%dma_start3A_37, %dma_start3A_38] : memref<112x128xf32, #tpu.memory_space<vmem>> -> memref<112x128xf32, #tpu.memory_space<vmem>>
      tpu.enqueue_dma source(%dma_start3A_39 : memref<112x128xf32, #tpu.memory_space<vmem>>) target(%dma_start3A_36 : memref<112x128xf32, #tpu.memory_space<vmem_shared>>) target_semaphore(%run_scoped3A : memref<!tpu.dma_semaphore, #tpu.memory_space<semaphore_mem>>)
      %dma_wait3A = arith.constant 0 : i32
      %dma_wait3A_40 = arith.constant 0 : i32
      %dma_wait3A_41 = tpu.memref_slice %arg8[%dma_wait3A, %dma_wait3A_40] : memref<112x128xf32, #tpu.memory_space<vmem>> -> memref<112x128xf32, #tpu.memory_space<vmem>>
      %dma_wait3A_42 = arith.constant 0 : i32
      %dma_wait3A_43 = tpu.memref_slice %arg11[%add3A_17, %dma_wait3A_42] : memref<10112x128xf32, #tpu.memory_space<vmem_shared>> -> memref<112x128xf32, #tpu.memory_space<vmem_shared>>
      %dma_wait3A_44 = arith.constant 0 : i32
      %dma_wait3A_45 = tpu.memref_slice %arg11[%add3A_17, %dma_wait3A_44] : memref<10112x128xf32, #tpu.memory_space<vmem_shared>> -> memref<112x128xf32, #tpu.memory_space<vmem_shared>>
      %dma_wait3A_46 = arith.constant 0 : i32
      %dma_wait3A_47 = arith.constant 0 : i32
      %dma_wait3A_48 = tpu.memref_slice %arg8[%dma_wait3A_46, %dma_wait3A_47] : memref<112x128xf32, #tpu.memory_space<vmem>> -> memref<112x128xf32, #tpu.memory_space<vmem>>
      tpu.wait_dma2 semaphore(%run_scoped3A : memref<!tpu.dma_semaphore, #tpu.memory_space<semaphore_mem>>) src(%dma_wait3A_48 : memref<112x128xf32, #tpu.memory_space<vmem>>) dst(%dma_wait3A_45 : memref<112x128xf32, #tpu.memory_space<vmem_shared>>)
      tpu.yield
    }) : () -> ()
    %add3A_18 = arith.constant 560 : i32
    %add3A_19 = arith.addi %mul3A_8, %add3A_18 : i32
    "tpu.region"() ({
      %run_scoped3A = tpu.sem_alloc : memref<!tpu.dma_semaphore, #tpu.memory_space<semaphore_mem>>
      %dma_start3A = arith.constant 0 : i32
      %dma_start3A_31 = arith.constant 0 : i32
      %dma_start3A_32 = tpu.memref_slice %arg8[%dma_start3A, %dma_start3A_31] : memref<112x128xf32, #tpu.memory_space<vmem>> -> memref<72x128xf32, #tpu.memory_space<vmem>>
      %dma_start3A_33 = arith.constant 0 : i32
      %dma_start3A_34 = tpu.memref_slice %arg11[%add3A_19, %dma_start3A_33] : memref<10112x128xf32, #tpu.memory_space<vmem_shared>> -> memref<72x128xf32, #tpu.memory_space<vmem_shared>>
      %dma_start3A_35 = arith.constant 0 : i32
      %dma_start3A_36 = tpu.memref_slice %arg11[%add3A_19, %dma_start3A_35] : memref<10112x128xf32, #tpu.memory_space<vmem_shared>> -> memref<72x128xf32, #tpu.memory_space<vmem_shared>>
      %dma_start3A_37 = arith.constant 0 : i32
      %dma_start3A_38 = arith.constant 0 : i32
      %dma_start3A_39 = tpu.memref_slice %arg8[%dma_start3A_37, %dma_start3A_38] : memref<112x128xf32, #tpu.memory_space<vmem>> -> memref<72x128xf32, #tpu.memory_space<vmem>>
      tpu.enqueue_dma source(%dma_start3A_39 : memref<72x128xf32, #tpu.memory_space<vmem>>) target(%dma_start3A_36 : memref<72x128xf32, #tpu.memory_space<vmem_shared>>) target_semaphore(%run_scoped3A : memref<!tpu.dma_semaphore, #tpu.memory_space<semaphore_mem>>)
      %dma_wait3A = arith.constant 0 : i32
      %dma_wait3A_40 = arith.constant 0 : i32
      %dma_wait3A_41 = tpu.memref_slice %arg8[%dma_wait3A, %dma_wait3A_40] : memref<112x128xf32, #tpu.memory_space<vmem>> -> memref<72x128xf32, #tpu.memory_space<vmem>>
      %dma_wait3A_42 = arith.constant 0 : i32
      %dma_wait3A_43 = tpu.memref_slice %arg11[%add3A_19, %dma_wait3A_42] : memref<10112x128xf32, #tpu.memory_space<vmem_shared>> -> memref<72x128xf32, #tpu.memory_space<vmem_shared>>
      %dma_wait3A_44 = arith.constant 0 : i32
      %dma_wait3A_45 = tpu.memref_slice %arg11[%add3A_19, %dma_wait3A_44] : memref<10112x128xf32, #tpu.memory_space<vmem_shared>> -> memref<72x128xf32, #tpu.memory_space<vmem_shared>>
      %dma_wait3A_46 = arith.constant 0 : i32
      %dma_wait3A_47 = arith.constant 0 : i32
      %dma_wait3A_48 = tpu.memref_slice %arg8[%dma_wait3A_46, %dma_wait3A_47] : memref<112x128xf32, #tpu.memory_space<vmem>> -> memref<72x128xf32, #tpu.memory_space<vmem>>
      tpu.wait_dma2 semaphore(%run_scoped3A : memref<!tpu.dma_semaphore, #tpu.memory_space<semaphore_mem>>) src(%dma_wait3A_48 : memref<72x128xf32, #tpu.memory_space<vmem>>) dst(%dma_wait3A_45 : memref<72x128xf32, #tpu.memory_space<vmem_shared>>)
      tpu.yield
    }) : () -> ()
    %barrier3A = arith.constant 0 : index
    tpu.barrier barrier_id(%barrier3A)
    %scan3A_20 = arith.constant 0 : i32
    %scan3A_21 = arith.constant 0 : i32
    %scan3A_22 = arith.constant 6 : i32
    %scan3A_23 = arith.addi %scan3A_21, %scan3A_22 : i32
    %scan3A_24 = arith.constant 1 : i32
    %scan3A_25 = scf.for %scan3A_31 = %scan3A_21 to %scan3A_23 step %scan3A_24 iter_args(%scan3A_32 = %scan3A_20) -> (i32)  : i32 {
      %mul3A_33 = arith.constant 180 : i32
      %mul3A_34 = arith.muli %arg1, %mul3A_33 : i32
      %mul3A_35 = arith.constant 30 : i32
      %mul3A_36 = arith.muli %scan3A_31, %mul3A_35 : i32
      %add3A_37 = arith.addi %mul3A_34, %mul3A_36 : i32
      "tpu.region"() ({
        %run_scoped3A = tpu.sem_alloc : memref<!tpu.dma_semaphore, #tpu.memory_space<semaphore_mem>>
        %dma_start3A_854 = arith.constant 0 : i32
        %dma_start3A_855 = tpu.memref_slice %arg3[%add3A_37, %dma_start3A_854] : memref<2880x112xi32, #tpu.memory_space<hbm>> -> memref<30x112xi32, #tpu.memory_space<hbm>>
        %dma_start3A_856 = arith.constant 0 : i32
        %dma_start3A_857 = tpu.memref_slice %arg3[%add3A_37, %dma_start3A_856] : memref<2880x112xi32, #tpu.memory_space<hbm>> -> memref<30x112xi32, #tpu.memory_space<hbm>>
        tpu.enqueue_dma source(%dma_start3A_857 : memref<30x112xi32, #tpu.memory_space<hbm>>) target(%arg6 : memref<30x112xi32, #tpu.memory_space<vmem>>) target_semaphore(%run_scoped3A : memref<!tpu.dma_semaphore, #tpu.memory_space<semaphore_mem>>)
        %dma_wait3A_858 = arith.constant 0 : i32
        %dma_wait3A_859 = tpu.memref_slice %arg3[%add3A_37, %dma_wait3A_858] : memref<2880x112xi32, #tpu.memory_space<hbm>> -> memref<30x112xi32, #tpu.memory_space<hbm>>
        %dma_wait3A_860 = arith.constant 0 : i32
        %dma_wait3A_861 = tpu.memref_slice %arg3[%add3A_37, %dma_wait3A_860] : memref<2880x112xi32, #tpu.memory_space<hbm>> -> memref<30x112xi32, #tpu.memory_space<hbm>>
        tpu.wait_dma2 semaphore(%run_scoped3A : memref<!tpu.dma_semaphore, #tpu.memory_space<semaphore_mem>>) src(%dma_wait3A_861 : memref<30x112xi32, #tpu.memory_space<hbm>>) dst(%arg6 : memref<30x112xi32, #tpu.memory_space<vmem>>)
        tpu.yield
      }) : () -> ()
      "tpu.region"() ({
        %run_scoped3A = tpu.sem_alloc : memref<!tpu.dma_semaphore, #tpu.memory_space<semaphore_mem>>
        %dma_start3A_854 = arith.constant 0 : i32
        %dma_start3A_855 = tpu.memref_slice %arg4[%add3A_37, %dma_start3A_854] : memref<2880x112xi32, #tpu.memory_space<hbm>> -> memref<30x112xi32, #tpu.memory_space<hbm>>
        %dma_start3A_856 = arith.constant 0 : i32
        %dma_start3A_857 = tpu.memref_slice %arg4[%add3A_37, %dma_start3A_856] : memref<2880x112xi32, #tpu.memory_space<hbm>> -> memref<30x112xi32, #tpu.memory_space<hbm>>
        tpu.enqueue_dma source(%dma_start3A_857 : memref<30x112xi32, #tpu.memory_space<hbm>>) target(%arg7 : memref<30x112xi32, #tpu.memory_space<vmem>>) target_semaphore(%run_scoped3A : memref<!tpu.dma_semaphore, #tpu.memory_space<semaphore_mem>>)
        %dma_wait3A_858 = arith.constant 0 : i32
        %dma_wait3A_859 = tpu.memref_slice %arg4[%add3A_37, %dma_wait3A_858] : memref<2880x112xi32, #tpu.memory_space<hbm>> -> memref<30x112xi32, #tpu.memory_space<hbm>>
        %dma_wait3A_860 = arith.constant 0 : i32
        %dma_wait3A_861 = tpu.memref_slice %arg4[%add3A_37, %dma_wait3A_860] : memref<2880x112xi32, #tpu.memory_space<hbm>> -> memref<30x112xi32, #tpu.memory_space<hbm>>
        tpu.wait_dma2 semaphore(%run_scoped3A : memref<!tpu.dma_semaphore, #tpu.memory_space<semaphore_mem>>) src(%dma_wait3A_861 : memref<30x112xi32, #tpu.memory_space<hbm>>) dst(%arg7 : memref<30x112xi32, #tpu.memory_space<vmem>>)
        tpu.yield
      }) : () -> ()
      %scan3A_38 = arith.constant 0 : i32
      %scan3A_39 = arith.constant 0 : i32
      %scan3A_40 = arith.constant 210 : i32
      %scan3A_41 = arith.addi %scan3A_39, %scan3A_40 : i32
      %scan3A_42 = arith.constant 1 : i32
      %scan3A_43 = scf.for %scan3A_854 = %scan3A_39 to %scan3A_41 step %scan3A_42 iter_args(%scan3A_855 = %scan3A_38) -> (i32)  : i32 {
        %jit3A = arith.constant 7 : i32
        %div3A = arith.divsi %scan3A_854, %jit3A : i32
        %sign3A = arith.constant 0 : i32
        %sign3A_856 = arith.cmpi sgt, %scan3A_854, %sign3A : i32
        %sign3A_857 = arith.extui %sign3A_856 : i1 to i32
        %sign3A_858 = arith.constant 0 : i32
        %sign3A_859 = arith.cmpi slt, %scan3A_854, %sign3A_858 : i32
        %sign3A_860 = arith.extui %sign3A_859 : i1 to i32
        %sign3A_861 = arith.subi %sign3A_857, %sign3A_860 : i32
        %sign3A_862 = arith.constant 0 : i32
        %sign3A_863 = arith.cmpi sgt, %jit3A, %sign3A_862 : i32
        %sign3A_864 = arith.extui %sign3A_863 : i1 to i32
        %sign3A_865 = arith.constant 0 : i32
        %sign3A_866 = arith.cmpi slt, %jit3A, %sign3A_865 : i32
        %sign3A_867 = arith.extui %sign3A_866 : i1 to i32
        %sign3A_868 = arith.subi %sign3A_864, %sign3A_867 : i32
        %ne3A = arith.cmpi ne, %sign3A_861, %sign3A_868 : i32
        %rem3A = arith.remsi %scan3A_854, %jit3A : i32
        %ne3A_869 = arith.constant 0 : i32
        %ne3A_870 = arith.cmpi ne, %rem3A, %ne3A_869 : i32
        %and3A = arith.andi %ne3A, %ne3A_870 : i1
        %sub3A = arith.constant 1 : i32
        %sub3A_871 = arith.subi %div3A, %sub3A : i32
        %select_n3A = arith.select %and3A, %sub3A_871, %div3A : i32
        %jit3A_872 = arith.constant 7 : i32
        %eq3A = arith.constant 0 : i32
        %eq3A_873 = arith.cmpi eq, %jit3A_872, %eq3A : i32
        %jit3A_874 = arith.constant 1 : i32
        %select_n3A_875 = arith.select %eq3A_873, %jit3A_874, %jit3A_872 : i32
        %rem3A_876 = arith.remsi %scan3A_854, %select_n3A_875 : i32
        %ne3A_877 = arith.constant 0 : i32
        %ne3A_878 = arith.cmpi ne, %rem3A_876, %ne3A_877 : i32
        %lt3A = arith.constant 0 : i32
        %lt3A_879 = arith.cmpi slt, %rem3A_876, %lt3A : i32
        %lt3A_880 = arith.constant 0 : i32
        %lt3A_881 = arith.cmpi slt, %select_n3A_875, %lt3A_880 : i32
        %ne3A_882 = arith.xori %lt3A_879, %lt3A_881 : i1
        %and3A_883 = arith.andi %ne3A_882, %ne3A_878 : i1
        %add3A_884 = arith.addi %rem3A_876, %select_n3A_875 : i32
        %select_n3A_885 = arith.select %and3A_883, %add3A_884, %rem3A_876 : i32
        %mul3A_886 = arith.constant 16 : i32
        %mul3A_887 = arith.muli %select_n3A_885, %mul3A_886 : i32
        %get3A = arith.index_cast %select_n3A : i32 to index
        %get3A_888 = arith.index_cast %mul3A_887 : i32 to index
        %get3A_889 = tpu.vector_load %arg6[%get3A, %get3A_888] {strides = array<i32>} : memref<30x112xi32, #tpu.memory_space<vmem>>, vector<16xi32>,
        %add3A_890 = vector.broadcast %mul3A_0 : i32 to vector<16xi32>
        %add3A_891 = arith.addi %get3A_889, %add3A_890 : vector<16xi32>
        %mul3A_892 = arith.constant 16 : i32
        %mul3A_893 = arith.muli %select_n3A_885, %mul3A_892 : i32
        %swap3A = arith.index_cast %select_n3A : i32 to index
        %swap3A_894 = arith.index_cast %mul3A_893 : i32 to index
        %swap3A_895 = tpu.vector_load %arg6[%swap3A, %swap3A_894] {strides = array<i32>} : memref<30x112xi32, #tpu.memory_space<vmem>>, vector<16xi32>,
        tpu.vector_store %arg6[%swap3A, %swap3A_894], %add3A_891 {strides = array<i32>} : memref<30x112xi32, #tpu.memory_space<vmem>>, vector<16xi32>,
        %scan3A_896 = arith.constant 0 : i32
        scf.yield %scan3A_896 : i32
      }
      %scan3A_44 = arith.constant 210 : i32
      %dma_start3A = arith.constant 0 : i32
      %dma_start3A_45 = arith.constant 0 : i32
      %dma_start3A_46 = tpu.memref_slice %arg6[%dma_start3A, %dma_start3A_45] : memref<30x112xi32, #tpu.memory_space<vmem>> -> memref<1x112xi32, #tpu.memory_space<vmem>>
      %dma_start3A_47 = tpu.memref_squeeze %dma_start3A_46 : memref<1x112xi32, #tpu.memory_space<vmem>> -> memref<112xi32, #tpu.memory_space<vmem>>
      %dma_start3A_48 = arith.constant 0 : i32
      %dma_start3A_49 = arith.constant 0 : i32
      %dma_start3A_50 = tpu.memref_slice %arg2[%dma_start3A_48, %dma_start3A_49] : memref<20224x128xf32, #tpu.memory_space<hbm>> -> memref<20224x128xf32, #tpu.memory_space<hbm>>
      tpu.enqueue_indirect_dma source(%dma_start3A_50 : memref<20224x128xf32, #tpu.memory_space<hbm>>) target(%arg8 : memref<112x128xf32, #tpu.memory_space<vmem>>) offsets(%dma_start3A_47 : memref<112xi32, #tpu.memory_space<vmem>>) semaphore(%arg12 : memref<!tpu.dma_semaphore, #tpu.memory_space<semaphore_mem>>)
      %dma_start3A_51 = arith.constant 1 : i32
      %dma_start3A_52 = arith.constant 0 : i32
      %dma_start3A_53 = tpu.memref_slice %arg6[%dma_start3A_51, %dma_start3A_52] : memref<30x112xi32, #tpu.memory_space<vmem>> -> memref<1x112xi32, #tpu.memory_space<vmem>>
      %dma_start3A_54 = tpu.memref_squeeze %dma_start3A_53 : memref<1x112xi32, #tpu.memory_space<vmem>> -> memref<112xi32, #tpu.memory_space<vmem>>
      %dma_start3A_55 = arith.constant 0 : i32
      %dma_start3A_56 = arith.constant 0 : i32
      %dma_start3A_57 = tpu.memref_slice %arg2[%dma_start3A_55, %dma_start3A_56] : memref<20224x128xf32, #tpu.memory_space<hbm>> -> memref<20224x128xf32, #tpu.memory_space<hbm>>
      tpu.enqueue_indirect_dma source(%dma_start3A_57 : memref<20224x128xf32, #tpu.memory_space<hbm>>) target(%arg9 : memref<112x128xf32, #tpu.memory_space<vmem>>) offsets(%dma_start3A_54 : memref<112xi32, #tpu.memory_space<vmem>>) semaphore(%arg13 : memref<!tpu.dma_semaphore, #tpu.memory_space<semaphore_mem>>)
      %dma_wait3A = arith.constant 0 : i32
      %dma_wait3A_58 = arith.constant 0 : i32
      %dma_wait3A_59 = tpu.memref_slice %arg2[%dma_wait3A, %dma_wait3A_58] : memref<20224x128xf32, #tpu.memory_space<hbm>> -> memref<112x128xf32, #tpu.memory_space<hbm>>
      %dma_wait3A_60 = arith.constant 0 : i32
      %dma_wait3A_61 = arith.constant 0 : i32
      %dma_wait3A_62 = tpu.memref_slice %arg2[%dma_wait3A_60, %dma_wait3A_61] : memref<20224x128xf32, #tpu.memory_space<hbm>> -> memref<112x128xf32, #tpu.memory_space<hbm>>
      tpu.wait_dma2 semaphore(%arg12 : memref<!tpu.dma_semaphore, #tpu.memory_space<semaphore_mem>>) src(%dma_wait3A_62 : memref<112x128xf32, #tpu.memory_space<hbm>>) dst(%arg8 : memref<112x128xf32, #tpu.memory_space<vmem>>)
      %dma_start3A_63 = arith.constant 0 : i32
      %dma_start3A_64 = arith.constant 0 : i32
      %dma_start3A_65 = tpu.memref_slice %arg7[%dma_start3A_63, %dma_start3A_64] : memref<30x112xi32, #tpu.memory_space<vmem>> -> memref<1x112xi32, #tpu.memory_space<vmem>>
      %dma_start3A_66 = tpu.memref_squeeze %dma_start3A_65 : memref<1x112xi32, #tpu.memory_space<vmem>> -> memref<112xi32, #tpu.memory_space<vmem>>
      %dma_start3A_67 = arith.constant 0 : i32
      %dma_start3A_68 = arith.constant 0 : i32
      %dma_start3A_69 = tpu.memref_slice %arg11[%dma_start3A_67, %dma_start3A_68] : memref<10112x128xf32, #tpu.memory_space<vmem_shared>> -> memref<10112x128xf32, #tpu.memory_space<vmem_shared>>
      tpu.enqueue_indirect_dma source(%arg8 : memref<112x128xf32, #tpu.memory_space<vmem>>) target(%dma_start3A_69 : memref<10112x128xf32, #tpu.memory_space<vmem_shared>>) offsets(%dma_start3A_66 : memref<112xi32, #tpu.memory_space<vmem>>) semaphore(%arg15 : memref<!tpu.dma_semaphore, #tpu.memory_space<semaphore_mem>>) {add = true}
      %dma_start3A_70 = arith.constant 2 : i32
      %dma_start3A_71 = arith.constant 0 : i32
      %dma_start3A_72 = tpu.memref_slice %arg6[%dma_start3A_70, %dma_start3A_71] : memref<30x112xi32, #tpu.memory_space<vmem>> -> memref<1x112xi32, #tpu.memory_space<vmem>>
      %dma_start3A_73 = tpu.memref_squeeze %dma_start3A_72 : memref<1x112xi32, #tpu.memory_space<vmem>> -> memref<112xi32, #tpu.memory_space<vmem>>
      %dma_start3A_74 = arith.constant 0 : i32
      %dma_start3A_75 = arith.constant 0 : i32
      %dma_start3A_76 = tpu.memref_slice %arg2[%dma_start3A_74, %dma_start3A_75] : memref<20224x128xf32, #tpu.memory_space<hbm>> -> memref<20224x128xf32, #tpu.memory_space<hbm>>
      tpu.enqueue_indirect_dma source(%dma_start3A_76 : memref<20224x128xf32, #tpu.memory_space<hbm>>) target(%arg10 : memref<112x128xf32, #tpu.memory_space<vmem>>) offsets(%dma_start3A_73 : memref<112xi32, #tpu.memory_space<vmem>>) semaphore(%arg14 : memref<!tpu.dma_semaphore, #tpu.memory_space<semaphore_mem>>)
      %dma_wait3A_77 = arith.constant 0 : i32
      %dma_wait3A_78 = arith.constant 0 : i32
      %dma_wait3A_79 = tpu.memref_slice %arg2[%dma_wait3A_77, %dma_wait3A_78] : memref<20224x128xf32, #tpu.memory_space<hbm>> -> memref<112x128xf32, #tpu.memory_space<hbm>>
      %dma_wait3A_80 = arith.constant 0 : i32
      %dma_wait3A_81 = arith.constant 0 : i32
      %dma_wait3A_82 = tpu.memref_slice %arg2[%dma_wait3A_80, %dma_wait3A_81] : memref<20224x128xf32, #tpu.memory_space<hbm>> -> memref<112x128xf32, #tpu.memory_space<hbm>>
      tpu.wait_dma2 semaphore(%arg13 : memref<!tpu.dma_semaphore, #tpu.memory_space<semaphore_mem>>) src(%dma_wait3A_82 : memref<112x128xf32, #tpu.memory_space<hbm>>) dst(%arg9 : memref<112x128xf32, #tpu.memory_space<vmem>>)
      %dma_start3A_83 = arith.constant 1 : i32
      %dma_start3A_84 = arith.constant 0 : i32
      %dma_start3A_85 = tpu.memref_slice %arg7[%dma_start3A_83, %dma_start3A_84] : memref<30x112xi32, #tpu.memory_space<vmem>> -> memref<1x112xi32, #tpu.memory_space<vmem>>
      %dma_start3A_86 = tpu.memref_squeeze %dma_start3A_85 : memref<1x112xi32, #tpu.memory_space<vmem>> -> memref<112xi32, #tpu.memory_space<vmem>>
      %dma_start3A_87 = arith.constant 0 : i32
      %dma_start3A_88 = arith.constant 0 : i32
      %dma_start3A_89 = tpu.memref_slice %arg11[%dma_start3A_87, %dma_start3A_88] : memref<10112x128xf32, #tpu.memory_space<vmem_shared>> -> memref<10112x128xf32, #tpu.memory_space<vmem_shared>>
      tpu.enqueue_indirect_dma source(%arg9 : memref<112x128xf32, #tpu.memory_space<vmem>>) target(%dma_start3A_89 : memref<10112x128xf32, #tpu.memory_space<vmem_shared>>) offsets(%dma_start3A_86 : memref<112xi32, #tpu.memory_space<vmem>>) semaphore(%arg15 : memref<!tpu.dma_semaphore, #tpu.memory_space<semaphore_mem>>) {add = true}
      %dma_wait3A_90 = arith.constant 0 : i32
      %dma_wait3A_91 = arith.constant 0 : i32
      %dma_wait3A_92 = tpu.memref_slice %arg7[%dma_wait3A_90, %dma_wait3A_91] : memref<30x112xi32, #tpu.memory_space<vmem>> -> memref<1x112xi32, #tpu.memory_space<vmem>>
      %dma_wait3A_93 = tpu.memref_squeeze %dma_wait3A_92 : memref<1x112xi32, #tpu.memory_space<vmem>> -> memref<112xi32, #tpu.memory_space<vmem>>
      %dma_wait3A_94 = arith.constant 0 : i32
      %dma_wait3A_95 = arith.constant 0 : i32
      %dma_wait3A_96 = tpu.memref_slice %arg11[%dma_wait3A_94, %dma_wait3A_95] : memref<10112x128xf32, #tpu.memory_space<vmem_shared>> -> memref<10112x128xf32, #tpu.memory_space<vmem_shared>>
      tpu.wait_indirect_dma semaphore(%arg15 : memref<!tpu.dma_semaphore, #tpu.memory_space<semaphore_mem>>) src(%arg8 : memref<112x128xf32, #tpu.memory_space<vmem>>) dst(%dma_wait3A_96 : memref<10112x128xf32, #tpu.memory_space<vmem_shared>>)
      %dma_start3A_97 = arith.constant 3 : i32
      %dma_start3A_98 = arith.constant 0 : i32
      %dma_start3A_99 = tpu.memref_slice %arg6[%dma_start3A_97, %dma_start3A_98] : memref<30x112xi32, #tpu.memory_space<vmem>> -> memref<1x112xi32, #tpu.memory_space<vmem>>
      %dma_start3A_100 = tpu.memref_squeeze %dma_start3A_99 : memref<1x112xi32, #tpu.memory_space<vmem>> -> memref<112xi32, #tpu.memory_space<vmem>>
      %dma_start3A_101 = arith.constant 0 : i32
      %dma_start3A_102 = arith.constant 0 : i32
      %dma_start3A_103 = tpu.memref_slice %arg2[%dma_start3A_101, %dma_start3A_102] : memref<20224x128xf32, #tpu.memory_space<hbm>> -> memref<20224x128xf32, #tpu.memory_space<hbm>>
      tpu.enqueue_indirect_dma source(%dma_start3A_103 : memref<20224x128xf32, #tpu.memory_space<hbm>>) target(%arg8 : memref<112x128xf32, #tpu.memory_space<vmem>>) offsets(%dma_start3A_100 : memref<112xi32, #tpu.memory_space<vmem>>) semaphore(%arg12 : memref<!tpu.dma_semaphore, #tpu.memory_space<semaphore_mem>>)
      %dma_wait3A_104 = arith.constant 0 : i32
      %dma_wait3A_105 = arith.constant 0 : i32
      %dma_wait3A_106 = tpu.memref_slice %arg2[%dma_wait3A_104, %dma_wait3A_105] : memref<20224x128xf32, #tpu.memory_space<hbm>> -> memref<112x128xf32, #tpu.memory_space<hbm>>
      %dma_wait3A_107 = arith.constant 0 : i32
      %dma_wait3A_108 = arith.constant 0 : i32
      %dma_wait3A_109 = tpu.memref_slice %arg2[%dma_wait3A_107, %dma_wait3A_108] : memref<20224x128xf32, #tpu.memory_space<hbm>> -> memref<112x128xf32, #tpu.memory_space<hbm>>
      tpu.wait_dma2 semaphore(%arg14 : memref<!tpu.dma_semaphore, #tpu.memory_space<semaphore_mem>>) src(%dma_wait3A_109 : memref<112x128xf32, #tpu.memory_space<hbm>>) dst(%arg10 : memref<112x128xf32, #tpu.memory_space<vmem>>)
      %dma_start3A_110 = arith.constant 2 : i32
      %dma_start3A_111 = arith.constant 0 : i32
      %dma_start3A_112 = tpu.memref_slice %arg7[%dma_start3A_110, %dma_start3A_111] : memref<30x112xi32, #tpu.memory_space<vmem>> -> memref<1x112xi32, #tpu.memory_space<vmem>>
      %dma_start3A_113 = tpu.memref_squeeze %dma_start3A_112 : memref<1x112xi32, #tpu.memory_space<vmem>> -> memref<112xi32, #tpu.memory_space<vmem>>
      %dma_start3A_114 = arith.constant 0 : i32
      %dma_start3A_115 = arith.constant 0 : i32
      %dma_start3A_116 = tpu.memref_slice %arg11[%dma_start3A_114, %dma_start3A_115] : memref<10112x128xf32, #tpu.memory_space<vmem_shared>> -> memref<10112x128xf32, #tpu.memory_space<vmem_shared>>
      tpu.enqueue_indirect_dma source(%arg10 : memref<112x128xf32, #tpu.memory_space<vmem>>) target(%dma_start3A_116 : memref<10112x128xf32, #tpu.memory_space<vmem_shared>>) offsets(%dma_start3A_113 : memref<112xi32, #tpu.memory_space<vmem>>) semaphore(%arg15 : memref<!tpu.dma_semaphore, #tpu.memory_space<semaphore_mem>>) {add = true}
      %dma_wait3A_117 = arith.constant 0 : i32
      %dma_wait3A_118 = arith.constant 0 : i32
      %dma_wait3A_119 = tpu.memref_slice %arg7[%dma_wait3A_117, %dma_wait3A_118] : memref<30x112xi32, #tpu.memory_space<vmem>> -> memref<1x112xi32, #tpu.memory_space<vmem>>
      %dma_wait3A_120 = tpu.memref_squeeze %dma_wait3A_119 : memref<1x112xi32, #tpu.memory_space<vmem>> -> memref<112xi32, #tpu.memory_space<vmem>>
      %dma_wait3A_121 = arith.constant 0 : i32
      %dma_wait3A_122 = arith.constant 0 : i32
      %dma_wait3A_123 = tpu.memref_slice %arg11[%dma_wait3A_121, %dma_wait3A_122] : memref<10112x128xf32, #tpu.memory_space<vmem_shared>> -> memref<10112x128xf32, #tpu.memory_space<vmem_shared>>
      tpu.wait_indirect_dma semaphore(%arg15 : memref<!tpu.dma_semaphore, #tpu.memory_space<semaphore_mem>>) src(%arg8 : memref<112x128xf32, #tpu.memory_space<vmem>>) dst(%dma_wait3A_123 : memref<10112x128xf32, #tpu.memory_space<vmem_shared>>)
      %dma_start3A_124 = arith.constant 4 : i32
      %dma_start3A_125 = arith.constant 0 : i32
      %dma_start3A_126 = tpu.memref_slice %arg6[%dma_start3A_124, %dma_start3A_125] : memref<30x112xi32, #tpu.memory_space<vmem>> -> memref<1x112xi32, #tpu.memory_space<vmem>>
      %dma_start3A_127 = tpu.memref_squeeze %dma_start3A_126 : memref<1x112xi32, #tpu.memory_space<vmem>> -> memref<112xi32, #tpu.memory_space<vmem>>
      %dma_start3A_128 = arith.constant 0 : i32
      %dma_start3A_129 = arith.constant 0 : i32
      %dma_start3A_130 = tpu.memref_slice %arg2[%dma_start3A_128, %dma_start3A_129] : memref<20224x128xf32, #tpu.memory_space<hbm>> -> memref<20224x128xf32, #tpu.memory_space<hbm>>
      tpu.enqueue_indirect_dma source(%dma_start3A_130 : memref<20224x128xf32, #tpu.memory_space<hbm>>) target(%arg9 : memref<112x128xf32, #tpu.memory_space<vmem>>) offsets(%dma_start3A_127 : memref<112xi32, #tpu.memory_space<vmem>>) semaphore(%arg13 : memref<!tpu.dma_semaphore, #tpu.memory_space<semaphore_mem>>)
      %dma_wait3A_131 = arith.constant 0 : i32
      %dma_wait3A_132 = arith.constant 0 : i32
      %dma_wait3A_133 = tpu.memref_slice %arg2[%dma_wait3A_131, %dma_wait3A_132] : memref<20224x128xf32, #tpu.memory_space<hbm>> -> memref<112x128xf32, #tpu.memory_space<hbm>>
      %dma_wait3A_134 = arith.constant 0 : i32
      %dma_wait3A_135 = arith.constant 0 : i32
      %dma_wait3A_136 = tpu.memref_slice %arg2[%dma_wait3A_134, %dma_wait3A_135] : memref<20224x128xf32, #tpu.memory_space<hbm>> -> memref<112x128xf32, #tpu.memory_space<hbm>>
      tpu.wait_dma2 semaphore(%arg12 : memref<!tpu.dma_semaphore, #tpu.memory_space<semaphore_mem>>) src(%dma_wait3A_136 : memref<112x128xf32, #tpu.memory_space<hbm>>) dst(%arg8 : memref<112x128xf32, #tpu.memory_space<vmem>>)
      %dma_start3A_137 = arith.constant 3 : i32
      %dma_start3A_138 = arith.constant 0 : i32
      %dma_start3A_139 = tpu.memref_slice %arg7[%dma_start3A_137, %dma_start3A_138] : memref<30x112xi32, #tpu.memory_space<vmem>> -> memref<1x112xi32, #tpu.memory_space<vmem>>
      %dma_start3A_140 = tpu.memref_squeeze %dma_start3A_139 : memref<1x112xi32, #tpu.memory_space<vmem>> -> memref<112xi32, #tpu.memory_space<vmem>>
      %dma_start3A_141 = arith.constant 0 : i32
      %dma_start3A_142 = arith.constant 0 : i32
      %dma_start3A_143 = tpu.memref_slice %arg11[%dma_start3A_141, %dma_start3A_142] : memref<10112x128xf32, #tpu.memory_space<vmem_shared>> -> memref<10112x128xf32, #tpu.memory_space<vmem_shared>>
      tpu.enqueue_indirect_dma source(%arg8 : memref<112x128xf32, #tpu.memory_space<vmem>>) target(%dma_start3A_143 : memref<10112x128xf32, #tpu.memory_space<vmem_shared>>) offsets(%dma_start3A_140 : memref<112xi32, #tpu.memory_space<vmem>>) semaphore(%arg15 : memref<!tpu.dma_semaphore, #tpu.memory_space<semaphore_mem>>) {add = true}
      %dma_wait3A_144 = arith.constant 0 : i32
      %dma_wait3A_145 = arith.constant 0 : i32
      %dma_wait3A_146 = tpu.memref_slice %arg7[%dma_wait3A_144, %dma_wait3A_145] : memref<30x112xi32, #tpu.memory_space<vmem>> -> memref<1x112xi32, #tpu.memory_space<vmem>>
      %dma_wait3A_147 = tpu.memref_squeeze %dma_wait3A_146 : memref<1x112xi32, #tpu.memory_space<vmem>> -> memref<112xi32, #tpu.memory_space<vmem>>
      %dma_wait3A_148 = arith.constant 0 : i32
      %dma_wait3A_149 = arith.constant 0 : i32
      %dma_wait3A_150 = tpu.memref_slice %arg11[%dma_wait3A_148, %dma_wait3A_149] : memref<10112x128xf32, #tpu.memory_space<vmem_shared>> -> memref<10112x128xf32, #tpu.memory_space<vmem_shared>>
      tpu.wait_indirect_dma semaphore(%arg15 : memref<!tpu.dma_semaphore, #tpu.memory_space<semaphore_mem>>) src(%arg8 : memref<112x128xf32, #tpu.memory_space<vmem>>) dst(%dma_wait3A_150 : memref<10112x128xf32, #tpu.memory_space<vmem_shared>>)
      %dma_start3A_151 = arith.constant 5 : i32
      %dma_start3A_152 = arith.constant 0 : i32
      %dma_start3A_153 = tpu.memref_slice %arg6[%dma_start3A_151, %dma_start3A_152] : memref<30x112xi32, #tpu.memory_space<vmem>> -> memref<1x112xi32, #tpu.memory_space<vmem>>
      %dma_start3A_154 = tpu.memref_squeeze %dma_start3A_153 : memref<1x112xi32, #tpu.memory_space<vmem>> -> memref<112xi32, #tpu.memory_space<vmem>>
      %dma_start3A_155 = arith.constant 0 : i32
      %dma_start3A_156 = arith.constant 0 : i32
      %dma_start3A_157 = tpu.memref_slice %arg2[%dma_start3A_155, %dma_start3A_156] : memref<20224x128xf32, #tpu.memory_space<hbm>> -> memref<20224x128xf32, #tpu.memory_space<hbm>>
      tpu.enqueue_indirect_dma source(%dma_start3A_157 : memref<20224x128xf32, #tpu.memory_space<hbm>>) target(%arg10 : memref<112x128xf32, #tpu.memory_space<vmem>>) offsets(%dma_start3A_154 : memref<112xi32, #tpu.memory_space<vmem>>) semaphore(%arg14 : memref<!tpu.dma_semaphore, #tpu.memory_space<semaphore_mem>>)
      %dma_wait3A_158 = arith.constant 0 : i32
      %dma_wait3A_159 = arith.constant 0 : i32
      %dma_wait3A_160 = tpu.memref_slice %arg2[%dma_wait3A_158, %dma_wait3A_159] : memref<20224x128xf32, #tpu.memory_space<hbm>> -> memref<112x128xf32, #tpu.memory_space<hbm>>
      %dma_wait3A_161 = arith.constant 0 : i32
      %dma_wait3A_162 = arith.constant 0 : i32
      %dma_wait3A_163 = tpu.memref_slice %arg2[%dma_wait3A_161, %dma_wait3A_162] : memref<20224x128xf32, #tpu.memory_space<hbm>> -> memref<112x128xf32, #tpu.memory_space<hbm>>
      tpu.wait_dma2 semaphore(%arg13 : memref<!tpu.dma_semaphore, #tpu.memory_space<semaphore_mem>>) src(%dma_wait3A_163 : memref<112x128xf32, #tpu.memory_space<hbm>>) dst(%arg9 : memref<112x128xf32, #tpu.memory_space<vmem>>)
      %dma_start3A_164 = arith.constant 4 : i32
      %dma_start3A_165 = arith.constant 0 : i32
      %dma_start3A_166 = tpu.memref_slice %arg7[%dma_start3A_164, %dma_start3A_165] : memref<30x112xi32, #tpu.memory_space<vmem>> -> memref<1x112xi32, #tpu.memory_space<vmem>>
      %dma_start3A_167 = tpu.memref_squeeze %dma_start3A_166 : memref<1x112xi32, #tpu.memory_space<vmem>> -> memref<112xi32, #tpu.memory_space<vmem>>
      %dma_start3A_168 = arith.constant 0 : i32
      %dma_start3A_169 = arith.constant 0 : i32
      %dma_start3A_170 = tpu.memref_slice %arg11[%dma_start3A_168, %dma_start3A_169] : memref<10112x128xf32, #tpu.memory_space<vmem_shared>> -> memref<10112x128xf32, #tpu.memory_space<vmem_shared>>
      tpu.enqueue_indirect_dma source(%arg9 : memref<112x128xf32, #tpu.memory_space<vmem>>) target(%dma_start3A_170 : memref<10112x128xf32, #tpu.memory_space<vmem_shared>>) offsets(%dma_start3A_167 : memref<112xi32, #tpu.memory_space<vmem>>) semaphore(%arg15 : memref<!tpu.dma_semaphore, #tpu.memory_space<semaphore_mem>>) {add = true}
      %dma_wait3A_171 = arith.constant 0 : i32
      %dma_wait3A_172 = arith.constant 0 : i32
      %dma_wait3A_173 = tpu.memref_slice %arg7[%dma_wait3A_171, %dma_wait3A_172] : memref<30x112xi32, #tpu.memory_space<vmem>> -> memref<1x112xi32, #tpu.memory_space<vmem>>
      %dma_wait3A_174 = tpu.memref_squeeze %dma_wait3A_173 : memref<1x112xi32, #tpu.memory_space<vmem>> -> memref<112xi32, #tpu.memory_space<vmem>>
      %dma_wait3A_175 = arith.constant 0 : i32
      %dma_wait3A_176 = arith.constant 0 : i32
      %dma_wait3A_177 = tpu.memref_slice %arg11[%dma_wait3A_175, %dma_wait3A_176] : memref<10112x128xf32, #tpu.memory_space<vmem_shared>> -> memref<10112x128xf32, #tpu.memory_space<vmem_shared>>
      tpu.wait_indirect_dma semaphore(%arg15 : memref<!tpu.dma_semaphore, #tpu.memory_space<semaphore_mem>>) src(%arg8 : memref<112x128xf32, #tpu.memory_space<vmem>>) dst(%dma_wait3A_177 : memref<10112x128xf32, #tpu.memory_space<vmem_shared>>)
      %dma_start3A_178 = arith.constant 6 : i32
      %dma_start3A_179 = arith.constant 0 : i32
      %dma_start3A_180 = tpu.memref_slice %arg6[%dma_start3A_178, %dma_start3A_179] : memref<30x112xi32, #tpu.memory_space<vmem>> -> memref<1x112xi32, #tpu.memory_space<vmem>>
      %dma_start3A_181 = tpu.memref_squeeze %dma_start3A_180 : memref<1x112xi32, #tpu.memory_space<vmem>> -> memref<112xi32, #tpu.memory_space<vmem>>
      %dma_start3A_182 = arith.constant 0 : i32
      %dma_start3A_183 = arith.constant 0 : i32
      %dma_start3A_184 = tpu.memref_slice %arg2[%dma_start3A_182, %dma_start3A_183] : memref<20224x128xf32, #tpu.memory_space<hbm>> -> memref<20224x128xf32, #tpu.memory_space<hbm>>
      tpu.enqueue_indirect_dma source(%dma_start3A_184 : memref<20224x128xf32, #tpu.memory_space<hbm>>) target(%arg8 : memref<112x128xf32, #tpu.memory_space<vmem>>) offsets(%dma_start3A_181 : memref<112xi32, #tpu.memory_space<vmem>>) semaphore(%arg12 : memref<!tpu.dma_semaphore, #tpu.memory_space<semaphore_mem>>)
      %dma_wait3A_185 = arith.constant 0 : i32
      %dma_wait3A_186 = arith.constant 0 : i32
      %dma_wait3A_187 = tpu.memref_slice %arg2[%dma_wait3A_185, %dma_wait3A_186] : memref<20224x128xf32, #tpu.memory_space<hbm>> -> memref<112x128xf32, #tpu.memory_space<hbm>>
      %dma_wait3A_188 = arith.constant 0 : i32
      %dma_wait3A_189 = arith.constant 0 : i32
      %dma_wait3A_190 = tpu.memref_slice %arg2[%dma_wait3A_188, %dma_wait3A_189] : memref<20224x128xf32, #tpu.memory_space<hbm>> -> memref<112x128xf32, #tpu.memory_space<hbm>>
      tpu.wait_dma2 semaphore(%arg14 : memref<!tpu.dma_semaphore, #tpu.memory_space<semaphore_mem>>) src(%dma_wait3A_190 : memref<112x128xf32, #tpu.memory_space<hbm>>) dst(%arg10 : memref<112x128xf32, #tpu.memory_space<vmem>>)
      %dma_start3A_191 = arith.constant 5 : i32
      %dma_start3A_192 = arith.constant 0 : i32
      %dma_start3A_193 = tpu.memref_slice %arg7[%dma_start3A_191, %dma_start3A_192] : memref<30x112xi32, #tpu.memory_space<vmem>> -> memref<1x112xi32, #tpu.memory_space<vmem>>
      %dma_start3A_194 = tpu.memref_squeeze %dma_start3A_193 : memref<1x112xi32, #tpu.memory_space<vmem>> -> memref<112xi32, #tpu.memory_space<vmem>>
      %dma_start3A_195 = arith.constant 0 : i32
      %dma_start3A_196 = arith.constant 0 : i32
      %dma_start3A_197 = tpu.memref_slice %arg11[%dma_start3A_195, %dma_start3A_196] : memref<10112x128xf32, #tpu.memory_space<vmem_shared>> -> memref<10112x128xf32, #tpu.memory_space<vmem_shared>>
      tpu.enqueue_indirect_dma source(%arg10 : memref<112x128xf32, #tpu.memory_space<vmem>>) target(%dma_start3A_197 : memref<10112x128xf32, #tpu.memory_space<vmem_shared>>) offsets(%dma_start3A_194 : memref<112xi32, #tpu.memory_space<vmem>>) semaphore(%arg15 : memref<!tpu.dma_semaphore, #tpu.memory_space<semaphore_mem>>) {add = true}
      %dma_wait3A_198 = arith.constant 0 : i32
      %dma_wait3A_199 = arith.constant 0 : i32
      %dma_wait3A_200 = tpu.memref_slice %arg7[%dma_wait3A_198, %dma_wait3A_199] : memref<30x112xi32, #tpu.memory_space<vmem>> -> memref<1x112xi32, #tpu.memory_space<vmem>>
      %dma_wait3A_201 = tpu.memref_squeeze %dma_wait3A_200 : memref<1x112xi32, #tpu.memory_space<vmem>> -> memref<112xi32, #tpu.memory_space<vmem>>
      %dma_wait3A_202 = arith.constant 0 : i32
      %dma_wait3A_203 = arith.constant 0 : i32
      %dma_wait3A_204 = tpu.memref_slice %arg11[%dma_wait3A_202, %dma_wait3A_203] : memref<10112x128xf32, #tpu.memory_space<vmem_shared>> -> memref<10112x128xf32, #tpu.memory_space<vmem_shared>>
      tpu.wait_indirect_dma semaphore(%arg15 : memref<!tpu.dma_semaphore, #tpu.memory_space<semaphore_mem>>) src(%arg8 : memref<112x128xf32, #tpu.memory_space<vmem>>) dst(%dma_wait3A_204 : memref<10112x128xf32, #tpu.memory_space<vmem_shared>>)
      %dma_start3A_205 = arith.constant 7 : i32
      %dma_start3A_206 = arith.constant 0 : i32
      %dma_start3A_207 = tpu.memref_slice %arg6[%dma_start3A_205, %dma_start3A_206] : memref<30x112xi32, #tpu.memory_space<vmem>> -> memref<1x112xi32, #tpu.memory_space<vmem>>
      %dma_start3A_208 = tpu.memref_squeeze %dma_start3A_207 : memref<1x112xi32, #tpu.memory_space<vmem>> -> memref<112xi32, #tpu.memory_space<vmem>>
      %dma_start3A_209 = arith.constant 0 : i32
      %dma_start3A_210 = arith.constant 0 : i32
      %dma_start3A_211 = tpu.memref_slice %arg2[%dma_start3A_209, %dma_start3A_210] : memref<20224x128xf32, #tpu.memory_space<hbm>> -> memref<20224x128xf32, #tpu.memory_space<hbm>>
      tpu.enqueue_indirect_dma source(%dma_start3A_211 : memref<20224x128xf32, #tpu.memory_space<hbm>>) target(%arg9 : memref<112x128xf32, #tpu.memory_space<vmem>>) offsets(%dma_start3A_208 : memref<112xi32, #tpu.memory_space<vmem>>) semaphore(%arg13 : memref<!tpu.dma_semaphore, #tpu.memory_space<semaphore_mem>>)
      %dma_wait3A_212 = arith.constant 0 : i32
      %dma_wait3A_213 = arith.constant 0 : i32
      %dma_wait3A_214 = tpu.memref_slice %arg2[%dma_wait3A_212, %dma_wait3A_213] : memref<20224x128xf32, #tpu.memory_space<hbm>> -> memref<112x128xf32, #tpu.memory_space<hbm>>
      %dma_wait3A_215 = arith.constant 0 : i32
      %dma_wait3A_216 = arith.constant 0 : i32
      %dma_wait3A_217 = tpu.memref_slice %arg2[%dma_wait3A_215, %dma_wait3A_216] : memref<20224x128xf32, #tpu.memory_space<hbm>> -> memref<112x128xf32, #tpu.memory_space<hbm>>
      tpu.wait_dma2 semaphore(%arg12 : memref<!tpu.dma_semaphore, #tpu.memory_space<semaphore_mem>>) src(%dma_wait3A_217 : memref<112x128xf32, #tpu.memory_space<hbm>>) dst(%arg8 : memref<112x128xf32, #tpu.memory_space<vmem>>)
      %dma_start3A_218 = arith.constant 6 : i32
      %dma_start3A_219 = arith.constant 0 : i32
      %dma_start3A_220 = tpu.memref_slice %arg7[%dma_start3A_218, %dma_start3A_219] : memref<30x112xi32, #tpu.memory_space<vmem>> -> memref<1x112xi32, #tpu.memory_space<vmem>>
      %dma_start3A_221 = tpu.memref_squeeze %dma_start3A_220 : memref<1x112xi32, #tpu.memory_space<vmem>> -> memref<112xi32, #tpu.memory_space<vmem>>
      %dma_start3A_222 = arith.constant 0 : i32
      %dma_start3A_223 = arith.constant 0 : i32
      %dma_start3A_224 = tpu.memref_slice %arg11[%dma_start3A_222, %dma_start3A_223] : memref<10112x128xf32, #tpu.memory_space<vmem_shared>> -> memref<10112x128xf32, #tpu.memory_space<vmem_shared>>
      tpu.enqueue_indirect_dma source(%arg8 : memref<112x128xf32, #tpu.memory_space<vmem>>) target(%dma_start3A_224 : memref<10112x128xf32, #tpu.memory_space<vmem_shared>>) offsets(%dma_start3A_221 : memref<112xi32, #tpu.memory_space<vmem>>) semaphore(%arg15 : memref<!tpu.dma_semaphore, #tpu.memory_space<semaphore_mem>>) {add = true}
      %dma_wait3A_225 = arith.constant 0 : i32
      %dma_wait3A_226 = arith.constant 0 : i32
      %dma_wait3A_227 = tpu.memref_slice %arg7[%dma_wait3A_225, %dma_wait3A_226] : memref<30x112xi32, #tpu.memory_space<vmem>> -> memref<1x112xi32, #tpu.memory_space<vmem>>
      %dma_wait3A_228 = tpu.memref_squeeze %dma_wait3A_227 : memref<1x112xi32, #tpu.memory_space<vmem>> -> memref<112xi32, #tpu.memory_space<vmem>>
      %dma_wait3A_229 = arith.constant 0 : i32
      %dma_wait3A_230 = arith.constant 0 : i32
      %dma_wait3A_231 = tpu.memref_slice %arg11[%dma_wait3A_229, %dma_wait3A_230] : memref<10112x128xf32, #tpu.memory_space<vmem_shared>> -> memref<10112x128xf32, #tpu.memory_space<vmem_shared>>
      tpu.wait_indirect_dma semaphore(%arg15 : memref<!tpu.dma_semaphore, #tpu.memory_space<semaphore_mem>>) src(%arg8 : memref<112x128xf32, #tpu.memory_space<vmem>>) dst(%dma_wait3A_231 : memref<10112x128xf32, #tpu.memory_space<vmem_shared>>)
      %dma_start3A_232 = arith.constant 8 : i32
      %dma_start3A_233 = arith.constant 0 : i32
      %dma_start3A_234 = tpu.memref_slice %arg6[%dma_start3A_232, %dma_start3A_233] : memref<30x112xi32, #tpu.memory_space<vmem>> -> memref<1x112xi32, #tpu.memory_space<vmem>>
      %dma_start3A_235 = tpu.memref_squeeze %dma_start3A_234 : memref<1x112xi32, #tpu.memory_space<vmem>> -> memref<112xi32, #tpu.memory_space<vmem>>
      %dma_start3A_236 = arith.constant 0 : i32
      %dma_start3A_237 = arith.constant 0 : i32
      %dma_start3A_238 = tpu.memref_slice %arg2[%dma_start3A_236, %dma_start3A_237] : memref<20224x128xf32, #tpu.memory_space<hbm>> -> memref<20224x128xf32, #tpu.memory_space<hbm>>
      tpu.enqueue_indirect_dma source(%dma_start3A_238 : memref<20224x128xf32, #tpu.memory_space<hbm>>) target(%arg10 : memref<112x128xf32, #tpu.memory_space<vmem>>) offsets(%dma_start3A_235 : memref<112xi32, #tpu.memory_space<vmem>>) semaphore(%arg14 : memref<!tpu.dma_semaphore, #tpu.memory_space<semaphore_mem>>)
      %dma_wait3A_239 = arith.constant 0 : i32
      %dma_wait3A_240 = arith.constant 0 : i32
      %dma_wait3A_241 = tpu.memref_slice %arg2[%dma_wait3A_239, %dma_wait3A_240] : memref<20224x128xf32, #tpu.memory_space<hbm>> -> memref<112x128xf32, #tpu.memory_space<hbm>>
      %dma_wait3A_242 = arith.constant 0 : i32
      %dma_wait3A_243 = arith.constant 0 : i32
      %dma_wait3A_244 = tpu.memref_slice %arg2[%dma_wait3A_242, %dma_wait3A_243] : memref<20224x128xf32, #tpu.memory_space<hbm>> -> memref<112x128xf32, #tpu.memory_space<hbm>>
      tpu.wait_dma2 semaphore(%arg13 : memref<!tpu.dma_semaphore, #tpu.memory_space<semaphore_mem>>) src(%dma_wait3A_244 : memref<112x128xf32, #tpu.memory_space<hbm>>) dst(%arg9 : memref<112x128xf32, #tpu.memory_space<vmem>>)
      %dma_start3A_245 = arith.constant 7 : i32
      %dma_start3A_246 = arith.constant 0 : i32
      %dma_start3A_247 = tpu.memref_slice %arg7[%dma_start3A_245, %dma_start3A_246] : memref<30x112xi32, #tpu.memory_space<vmem>> -> memref<1x112xi32, #tpu.memory_space<vmem>>
      %dma_start3A_248 = tpu.memref_squeeze %dma_start3A_247 : memref<1x112xi32, #tpu.memory_space<vmem>> -> memref<112xi32, #tpu.memory_space<vmem>>
      %dma_start3A_249 = arith.constant 0 : i32
      %dma_start3A_250 = arith.constant 0 : i32
      %dma_start3A_251 = tpu.memref_slice %arg11[%dma_start3A_249, %dma_start3A_250] : memref<10112x128xf32, #tpu.memory_space<vmem_shared>> -> memref<10112x128xf32, #tpu.memory_space<vmem_shared>>
      tpu.enqueue_indirect_dma source(%arg9 : memref<112x128xf32, #tpu.memory_space<vmem>>) target(%dma_start3A_251 : memref<10112x128xf32, #tpu.memory_space<vmem_shared>>) offsets(%dma_start3A_248 : memref<112xi32, #tpu.memory_space<vmem>>) semaphore(%arg15 : memref<!tpu.dma_semaphore, #tpu.memory_space<semaphore_mem>>) {add = true}
      %dma_wait3A_252 = arith.constant 0 : i32
      %dma_wait3A_253 = arith.constant 0 : i32
      %dma_wait3A_254 = tpu.memref_slice %arg7[%dma_wait3A_252, %dma_wait3A_253] : memref<30x112xi32, #tpu.memory_space<vmem>> -> memref<1x112xi32, #tpu.memory_space<vmem>>
      %dma_wait3A_255 = tpu.memref_squeeze %dma_wait3A_254 : memref<1x112xi32, #tpu.memory_space<vmem>> -> memref<112xi32, #tpu.memory_space<vmem>>
      %dma_wait3A_256 = arith.constant 0 : i32
      %dma_wait3A_257 = arith.constant 0 : i32
      %dma_wait3A_258 = tpu.memref_slice %arg11[%dma_wait3A_256, %dma_wait3A_257] : memref<10112x128xf32, #tpu.memory_space<vmem_shared>> -> memref<10112x128xf32, #tpu.memory_space<vmem_shared>>
      tpu.wait_indirect_dma semaphore(%arg15 : memref<!tpu.dma_semaphore, #tpu.memory_space<semaphore_mem>>) src(%arg8 : memref<112x128xf32, #tpu.memory_space<vmem>>) dst(%dma_wait3A_258 : memref<10112x128xf32, #tpu.memory_space<vmem_shared>>)
      %dma_start3A_259 = arith.constant 9 : i32
      %dma_start3A_260 = arith.constant 0 : i32
      %dma_start3A_261 = tpu.memref_slice %arg6[%dma_start3A_259, %dma_start3A_260] : memref<30x112xi32, #tpu.memory_space<vmem>> -> memref<1x112xi32, #tpu.memory_space<vmem>>
      %dma_start3A_262 = tpu.memref_squeeze %dma_start3A_261 : memref<1x112xi32, #tpu.memory_space<vmem>> -> memref<112xi32, #tpu.memory_space<vmem>>
      %dma_start3A_263 = arith.constant 0 : i32
      %dma_start3A_264 = arith.constant 0 : i32
      %dma_start3A_265 = tpu.memref_slice %arg2[%dma_start3A_263, %dma_start3A_264] : memref<20224x128xf32, #tpu.memory_space<hbm>> -> memref<20224x128xf32, #tpu.memory_space<hbm>>
      tpu.enqueue_indirect_dma source(%dma_start3A_265 : memref<20224x128xf32, #tpu.memory_space<hbm>>) target(%arg8 : memref<112x128xf32, #tpu.memory_space<vmem>>) offsets(%dma_start3A_262 : memref<112xi32, #tpu.memory_space<vmem>>) semaphore(%arg12 : memref<!tpu.dma_semaphore, #tpu.memory_space<semaphore_mem>>)
      %dma_wait3A_266 = arith.constant 0 : i32
      %dma_wait3A_267 = arith.constant 0 : i32
      %dma_wait3A_268 = tpu.memref_slice %arg2[%dma_wait3A_266, %dma_wait3A_267] : memref<20224x128xf32, #tpu.memory_space<hbm>> -> memref<112x128xf32, #tpu.memory_space<hbm>>
      %dma_wait3A_269 = arith.constant 0 : i32
      %dma_wait3A_270 = arith.constant 0 : i32
      %dma_wait3A_271 = tpu.memref_slice %arg2[%dma_wait3A_269, %dma_wait3A_270] : memref<20224x128xf32, #tpu.memory_space<hbm>> -> memref<112x128xf32, #tpu.memory_space<hbm>>
      tpu.wait_dma2 semaphore(%arg14 : memref<!tpu.dma_semaphore, #tpu.memory_space<semaphore_mem>>) src(%dma_wait3A_271 : memref<112x128xf32, #tpu.memory_space<hbm>>) dst(%arg10 : memref<112x128xf32, #tpu.memory_space<vmem>>)
      %dma_start3A_272 = arith.constant 8 : i32
      %dma_start3A_273 = arith.constant 0 : i32
      %dma_start3A_274 = tpu.memref_slice %arg7[%dma_start3A_272, %dma_start3A_273] : memref<30x112xi32, #tpu.memory_space<vmem>> -> memref<1x112xi32, #tpu.memory_space<vmem>>
      %dma_start3A_275 = tpu.memref_squeeze %dma_start3A_274 : memref<1x112xi32, #tpu.memory_space<vmem>> -> memref<112xi32, #tpu.memory_space<vmem>>
      %dma_start3A_276 = arith.constant 0 : i32
      %dma_start3A_277 = arith.constant 0 : i32
      %dma_start3A_278 = tpu.memref_slice %arg11[%dma_start3A_276, %dma_start3A_277] : memref<10112x128xf32, #tpu.memory_space<vmem_shared>> -> memref<10112x128xf32, #tpu.memory_space<vmem_shared>>
      tpu.enqueue_indirect_dma source(%arg10 : memref<112x128xf32, #tpu.memory_space<vmem>>) target(%dma_start3A_278 : memref<10112x128xf32, #tpu.memory_space<vmem_shared>>) offsets(%dma_start3A_275 : memref<112xi32, #tpu.memory_space<vmem>>) semaphore(%arg15 : memref<!tpu.dma_semaphore, #tpu.memory_space<semaphore_mem>>) {add = true}
      %dma_wait3A_279 = arith.constant 0 : i32
      %dma_wait3A_280 = arith.constant 0 : i32
      %dma_wait3A_281 = tpu.memref_slice %arg7[%dma_wait3A_279, %dma_wait3A_280] : memref<30x112xi32, #tpu.memory_space<vmem>> -> memref<1x112xi32, #tpu.memory_space<vmem>>
      %dma_wait3A_282 = tpu.memref_squeeze %dma_wait3A_281 : memref<1x112xi32, #tpu.memory_space<vmem>> -> memref<112xi32, #tpu.memory_space<vmem>>
      %dma_wait3A_283 = arith.constant 0 : i32
      %dma_wait3A_284 = arith.constant 0 : i32
      %dma_wait3A_285 = tpu.memref_slice %arg11[%dma_wait3A_283, %dma_wait3A_284] : memref<10112x128xf32, #tpu.memory_space<vmem_shared>> -> memref<10112x128xf32, #tpu.memory_space<vmem_shared>>
      tpu.wait_indirect_dma semaphore(%arg15 : memref<!tpu.dma_semaphore, #tpu.memory_space<semaphore_mem>>) src(%arg8 : memref<112x128xf32, #tpu.memory_space<vmem>>) dst(%dma_wait3A_285 : memref<10112x128xf32, #tpu.memory_space<vmem_shared>>)
      %dma_start3A_286 = arith.constant 10 : i32
      %dma_start3A_287 = arith.constant 0 : i32
      %dma_start3A_288 = tpu.memref_slice %arg6[%dma_start3A_286, %dma_start3A_287] : memref<30x112xi32, #tpu.memory_space<vmem>> -> memref<1x112xi32, #tpu.memory_space<vmem>>
      %dma_start3A_289 = tpu.memref_squeeze %dma_start3A_288 : memref<1x112xi32, #tpu.memory_space<vmem>> -> memref<112xi32, #tpu.memory_space<vmem>>
      %dma_start3A_290 = arith.constant 0 : i32
      %dma_start3A_291 = arith.constant 0 : i32
      %dma_start3A_292 = tpu.memref_slice %arg2[%dma_start3A_290, %dma_start3A_291] : memref<20224x128xf32, #tpu.memory_space<hbm>> -> memref<20224x128xf32, #tpu.memory_space<hbm>>
      tpu.enqueue_indirect_dma source(%dma_start3A_292 : memref<20224x128xf32, #tpu.memory_space<hbm>>) target(%arg9 : memref<112x128xf32, #tpu.memory_space<vmem>>) offsets(%dma_start3A_289 : memref<112xi32, #tpu.memory_space<vmem>>) semaphore(%arg13 : memref<!tpu.dma_semaphore, #tpu.memory_space<semaphore_mem>>)
      %dma_wait3A_293 = arith.constant 0 : i32
      %dma_wait3A_294 = arith.constant 0 : i32
      %dma_wait3A_295 = tpu.memref_slice %arg2[%dma_wait3A_293, %dma_wait3A_294] : memref<20224x128xf32, #tpu.memory_space<hbm>> -> memref<112x128xf32, #tpu.memory_space<hbm>>
      %dma_wait3A_296 = arith.constant 0 : i32
      %dma_wait3A_297 = arith.constant 0 : i32
      %dma_wait3A_298 = tpu.memref_slice %arg2[%dma_wait3A_296, %dma_wait3A_297] : memref<20224x128xf32, #tpu.memory_space<hbm>> -> memref<112x128xf32, #tpu.memory_space<hbm>>
      tpu.wait_dma2 semaphore(%arg12 : memref<!tpu.dma_semaphore, #tpu.memory_space<semaphore_mem>>) src(%dma_wait3A_298 : memref<112x128xf32, #tpu.memory_space<hbm>>) dst(%arg8 : memref<112x128xf32, #tpu.memory_space<vmem>>)
      %dma_start3A_299 = arith.constant 9 : i32
      %dma_start3A_300 = arith.constant 0 : i32
      %dma_start3A_301 = tpu.memref_slice %arg7[%dma_start3A_299, %dma_start3A_300] : memref<30x112xi32, #tpu.memory_space<vmem>> -> memref<1x112xi32, #tpu.memory_space<vmem>>
      %dma_start3A_302 = tpu.memref_squeeze %dma_start3A_301 : memref<1x112xi32, #tpu.memory_space<vmem>> -> memref<112xi32, #tpu.memory_space<vmem>>
      %dma_start3A_303 = arith.constant 0 : i32
      %dma_start3A_304 = arith.constant 0 : i32
      %dma_start3A_305 = tpu.memref_slice %arg11[%dma_start3A_303, %dma_start3A_304] : memref<10112x128xf32, #tpu.memory_space<vmem_shared>> -> memref<10112x128xf32, #tpu.memory_space<vmem_shared>>
      tpu.enqueue_indirect_dma source(%arg8 : memref<112x128xf32, #tpu.memory_space<vmem>>) target(%dma_start3A_305 : memref<10112x128xf32, #tpu.memory_space<vmem_shared>>) offsets(%dma_start3A_302 : memref<112xi32, #tpu.memory_space<vmem>>) semaphore(%arg15 : memref<!tpu.dma_semaphore, #tpu.memory_space<semaphore_mem>>) {add = true}
      %dma_wait3A_306 = arith.constant 0 : i32
      %dma_wait3A_307 = arith.constant 0 : i32
      %dma_wait3A_308 = tpu.memref_slice %arg7[%dma_wait3A_306, %dma_wait3A_307] : memref<30x112xi32, #tpu.memory_space<vmem>> -> memref<1x112xi32, #tpu.memory_space<vmem>>
      %dma_wait3A_309 = tpu.memref_squeeze %dma_wait3A_308 : memref<1x112xi32, #tpu.memory_space<vmem>> -> memref<112xi32, #tpu.memory_space<vmem>>
      %dma_wait3A_310 = arith.constant 0 : i32
      %dma_wait3A_311 = arith.constant 0 : i32
      %dma_wait3A_312 = tpu.memref_slice %arg11[%dma_wait3A_310, %dma_wait3A_311] : memref<10112x128xf32, #tpu.memory_space<vmem_shared>> -> memref<10112x128xf32, #tpu.memory_space<vmem_shared>>
      tpu.wait_indirect_dma semaphore(%arg15 : memref<!tpu.dma_semaphore, #tpu.memory_space<semaphore_mem>>) src(%arg8 : memref<112x128xf32, #tpu.memory_space<vmem>>) dst(%dma_wait3A_312 : memref<10112x128xf32, #tpu.memory_space<vmem_shared>>)
      %dma_start3A_313 = arith.constant 11 : i32
      %dma_start3A_314 = arith.constant 0 : i32
      %dma_start3A_315 = tpu.memref_slice %arg6[%dma_start3A_313, %dma_start3A_314] : memref<30x112xi32, #tpu.memory_space<vmem>> -> memref<1x112xi32, #tpu.memory_space<vmem>>
      %dma_start3A_316 = tpu.memref_squeeze %dma_start3A_315 : memref<1x112xi32, #tpu.memory_space<vmem>> -> memref<112xi32, #tpu.memory_space<vmem>>
      %dma_start3A_317 = arith.constant 0 : i32
      %dma_start3A_318 = arith.constant 0 : i32
      %dma_start3A_319 = tpu.memref_slice %arg2[%dma_start3A_317, %dma_start3A_318] : memref<20224x128xf32, #tpu.memory_space<hbm>> -> memref<20224x128xf32, #tpu.memory_space<hbm>>
      tpu.enqueue_indirect_dma source(%dma_start3A_319 : memref<20224x128xf32, #tpu.memory_space<hbm>>) target(%arg10 : memref<112x128xf32, #tpu.memory_space<vmem>>) offsets(%dma_start3A_316 : memref<112xi32, #tpu.memory_space<vmem>>) semaphore(%arg14 : memref<!tpu.dma_semaphore, #tpu.memory_space<semaphore_mem>>)
      %dma_wait3A_320 = arith.constant 0 : i32
      %dma_wait3A_321 = arith.constant 0 : i32
      %dma_wait3A_322 = tpu.memref_slice %arg2[%dma_wait3A_320, %dma_wait3A_321] : memref<20224x128xf32, #tpu.memory_space<hbm>> -> memref<112x128xf32, #tpu.memory_space<hbm>>
      %dma_wait3A_323 = arith.constant 0 : i32
      %dma_wait3A_324 = arith.constant 0 : i32
      %dma_wait3A_325 = tpu.memref_slice %arg2[%dma_wait3A_323, %dma_wait3A_324] : memref<20224x128xf32, #tpu.memory_space<hbm>> -> memref<112x128xf32, #tpu.memory_space<hbm>>
      tpu.wait_dma2 semaphore(%arg13 : memref<!tpu.dma_semaphore, #tpu.memory_space<semaphore_mem>>) src(%dma_wait3A_325 : memref<112x128xf32, #tpu.memory_space<hbm>>) dst(%arg9 : memref<112x128xf32, #tpu.memory_space<vmem>>)
      %dma_start3A_326 = arith.constant 10 : i32
      %dma_start3A_327 = arith.constant 0 : i32
      %dma_start3A_328 = tpu.memref_slice %arg7[%dma_start3A_326, %dma_start3A_327] : memref<30x112xi32, #tpu.memory_space<vmem>> -> memref<1x112xi32, #tpu.memory_space<vmem>>
      %dma_start3A_329 = tpu.memref_squeeze %dma_start3A_328 : memref<1x112xi32, #tpu.memory_space<vmem>> -> memref<112xi32, #tpu.memory_space<vmem>>
      %dma_start3A_330 = arith.constant 0 : i32
      %dma_start3A_331 = arith.constant 0 : i32
      %dma_start3A_332 = tpu.memref_slice %arg11[%dma_start3A_330, %dma_start3A_331] : memref<10112x128xf32, #tpu.memory_space<vmem_shared>> -> memref<10112x128xf32, #tpu.memory_space<vmem_shared>>
      tpu.enqueue_indirect_dma source(%arg9 : memref<112x128xf32, #tpu.memory_space<vmem>>) target(%dma_start3A_332 : memref<10112x128xf32, #tpu.memory_space<vmem_shared>>) offsets(%dma_start3A_329 : memref<112xi32, #tpu.memory_space<vmem>>) semaphore(%arg15 : memref<!tpu.dma_semaphore, #tpu.memory_space<semaphore_mem>>) {add = true}
      %dma_wait3A_333 = arith.constant 0 : i32
      %dma_wait3A_334 = arith.constant 0 : i32
      %dma_wait3A_335 = tpu.memref_slice %arg7[%dma_wait3A_333, %dma_wait3A_334] : memref<30x112xi32, #tpu.memory_space<vmem>> -> memref<1x112xi32, #tpu.memory_space<vmem>>
      %dma_wait3A_336 = tpu.memref_squeeze %dma_wait3A_335 : memref<1x112xi32, #tpu.memory_space<vmem>> -> memref<112xi32, #tpu.memory_space<vmem>>
      %dma_wait3A_337 = arith.constant 0 : i32
      %dma_wait3A_338 = arith.constant 0 : i32
      %dma_wait3A_339 = tpu.memref_slice %arg11[%dma_wait3A_337, %dma_wait3A_338] : memref<10112x128xf32, #tpu.memory_space<vmem_shared>> -> memref<10112x128xf32, #tpu.memory_space<vmem_shared>>
      tpu.wait_indirect_dma semaphore(%arg15 : memref<!tpu.dma_semaphore, #tpu.memory_space<semaphore_mem>>) src(%arg8 : memref<112x128xf32, #tpu.memory_space<vmem>>) dst(%dma_wait3A_339 : memref<10112x128xf32, #tpu.memory_space<vmem_shared>>)
      %dma_start3A_340 = arith.constant 12 : i32
      %dma_start3A_341 = arith.constant 0 : i32
      %dma_start3A_342 = tpu.memref_slice %arg6[%dma_start3A_340, %dma_start3A_341] : memref<30x112xi32, #tpu.memory_space<vmem>> -> memref<1x112xi32, #tpu.memory_space<vmem>>
      %dma_start3A_343 = tpu.memref_squeeze %dma_start3A_342 : memref<1x112xi32, #tpu.memory_space<vmem>> -> memref<112xi32, #tpu.memory_space<vmem>>
      %dma_start3A_344 = arith.constant 0 : i32
      %dma_start3A_345 = arith.constant 0 : i32
      %dma_start3A_346 = tpu.memref_slice %arg2[%dma_start3A_344, %dma_start3A_345] : memref<20224x128xf32, #tpu.memory_space<hbm>> -> memref<20224x128xf32, #tpu.memory_space<hbm>>
      tpu.enqueue_indirect_dma source(%dma_start3A_346 : memref<20224x128xf32, #tpu.memory_space<hbm>>) target(%arg8 : memref<112x128xf32, #tpu.memory_space<vmem>>) offsets(%dma_start3A_343 : memref<112xi32, #tpu.memory_space<vmem>>) semaphore(%arg12 : memref<!tpu.dma_semaphore, #tpu.memory_space<semaphore_mem>>)
      %dma_wait3A_347 = arith.constant 0 : i32
      %dma_wait3A_348 = arith.constant 0 : i32
      %dma_wait3A_349 = tpu.memref_slice %arg2[%dma_wait3A_347, %dma_wait3A_348] : memref<20224x128xf32, #tpu.memory_space<hbm>> -> memref<112x128xf32, #tpu.memory_space<hbm>>
      %dma_wait3A_350 = arith.constant 0 : i32
      %dma_wait3A_351 = arith.constant 0 : i32
      %dma_wait3A_352 = tpu.memref_slice %arg2[%dma_wait3A_350, %dma_wait3A_351] : memref<20224x128xf32, #tpu.memory_space<hbm>> -> memref<112x128xf32, #tpu.memory_space<hbm>>
      tpu.wait_dma2 semaphore(%arg14 : memref<!tpu.dma_semaphore, #tpu.memory_space<semaphore_mem>>) src(%dma_wait3A_352 : memref<112x128xf32, #tpu.memory_space<hbm>>) dst(%arg10 : memref<112x128xf32, #tpu.memory_space<vmem>>)
      %dma_start3A_353 = arith.constant 11 : i32
      %dma_start3A_354 = arith.constant 0 : i32
      %dma_start3A_355 = tpu.memref_slice %arg7[%dma_start3A_353, %dma_start3A_354] : memref<30x112xi32, #tpu.memory_space<vmem>> -> memref<1x112xi32, #tpu.memory_space<vmem>>
      %dma_start3A_356 = tpu.memref_squeeze %dma_start3A_355 : memref<1x112xi32, #tpu.memory_space<vmem>> -> memref<112xi32, #tpu.memory_space<vmem>>
      %dma_start3A_357 = arith.constant 0 : i32
      %dma_start3A_358 = arith.constant 0 : i32
      %dma_start3A_359 = tpu.memref_slice %arg11[%dma_start3A_357, %dma_start3A_358] : memref<10112x128xf32, #tpu.memory_space<vmem_shared>> -> memref<10112x128xf32, #tpu.memory_space<vmem_shared>>
      tpu.enqueue_indirect_dma source(%arg10 : memref<112x128xf32, #tpu.memory_space<vmem>>) target(%dma_start3A_359 : memref<10112x128xf32, #tpu.memory_space<vmem_shared>>) offsets(%dma_start3A_356 : memref<112xi32, #tpu.memory_space<vmem>>) semaphore(%arg15 : memref<!tpu.dma_semaphore, #tpu.memory_space<semaphore_mem>>) {add = true}
      %dma_wait3A_360 = arith.constant 0 : i32
      %dma_wait3A_361 = arith.constant 0 : i32
      %dma_wait3A_362 = tpu.memref_slice %arg7[%dma_wait3A_360, %dma_wait3A_361] : memref<30x112xi32, #tpu.memory_space<vmem>> -> memref<1x112xi32, #tpu.memory_space<vmem>>
      %dma_wait3A_363 = tpu.memref_squeeze %dma_wait3A_362 : memref<1x112xi32, #tpu.memory_space<vmem>> -> memref<112xi32, #tpu.memory_space<vmem>>
      %dma_wait3A_364 = arith.constant 0 : i32
      %dma_wait3A_365 = arith.constant 0 : i32
      %dma_wait3A_366 = tpu.memref_slice %arg11[%dma_wait3A_364, %dma_wait3A_365] : memref<10112x128xf32, #tpu.memory_space<vmem_shared>> -> memref<10112x128xf32, #tpu.memory_space<vmem_shared>>
      tpu.wait_indirect_dma semaphore(%arg15 : memref<!tpu.dma_semaphore, #tpu.memory_space<semaphore_mem>>) src(%arg8 : memref<112x128xf32, #tpu.memory_space<vmem>>) dst(%dma_wait3A_366 : memref<10112x128xf32, #tpu.memory_space<vmem_shared>>)
      %dma_start3A_367 = arith.constant 13 : i32
      %dma_start3A_368 = arith.constant 0 : i32
      %dma_start3A_369 = tpu.memref_slice %arg6[%dma_start3A_367, %dma_start3A_368] : memref<30x112xi32, #tpu.memory_space<vmem>> -> memref<1x112xi32, #tpu.memory_space<vmem>>
      %dma_start3A_370 = tpu.memref_squeeze %dma_start3A_369 : memref<1x112xi32, #tpu.memory_space<vmem>> -> memref<112xi32, #tpu.memory_space<vmem>>
      %dma_start3A_371 = arith.constant 0 : i32
      %dma_start3A_372 = arith.constant 0 : i32
      %dma_start3A_373 = tpu.memref_slice %arg2[%dma_start3A_371, %dma_start3A_372] : memref<20224x128xf32, #tpu.memory_space<hbm>> -> memref<20224x128xf32, #tpu.memory_space<hbm>>
      tpu.enqueue_indirect_dma source(%dma_start3A_373 : memref<20224x128xf32, #tpu.memory_space<hbm>>) target(%arg9 : memref<112x128xf32, #tpu.memory_space<vmem>>) offsets(%dma_start3A_370 : memref<112xi32, #tpu.memory_space<vmem>>) semaphore(%arg13 : memref<!tpu.dma_semaphore, #tpu.memory_space<semaphore_mem>>)
      %dma_wait3A_374 = arith.constant 0 : i32
      %dma_wait3A_375 = arith.constant 0 : i32
      %dma_wait3A_376 = tpu.memref_slice %arg2[%dma_wait3A_374, %dma_wait3A_375] : memref<20224x128xf32, #tpu.memory_space<hbm>> -> memref<112x128xf32, #tpu.memory_space<hbm>>
      %dma_wait3A_377 = arith.constant 0 : i32
      %dma_wait3A_378 = arith.constant 0 : i32
      %dma_wait3A_379 = tpu.memref_slice %arg2[%dma_wait3A_377, %dma_wait3A_378] : memref<20224x128xf32, #tpu.memory_space<hbm>> -> memref<112x128xf32, #tpu.memory_space<hbm>>
      tpu.wait_dma2 semaphore(%arg12 : memref<!tpu.dma_semaphore, #tpu.memory_space<semaphore_mem>>) src(%dma_wait3A_379 : memref<112x128xf32, #tpu.memory_space<hbm>>) dst(%arg8 : memref<112x128xf32, #tpu.memory_space<vmem>>)
      %dma_start3A_380 = arith.constant 12 : i32
      %dma_start3A_381 = arith.constant 0 : i32
      %dma_start3A_382 = tpu.memref_slice %arg7[%dma_start3A_380, %dma_start3A_381] : memref<30x112xi32, #tpu.memory_space<vmem>> -> memref<1x112xi32, #tpu.memory_space<vmem>>
      %dma_start3A_383 = tpu.memref_squeeze %dma_start3A_382 : memref<1x112xi32, #tpu.memory_space<vmem>> -> memref<112xi32, #tpu.memory_space<vmem>>
      %dma_start3A_384 = arith.constant 0 : i32
      %dma_start3A_385 = arith.constant 0 : i32
      %dma_start3A_386 = tpu.memref_slice %arg11[%dma_start3A_384, %dma_start3A_385] : memref<10112x128xf32, #tpu.memory_space<vmem_shared>> -> memref<10112x128xf32, #tpu.memory_space<vmem_shared>>
      tpu.enqueue_indirect_dma source(%arg8 : memref<112x128xf32, #tpu.memory_space<vmem>>) target(%dma_start3A_386 : memref<10112x128xf32, #tpu.memory_space<vmem_shared>>) offsets(%dma_start3A_383 : memref<112xi32, #tpu.memory_space<vmem>>) semaphore(%arg15 : memref<!tpu.dma_semaphore, #tpu.memory_space<semaphore_mem>>) {add = true}
      %dma_wait3A_387 = arith.constant 0 : i32
      %dma_wait3A_388 = arith.constant 0 : i32
      %dma_wait3A_389 = tpu.memref_slice %arg7[%dma_wait3A_387, %dma_wait3A_388] : memref<30x112xi32, #tpu.memory_space<vmem>> -> memref<1x112xi32, #tpu.memory_space<vmem>>
      %dma_wait3A_390 = tpu.memref_squeeze %dma_wait3A_389 : memref<1x112xi32, #tpu.memory_space<vmem>> -> memref<112xi32, #tpu.memory_space<vmem>>
      %dma_wait3A_391 = arith.constant 0 : i32
      %dma_wait3A_392 = arith.constant 0 : i32
      %dma_wait3A_393 = tpu.memref_slice %arg11[%dma_wait3A_391, %dma_wait3A_392] : memref<10112x128xf32, #tpu.memory_space<vmem_shared>> -> memref<10112x128xf32, #tpu.memory_space<vmem_shared>>
      tpu.wait_indirect_dma semaphore(%arg15 : memref<!tpu.dma_semaphore, #tpu.memory_space<semaphore_mem>>) src(%arg8 : memref<112x128xf32, #tpu.memory_space<vmem>>) dst(%dma_wait3A_393 : memref<10112x128xf32, #tpu.memory_space<vmem_shared>>)
      %dma_start3A_394 = arith.constant 14 : i32
      %dma_start3A_395 = arith.constant 0 : i32
      %dma_start3A_396 = tpu.memref_slice %arg6[%dma_start3A_394, %dma_start3A_395] : memref<30x112xi32, #tpu.memory_space<vmem>> -> memref<1x112xi32, #tpu.memory_space<vmem>>
      %dma_start3A_397 = tpu.memref_squeeze %dma_start3A_396 : memref<1x112xi32, #tpu.memory_space<vmem>> -> memref<112xi32, #tpu.memory_space<vmem>>
      %dma_start3A_398 = arith.constant 0 : i32
      %dma_start3A_399 = arith.constant 0 : i32
      %dma_start3A_400 = tpu.memref_slice %arg2[%dma_start3A_398, %dma_start3A_399] : memref<20224x128xf32, #tpu.memory_space<hbm>> -> memref<20224x128xf32, #tpu.memory_space<hbm>>
      tpu.enqueue_indirect_dma source(%dma_start3A_400 : memref<20224x128xf32, #tpu.memory_space<hbm>>) target(%arg10 : memref<112x128xf32, #tpu.memory_space<vmem>>) offsets(%dma_start3A_397 : memref<112xi32, #tpu.memory_space<vmem>>) semaphore(%arg14 : memref<!tpu.dma_semaphore, #tpu.memory_space<semaphore_mem>>)
      %dma_wait3A_401 = arith.constant 0 : i32
      %dma_wait3A_402 = arith.constant 0 : i32
      %dma_wait3A_403 = tpu.memref_slice %arg2[%dma_wait3A_401, %dma_wait3A_402] : memref<20224x128xf32, #tpu.memory_space<hbm>> -> memref<112x128xf32, #tpu.memory_space<hbm>>
      %dma_wait3A_404 = arith.constant 0 : i32
      %dma_wait3A_405 = arith.constant 0 : i32
      %dma_wait3A_406 = tpu.memref_slice %arg2[%dma_wait3A_404, %dma_wait3A_405] : memref<20224x128xf32, #tpu.memory_space<hbm>> -> memref<112x128xf32, #tpu.memory_space<hbm>>
      tpu.wait_dma2 semaphore(%arg13 : memref<!tpu.dma_semaphore, #tpu.memory_space<semaphore_mem>>) src(%dma_wait3A_406 : memref<112x128xf32, #tpu.memory_space<hbm>>) dst(%arg9 : memref<112x128xf32, #tpu.memory_space<vmem>>)
      %dma_start3A_407 = arith.constant 13 : i32
      %dma_start3A_408 = arith.constant 0 : i32
      %dma_start3A_409 = tpu.memref_slice %arg7[%dma_start3A_407, %dma_start3A_408] : memref<30x112xi32, #tpu.memory_space<vmem>> -> memref<1x112xi32, #tpu.memory_space<vmem>>
      %dma_start3A_410 = tpu.memref_squeeze %dma_start3A_409 : memref<1x112xi32, #tpu.memory_space<vmem>> -> memref<112xi32, #tpu.memory_space<vmem>>
      %dma_start3A_411 = arith.constant 0 : i32
      %dma_start3A_412 = arith.constant 0 : i32
      %dma_start3A_413 = tpu.memref_slice %arg11[%dma_start3A_411, %dma_start3A_412] : memref<10112x128xf32, #tpu.memory_space<vmem_shared>> -> memref<10112x128xf32, #tpu.memory_space<vmem_shared>>
      tpu.enqueue_indirect_dma source(%arg9 : memref<112x128xf32, #tpu.memory_space<vmem>>) target(%dma_start3A_413 : memref<10112x128xf32, #tpu.memory_space<vmem_shared>>) offsets(%dma_start3A_410 : memref<112xi32, #tpu.memory_space<vmem>>) semaphore(%arg15 : memref<!tpu.dma_semaphore, #tpu.memory_space<semaphore_mem>>) {add = true}
      %dma_wait3A_414 = arith.constant 0 : i32
      %dma_wait3A_415 = arith.constant 0 : i32
      %dma_wait3A_416 = tpu.memref_slice %arg7[%dma_wait3A_414, %dma_wait3A_415] : memref<30x112xi32, #tpu.memory_space<vmem>> -> memref<1x112xi32, #tpu.memory_space<vmem>>
      %dma_wait3A_417 = tpu.memref_squeeze %dma_wait3A_416 : memref<1x112xi32, #tpu.memory_space<vmem>> -> memref<112xi32, #tpu.memory_space<vmem>>
      %dma_wait3A_418 = arith.constant 0 : i32
      %dma_wait3A_419 = arith.constant 0 : i32
      %dma_wait3A_420 = tpu.memref_slice %arg11[%dma_wait3A_418, %dma_wait3A_419] : memref<10112x128xf32, #tpu.memory_space<vmem_shared>> -> memref<10112x128xf32, #tpu.memory_space<vmem_shared>>
      tpu.wait_indirect_dma semaphore(%arg15 : memref<!tpu.dma_semaphore, #tpu.memory_space<semaphore_mem>>) src(%arg8 : memref<112x128xf32, #tpu.memory_space<vmem>>) dst(%dma_wait3A_420 : memref<10112x128xf32, #tpu.memory_space<vmem_shared>>)
      %dma_start3A_421 = arith.constant 15 : i32
      %dma_start3A_422 = arith.constant 0 : i32
      %dma_start3A_423 = tpu.memref_slice %arg6[%dma_start3A_421, %dma_start3A_422] : memref<30x112xi32, #tpu.memory_space<vmem>> -> memref<1x112xi32, #tpu.memory_space<vmem>>
      %dma_start3A_424 = tpu.memref_squeeze %dma_start3A_423 : memref<1x112xi32, #tpu.memory_space<vmem>> -> memref<112xi32, #tpu.memory_space<vmem>>
      %dma_start3A_425 = arith.constant 0 : i32
      %dma_start3A_426 = arith.constant 0 : i32
      %dma_start3A_427 = tpu.memref_slice %arg2[%dma_start3A_425, %dma_start3A_426] : memref<20224x128xf32, #tpu.memory_space<hbm>> -> memref<20224x128xf32, #tpu.memory_space<hbm>>
      tpu.enqueue_indirect_dma source(%dma_start3A_427 : memref<20224x128xf32, #tpu.memory_space<hbm>>) target(%arg8 : memref<112x128xf32, #tpu.memory_space<vmem>>) offsets(%dma_start3A_424 : memref<112xi32, #tpu.memory_space<vmem>>) semaphore(%arg12 : memref<!tpu.dma_semaphore, #tpu.memory_space<semaphore_mem>>)
      %dma_wait3A_428 = arith.constant 0 : i32
      %dma_wait3A_429 = arith.constant 0 : i32
      %dma_wait3A_430 = tpu.memref_slice %arg2[%dma_wait3A_428, %dma_wait3A_429] : memref<20224x128xf32, #tpu.memory_space<hbm>> -> memref<112x128xf32, #tpu.memory_space<hbm>>
      %dma_wait3A_431 = arith.constant 0 : i32
      %dma_wait3A_432 = arith.constant 0 : i32
      %dma_wait3A_433 = tpu.memref_slice %arg2[%dma_wait3A_431, %dma_wait3A_432] : memref<20224x128xf32, #tpu.memory_space<hbm>> -> memref<112x128xf32, #tpu.memory_space<hbm>>
      tpu.wait_dma2 semaphore(%arg14 : memref<!tpu.dma_semaphore, #tpu.memory_space<semaphore_mem>>) src(%dma_wait3A_433 : memref<112x128xf32, #tpu.memory_space<hbm>>) dst(%arg10 : memref<112x128xf32, #tpu.memory_space<vmem>>)
      %dma_start3A_434 = arith.constant 14 : i32
      %dma_start3A_435 = arith.constant 0 : i32
      %dma_start3A_436 = tpu.memref_slice %arg7[%dma_start3A_434, %dma_start3A_435] : memref<30x112xi32, #tpu.memory_space<vmem>> -> memref<1x112xi32, #tpu.memory_space<vmem>>
      %dma_start3A_437 = tpu.memref_squeeze %dma_start3A_436 : memref<1x112xi32, #tpu.memory_space<vmem>> -> memref<112xi32, #tpu.memory_space<vmem>>
      %dma_start3A_438 = arith.constant 0 : i32
      %dma_start3A_439 = arith.constant 0 : i32
      %dma_start3A_440 = tpu.memref_slice %arg11[%dma_start3A_438, %dma_start3A_439] : memref<10112x128xf32, #tpu.memory_space<vmem_shared>> -> memref<10112x128xf32, #tpu.memory_space<vmem_shared>>
      tpu.enqueue_indirect_dma source(%arg10 : memref<112x128xf32, #tpu.memory_space<vmem>>) target(%dma_start3A_440 : memref<10112x128xf32, #tpu.memory_space<vmem_shared>>) offsets(%dma_start3A_437 : memref<112xi32, #tpu.memory_space<vmem>>) semaphore(%arg15 : memref<!tpu.dma_semaphore, #tpu.memory_space<semaphore_mem>>) {add = true}
      %dma_wait3A_441 = arith.constant 0 : i32
      %dma_wait3A_442 = arith.constant 0 : i32
      %dma_wait3A_443 = tpu.memref_slice %arg7[%dma_wait3A_441, %dma_wait3A_442] : memref<30x112xi32, #tpu.memory_space<vmem>> -> memref<1x112xi32, #tpu.memory_space<vmem>>
      %dma_wait3A_444 = tpu.memref_squeeze %dma_wait3A_443 : memref<1x112xi32, #tpu.memory_space<vmem>> -> memref<112xi32, #tpu.memory_space<vmem>>
      %dma_wait3A_445 = arith.constant 0 : i32
      %dma_wait3A_446 = arith.constant 0 : i32
      %dma_wait3A_447 = tpu.memref_slice %arg11[%dma_wait3A_445, %dma_wait3A_446] : memref<10112x128xf32, #tpu.memory_space<vmem_shared>> -> memref<10112x128xf32, #tpu.memory_space<vmem_shared>>
      tpu.wait_indirect_dma semaphore(%arg15 : memref<!tpu.dma_semaphore, #tpu.memory_space<semaphore_mem>>) src(%arg8 : memref<112x128xf32, #tpu.memory_space<vmem>>) dst(%dma_wait3A_447 : memref<10112x128xf32, #tpu.memory_space<vmem_shared>>)
      %dma_start3A_448 = arith.constant 16 : i32
      %dma_start3A_449 = arith.constant 0 : i32
      %dma_start3A_450 = tpu.memref_slice %arg6[%dma_start3A_448, %dma_start3A_449] : memref<30x112xi32, #tpu.memory_space<vmem>> -> memref<1x112xi32, #tpu.memory_space<vmem>>
      %dma_start3A_451 = tpu.memref_squeeze %dma_start3A_450 : memref<1x112xi32, #tpu.memory_space<vmem>> -> memref<112xi32, #tpu.memory_space<vmem>>
      %dma_start3A_452 = arith.constant 0 : i32
      %dma_start3A_453 = arith.constant 0 : i32
      %dma_start3A_454 = tpu.memref_slice %arg2[%dma_start3A_452, %dma_start3A_453] : memref<20224x128xf32, #tpu.memory_space<hbm>> -> memref<20224x128xf32, #tpu.memory_space<hbm>>
      tpu.enqueue_indirect_dma source(%dma_start3A_454 : memref<20224x128xf32, #tpu.memory_space<hbm>>) target(%arg9 : memref<112x128xf32, #tpu.memory_space<vmem>>) offsets(%dma_start3A_451 : memref<112xi32, #tpu.memory_space<vmem>>) semaphore(%arg13 : memref<!tpu.dma_semaphore, #tpu.memory_space<semaphore_mem>>)
      %dma_wait3A_455 = arith.constant 0 : i32
      %dma_wait3A_456 = arith.constant 0 : i32
      %dma_wait3A_457 = tpu.memref_slice %arg2[%dma_wait3A_455, %dma_wait3A_456] : memref<20224x128xf32, #tpu.memory_space<hbm>> -> memref<112x128xf32, #tpu.memory_space<hbm>>
      %dma_wait3A_458 = arith.constant 0 : i32
      %dma_wait3A_459 = arith.constant 0 : i32
      %dma_wait3A_460 = tpu.memref_slice %arg2[%dma_wait3A_458, %dma_wait3A_459] : memref<20224x128xf32, #tpu.memory_space<hbm>> -> memref<112x128xf32, #tpu.memory_space<hbm>>
      tpu.wait_dma2 semaphore(%arg12 : memref<!tpu.dma_semaphore, #tpu.memory_space<semaphore_mem>>) src(%dma_wait3A_460 : memref<112x128xf32, #tpu.memory_space<hbm>>) dst(%arg8 : memref<112x128xf32, #tpu.memory_space<vmem>>)
      %dma_start3A_461 = arith.constant 15 : i32
      %dma_start3A_462 = arith.constant 0 : i32
      %dma_start3A_463 = tpu.memref_slice %arg7[%dma_start3A_461, %dma_start3A_462] : memref<30x112xi32, #tpu.memory_space<vmem>> -> memref<1x112xi32, #tpu.memory_space<vmem>>
      %dma_start3A_464 = tpu.memref_squeeze %dma_start3A_463 : memref<1x112xi32, #tpu.memory_space<vmem>> -> memref<112xi32, #tpu.memory_space<vmem>>
      %dma_start3A_465 = arith.constant 0 : i32
      %dma_start3A_466 = arith.constant 0 : i32
      %dma_start3A_467 = tpu.memref_slice %arg11[%dma_start3A_465, %dma_start3A_466] : memref<10112x128xf32, #tpu.memory_space<vmem_shared>> -> memref<10112x128xf32, #tpu.memory_space<vmem_shared>>
      tpu.enqueue_indirect_dma source(%arg8 : memref<112x128xf32, #tpu.memory_space<vmem>>) target(%dma_start3A_467 : memref<10112x128xf32, #tpu.memory_space<vmem_shared>>) offsets(%dma_start3A_464 : memref<112xi32, #tpu.memory_space<vmem>>) semaphore(%arg15 : memref<!tpu.dma_semaphore, #tpu.memory_space<semaphore_mem>>) {add = true}
      %dma_wait3A_468 = arith.constant 0 : i32
      %dma_wait3A_469 = arith.constant 0 : i32
      %dma_wait3A_470 = tpu.memref_slice %arg7[%dma_wait3A_468, %dma_wait3A_469] : memref<30x112xi32, #tpu.memory_space<vmem>> -> memref<1x112xi32, #tpu.memory_space<vmem>>
      %dma_wait3A_471 = tpu.memref_squeeze %dma_wait3A_470 : memref<1x112xi32, #tpu.memory_space<vmem>> -> memref<112xi32, #tpu.memory_space<vmem>>
      %dma_wait3A_472 = arith.constant 0 : i32
      %dma_wait3A_473 = arith.constant 0 : i32
      %dma_wait3A_474 = tpu.memref_slice %arg11[%dma_wait3A_472, %dma_wait3A_473] : memref<10112x128xf32, #tpu.memory_space<vmem_shared>> -> memref<10112x128xf32, #tpu.memory_space<vmem_shared>>
      tpu.wait_indirect_dma semaphore(%arg15 : memref<!tpu.dma_semaphore, #tpu.memory_space<semaphore_mem>>) src(%arg8 : memref<112x128xf32, #tpu.memory_space<vmem>>) dst(%dma_wait3A_474 : memref<10112x128xf32, #tpu.memory_space<vmem_shared>>)
      %dma_start3A_475 = arith.constant 17 : i32
      %dma_start3A_476 = arith.constant 0 : i32
      %dma_start3A_477 = tpu.memref_slice %arg6[%dma_start3A_475, %dma_start3A_476] : memref<30x112xi32, #tpu.memory_space<vmem>> -> memref<1x112xi32, #tpu.memory_space<vmem>>
      %dma_start3A_478 = tpu.memref_squeeze %dma_start3A_477 : memref<1x112xi32, #tpu.memory_space<vmem>> -> memref<112xi32, #tpu.memory_space<vmem>>
      %dma_start3A_479 = arith.constant 0 : i32
      %dma_start3A_480 = arith.constant 0 : i32
      %dma_start3A_481 = tpu.memref_slice %arg2[%dma_start3A_479, %dma_start3A_480] : memref<20224x128xf32, #tpu.memory_space<hbm>> -> memref<20224x128xf32, #tpu.memory_space<hbm>>
      tpu.enqueue_indirect_dma source(%dma_start3A_481 : memref<20224x128xf32, #tpu.memory_space<hbm>>) target(%arg10 : memref<112x128xf32, #tpu.memory_space<vmem>>) offsets(%dma_start3A_478 : memref<112xi32, #tpu.memory_space<vmem>>) semaphore(%arg14 : memref<!tpu.dma_semaphore, #tpu.memory_space<semaphore_mem>>)
      %dma_wait3A_482 = arith.constant 0 : i32
      %dma_wait3A_483 = arith.constant 0 : i32
      %dma_wait3A_484 = tpu.memref_slice %arg2[%dma_wait3A_482, %dma_wait3A_483] : memref<20224x128xf32, #tpu.memory_space<hbm>> -> memref<112x128xf32, #tpu.memory_space<hbm>>
      %dma_wait3A_485 = arith.constant 0 : i32
      %dma_wait3A_486 = arith.constant 0 : i32
      %dma_wait3A_487 = tpu.memref_slice %arg2[%dma_wait3A_485, %dma_wait3A_486] : memref<20224x128xf32, #tpu.memory_space<hbm>> -> memref<112x128xf32, #tpu.memory_space<hbm>>
      tpu.wait_dma2 semaphore(%arg13 : memref<!tpu.dma_semaphore, #tpu.memory_space<semaphore_mem>>) src(%dma_wait3A_487 : memref<112x128xf32, #tpu.memory_space<hbm>>) dst(%arg9 : memref<112x128xf32, #tpu.memory_space<vmem>>)
      %dma_start3A_488 = arith.constant 16 : i32
      %dma_start3A_489 = arith.constant 0 : i32
      %dma_start3A_490 = tpu.memref_slice %arg7[%dma_start3A_488, %dma_start3A_489] : memref<30x112xi32, #tpu.memory_space<vmem>> -> memref<1x112xi32, #tpu.memory_space<vmem>>
      %dma_start3A_491 = tpu.memref_squeeze %dma_start3A_490 : memref<1x112xi32, #tpu.memory_space<vmem>> -> memref<112xi32, #tpu.memory_space<vmem>>
      %dma_start3A_492 = arith.constant 0 : i32
      %dma_start3A_493 = arith.constant 0 : i32
      %dma_start3A_494 = tpu.memref_slice %arg11[%dma_start3A_492, %dma_start3A_493] : memref<10112x128xf32, #tpu.memory_space<vmem_shared>> -> memref<10112x128xf32, #tpu.memory_space<vmem_shared>>
      tpu.enqueue_indirect_dma source(%arg9 : memref<112x128xf32, #tpu.memory_space<vmem>>) target(%dma_start3A_494 : memref<10112x128xf32, #tpu.memory_space<vmem_shared>>) offsets(%dma_start3A_491 : memref<112xi32, #tpu.memory_space<vmem>>) semaphore(%arg15 : memref<!tpu.dma_semaphore, #tpu.memory_space<semaphore_mem>>) {add = true}
      %dma_wait3A_495 = arith.constant 0 : i32
      %dma_wait3A_496 = arith.constant 0 : i32
      %dma_wait3A_497 = tpu.memref_slice %arg7[%dma_wait3A_495, %dma_wait3A_496] : memref<30x112xi32, #tpu.memory_space<vmem>> -> memref<1x112xi32, #tpu.memory_space<vmem>>
      %dma_wait3A_498 = tpu.memref_squeeze %dma_wait3A_497 : memref<1x112xi32, #tpu.memory_space<vmem>> -> memref<112xi32, #tpu.memory_space<vmem>>
      %dma_wait3A_499 = arith.constant 0 : i32
      %dma_wait3A_500 = arith.constant 0 : i32
      %dma_wait3A_501 = tpu.memref_slice %arg11[%dma_wait3A_499, %dma_wait3A_500] : memref<10112x128xf32, #tpu.memory_space<vmem_shared>> -> memref<10112x128xf32, #tpu.memory_space<vmem_shared>>
      tpu.wait_indirect_dma semaphore(%arg15 : memref<!tpu.dma_semaphore, #tpu.memory_space<semaphore_mem>>) src(%arg8 : memref<112x128xf32, #tpu.memory_space<vmem>>) dst(%dma_wait3A_501 : memref<10112x128xf32, #tpu.memory_space<vmem_shared>>)
      %dma_start3A_502 = arith.constant 18 : i32
      %dma_start3A_503 = arith.constant 0 : i32
      %dma_start3A_504 = tpu.memref_slice %arg6[%dma_start3A_502, %dma_start3A_503] : memref<30x112xi32, #tpu.memory_space<vmem>> -> memref<1x112xi32, #tpu.memory_space<vmem>>
      %dma_start3A_505 = tpu.memref_squeeze %dma_start3A_504 : memref<1x112xi32, #tpu.memory_space<vmem>> -> memref<112xi32, #tpu.memory_space<vmem>>
      %dma_start3A_506 = arith.constant 0 : i32
      %dma_start3A_507 = arith.constant 0 : i32
      %dma_start3A_508 = tpu.memref_slice %arg2[%dma_start3A_506, %dma_start3A_507] : memref<20224x128xf32, #tpu.memory_space<hbm>> -> memref<20224x128xf32, #tpu.memory_space<hbm>>
      tpu.enqueue_indirect_dma source(%dma_start3A_508 : memref<20224x128xf32, #tpu.memory_space<hbm>>) target(%arg8 : memref<112x128xf32, #tpu.memory_space<vmem>>) offsets(%dma_start3A_505 : memref<112xi32, #tpu.memory_space<vmem>>) semaphore(%arg12 : memref<!tpu.dma_semaphore, #tpu.memory_space<semaphore_mem>>)
      %dma_wait3A_509 = arith.constant 0 : i32
      %dma_wait3A_510 = arith.constant 0 : i32
      %dma_wait3A_511 = tpu.memref_slice %arg2[%dma_wait3A_509, %dma_wait3A_510] : memref<20224x128xf32, #tpu.memory_space<hbm>> -> memref<112x128xf32, #tpu.memory_space<hbm>>
      %dma_wait3A_512 = arith.constant 0 : i32
      %dma_wait3A_513 = arith.constant 0 : i32
      %dma_wait3A_514 = tpu.memref_slice %arg2[%dma_wait3A_512, %dma_wait3A_513] : memref<20224x128xf32, #tpu.memory_space<hbm>> -> memref<112x128xf32, #tpu.memory_space<hbm>>
      tpu.wait_dma2 semaphore(%arg14 : memref<!tpu.dma_semaphore, #tpu.memory_space<semaphore_mem>>) src(%dma_wait3A_514 : memref<112x128xf32, #tpu.memory_space<hbm>>) dst(%arg10 : memref<112x128xf32, #tpu.memory_space<vmem>>)
      %dma_start3A_515 = arith.constant 17 : i32
      %dma_start3A_516 = arith.constant 0 : i32
      %dma_start3A_517 = tpu.memref_slice %arg7[%dma_start3A_515, %dma_start3A_516] : memref<30x112xi32, #tpu.memory_space<vmem>> -> memref<1x112xi32, #tpu.memory_space<vmem>>
      %dma_start3A_518 = tpu.memref_squeeze %dma_start3A_517 : memref<1x112xi32, #tpu.memory_space<vmem>> -> memref<112xi32, #tpu.memory_space<vmem>>
      %dma_start3A_519 = arith.constant 0 : i32
      %dma_start3A_520 = arith.constant 0 : i32
      %dma_start3A_521 = tpu.memref_slice %arg11[%dma_start3A_519, %dma_start3A_520] : memref<10112x128xf32, #tpu.memory_space<vmem_shared>> -> memref<10112x128xf32, #tpu.memory_space<vmem_shared>>
      tpu.enqueue_indirect_dma source(%arg10 : memref<112x128xf32, #tpu.memory_space<vmem>>) target(%dma_start3A_521 : memref<10112x128xf32, #tpu.memory_space<vmem_shared>>) offsets(%dma_start3A_518 : memref<112xi32, #tpu.memory_space<vmem>>) semaphore(%arg15 : memref<!tpu.dma_semaphore, #tpu.memory_space<semaphore_mem>>) {add = true}
      %dma_wait3A_522 = arith.constant 0 : i32
      %dma_wait3A_523 = arith.constant 0 : i32
      %dma_wait3A_524 = tpu.memref_slice %arg7[%dma_wait3A_522, %dma_wait3A_523] : memref<30x112xi32, #tpu.memory_space<vmem>> -> memref<1x112xi32, #tpu.memory_space<vmem>>
      %dma_wait3A_525 = tpu.memref_squeeze %dma_wait3A_524 : memref<1x112xi32, #tpu.memory_space<vmem>> -> memref<112xi32, #tpu.memory_space<vmem>>
      %dma_wait3A_526 = arith.constant 0 : i32
      %dma_wait3A_527 = arith.constant 0 : i32
      %dma_wait3A_528 = tpu.memref_slice %arg11[%dma_wait3A_526, %dma_wait3A_527] : memref<10112x128xf32, #tpu.memory_space<vmem_shared>> -> memref<10112x128xf32, #tpu.memory_space<vmem_shared>>
      tpu.wait_indirect_dma semaphore(%arg15 : memref<!tpu.dma_semaphore, #tpu.memory_space<semaphore_mem>>) src(%arg8 : memref<112x128xf32, #tpu.memory_space<vmem>>) dst(%dma_wait3A_528 : memref<10112x128xf32, #tpu.memory_space<vmem_shared>>)
      %dma_start3A_529 = arith.constant 19 : i32
      %dma_start3A_530 = arith.constant 0 : i32
      %dma_start3A_531 = tpu.memref_slice %arg6[%dma_start3A_529, %dma_start3A_530] : memref<30x112xi32, #tpu.memory_space<vmem>> -> memref<1x112xi32, #tpu.memory_space<vmem>>
      %dma_start3A_532 = tpu.memref_squeeze %dma_start3A_531 : memref<1x112xi32, #tpu.memory_space<vmem>> -> memref<112xi32, #tpu.memory_space<vmem>>
      %dma_start3A_533 = arith.constant 0 : i32
      %dma_start3A_534 = arith.constant 0 : i32
      %dma_start3A_535 = tpu.memref_slice %arg2[%dma_start3A_533, %dma_start3A_534] : memref<20224x128xf32, #tpu.memory_space<hbm>> -> memref<20224x128xf32, #tpu.memory_space<hbm>>
      tpu.enqueue_indirect_dma source(%dma_start3A_535 : memref<20224x128xf32, #tpu.memory_space<hbm>>) target(%arg9 : memref<112x128xf32, #tpu.memory_space<vmem>>) offsets(%dma_start3A_532 : memref<112xi32, #tpu.memory_space<vmem>>) semaphore(%arg13 : memref<!tpu.dma_semaphore, #tpu.memory_space<semaphore_mem>>)
      %dma_wait3A_536 = arith.constant 0 : i32
      %dma_wait3A_537 = arith.constant 0 : i32
      %dma_wait3A_538 = tpu.memref_slice %arg2[%dma_wait3A_536, %dma_wait3A_537] : memref<20224x128xf32, #tpu.memory_space<hbm>> -> memref<112x128xf32, #tpu.memory_space<hbm>>
      %dma_wait3A_539 = arith.constant 0 : i32
      %dma_wait3A_540 = arith.constant 0 : i32
      %dma_wait3A_541 = tpu.memref_slice %arg2[%dma_wait3A_539, %dma_wait3A_540] : memref<20224x128xf32, #tpu.memory_space<hbm>> -> memref<112x128xf32, #tpu.memory_space<hbm>>
      tpu.wait_dma2 semaphore(%arg12 : memref<!tpu.dma_semaphore, #tpu.memory_space<semaphore_mem>>) src(%dma_wait3A_541 : memref<112x128xf32, #tpu.memory_space<hbm>>) dst(%arg8 : memref<112x128xf32, #tpu.memory_space<vmem>>)
      %dma_start3A_542 = arith.constant 18 : i32
      %dma_start3A_543 = arith.constant 0 : i32
      %dma_start3A_544 = tpu.memref_slice %arg7[%dma_start3A_542, %dma_start3A_543] : memref<30x112xi32, #tpu.memory_space<vmem>> -> memref<1x112xi32, #tpu.memory_space<vmem>>
      %dma_start3A_545 = tpu.memref_squeeze %dma_start3A_544 : memref<1x112xi32, #tpu.memory_space<vmem>> -> memref<112xi32, #tpu.memory_space<vmem>>
      %dma_start3A_546 = arith.constant 0 : i32
      %dma_start3A_547 = arith.constant 0 : i32
      %dma_start3A_548 = tpu.memref_slice %arg11[%dma_start3A_546, %dma_start3A_547] : memref<10112x128xf32, #tpu.memory_space<vmem_shared>> -> memref<10112x128xf32, #tpu.memory_space<vmem_shared>>
      tpu.enqueue_indirect_dma source(%arg8 : memref<112x128xf32, #tpu.memory_space<vmem>>) target(%dma_start3A_548 : memref<10112x128xf32, #tpu.memory_space<vmem_shared>>) offsets(%dma_start3A_545 : memref<112xi32, #tpu.memory_space<vmem>>) semaphore(%arg15 : memref<!tpu.dma_semaphore, #tpu.memory_space<semaphore_mem>>) {add = true}
      %dma_wait3A_549 = arith.constant 0 : i32
      %dma_wait3A_550 = arith.constant 0 : i32
      %dma_wait3A_551 = tpu.memref_slice %arg7[%dma_wait3A_549, %dma_wait3A_550] : memref<30x112xi32, #tpu.memory_space<vmem>> -> memref<1x112xi32, #tpu.memory_space<vmem>>
      %dma_wait3A_552 = tpu.memref_squeeze %dma_wait3A_551 : memref<1x112xi32, #tpu.memory_space<vmem>> -> memref<112xi32, #tpu.memory_space<vmem>>
      %dma_wait3A_553 = arith.constant 0 : i32
      %dma_wait3A_554 = arith.constant 0 : i32
      %dma_wait3A_555 = tpu.memref_slice %arg11[%dma_wait3A_553, %dma_wait3A_554] : memref<10112x128xf32, #tpu.memory_space<vmem_shared>> -> memref<10112x128xf32, #tpu.memory_space<vmem_shared>>
      tpu.wait_indirect_dma semaphore(%arg15 : memref<!tpu.dma_semaphore, #tpu.memory_space<semaphore_mem>>) src(%arg8 : memref<112x128xf32, #tpu.memory_space<vmem>>) dst(%dma_wait3A_555 : memref<10112x128xf32, #tpu.memory_space<vmem_shared>>)
      %dma_start3A_556 = arith.constant 20 : i32
      %dma_start3A_557 = arith.constant 0 : i32
      %dma_start3A_558 = tpu.memref_slice %arg6[%dma_start3A_556, %dma_start3A_557] : memref<30x112xi32, #tpu.memory_space<vmem>> -> memref<1x112xi32, #tpu.memory_space<vmem>>
      %dma_start3A_559 = tpu.memref_squeeze %dma_start3A_558 : memref<1x112xi32, #tpu.memory_space<vmem>> -> memref<112xi32, #tpu.memory_space<vmem>>
      %dma_start3A_560 = arith.constant 0 : i32
      %dma_start3A_561 = arith.constant 0 : i32
      %dma_start3A_562 = tpu.memref_slice %arg2[%dma_start3A_560, %dma_start3A_561] : memref<20224x128xf32, #tpu.memory_space<hbm>> -> memref<20224x128xf32, #tpu.memory_space<hbm>>
      tpu.enqueue_indirect_dma source(%dma_start3A_562 : memref<20224x128xf32, #tpu.memory_space<hbm>>) target(%arg10 : memref<112x128xf32, #tpu.memory_space<vmem>>) offsets(%dma_start3A_559 : memref<112xi32, #tpu.memory_space<vmem>>) semaphore(%arg14 : memref<!tpu.dma_semaphore, #tpu.memory_space<semaphore_mem>>)
      %dma_wait3A_563 = arith.constant 0 : i32
      %dma_wait3A_564 = arith.constant 0 : i32
      %dma_wait3A_565 = tpu.memref_slice %arg2[%dma_wait3A_563, %dma_wait3A_564] : memref<20224x128xf32, #tpu.memory_space<hbm>> -> memref<112x128xf32, #tpu.memory_space<hbm>>
      %dma_wait3A_566 = arith.constant 0 : i32
      %dma_wait3A_567 = arith.constant 0 : i32
      %dma_wait3A_568 = tpu.memref_slice %arg2[%dma_wait3A_566, %dma_wait3A_567] : memref<20224x128xf32, #tpu.memory_space<hbm>> -> memref<112x128xf32, #tpu.memory_space<hbm>>
      tpu.wait_dma2 semaphore(%arg13 : memref<!tpu.dma_semaphore, #tpu.memory_space<semaphore_mem>>) src(%dma_wait3A_568 : memref<112x128xf32, #tpu.memory_space<hbm>>) dst(%arg9 : memref<112x128xf32, #tpu.memory_space<vmem>>)
      %dma_start3A_569 = arith.constant 19 : i32
      %dma_start3A_570 = arith.constant 0 : i32
      %dma_start3A_571 = tpu.memref_slice %arg7[%dma_start3A_569, %dma_start3A_570] : memref<30x112xi32, #tpu.memory_space<vmem>> -> memref<1x112xi32, #tpu.memory_space<vmem>>
      %dma_start3A_572 = tpu.memref_squeeze %dma_start3A_571 : memref<1x112xi32, #tpu.memory_space<vmem>> -> memref<112xi32, #tpu.memory_space<vmem>>
      %dma_start3A_573 = arith.constant 0 : i32
      %dma_start3A_574 = arith.constant 0 : i32
      %dma_start3A_575 = tpu.memref_slice %arg11[%dma_start3A_573, %dma_start3A_574] : memref<10112x128xf32, #tpu.memory_space<vmem_shared>> -> memref<10112x128xf32, #tpu.memory_space<vmem_shared>>
      tpu.enqueue_indirect_dma source(%arg9 : memref<112x128xf32, #tpu.memory_space<vmem>>) target(%dma_start3A_575 : memref<10112x128xf32, #tpu.memory_space<vmem_shared>>) offsets(%dma_start3A_572 : memref<112xi32, #tpu.memory_space<vmem>>) semaphore(%arg15 : memref<!tpu.dma_semaphore, #tpu.memory_space<semaphore_mem>>) {add = true}
      %dma_wait3A_576 = arith.constant 0 : i32
      %dma_wait3A_577 = arith.constant 0 : i32
      %dma_wait3A_578 = tpu.memref_slice %arg7[%dma_wait3A_576, %dma_wait3A_577] : memref<30x112xi32, #tpu.memory_space<vmem>> -> memref<1x112xi32, #tpu.memory_space<vmem>>
      %dma_wait3A_579 = tpu.memref_squeeze %dma_wait3A_578 : memref<1x112xi32, #tpu.memory_space<vmem>> -> memref<112xi32, #tpu.memory_space<vmem>>
      %dma_wait3A_580 = arith.constant 0 : i32
      %dma_wait3A_581 = arith.constant 0 : i32
      %dma_wait3A_582 = tpu.memref_slice %arg11[%dma_wait3A_580, %dma_wait3A_581] : memref<10112x128xf32, #tpu.memory_space<vmem_shared>> -> memref<10112x128xf32, #tpu.memory_space<vmem_shared>>
      tpu.wait_indirect_dma semaphore(%arg15 : memref<!tpu.dma_semaphore, #tpu.memory_space<semaphore_mem>>) src(%arg8 : memref<112x128xf32, #tpu.memory_space<vmem>>) dst(%dma_wait3A_582 : memref<10112x128xf32, #tpu.memory_space<vmem_shared>>)
      %dma_start3A_583 = arith.constant 21 : i32
      %dma_start3A_584 = arith.constant 0 : i32
      %dma_start3A_585 = tpu.memref_slice %arg6[%dma_start3A_583, %dma_start3A_584] : memref<30x112xi32, #tpu.memory_space<vmem>> -> memref<1x112xi32, #tpu.memory_space<vmem>>
      %dma_start3A_586 = tpu.memref_squeeze %dma_start3A_585 : memref<1x112xi32, #tpu.memory_space<vmem>> -> memref<112xi32, #tpu.memory_space<vmem>>
      %dma_start3A_587 = arith.constant 0 : i32
      %dma_start3A_588 = arith.constant 0 : i32
      %dma_start3A_589 = tpu.memref_slice %arg2[%dma_start3A_587, %dma_start3A_588] : memref<20224x128xf32, #tpu.memory_space<hbm>> -> memref<20224x128xf32, #tpu.memory_space<hbm>>
      tpu.enqueue_indirect_dma source(%dma_start3A_589 : memref<20224x128xf32, #tpu.memory_space<hbm>>) target(%arg8 : memref<112x128xf32, #tpu.memory_space<vmem>>) offsets(%dma_start3A_586 : memref<112xi32, #tpu.memory_space<vmem>>) semaphore(%arg12 : memref<!tpu.dma_semaphore, #tpu.memory_space<semaphore_mem>>)
      %dma_wait3A_590 = arith.constant 0 : i32
      %dma_wait3A_591 = arith.constant 0 : i32
      %dma_wait3A_592 = tpu.memref_slice %arg2[%dma_wait3A_590, %dma_wait3A_591] : memref<20224x128xf32, #tpu.memory_space<hbm>> -> memref<112x128xf32, #tpu.memory_space<hbm>>
      %dma_wait3A_593 = arith.constant 0 : i32
      %dma_wait3A_594 = arith.constant 0 : i32
      %dma_wait3A_595 = tpu.memref_slice %arg2[%dma_wait3A_593, %dma_wait3A_594] : memref<20224x128xf32, #tpu.memory_space<hbm>> -> memref<112x128xf32, #tpu.memory_space<hbm>>
      tpu.wait_dma2 semaphore(%arg14 : memref<!tpu.dma_semaphore, #tpu.memory_space<semaphore_mem>>) src(%dma_wait3A_595 : memref<112x128xf32, #tpu.memory_space<hbm>>) dst(%arg10 : memref<112x128xf32, #tpu.memory_space<vmem>>)
      %dma_start3A_596 = arith.constant 20 : i32
      %dma_start3A_597 = arith.constant 0 : i32
      %dma_start3A_598 = tpu.memref_slice %arg7[%dma_start3A_596, %dma_start3A_597] : memref<30x112xi32, #tpu.memory_space<vmem>> -> memref<1x112xi32, #tpu.memory_space<vmem>>
      %dma_start3A_599 = tpu.memref_squeeze %dma_start3A_598 : memref<1x112xi32, #tpu.memory_space<vmem>> -> memref<112xi32, #tpu.memory_space<vmem>>
      %dma_start3A_600 = arith.constant 0 : i32
      %dma_start3A_601 = arith.constant 0 : i32
      %dma_start3A_602 = tpu.memref_slice %arg11[%dma_start3A_600, %dma_start3A_601] : memref<10112x128xf32, #tpu.memory_space<vmem_shared>> -> memref<10112x128xf32, #tpu.memory_space<vmem_shared>>
      tpu.enqueue_indirect_dma source(%arg10 : memref<112x128xf32, #tpu.memory_space<vmem>>) target(%dma_start3A_602 : memref<10112x128xf32, #tpu.memory_space<vmem_shared>>) offsets(%dma_start3A_599 : memref<112xi32, #tpu.memory_space<vmem>>) semaphore(%arg15 : memref<!tpu.dma_semaphore, #tpu.memory_space<semaphore_mem>>) {add = true}
      %dma_wait3A_603 = arith.constant 0 : i32
      %dma_wait3A_604 = arith.constant 0 : i32
      %dma_wait3A_605 = tpu.memref_slice %arg7[%dma_wait3A_603, %dma_wait3A_604] : memref<30x112xi32, #tpu.memory_space<vmem>> -> memref<1x112xi32, #tpu.memory_space<vmem>>
      %dma_wait3A_606 = tpu.memref_squeeze %dma_wait3A_605 : memref<1x112xi32, #tpu.memory_space<vmem>> -> memref<112xi32, #tpu.memory_space<vmem>>
      %dma_wait3A_607 = arith.constant 0 : i32
      %dma_wait3A_608 = arith.constant 0 : i32
      %dma_wait3A_609 = tpu.memref_slice %arg11[%dma_wait3A_607, %dma_wait3A_608] : memref<10112x128xf32, #tpu.memory_space<vmem_shared>> -> memref<10112x128xf32, #tpu.memory_space<vmem_shared>>
      tpu.wait_indirect_dma semaphore(%arg15 : memref<!tpu.dma_semaphore, #tpu.memory_space<semaphore_mem>>) src(%arg8 : memref<112x128xf32, #tpu.memory_space<vmem>>) dst(%dma_wait3A_609 : memref<10112x128xf32, #tpu.memory_space<vmem_shared>>)
      %dma_start3A_610 = arith.constant 22 : i32
      %dma_start3A_611 = arith.constant 0 : i32
      %dma_start3A_612 = tpu.memref_slice %arg6[%dma_start3A_610, %dma_start3A_611] : memref<30x112xi32, #tpu.memory_space<vmem>> -> memref<1x112xi32, #tpu.memory_space<vmem>>
      %dma_start3A_613 = tpu.memref_squeeze %dma_start3A_612 : memref<1x112xi32, #tpu.memory_space<vmem>> -> memref<112xi32, #tpu.memory_space<vmem>>
      %dma_start3A_614 = arith.constant 0 : i32
      %dma_start3A_615 = arith.constant 0 : i32
      %dma_start3A_616 = tpu.memref_slice %arg2[%dma_start3A_614, %dma_start3A_615] : memref<20224x128xf32, #tpu.memory_space<hbm>> -> memref<20224x128xf32, #tpu.memory_space<hbm>>
      tpu.enqueue_indirect_dma source(%dma_start3A_616 : memref<20224x128xf32, #tpu.memory_space<hbm>>) target(%arg9 : memref<112x128xf32, #tpu.memory_space<vmem>>) offsets(%dma_start3A_613 : memref<112xi32, #tpu.memory_space<vmem>>) semaphore(%arg13 : memref<!tpu.dma_semaphore, #tpu.memory_space<semaphore_mem>>)
      %dma_wait3A_617 = arith.constant 0 : i32
      %dma_wait3A_618 = arith.constant 0 : i32
      %dma_wait3A_619 = tpu.memref_slice %arg2[%dma_wait3A_617, %dma_wait3A_618] : memref<20224x128xf32, #tpu.memory_space<hbm>> -> memref<112x128xf32, #tpu.memory_space<hbm>>
      %dma_wait3A_620 = arith.constant 0 : i32
      %dma_wait3A_621 = arith.constant 0 : i32
      %dma_wait3A_622 = tpu.memref_slice %arg2[%dma_wait3A_620, %dma_wait3A_621] : memref<20224x128xf32, #tpu.memory_space<hbm>> -> memref<112x128xf32, #tpu.memory_space<hbm>>
      tpu.wait_dma2 semaphore(%arg12 : memref<!tpu.dma_semaphore, #tpu.memory_space<semaphore_mem>>) src(%dma_wait3A_622 : memref<112x128xf32, #tpu.memory_space<hbm>>) dst(%arg8 : memref<112x128xf32, #tpu.memory_space<vmem>>)
      %dma_start3A_623 = arith.constant 21 : i32
      %dma_start3A_624 = arith.constant 0 : i32
      %dma_start3A_625 = tpu.memref_slice %arg7[%dma_start3A_623, %dma_start3A_624] : memref<30x112xi32, #tpu.memory_space<vmem>> -> memref<1x112xi32, #tpu.memory_space<vmem>>
      %dma_start3A_626 = tpu.memref_squeeze %dma_start3A_625 : memref<1x112xi32, #tpu.memory_space<vmem>> -> memref<112xi32, #tpu.memory_space<vmem>>
      %dma_start3A_627 = arith.constant 0 : i32
      %dma_start3A_628 = arith.constant 0 : i32
      %dma_start3A_629 = tpu.memref_slice %arg11[%dma_start3A_627, %dma_start3A_628] : memref<10112x128xf32, #tpu.memory_space<vmem_shared>> -> memref<10112x128xf32, #tpu.memory_space<vmem_shared>>
      tpu.enqueue_indirect_dma source(%arg8 : memref<112x128xf32, #tpu.memory_space<vmem>>) target(%dma_start3A_629 : memref<10112x128xf32, #tpu.memory_space<vmem_shared>>) offsets(%dma_start3A_626 : memref<112xi32, #tpu.memory_space<vmem>>) semaphore(%arg15 : memref<!tpu.dma_semaphore, #tpu.memory_space<semaphore_mem>>) {add = true}
      %dma_wait3A_630 = arith.constant 0 : i32
      %dma_wait3A_631 = arith.constant 0 : i32
      %dma_wait3A_632 = tpu.memref_slice %arg7[%dma_wait3A_630, %dma_wait3A_631] : memref<30x112xi32, #tpu.memory_space<vmem>> -> memref<1x112xi32, #tpu.memory_space<vmem>>
      %dma_wait3A_633 = tpu.memref_squeeze %dma_wait3A_632 : memref<1x112xi32, #tpu.memory_space<vmem>> -> memref<112xi32, #tpu.memory_space<vmem>>
      %dma_wait3A_634 = arith.constant 0 : i32
      %dma_wait3A_635 = arith.constant 0 : i32
      %dma_wait3A_636 = tpu.memref_slice %arg11[%dma_wait3A_634, %dma_wait3A_635] : memref<10112x128xf32, #tpu.memory_space<vmem_shared>> -> memref<10112x128xf32, #tpu.memory_space<vmem_shared>>
      tpu.wait_indirect_dma semaphore(%arg15 : memref<!tpu.dma_semaphore, #tpu.memory_space<semaphore_mem>>) src(%arg8 : memref<112x128xf32, #tpu.memory_space<vmem>>) dst(%dma_wait3A_636 : memref<10112x128xf32, #tpu.memory_space<vmem_shared>>)
      %dma_start3A_637 = arith.constant 23 : i32
      %dma_start3A_638 = arith.constant 0 : i32
      %dma_start3A_639 = tpu.memref_slice %arg6[%dma_start3A_637, %dma_start3A_638] : memref<30x112xi32, #tpu.memory_space<vmem>> -> memref<1x112xi32, #tpu.memory_space<vmem>>
      %dma_start3A_640 = tpu.memref_squeeze %dma_start3A_639 : memref<1x112xi32, #tpu.memory_space<vmem>> -> memref<112xi32, #tpu.memory_space<vmem>>
      %dma_start3A_641 = arith.constant 0 : i32
      %dma_start3A_642 = arith.constant 0 : i32
      %dma_start3A_643 = tpu.memref_slice %arg2[%dma_start3A_641, %dma_start3A_642] : memref<20224x128xf32, #tpu.memory_space<hbm>> -> memref<20224x128xf32, #tpu.memory_space<hbm>>
      tpu.enqueue_indirect_dma source(%dma_start3A_643 : memref<20224x128xf32, #tpu.memory_space<hbm>>) target(%arg10 : memref<112x128xf32, #tpu.memory_space<vmem>>) offsets(%dma_start3A_640 : memref<112xi32, #tpu.memory_space<vmem>>) semaphore(%arg14 : memref<!tpu.dma_semaphore, #tpu.memory_space<semaphore_mem>>)
      %dma_wait3A_644 = arith.constant 0 : i32
      %dma_wait3A_645 = arith.constant 0 : i32
      %dma_wait3A_646 = tpu.memref_slice %arg2[%dma_wait3A_644, %dma_wait3A_645] : memref<20224x128xf32, #tpu.memory_space<hbm>> -> memref<112x128xf32, #tpu.memory_space<hbm>>
      %dma_wait3A_647 = arith.constant 0 : i32
      %dma_wait3A_648 = arith.constant 0 : i32
      %dma_wait3A_649 = tpu.memref_slice %arg2[%dma_wait3A_647, %dma_wait3A_648] : memref<20224x128xf32, #tpu.memory_space<hbm>> -> memref<112x128xf32, #tpu.memory_space<hbm>>
      tpu.wait_dma2 semaphore(%arg13 : memref<!tpu.dma_semaphore, #tpu.memory_space<semaphore_mem>>) src(%dma_wait3A_649 : memref<112x128xf32, #tpu.memory_space<hbm>>) dst(%arg9 : memref<112x128xf32, #tpu.memory_space<vmem>>)
      %dma_start3A_650 = arith.constant 22 : i32
      %dma_start3A_651 = arith.constant 0 : i32
      %dma_start3A_652 = tpu.memref_slice %arg7[%dma_start3A_650, %dma_start3A_651] : memref<30x112xi32, #tpu.memory_space<vmem>> -> memref<1x112xi32, #tpu.memory_space<vmem>>
      %dma_start3A_653 = tpu.memref_squeeze %dma_start3A_652 : memref<1x112xi32, #tpu.memory_space<vmem>> -> memref<112xi32, #tpu.memory_space<vmem>>
      %dma_start3A_654 = arith.constant 0 : i32
      %dma_start3A_655 = arith.constant 0 : i32
      %dma_start3A_656 = tpu.memref_slice %arg11[%dma_start3A_654, %dma_start3A_655] : memref<10112x128xf32, #tpu.memory_space<vmem_shared>> -> memref<10112x128xf32, #tpu.memory_space<vmem_shared>>
      tpu.enqueue_indirect_dma source(%arg9 : memref<112x128xf32, #tpu.memory_space<vmem>>) target(%dma_start3A_656 : memref<10112x128xf32, #tpu.memory_space<vmem_shared>>) offsets(%dma_start3A_653 : memref<112xi32, #tpu.memory_space<vmem>>) semaphore(%arg15 : memref<!tpu.dma_semaphore, #tpu.memory_space<semaphore_mem>>) {add = true}
      %dma_wait3A_657 = arith.constant 0 : i32
      %dma_wait3A_658 = arith.constant 0 : i32
      %dma_wait3A_659 = tpu.memref_slice %arg7[%dma_wait3A_657, %dma_wait3A_658] : memref<30x112xi32, #tpu.memory_space<vmem>> -> memref<1x112xi32, #tpu.memory_space<vmem>>
      %dma_wait3A_660 = tpu.memref_squeeze %dma_wait3A_659 : memref<1x112xi32, #tpu.memory_space<vmem>> -> memref<112xi32, #tpu.memory_space<vmem>>
      %dma_wait3A_661 = arith.constant 0 : i32
      %dma_wait3A_662 = arith.constant 0 : i32
      %dma_wait3A_663 = tpu.memref_slice %arg11[%dma_wait3A_661, %dma_wait3A_662] : memref<10112x128xf32, #tpu.memory_space<vmem_shared>> -> memref<10112x128xf32, #tpu.memory_space<vmem_shared>>
      tpu.wait_indirect_dma semaphore(%arg15 : memref<!tpu.dma_semaphore, #tpu.memory_space<semaphore_mem>>) src(%arg8 : memref<112x128xf32, #tpu.memory_space<vmem>>) dst(%dma_wait3A_663 : memref<10112x128xf32, #tpu.memory_space<vmem_shared>>)
      %dma_start3A_664 = arith.constant 24 : i32
      %dma_start3A_665 = arith.constant 0 : i32
      %dma_start3A_666 = tpu.memref_slice %arg6[%dma_start3A_664, %dma_start3A_665] : memref<30x112xi32, #tpu.memory_space<vmem>> -> memref<1x112xi32, #tpu.memory_space<vmem>>
      %dma_start3A_667 = tpu.memref_squeeze %dma_start3A_666 : memref<1x112xi32, #tpu.memory_space<vmem>> -> memref<112xi32, #tpu.memory_space<vmem>>
      %dma_start3A_668 = arith.constant 0 : i32
      %dma_start3A_669 = arith.constant 0 : i32
      %dma_start3A_670 = tpu.memref_slice %arg2[%dma_start3A_668, %dma_start3A_669] : memref<20224x128xf32, #tpu.memory_space<hbm>> -> memref<20224x128xf32, #tpu.memory_space<hbm>>
      tpu.enqueue_indirect_dma source(%dma_start3A_670 : memref<20224x128xf32, #tpu.memory_space<hbm>>) target(%arg8 : memref<112x128xf32, #tpu.memory_space<vmem>>) offsets(%dma_start3A_667 : memref<112xi32, #tpu.memory_space<vmem>>) semaphore(%arg12 : memref<!tpu.dma_semaphore, #tpu.memory_space<semaphore_mem>>)
      %dma_wait3A_671 = arith.constant 0 : i32
      %dma_wait3A_672 = arith.constant 0 : i32
      %dma_wait3A_673 = tpu.memref_slice %arg2[%dma_wait3A_671, %dma_wait3A_672] : memref<20224x128xf32, #tpu.memory_space<hbm>> -> memref<112x128xf32, #tpu.memory_space<hbm>>
      %dma_wait3A_674 = arith.constant 0 : i32
      %dma_wait3A_675 = arith.constant 0 : i32
      %dma_wait3A_676 = tpu.memref_slice %arg2[%dma_wait3A_674, %dma_wait3A_675] : memref<20224x128xf32, #tpu.memory_space<hbm>> -> memref<112x128xf32, #tpu.memory_space<hbm>>
      tpu.wait_dma2 semaphore(%arg14 : memref<!tpu.dma_semaphore, #tpu.memory_space<semaphore_mem>>) src(%dma_wait3A_676 : memref<112x128xf32, #tpu.memory_space<hbm>>) dst(%arg10 : memref<112x128xf32, #tpu.memory_space<vmem>>)
      %dma_start3A_677 = arith.constant 23 : i32
      %dma_start3A_678 = arith.constant 0 : i32
      %dma_start3A_679 = tpu.memref_slice %arg7[%dma_start3A_677, %dma_start3A_678] : memref<30x112xi32, #tpu.memory_space<vmem>> -> memref<1x112xi32, #tpu.memory_space<vmem>>
      %dma_start3A_680 = tpu.memref_squeeze %dma_start3A_679 : memref<1x112xi32, #tpu.memory_space<vmem>> -> memref<112xi32, #tpu.memory_space<vmem>>
      %dma_start3A_681 = arith.constant 0 : i32
      %dma_start3A_682 = arith.constant 0 : i32
      %dma_start3A_683 = tpu.memref_slice %arg11[%dma_start3A_681, %dma_start3A_682] : memref<10112x128xf32, #tpu.memory_space<vmem_shared>> -> memref<10112x128xf32, #tpu.memory_space<vmem_shared>>
      tpu.enqueue_indirect_dma source(%arg10 : memref<112x128xf32, #tpu.memory_space<vmem>>) target(%dma_start3A_683 : memref<10112x128xf32, #tpu.memory_space<vmem_shared>>) offsets(%dma_start3A_680 : memref<112xi32, #tpu.memory_space<vmem>>) semaphore(%arg15 : memref<!tpu.dma_semaphore, #tpu.memory_space<semaphore_mem>>) {add = true}
      %dma_wait3A_684 = arith.constant 0 : i32
      %dma_wait3A_685 = arith.constant 0 : i32
      %dma_wait3A_686 = tpu.memref_slice %arg7[%dma_wait3A_684, %dma_wait3A_685] : memref<30x112xi32, #tpu.memory_space<vmem>> -> memref<1x112xi32, #tpu.memory_space<vmem>>
      %dma_wait3A_687 = tpu.memref_squeeze %dma_wait3A_686 : memref<1x112xi32, #tpu.memory_space<vmem>> -> memref<112xi32, #tpu.memory_space<vmem>>
      %dma_wait3A_688 = arith.constant 0 : i32
      %dma_wait3A_689 = arith.constant 0 : i32
      %dma_wait3A_690 = tpu.memref_slice %arg11[%dma_wait3A_688, %dma_wait3A_689] : memref<10112x128xf32, #tpu.memory_space<vmem_shared>> -> memref<10112x128xf32, #tpu.memory_space<vmem_shared>>
      tpu.wait_indirect_dma semaphore(%arg15 : memref<!tpu.dma_semaphore, #tpu.memory_space<semaphore_mem>>) src(%arg8 : memref<112x128xf32, #tpu.memory_space<vmem>>) dst(%dma_wait3A_690 : memref<10112x128xf32, #tpu.memory_space<vmem_shared>>)
      %dma_start3A_691 = arith.constant 25 : i32
      %dma_start3A_692 = arith.constant 0 : i32
      %dma_start3A_693 = tpu.memref_slice %arg6[%dma_start3A_691, %dma_start3A_692] : memref<30x112xi32, #tpu.memory_space<vmem>> -> memref<1x112xi32, #tpu.memory_space<vmem>>
      %dma_start3A_694 = tpu.memref_squeeze %dma_start3A_693 : memref<1x112xi32, #tpu.memory_space<vmem>> -> memref<112xi32, #tpu.memory_space<vmem>>
      %dma_start3A_695 = arith.constant 0 : i32
      %dma_start3A_696 = arith.constant 0 : i32
      %dma_start3A_697 = tpu.memref_slice %arg2[%dma_start3A_695, %dma_start3A_696] : memref<20224x128xf32, #tpu.memory_space<hbm>> -> memref<20224x128xf32, #tpu.memory_space<hbm>>
      tpu.enqueue_indirect_dma source(%dma_start3A_697 : memref<20224x128xf32, #tpu.memory_space<hbm>>) target(%arg9 : memref<112x128xf32, #tpu.memory_space<vmem>>) offsets(%dma_start3A_694 : memref<112xi32, #tpu.memory_space<vmem>>) semaphore(%arg13 : memref<!tpu.dma_semaphore, #tpu.memory_space<semaphore_mem>>)
      %dma_wait3A_698 = arith.constant 0 : i32
      %dma_wait3A_699 = arith.constant 0 : i32
      %dma_wait3A_700 = tpu.memref_slice %arg2[%dma_wait3A_698, %dma_wait3A_699] : memref<20224x128xf32, #tpu.memory_space<hbm>> -> memref<112x128xf32, #tpu.memory_space<hbm>>
      %dma_wait3A_701 = arith.constant 0 : i32
      %dma_wait3A_702 = arith.constant 0 : i32
      %dma_wait3A_703 = tpu.memref_slice %arg2[%dma_wait3A_701, %dma_wait3A_702] : memref<20224x128xf32, #tpu.memory_space<hbm>> -> memref<112x128xf32, #tpu.memory_space<hbm>>
      tpu.wait_dma2 semaphore(%arg12 : memref<!tpu.dma_semaphore, #tpu.memory_space<semaphore_mem>>) src(%dma_wait3A_703 : memref<112x128xf32, #tpu.memory_space<hbm>>) dst(%arg8 : memref<112x128xf32, #tpu.memory_space<vmem>>)
      %dma_start3A_704 = arith.constant 24 : i32
      %dma_start3A_705 = arith.constant 0 : i32
      %dma_start3A_706 = tpu.memref_slice %arg7[%dma_start3A_704, %dma_start3A_705] : memref<30x112xi32, #tpu.memory_space<vmem>> -> memref<1x112xi32, #tpu.memory_space<vmem>>
      %dma_start3A_707 = tpu.memref_squeeze %dma_start3A_706 : memref<1x112xi32, #tpu.memory_space<vmem>> -> memref<112xi32, #tpu.memory_space<vmem>>
      %dma_start3A_708 = arith.constant 0 : i32
      %dma_start3A_709 = arith.constant 0 : i32
      %dma_start3A_710 = tpu.memref_slice %arg11[%dma_start3A_708, %dma_start3A_709] : memref<10112x128xf32, #tpu.memory_space<vmem_shared>> -> memref<10112x128xf32, #tpu.memory_space<vmem_shared>>
      tpu.enqueue_indirect_dma source(%arg8 : memref<112x128xf32, #tpu.memory_space<vmem>>) target(%dma_start3A_710 : memref<10112x128xf32, #tpu.memory_space<vmem_shared>>) offsets(%dma_start3A_707 : memref<112xi32, #tpu.memory_space<vmem>>) semaphore(%arg15 : memref<!tpu.dma_semaphore, #tpu.memory_space<semaphore_mem>>) {add = true}
      %dma_wait3A_711 = arith.constant 0 : i32
      %dma_wait3A_712 = arith.constant 0 : i32
      %dma_wait3A_713 = tpu.memref_slice %arg7[%dma_wait3A_711, %dma_wait3A_712] : memref<30x112xi32, #tpu.memory_space<vmem>> -> memref<1x112xi32, #tpu.memory_space<vmem>>
      %dma_wait3A_714 = tpu.memref_squeeze %dma_wait3A_713 : memref<1x112xi32, #tpu.memory_space<vmem>> -> memref<112xi32, #tpu.memory_space<vmem>>
      %dma_wait3A_715 = arith.constant 0 : i32
      %dma_wait3A_716 = arith.constant 0 : i32
      %dma_wait3A_717 = tpu.memref_slice %arg11[%dma_wait3A_715, %dma_wait3A_716] : memref<10112x128xf32, #tpu.memory_space<vmem_shared>> -> memref<10112x128xf32, #tpu.memory_space<vmem_shared>>
      tpu.wait_indirect_dma semaphore(%arg15 : memref<!tpu.dma_semaphore, #tpu.memory_space<semaphore_mem>>) src(%arg8 : memref<112x128xf32, #tpu.memory_space<vmem>>) dst(%dma_wait3A_717 : memref<10112x128xf32, #tpu.memory_space<vmem_shared>>)
      %dma_start3A_718 = arith.constant 26 : i32
      %dma_start3A_719 = arith.constant 0 : i32
      %dma_start3A_720 = tpu.memref_slice %arg6[%dma_start3A_718, %dma_start3A_719] : memref<30x112xi32, #tpu.memory_space<vmem>> -> memref<1x112xi32, #tpu.memory_space<vmem>>
      %dma_start3A_721 = tpu.memref_squeeze %dma_start3A_720 : memref<1x112xi32, #tpu.memory_space<vmem>> -> memref<112xi32, #tpu.memory_space<vmem>>
      %dma_start3A_722 = arith.constant 0 : i32
      %dma_start3A_723 = arith.constant 0 : i32
      %dma_start3A_724 = tpu.memref_slice %arg2[%dma_start3A_722, %dma_start3A_723] : memref<20224x128xf32, #tpu.memory_space<hbm>> -> memref<20224x128xf32, #tpu.memory_space<hbm>>
      tpu.enqueue_indirect_dma source(%dma_start3A_724 : memref<20224x128xf32, #tpu.memory_space<hbm>>) target(%arg10 : memref<112x128xf32, #tpu.memory_space<vmem>>) offsets(%dma_start3A_721 : memref<112xi32, #tpu.memory_space<vmem>>) semaphore(%arg14 : memref<!tpu.dma_semaphore, #tpu.memory_space<semaphore_mem>>)
      %dma_wait3A_725 = arith.constant 0 : i32
      %dma_wait3A_726 = arith.constant 0 : i32
      %dma_wait3A_727 = tpu.memref_slice %arg2[%dma_wait3A_725, %dma_wait3A_726] : memref<20224x128xf32, #tpu.memory_space<hbm>> -> memref<112x128xf32, #tpu.memory_space<hbm>>
      %dma_wait3A_728 = arith.constant 0 : i32
      %dma_wait3A_729 = arith.constant 0 : i32
      %dma_wait3A_730 = tpu.memref_slice %arg2[%dma_wait3A_728, %dma_wait3A_729] : memref<20224x128xf32, #tpu.memory_space<hbm>> -> memref<112x128xf32, #tpu.memory_space<hbm>>
      tpu.wait_dma2 semaphore(%arg13 : memref<!tpu.dma_semaphore, #tpu.memory_space<semaphore_mem>>) src(%dma_wait3A_730 : memref<112x128xf32, #tpu.memory_space<hbm>>) dst(%arg9 : memref<112x128xf32, #tpu.memory_space<vmem>>)
      %dma_start3A_731 = arith.constant 25 : i32
      %dma_start3A_732 = arith.constant 0 : i32
      %dma_start3A_733 = tpu.memref_slice %arg7[%dma_start3A_731, %dma_start3A_732] : memref<30x112xi32, #tpu.memory_space<vmem>> -> memref<1x112xi32, #tpu.memory_space<vmem>>
      %dma_start3A_734 = tpu.memref_squeeze %dma_start3A_733 : memref<1x112xi32, #tpu.memory_space<vmem>> -> memref<112xi32, #tpu.memory_space<vmem>>
      %dma_start3A_735 = arith.constant 0 : i32
      %dma_start3A_736 = arith.constant 0 : i32
      %dma_start3A_737 = tpu.memref_slice %arg11[%dma_start3A_735, %dma_start3A_736] : memref<10112x128xf32, #tpu.memory_space<vmem_shared>> -> memref<10112x128xf32, #tpu.memory_space<vmem_shared>>
      tpu.enqueue_indirect_dma source(%arg9 : memref<112x128xf32, #tpu.memory_space<vmem>>) target(%dma_start3A_737 : memref<10112x128xf32, #tpu.memory_space<vmem_shared>>) offsets(%dma_start3A_734 : memref<112xi32, #tpu.memory_space<vmem>>) semaphore(%arg15 : memref<!tpu.dma_semaphore, #tpu.memory_space<semaphore_mem>>) {add = true}
      %dma_wait3A_738 = arith.constant 0 : i32
      %dma_wait3A_739 = arith.constant 0 : i32
      %dma_wait3A_740 = tpu.memref_slice %arg7[%dma_wait3A_738, %dma_wait3A_739] : memref<30x112xi32, #tpu.memory_space<vmem>> -> memref<1x112xi32, #tpu.memory_space<vmem>>
      %dma_wait3A_741 = tpu.memref_squeeze %dma_wait3A_740 : memref<1x112xi32, #tpu.memory_space<vmem>> -> memref<112xi32, #tpu.memory_space<vmem>>
      %dma_wait3A_742 = arith.constant 0 : i32
      %dma_wait3A_743 = arith.constant 0 : i32
      %dma_wait3A_744 = tpu.memref_slice %arg11[%dma_wait3A_742, %dma_wait3A_743] : memref<10112x128xf32, #tpu.memory_space<vmem_shared>> -> memref<10112x128xf32, #tpu.memory_space<vmem_shared>>
      tpu.wait_indirect_dma semaphore(%arg15 : memref<!tpu.dma_semaphore, #tpu.memory_space<semaphore_mem>>) src(%arg8 : memref<112x128xf32, #tpu.memory_space<vmem>>) dst(%dma_wait3A_744 : memref<10112x128xf32, #tpu.memory_space<vmem_shared>>)
      %dma_start3A_745 = arith.constant 27 : i32
      %dma_start3A_746 = arith.constant 0 : i32
      %dma_start3A_747 = tpu.memref_slice %arg6[%dma_start3A_745, %dma_start3A_746] : memref<30x112xi32, #tpu.memory_space<vmem>> -> memref<1x112xi32, #tpu.memory_space<vmem>>
      %dma_start3A_748 = tpu.memref_squeeze %dma_start3A_747 : memref<1x112xi32, #tpu.memory_space<vmem>> -> memref<112xi32, #tpu.memory_space<vmem>>
      %dma_start3A_749 = arith.constant 0 : i32
      %dma_start3A_750 = arith.constant 0 : i32
      %dma_start3A_751 = tpu.memref_slice %arg2[%dma_start3A_749, %dma_start3A_750] : memref<20224x128xf32, #tpu.memory_space<hbm>> -> memref<20224x128xf32, #tpu.memory_space<hbm>>
      tpu.enqueue_indirect_dma source(%dma_start3A_751 : memref<20224x128xf32, #tpu.memory_space<hbm>>) target(%arg8 : memref<112x128xf32, #tpu.memory_space<vmem>>) offsets(%dma_start3A_748 : memref<112xi32, #tpu.memory_space<vmem>>) semaphore(%arg12 : memref<!tpu.dma_semaphore, #tpu.memory_space<semaphore_mem>>)
      %dma_wait3A_752 = arith.constant 0 : i32
      %dma_wait3A_753 = arith.constant 0 : i32
      %dma_wait3A_754 = tpu.memref_slice %arg2[%dma_wait3A_752, %dma_wait3A_753] : memref<20224x128xf32, #tpu.memory_space<hbm>> -> memref<112x128xf32, #tpu.memory_space<hbm>>
      %dma_wait3A_755 = arith.constant 0 : i32
      %dma_wait3A_756 = arith.constant 0 : i32
      %dma_wait3A_757 = tpu.memref_slice %arg2[%dma_wait3A_755, %dma_wait3A_756] : memref<20224x128xf32, #tpu.memory_space<hbm>> -> memref<112x128xf32, #tpu.memory_space<hbm>>
      tpu.wait_dma2 semaphore(%arg14 : memref<!tpu.dma_semaphore, #tpu.memory_space<semaphore_mem>>) src(%dma_wait3A_757 : memref<112x128xf32, #tpu.memory_space<hbm>>) dst(%arg10 : memref<112x128xf32, #tpu.memory_space<vmem>>)
      %dma_start3A_758 = arith.constant 26 : i32
      %dma_start3A_759 = arith.constant 0 : i32
      %dma_start3A_760 = tpu.memref_slice %arg7[%dma_start3A_758, %dma_start3A_759] : memref<30x112xi32, #tpu.memory_space<vmem>> -> memref<1x112xi32, #tpu.memory_space<vmem>>
      %dma_start3A_761 = tpu.memref_squeeze %dma_start3A_760 : memref<1x112xi32, #tpu.memory_space<vmem>> -> memref<112xi32, #tpu.memory_space<vmem>>
      %dma_start3A_762 = arith.constant 0 : i32
      %dma_start3A_763 = arith.constant 0 : i32
      %dma_start3A_764 = tpu.memref_slice %arg11[%dma_start3A_762, %dma_start3A_763] : memref<10112x128xf32, #tpu.memory_space<vmem_shared>> -> memref<10112x128xf32, #tpu.memory_space<vmem_shared>>
      tpu.enqueue_indirect_dma source(%arg10 : memref<112x128xf32, #tpu.memory_space<vmem>>) target(%dma_start3A_764 : memref<10112x128xf32, #tpu.memory_space<vmem_shared>>) offsets(%dma_start3A_761 : memref<112xi32, #tpu.memory_space<vmem>>) semaphore(%arg15 : memref<!tpu.dma_semaphore, #tpu.memory_space<semaphore_mem>>) {add = true}
      %dma_wait3A_765 = arith.constant 0 : i32
      %dma_wait3A_766 = arith.constant 0 : i32
      %dma_wait3A_767 = tpu.memref_slice %arg7[%dma_wait3A_765, %dma_wait3A_766] : memref<30x112xi32, #tpu.memory_space<vmem>> -> memref<1x112xi32, #tpu.memory_space<vmem>>
      %dma_wait3A_768 = tpu.memref_squeeze %dma_wait3A_767 : memref<1x112xi32, #tpu.memory_space<vmem>> -> memref<112xi32, #tpu.memory_space<vmem>>
      %dma_wait3A_769 = arith.constant 0 : i32
      %dma_wait3A_770 = arith.constant 0 : i32
      %dma_wait3A_771 = tpu.memref_slice %arg11[%dma_wait3A_769, %dma_wait3A_770] : memref<10112x128xf32, #tpu.memory_space<vmem_shared>> -> memref<10112x128xf32, #tpu.memory_space<vmem_shared>>
      tpu.wait_indirect_dma semaphore(%arg15 : memref<!tpu.dma_semaphore, #tpu.memory_space<semaphore_mem>>) src(%arg8 : memref<112x128xf32, #tpu.memory_space<vmem>>) dst(%dma_wait3A_771 : memref<10112x128xf32, #tpu.memory_space<vmem_shared>>)
      %dma_start3A_772 = arith.constant 28 : i32
      %dma_start3A_773 = arith.constant 0 : i32
      %dma_start3A_774 = tpu.memref_slice %arg6[%dma_start3A_772, %dma_start3A_773] : memref<30x112xi32, #tpu.memory_space<vmem>> -> memref<1x112xi32, #tpu.memory_space<vmem>>
      %dma_start3A_775 = tpu.memref_squeeze %dma_start3A_774 : memref<1x112xi32, #tpu.memory_space<vmem>> -> memref<112xi32, #tpu.memory_space<vmem>>
      %dma_start3A_776 = arith.constant 0 : i32
      %dma_start3A_777 = arith.constant 0 : i32
      %dma_start3A_778 = tpu.memref_slice %arg2[%dma_start3A_776, %dma_start3A_777] : memref<20224x128xf32, #tpu.memory_space<hbm>> -> memref<20224x128xf32, #tpu.memory_space<hbm>>
      tpu.enqueue_indirect_dma source(%dma_start3A_778 : memref<20224x128xf32, #tpu.memory_space<hbm>>) target(%arg9 : memref<112x128xf32, #tpu.memory_space<vmem>>) offsets(%dma_start3A_775 : memref<112xi32, #tpu.memory_space<vmem>>) semaphore(%arg13 : memref<!tpu.dma_semaphore, #tpu.memory_space<semaphore_mem>>)
      %dma_wait3A_779 = arith.constant 0 : i32
      %dma_wait3A_780 = arith.constant 0 : i32
      %dma_wait3A_781 = tpu.memref_slice %arg2[%dma_wait3A_779, %dma_wait3A_780] : memref<20224x128xf32, #tpu.memory_space<hbm>> -> memref<112x128xf32, #tpu.memory_space<hbm>>
      %dma_wait3A_782 = arith.constant 0 : i32
      %dma_wait3A_783 = arith.constant 0 : i32
      %dma_wait3A_784 = tpu.memref_slice %arg2[%dma_wait3A_782, %dma_wait3A_783] : memref<20224x128xf32, #tpu.memory_space<hbm>> -> memref<112x128xf32, #tpu.memory_space<hbm>>
      tpu.wait_dma2 semaphore(%arg12 : memref<!tpu.dma_semaphore, #tpu.memory_space<semaphore_mem>>) src(%dma_wait3A_784 : memref<112x128xf32, #tpu.memory_space<hbm>>) dst(%arg8 : memref<112x128xf32, #tpu.memory_space<vmem>>)
      %dma_start3A_785 = arith.constant 27 : i32
      %dma_start3A_786 = arith.constant 0 : i32
      %dma_start3A_787 = tpu.memref_slice %arg7[%dma_start3A_785, %dma_start3A_786] : memref<30x112xi32, #tpu.memory_space<vmem>> -> memref<1x112xi32, #tpu.memory_space<vmem>>
      %dma_start3A_788 = tpu.memref_squeeze %dma_start3A_787 : memref<1x112xi32, #tpu.memory_space<vmem>> -> memref<112xi32, #tpu.memory_space<vmem>>
      %dma_start3A_789 = arith.constant 0 : i32
      %dma_start3A_790 = arith.constant 0 : i32
      %dma_start3A_791 = tpu.memref_slice %arg11[%dma_start3A_789, %dma_start3A_790] : memref<10112x128xf32, #tpu.memory_space<vmem_shared>> -> memref<10112x128xf32, #tpu.memory_space<vmem_shared>>
      tpu.enqueue_indirect_dma source(%arg8 : memref<112x128xf32, #tpu.memory_space<vmem>>) target(%dma_start3A_791 : memref<10112x128xf32, #tpu.memory_space<vmem_shared>>) offsets(%dma_start3A_788 : memref<112xi32, #tpu.memory_space<vmem>>) semaphore(%arg15 : memref<!tpu.dma_semaphore, #tpu.memory_space<semaphore_mem>>) {add = true}
      %dma_wait3A_792 = arith.constant 0 : i32
      %dma_wait3A_793 = arith.constant 0 : i32
      %dma_wait3A_794 = tpu.memref_slice %arg7[%dma_wait3A_792, %dma_wait3A_793] : memref<30x112xi32, #tpu.memory_space<vmem>> -> memref<1x112xi32, #tpu.memory_space<vmem>>
      %dma_wait3A_795 = tpu.memref_squeeze %dma_wait3A_794 : memref<1x112xi32, #tpu.memory_space<vmem>> -> memref<112xi32, #tpu.memory_space<vmem>>
      %dma_wait3A_796 = arith.constant 0 : i32
      %dma_wait3A_797 = arith.constant 0 : i32
      %dma_wait3A_798 = tpu.memref_slice %arg11[%dma_wait3A_796, %dma_wait3A_797] : memref<10112x128xf32, #tpu.memory_space<vmem_shared>> -> memref<10112x128xf32, #tpu.memory_space<vmem_shared>>
      tpu.wait_indirect_dma semaphore(%arg15 : memref<!tpu.dma_semaphore, #tpu.memory_space<semaphore_mem>>) src(%arg8 : memref<112x128xf32, #tpu.memory_space<vmem>>) dst(%dma_wait3A_798 : memref<10112x128xf32, #tpu.memory_space<vmem_shared>>)
      %dma_start3A_799 = arith.constant 29 : i32
      %dma_start3A_800 = arith.constant 0 : i32
      %dma_start3A_801 = tpu.memref_slice %arg6[%dma_start3A_799, %dma_start3A_800] : memref<30x112xi32, #tpu.memory_space<vmem>> -> memref<1x112xi32, #tpu.memory_space<vmem>>
      %dma_start3A_802 = tpu.memref_squeeze %dma_start3A_801 : memref<1x112xi32, #tpu.memory_space<vmem>> -> memref<112xi32, #tpu.memory_space<vmem>>
      %dma_start3A_803 = arith.constant 0 : i32
      %dma_start3A_804 = arith.constant 0 : i32
      %dma_start3A_805 = tpu.memref_slice %arg2[%dma_start3A_803, %dma_start3A_804] : memref<20224x128xf32, #tpu.memory_space<hbm>> -> memref<20224x128xf32, #tpu.memory_space<hbm>>
      tpu.enqueue_indirect_dma source(%dma_start3A_805 : memref<20224x128xf32, #tpu.memory_space<hbm>>) target(%arg10 : memref<112x128xf32, #tpu.memory_space<vmem>>) offsets(%dma_start3A_802 : memref<112xi32, #tpu.memory_space<vmem>>) semaphore(%arg14 : memref<!tpu.dma_semaphore, #tpu.memory_space<semaphore_mem>>)
      %dma_wait3A_806 = arith.constant 0 : i32
      %dma_wait3A_807 = arith.constant 0 : i32
      %dma_wait3A_808 = tpu.memref_slice %arg2[%dma_wait3A_806, %dma_wait3A_807] : memref<20224x128xf32, #tpu.memory_space<hbm>> -> memref<112x128xf32, #tpu.memory_space<hbm>>
      %dma_wait3A_809 = arith.constant 0 : i32
      %dma_wait3A_810 = arith.constant 0 : i32
      %dma_wait3A_811 = tpu.memref_slice %arg2[%dma_wait3A_809, %dma_wait3A_810] : memref<20224x128xf32, #tpu.memory_space<hbm>> -> memref<112x128xf32, #tpu.memory_space<hbm>>
      tpu.wait_dma2 semaphore(%arg13 : memref<!tpu.dma_semaphore, #tpu.memory_space<semaphore_mem>>) src(%dma_wait3A_811 : memref<112x128xf32, #tpu.memory_space<hbm>>) dst(%arg9 : memref<112x128xf32, #tpu.memory_space<vmem>>)
      %dma_start3A_812 = arith.constant 28 : i32
      %dma_start3A_813 = arith.constant 0 : i32
      %dma_start3A_814 = tpu.memref_slice %arg7[%dma_start3A_812, %dma_start3A_813] : memref<30x112xi32, #tpu.memory_space<vmem>> -> memref<1x112xi32, #tpu.memory_space<vmem>>
      %dma_start3A_815 = tpu.memref_squeeze %dma_start3A_814 : memref<1x112xi32, #tpu.memory_space<vmem>> -> memref<112xi32, #tpu.memory_space<vmem>>
      %dma_start3A_816 = arith.constant 0 : i32
      %dma_start3A_817 = arith.constant 0 : i32
      %dma_start3A_818 = tpu.memref_slice %arg11[%dma_start3A_816, %dma_start3A_817] : memref<10112x128xf32, #tpu.memory_space<vmem_shared>> -> memref<10112x128xf32, #tpu.memory_space<vmem_shared>>
      tpu.enqueue_indirect_dma source(%arg9 : memref<112x128xf32, #tpu.memory_space<vmem>>) target(%dma_start3A_818 : memref<10112x128xf32, #tpu.memory_space<vmem_shared>>) offsets(%dma_start3A_815 : memref<112xi32, #tpu.memory_space<vmem>>) semaphore(%arg15 : memref<!tpu.dma_semaphore, #tpu.memory_space<semaphore_mem>>) {add = true}
      %dma_wait3A_819 = arith.constant 0 : i32
      %dma_wait3A_820 = arith.constant 0 : i32
      %dma_wait3A_821 = tpu.memref_slice %arg7[%dma_wait3A_819, %dma_wait3A_820] : memref<30x112xi32, #tpu.memory_space<vmem>> -> memref<1x112xi32, #tpu.memory_space<vmem>>
      %dma_wait3A_822 = tpu.memref_squeeze %dma_wait3A_821 : memref<1x112xi32, #tpu.memory_space<vmem>> -> memref<112xi32, #tpu.memory_space<vmem>>
      %dma_wait3A_823 = arith.constant 0 : i32
      %dma_wait3A_824 = arith.constant 0 : i32
      %dma_wait3A_825 = tpu.memref_slice %arg11[%dma_wait3A_823, %dma_wait3A_824] : memref<10112x128xf32, #tpu.memory_space<vmem_shared>> -> memref<10112x128xf32, #tpu.memory_space<vmem_shared>>
      tpu.wait_indirect_dma semaphore(%arg15 : memref<!tpu.dma_semaphore, #tpu.memory_space<semaphore_mem>>) src(%arg8 : memref<112x128xf32, #tpu.memory_space<vmem>>) dst(%dma_wait3A_825 : memref<10112x128xf32, #tpu.memory_space<vmem_shared>>)
      %dma_wait3A_826 = arith.constant 0 : i32
      %dma_wait3A_827 = arith.constant 0 : i32
      %dma_wait3A_828 = tpu.memref_slice %arg2[%dma_wait3A_826, %dma_wait3A_827] : memref<20224x128xf32, #tpu.memory_space<hbm>> -> memref<112x128xf32, #tpu.memory_space<hbm>>
      %dma_wait3A_829 = arith.constant 0 : i32
      %dma_wait3A_830 = arith.constant 0 : i32
      %dma_wait3A_831 = tpu.memref_slice %arg2[%dma_wait3A_829, %dma_wait3A_830] : memref<20224x128xf32, #tpu.memory_space<hbm>> -> memref<112x128xf32, #tpu.memory_space<hbm>>
      tpu.wait_dma2 semaphore(%arg14 : memref<!tpu.dma_semaphore, #tpu.memory_space<semaphore_mem>>) src(%dma_wait3A_831 : memref<112x128xf32, #tpu.memory_space<hbm>>) dst(%arg10 : memref<112x128xf32, #tpu.memory_space<vmem>>)
      %dma_start3A_832 = arith.constant 29 : i32
      %dma_start3A_833 = arith.constant 0 : i32
      %dma_start3A_834 = tpu.memref_slice %arg7[%dma_start3A_832, %dma_start3A_833] : memref<30x112xi32, #tpu.memory_space<vmem>> -> memref<1x112xi32, #tpu.memory_space<vmem>>
      %dma_start3A_835 = tpu.memref_squeeze %dma_start3A_834 : memref<1x112xi32, #tpu.memory_space<vmem>> -> memref<112xi32, #tpu.memory_space<vmem>>
      %dma_start3A_836 = arith.constant 0 : i32
      %dma_start3A_837 = arith.constant 0 : i32
      %dma_start3A_838 = tpu.memref_slice %arg11[%dma_start3A_836, %dma_start3A_837] : memref<10112x128xf32, #tpu.memory_space<vmem_shared>> -> memref<10112x128xf32, #tpu.memory_space<vmem_shared>>
      tpu.enqueue_indirect_dma source(%arg10 : memref<112x128xf32, #tpu.memory_space<vmem>>) target(%dma_start3A_838 : memref<10112x128xf32, #tpu.memory_space<vmem_shared>>) offsets(%dma_start3A_835 : memref<112xi32, #tpu.memory_space<vmem>>) semaphore(%arg15 : memref<!tpu.dma_semaphore, #tpu.memory_space<semaphore_mem>>) {add = true}
      %dma_wait3A_839 = arith.constant 0 : i32
      %dma_wait3A_840 = arith.constant 0 : i32
      %dma_wait3A_841 = tpu.memref_slice %arg7[%dma_wait3A_839, %dma_wait3A_840] : memref<30x112xi32, #tpu.memory_space<vmem>> -> memref<1x112xi32, #tpu.memory_space<vmem>>
      %dma_wait3A_842 = tpu.memref_squeeze %dma_wait3A_841 : memref<1x112xi32, #tpu.memory_space<vmem>> -> memref<112xi32, #tpu.memory_space<vmem>>
      %dma_wait3A_843 = arith.constant 0 : i32
      %dma_wait3A_844 = arith.constant 0 : i32
      %dma_wait3A_845 = tpu.memref_slice %arg11[%dma_wait3A_843, %dma_wait3A_844] : memref<10112x128xf32, #tpu.memory_space<vmem_shared>> -> memref<10112x128xf32, #tpu.memory_space<vmem_shared>>
      tpu.wait_indirect_dma semaphore(%arg15 : memref<!tpu.dma_semaphore, #tpu.memory_space<semaphore_mem>>) src(%arg8 : memref<112x128xf32, #tpu.memory_space<vmem>>) dst(%dma_wait3A_845 : memref<10112x128xf32, #tpu.memory_space<vmem_shared>>)
      %dma_wait3A_846 = arith.constant 0 : i32
      %dma_wait3A_847 = arith.constant 0 : i32
      %dma_wait3A_848 = tpu.memref_slice %arg7[%dma_wait3A_846, %dma_wait3A_847] : memref<30x112xi32, #tpu.memory_space<vmem>> -> memref<1x112xi32, #tpu.memory_space<vmem>>
      %dma_wait3A_849 = tpu.memref_squeeze %dma_wait3A_848 : memref<1x112xi32, #tpu.memory_space<vmem>> -> memref<112xi32, #tpu.memory_space<vmem>>
      %dma_wait3A_850 = arith.constant 0 : i32
      %dma_wait3A_851 = arith.constant 0 : i32
      %dma_wait3A_852 = tpu.memref_slice %arg11[%dma_wait3A_850, %dma_wait3A_851] : memref<10112x128xf32, #tpu.memory_space<vmem_shared>> -> memref<10112x128xf32, #tpu.memory_space<vmem_shared>>
      tpu.wait_indirect_dma semaphore(%arg15 : memref<!tpu.dma_semaphore, #tpu.memory_space<semaphore_mem>>) src(%arg8 : memref<112x128xf32, #tpu.memory_space<vmem>>) dst(%dma_wait3A_852 : memref<10112x128xf32, #tpu.memory_space<vmem_shared>>)
      %scan3A_853 = arith.constant 0 : i32
      scf.yield %scan3A_853 : i32
    }
    %scan3A_26 = arith.constant 6 : i32
    %barrier3A_27 = arith.constant 0 : index
    tpu.barrier barrier_id(%barrier3A_27)
    %mul3A_28 = arith.constant 10112 : i32
    %mul3A_29 = arith.muli %arg0, %mul3A_28 : i32
    %add3A_30 = arith.addi %mul3A_29, %mul3A_8 : i32
    "tpu.region"() ({
      %run_scoped3A = tpu.sem_alloc : memref<!tpu.dma_semaphore, #tpu.memory_space<semaphore_mem>>
      %dma_start3A = arith.constant 0 : i32
      %dma_start3A_31 = tpu.memref_slice %arg5[%add3A_30, %dma_start3A] : memref<20224x128xf32, #tpu.memory_space<hbm>> -> memref<632x128xf32, #tpu.memory_space<hbm>>
      %dma_start3A_32 = arith.constant 0 : i32
      %dma_start3A_33 = tpu.memref_slice %arg11[%mul3A_8, %dma_start3A_32] : memref<10112x128xf32, #tpu.memory_space<vmem_shared>> -> memref<632x128xf32, #tpu.memory_space<vmem_shared>>
      tpu.enqueue_dma source(%dma_start3A_33 : memref<632x128xf32, #tpu.memory_space<vmem_shared>>) target(%dma_start3A_31 : memref<632x128xf32, #tpu.memory_space<hbm>>) target_semaphore(%run_scoped3A : memref<!tpu.dma_semaphore, #tpu.memory_space<semaphore_mem>>)
      %dma_wait3A = arith.constant 0 : i32
      %dma_wait3A_34 = tpu.memref_slice %arg5[%add3A_30, %dma_wait3A] : memref<20224x128xf32, #tpu.memory_space<hbm>> -> memref<632x128xf32, #tpu.memory_space<hbm>>
      %dma_wait3A_35 = arith.constant 0 : i32
      %dma_wait3A_36 = tpu.memref_slice %arg11[%mul3A_8, %dma_wait3A_35] : memref<10112x128xf32, #tpu.memory_space<vmem_shared>> -> memref<632x128xf32, #tpu.memory_space<vmem_shared>>
      tpu.wait_dma2 semaphore(%run_scoped3A : memref<!tpu.dma_semaphore, #tpu.memory_space<semaphore_mem>>) src(%dma_wait3A_36 : memref<632x128xf32, #tpu.memory_space<vmem_shared>>) dst(%dma_wait3A_34 : memref<632x128xf32, #tpu.memory_space<hbm>>)
      tpu.yield
    }) : () -> ()
    return
  }
}

#map = affine_map<(d0, d1) -> (0, 0)>
module attributes {stable_mosaic.version = 14 : i64} {
  func.func @_deg(%arg0: i32, %arg1: i32, %arg2: memref<2880x112xi32, #tpu.memory_space<hbm>>, %arg3: memref<20224x16xf32, #tpu.memory_space<hbm>>, %arg4: memref<90x112xi32, #tpu.memory_space<vmem>>, %arg5: memref<112x16xf32, #tpu.memory_space<vmem>>, %arg6: memref<10112x16xf32, #tpu.memory_space<vmem_shared>>, %arg7: memref<!tpu.dma_semaphore, #tpu.memory_space<semaphore_mem>>) attributes {dimension_semantics = [#tpu.dimension_semantics<core_parallel>, #tpu.dimension_semantics<subcore_parallel>], iteration_bounds = array<i64: 2, 16>, scalar_prefetch = 0 : i64, scratch_operands = 4 : i64, tpu.core_type = #tpu.core_type<sc_vector_subcore>, window_params = [{transform_indices = #map}, {transform_indices = #map}]} {
    %mul3A = arith.constant 16 : i32
    %mul3A_0 = arith.muli %arg0, %mul3A : i32
    %add3A = arith.addi %mul3A_0, %arg1 : i32
    %mul3A_1 = arith.constant 90 : i32
    %mul3A_2 = arith.muli %add3A, %mul3A_1 : i32
    "tpu.region"() ({
      %run_scoped3A = tpu.sem_alloc : memref<!tpu.dma_semaphore, #tpu.memory_space<semaphore_mem>>
      %dma_start3A = arith.constant 0 : i32
      %dma_start3A_48 = tpu.memref_slice %arg2[%mul3A_2, %dma_start3A] : memref<2880x112xi32, #tpu.memory_space<hbm>> -> memref<90x112xi32, #tpu.memory_space<hbm>>
      %dma_start3A_49 = arith.constant 0 : i32
      %dma_start3A_50 = tpu.memref_slice %arg2[%mul3A_2, %dma_start3A_49] : memref<2880x112xi32, #tpu.memory_space<hbm>> -> memref<90x112xi32, #tpu.memory_space<hbm>>
      tpu.enqueue_dma source(%dma_start3A_50 : memref<90x112xi32, #tpu.memory_space<hbm>>) target(%arg4 : memref<90x112xi32, #tpu.memory_space<vmem>>) target_semaphore(%run_scoped3A : memref<!tpu.dma_semaphore, #tpu.memory_space<semaphore_mem>>)
      %dma_wait3A = arith.constant 0 : i32
      %dma_wait3A_51 = tpu.memref_slice %arg2[%mul3A_2, %dma_wait3A] : memref<2880x112xi32, #tpu.memory_space<hbm>> -> memref<90x112xi32, #tpu.memory_space<hbm>>
      %dma_wait3A_52 = arith.constant 0 : i32
      %dma_wait3A_53 = tpu.memref_slice %arg2[%mul3A_2, %dma_wait3A_52] : memref<2880x112xi32, #tpu.memory_space<hbm>> -> memref<90x112xi32, #tpu.memory_space<hbm>>
      tpu.wait_dma2 semaphore(%run_scoped3A : memref<!tpu.dma_semaphore, #tpu.memory_space<semaphore_mem>>) src(%dma_wait3A_53 : memref<90x112xi32, #tpu.memory_space<hbm>>) dst(%arg4 : memref<90x112xi32, #tpu.memory_space<vmem>>)
      tpu.yield
    }) : () -> ()
    %scan3A = arith.constant 0 : i32
    %scan3A_3 = arith.constant 0 : i32
    %scan3A_4 = arith.constant 112 : i32
    %scan3A_5 = arith.addi %scan3A_3, %scan3A_4 : i32
    %scan3A_6 = arith.constant 1 : i32
    %scan3A_7 = scf.for %scan3A_48 = %scan3A_3 to %scan3A_5 step %scan3A_6 iter_args(%scan3A_49 = %scan3A) -> (i32)  : i32 {
      %jit3A = arith.constant 1 : i32
      %div3A = arith.divsi %scan3A_48, %jit3A : i32
      %sign3A = arith.constant 0 : i32
      %sign3A_50 = arith.cmpi sgt, %scan3A_48, %sign3A : i32
      %sign3A_51 = arith.extui %sign3A_50 : i1 to i32
      %sign3A_52 = arith.constant 0 : i32
      %sign3A_53 = arith.cmpi slt, %scan3A_48, %sign3A_52 : i32
      %sign3A_54 = arith.extui %sign3A_53 : i1 to i32
      %sign3A_55 = arith.subi %sign3A_51, %sign3A_54 : i32
      %sign3A_56 = arith.constant 0 : i32
      %sign3A_57 = arith.cmpi sgt, %jit3A, %sign3A_56 : i32
      %sign3A_58 = arith.extui %sign3A_57 : i1 to i32
      %sign3A_59 = arith.constant 0 : i32
      %sign3A_60 = arith.cmpi slt, %jit3A, %sign3A_59 : i32
      %sign3A_61 = arith.extui %sign3A_60 : i1 to i32
      %sign3A_62 = arith.subi %sign3A_58, %sign3A_61 : i32
      %ne3A = arith.cmpi ne, %sign3A_55, %sign3A_62 : i32
      %rem3A = arith.remsi %scan3A_48, %jit3A : i32
      %ne3A_63 = arith.constant 0 : i32
      %ne3A_64 = arith.cmpi ne, %rem3A, %ne3A_63 : i32
      %and3A = arith.andi %ne3A, %ne3A_64 : i1
      %sub3A = arith.constant 1 : i32
      %sub3A_65 = arith.subi %div3A, %sub3A : i32
      %select_n3A = arith.select %and3A, %sub3A_65, %div3A : i32
      %jit3A_66 = arith.constant 1 : i32
      %eq3A = arith.constant 0 : i32
      %eq3A_67 = arith.cmpi eq, %jit3A_66, %eq3A : i32
      %jit3A_68 = arith.constant 1 : i32
      %select_n3A_69 = arith.select %eq3A_67, %jit3A_68, %jit3A_66 : i32
      %rem3A_70 = arith.remsi %scan3A_48, %select_n3A_69 : i32
      %ne3A_71 = arith.constant 0 : i32
      %ne3A_72 = arith.cmpi ne, %rem3A_70, %ne3A_71 : i32
      %lt3A = arith.constant 0 : i32
      %lt3A_73 = arith.cmpi slt, %rem3A_70, %lt3A : i32
      %lt3A_74 = arith.constant 0 : i32
      %lt3A_75 = arith.cmpi slt, %select_n3A_69, %lt3A_74 : i32
      %ne3A_76 = arith.xori %lt3A_73, %lt3A_75 : i1
      %and3A_77 = arith.andi %ne3A_76, %ne3A_72 : i1
      %add3A_78 = arith.addi %rem3A_70, %select_n3A_69 : i32
      %select_n3A_79 = arith.select %and3A_77, %add3A_78, %rem3A_70 : i32
      %broadcast_in_dim3A = arith.constant 0.000000e+00 : f32
      %broadcast_in_dim3A_80 = vector.broadcast %broadcast_in_dim3A : f32 to vector<16xf32>
      %mul3A_81 = arith.constant 16 : i32
      %mul3A_82 = arith.muli %select_n3A_79, %mul3A_81 : i32
      %swap3A = arith.index_cast %select_n3A : i32 to index
      %swap3A_83 = arith.index_cast %mul3A_82 : i32 to index
      %swap3A_84 = tpu.vector_load %arg5[%swap3A, %swap3A_83] {strides = array<i32>} : memref<112x16xf32, #tpu.memory_space<vmem>>, vector<16xf32>,
      tpu.vector_store %arg5[%swap3A, %swap3A_83], %broadcast_in_dim3A_80 {strides = array<i32>} : memref<112x16xf32, #tpu.memory_space<vmem>>, vector<16xf32>,
      %scan3A_85 = arith.constant 0 : i32
      scf.yield %scan3A_85 : i32
    }
    %scan3A_8 = arith.constant 112 : i32
    %mul3A_9 = arith.constant 632 : i32
    %mul3A_10 = arith.muli %arg1, %mul3A_9 : i32
    %add3A_11 = arith.constant 0 : i32
    %add3A_12 = arith.addi %mul3A_10, %add3A_11 : i32
    "tpu.region"() ({
      %run_scoped3A = tpu.sem_alloc : memref<!tpu.dma_semaphore, #tpu.memory_space<semaphore_mem>>
      %dma_start3A = arith.constant 0 : i32
      %dma_start3A_48 = arith.constant 0 : i32
      %dma_start3A_49 = tpu.memref_slice %arg5[%dma_start3A, %dma_start3A_48] : memref<112x16xf32, #tpu.memory_space<vmem>> -> memref<112x16xf32, #tpu.memory_space<vmem>>
      %dma_start3A_50 = arith.constant 0 : i32
      %dma_start3A_51 = tpu.memref_slice %arg6[%add3A_12, %dma_start3A_50] : memref<10112x16xf32, #tpu.memory_space<vmem_shared>> -> memref<112x16xf32, #tpu.memory_space<vmem_shared>>
      %dma_start3A_52 = arith.constant 0 : i32
      %dma_start3A_53 = tpu.memref_slice %arg6[%add3A_12, %dma_start3A_52] : memref<10112x16xf32, #tpu.memory_space<vmem_shared>> -> memref<112x16xf32, #tpu.memory_space<vmem_shared>>
      %dma_start3A_54 = arith.constant 0 : i32
      %dma_start3A_55 = arith.constant 0 : i32
      %dma_start3A_56 = tpu.memref_slice %arg5[%dma_start3A_54, %dma_start3A_55] : memref<112x16xf32, #tpu.memory_space<vmem>> -> memref<112x16xf32, #tpu.memory_space<vmem>>
      tpu.enqueue_dma source(%dma_start3A_56 : memref<112x16xf32, #tpu.memory_space<vmem>>) target(%dma_start3A_53 : memref<112x16xf32, #tpu.memory_space<vmem_shared>>) target_semaphore(%run_scoped3A : memref<!tpu.dma_semaphore, #tpu.memory_space<semaphore_mem>>)
      %dma_wait3A = arith.constant 0 : i32
      %dma_wait3A_57 = arith.constant 0 : i32
      %dma_wait3A_58 = tpu.memref_slice %arg5[%dma_wait3A, %dma_wait3A_57] : memref<112x16xf32, #tpu.memory_space<vmem>> -> memref<112x16xf32, #tpu.memory_space<vmem>>
      %dma_wait3A_59 = arith.constant 0 : i32
      %dma_wait3A_60 = tpu.memref_slice %arg6[%add3A_12, %dma_wait3A_59] : memref<10112x16xf32, #tpu.memory_space<vmem_shared>> -> memref<112x16xf32, #tpu.memory_space<vmem_shared>>
      %dma_wait3A_61 = arith.constant 0 : i32
      %dma_wait3A_62 = tpu.memref_slice %arg6[%add3A_12, %dma_wait3A_61] : memref<10112x16xf32, #tpu.memory_space<vmem_shared>> -> memref<112x16xf32, #tpu.memory_space<vmem_shared>>
      %dma_wait3A_63 = arith.constant 0 : i32
      %dma_wait3A_64 = arith.constant 0 : i32
      %dma_wait3A_65 = tpu.memref_slice %arg5[%dma_wait3A_63, %dma_wait3A_64] : memref<112x16xf32, #tpu.memory_space<vmem>> -> memref<112x16xf32, #tpu.memory_space<vmem>>
      tpu.wait_dma2 semaphore(%run_scoped3A : memref<!tpu.dma_semaphore, #tpu.memory_space<semaphore_mem>>) src(%dma_wait3A_65 : memref<112x16xf32, #tpu.memory_space<vmem>>) dst(%dma_wait3A_62 : memref<112x16xf32, #tpu.memory_space<vmem_shared>>)
      tpu.yield
    }) : () -> ()
    %add3A_13 = arith.constant 112 : i32
    %add3A_14 = arith.addi %mul3A_10, %add3A_13 : i32
    "tpu.region"() ({
      %run_scoped3A = tpu.sem_alloc : memref<!tpu.dma_semaphore, #tpu.memory_space<semaphore_mem>>
      %dma_start3A = arith.constant 0 : i32
      %dma_start3A_48 = arith.constant 0 : i32
      %dma_start3A_49 = tpu.memref_slice %arg5[%dma_start3A, %dma_start3A_48] : memref<112x16xf32, #tpu.memory_space<vmem>> -> memref<112x16xf32, #tpu.memory_space<vmem>>
      %dma_start3A_50 = arith.constant 0 : i32
      %dma_start3A_51 = tpu.memref_slice %arg6[%add3A_14, %dma_start3A_50] : memref<10112x16xf32, #tpu.memory_space<vmem_shared>> -> memref<112x16xf32, #tpu.memory_space<vmem_shared>>
      %dma_start3A_52 = arith.constant 0 : i32
      %dma_start3A_53 = tpu.memref_slice %arg6[%add3A_14, %dma_start3A_52] : memref<10112x16xf32, #tpu.memory_space<vmem_shared>> -> memref<112x16xf32, #tpu.memory_space<vmem_shared>>
      %dma_start3A_54 = arith.constant 0 : i32
      %dma_start3A_55 = arith.constant 0 : i32
      %dma_start3A_56 = tpu.memref_slice %arg5[%dma_start3A_54, %dma_start3A_55] : memref<112x16xf32, #tpu.memory_space<vmem>> -> memref<112x16xf32, #tpu.memory_space<vmem>>
      tpu.enqueue_dma source(%dma_start3A_56 : memref<112x16xf32, #tpu.memory_space<vmem>>) target(%dma_start3A_53 : memref<112x16xf32, #tpu.memory_space<vmem_shared>>) target_semaphore(%run_scoped3A : memref<!tpu.dma_semaphore, #tpu.memory_space<semaphore_mem>>)
      %dma_wait3A = arith.constant 0 : i32
      %dma_wait3A_57 = arith.constant 0 : i32
      %dma_wait3A_58 = tpu.memref_slice %arg5[%dma_wait3A, %dma_wait3A_57] : memref<112x16xf32, #tpu.memory_space<vmem>> -> memref<112x16xf32, #tpu.memory_space<vmem>>
      %dma_wait3A_59 = arith.constant 0 : i32
      %dma_wait3A_60 = tpu.memref_slice %arg6[%add3A_14, %dma_wait3A_59] : memref<10112x16xf32, #tpu.memory_space<vmem_shared>> -> memref<112x16xf32, #tpu.memory_space<vmem_shared>>
      %dma_wait3A_61 = arith.constant 0 : i32
      %dma_wait3A_62 = tpu.memref_slice %arg6[%add3A_14, %dma_wait3A_61] : memref<10112x16xf32, #tpu.memory_space<vmem_shared>> -> memref<112x16xf32, #tpu.memory_space<vmem_shared>>
      %dma_wait3A_63 = arith.constant 0 : i32
      %dma_wait3A_64 = arith.constant 0 : i32
      %dma_wait3A_65 = tpu.memref_slice %arg5[%dma_wait3A_63, %dma_wait3A_64] : memref<112x16xf32, #tpu.memory_space<vmem>> -> memref<112x16xf32, #tpu.memory_space<vmem>>
      tpu.wait_dma2 semaphore(%run_scoped3A : memref<!tpu.dma_semaphore, #tpu.memory_space<semaphore_mem>>) src(%dma_wait3A_65 : memref<112x16xf32, #tpu.memory_space<vmem>>) dst(%dma_wait3A_62 : memref<112x16xf32, #tpu.memory_space<vmem_shared>>)
      tpu.yield
    }) : () -> ()
    %add3A_15 = arith.constant 224 : i32
    %add3A_16 = arith.addi %mul3A_10, %add3A_15 : i32
    "tpu.region"() ({
      %run_scoped3A = tpu.sem_alloc : memref<!tpu.dma_semaphore, #tpu.memory_space<semaphore_mem>>
      %dma_start3A = arith.constant 0 : i32
      %dma_start3A_48 = arith.constant 0 : i32
      %dma_start3A_49 = tpu.memref_slice %arg5[%dma_start3A, %dma_start3A_48] : memref<112x16xf32, #tpu.memory_space<vmem>> -> memref<112x16xf32, #tpu.memory_space<vmem>>
      %dma_start3A_50 = arith.constant 0 : i32
      %dma_start3A_51 = tpu.memref_slice %arg6[%add3A_16, %dma_start3A_50] : memref<10112x16xf32, #tpu.memory_space<vmem_shared>> -> memref<112x16xf32, #tpu.memory_space<vmem_shared>>
      %dma_start3A_52 = arith.constant 0 : i32
      %dma_start3A_53 = tpu.memref_slice %arg6[%add3A_16, %dma_start3A_52] : memref<10112x16xf32, #tpu.memory_space<vmem_shared>> -> memref<112x16xf32, #tpu.memory_space<vmem_shared>>
      %dma_start3A_54 = arith.constant 0 : i32
      %dma_start3A_55 = arith.constant 0 : i32
      %dma_start3A_56 = tpu.memref_slice %arg5[%dma_start3A_54, %dma_start3A_55] : memref<112x16xf32, #tpu.memory_space<vmem>> -> memref<112x16xf32, #tpu.memory_space<vmem>>
      tpu.enqueue_dma source(%dma_start3A_56 : memref<112x16xf32, #tpu.memory_space<vmem>>) target(%dma_start3A_53 : memref<112x16xf32, #tpu.memory_space<vmem_shared>>) target_semaphore(%run_scoped3A : memref<!tpu.dma_semaphore, #tpu.memory_space<semaphore_mem>>)
      %dma_wait3A = arith.constant 0 : i32
      %dma_wait3A_57 = arith.constant 0 : i32
      %dma_wait3A_58 = tpu.memref_slice %arg5[%dma_wait3A, %dma_wait3A_57] : memref<112x16xf32, #tpu.memory_space<vmem>> -> memref<112x16xf32, #tpu.memory_space<vmem>>
      %dma_wait3A_59 = arith.constant 0 : i32
      %dma_wait3A_60 = tpu.memref_slice %arg6[%add3A_16, %dma_wait3A_59] : memref<10112x16xf32, #tpu.memory_space<vmem_shared>> -> memref<112x16xf32, #tpu.memory_space<vmem_shared>>
      %dma_wait3A_61 = arith.constant 0 : i32
      %dma_wait3A_62 = tpu.memref_slice %arg6[%add3A_16, %dma_wait3A_61] : memref<10112x16xf32, #tpu.memory_space<vmem_shared>> -> memref<112x16xf32, #tpu.memory_space<vmem_shared>>
      %dma_wait3A_63 = arith.constant 0 : i32
      %dma_wait3A_64 = arith.constant 0 : i32
      %dma_wait3A_65 = tpu.memref_slice %arg5[%dma_wait3A_63, %dma_wait3A_64] : memref<112x16xf32, #tpu.memory_space<vmem>> -> memref<112x16xf32, #tpu.memory_space<vmem>>
      tpu.wait_dma2 semaphore(%run_scoped3A : memref<!tpu.dma_semaphore, #tpu.memory_space<semaphore_mem>>) src(%dma_wait3A_65 : memref<112x16xf32, #tpu.memory_space<vmem>>) dst(%dma_wait3A_62 : memref<112x16xf32, #tpu.memory_space<vmem_shared>>)
      tpu.yield
    }) : () -> ()
    %add3A_17 = arith.constant 336 : i32
    %add3A_18 = arith.addi %mul3A_10, %add3A_17 : i32
    "tpu.region"() ({
      %run_scoped3A = tpu.sem_alloc : memref<!tpu.dma_semaphore, #tpu.memory_space<semaphore_mem>>
      %dma_start3A = arith.constant 0 : i32
      %dma_start3A_48 = arith.constant 0 : i32
      %dma_start3A_49 = tpu.memref_slice %arg5[%dma_start3A, %dma_start3A_48] : memref<112x16xf32, #tpu.memory_space<vmem>> -> memref<112x16xf32, #tpu.memory_space<vmem>>
      %dma_start3A_50 = arith.constant 0 : i32
      %dma_start3A_51 = tpu.memref_slice %arg6[%add3A_18, %dma_start3A_50] : memref<10112x16xf32, #tpu.memory_space<vmem_shared>> -> memref<112x16xf32, #tpu.memory_space<vmem_shared>>
      %dma_start3A_52 = arith.constant 0 : i32
      %dma_start3A_53 = tpu.memref_slice %arg6[%add3A_18, %dma_start3A_52] : memref<10112x16xf32, #tpu.memory_space<vmem_shared>> -> memref<112x16xf32, #tpu.memory_space<vmem_shared>>
      %dma_start3A_54 = arith.constant 0 : i32
      %dma_start3A_55 = arith.constant 0 : i32
      %dma_start3A_56 = tpu.memref_slice %arg5[%dma_start3A_54, %dma_start3A_55] : memref<112x16xf32, #tpu.memory_space<vmem>> -> memref<112x16xf32, #tpu.memory_space<vmem>>
      tpu.enqueue_dma source(%dma_start3A_56 : memref<112x16xf32, #tpu.memory_space<vmem>>) target(%dma_start3A_53 : memref<112x16xf32, #tpu.memory_space<vmem_shared>>) target_semaphore(%run_scoped3A : memref<!tpu.dma_semaphore, #tpu.memory_space<semaphore_mem>>)
      %dma_wait3A = arith.constant 0 : i32
      %dma_wait3A_57 = arith.constant 0 : i32
      %dma_wait3A_58 = tpu.memref_slice %arg5[%dma_wait3A, %dma_wait3A_57] : memref<112x16xf32, #tpu.memory_space<vmem>> -> memref<112x16xf32, #tpu.memory_space<vmem>>
      %dma_wait3A_59 = arith.constant 0 : i32
      %dma_wait3A_60 = tpu.memref_slice %arg6[%add3A_18, %dma_wait3A_59] : memref<10112x16xf32, #tpu.memory_space<vmem_shared>> -> memref<112x16xf32, #tpu.memory_space<vmem_shared>>
      %dma_wait3A_61 = arith.constant 0 : i32
      %dma_wait3A_62 = tpu.memref_slice %arg6[%add3A_18, %dma_wait3A_61] : memref<10112x16xf32, #tpu.memory_space<vmem_shared>> -> memref<112x16xf32, #tpu.memory_space<vmem_shared>>
      %dma_wait3A_63 = arith.constant 0 : i32
      %dma_wait3A_64 = arith.constant 0 : i32
      %dma_wait3A_65 = tpu.memref_slice %arg5[%dma_wait3A_63, %dma_wait3A_64] : memref<112x16xf32, #tpu.memory_space<vmem>> -> memref<112x16xf32, #tpu.memory_space<vmem>>
      tpu.wait_dma2 semaphore(%run_scoped3A : memref<!tpu.dma_semaphore, #tpu.memory_space<semaphore_mem>>) src(%dma_wait3A_65 : memref<112x16xf32, #tpu.memory_space<vmem>>) dst(%dma_wait3A_62 : memref<112x16xf32, #tpu.memory_space<vmem_shared>>)
      tpu.yield
    }) : () -> ()
    %add3A_19 = arith.constant 448 : i32
    %add3A_20 = arith.addi %mul3A_10, %add3A_19 : i32
    "tpu.region"() ({
      %run_scoped3A = tpu.sem_alloc : memref<!tpu.dma_semaphore, #tpu.memory_space<semaphore_mem>>
      %dma_start3A = arith.constant 0 : i32
      %dma_start3A_48 = arith.constant 0 : i32
      %dma_start3A_49 = tpu.memref_slice %arg5[%dma_start3A, %dma_start3A_48] : memref<112x16xf32, #tpu.memory_space<vmem>> -> memref<112x16xf32, #tpu.memory_space<vmem>>
      %dma_start3A_50 = arith.constant 0 : i32
      %dma_start3A_51 = tpu.memref_slice %arg6[%add3A_20, %dma_start3A_50] : memref<10112x16xf32, #tpu.memory_space<vmem_shared>> -> memref<112x16xf32, #tpu.memory_space<vmem_shared>>
      %dma_start3A_52 = arith.constant 0 : i32
      %dma_start3A_53 = tpu.memref_slice %arg6[%add3A_20, %dma_start3A_52] : memref<10112x16xf32, #tpu.memory_space<vmem_shared>> -> memref<112x16xf32, #tpu.memory_space<vmem_shared>>
      %dma_start3A_54 = arith.constant 0 : i32
      %dma_start3A_55 = arith.constant 0 : i32
      %dma_start3A_56 = tpu.memref_slice %arg5[%dma_start3A_54, %dma_start3A_55] : memref<112x16xf32, #tpu.memory_space<vmem>> -> memref<112x16xf32, #tpu.memory_space<vmem>>
      tpu.enqueue_dma source(%dma_start3A_56 : memref<112x16xf32, #tpu.memory_space<vmem>>) target(%dma_start3A_53 : memref<112x16xf32, #tpu.memory_space<vmem_shared>>) target_semaphore(%run_scoped3A : memref<!tpu.dma_semaphore, #tpu.memory_space<semaphore_mem>>)
      %dma_wait3A = arith.constant 0 : i32
      %dma_wait3A_57 = arith.constant 0 : i32
      %dma_wait3A_58 = tpu.memref_slice %arg5[%dma_wait3A, %dma_wait3A_57] : memref<112x16xf32, #tpu.memory_space<vmem>> -> memref<112x16xf32, #tpu.memory_space<vmem>>
      %dma_wait3A_59 = arith.constant 0 : i32
      %dma_wait3A_60 = tpu.memref_slice %arg6[%add3A_20, %dma_wait3A_59] : memref<10112x16xf32, #tpu.memory_space<vmem_shared>> -> memref<112x16xf32, #tpu.memory_space<vmem_shared>>
      %dma_wait3A_61 = arith.constant 0 : i32
      %dma_wait3A_62 = tpu.memref_slice %arg6[%add3A_20, %dma_wait3A_61] : memref<10112x16xf32, #tpu.memory_space<vmem_shared>> -> memref<112x16xf32, #tpu.memory_space<vmem_shared>>
      %dma_wait3A_63 = arith.constant 0 : i32
      %dma_wait3A_64 = arith.constant 0 : i32
      %dma_wait3A_65 = tpu.memref_slice %arg5[%dma_wait3A_63, %dma_wait3A_64] : memref<112x16xf32, #tpu.memory_space<vmem>> -> memref<112x16xf32, #tpu.memory_space<vmem>>
      tpu.wait_dma2 semaphore(%run_scoped3A : memref<!tpu.dma_semaphore, #tpu.memory_space<semaphore_mem>>) src(%dma_wait3A_65 : memref<112x16xf32, #tpu.memory_space<vmem>>) dst(%dma_wait3A_62 : memref<112x16xf32, #tpu.memory_space<vmem_shared>>)
      tpu.yield
    }) : () -> ()
    %add3A_21 = arith.constant 560 : i32
    %add3A_22 = arith.addi %mul3A_10, %add3A_21 : i32
    "tpu.region"() ({
      %run_scoped3A = tpu.sem_alloc : memref<!tpu.dma_semaphore, #tpu.memory_space<semaphore_mem>>
      %dma_start3A = arith.constant 0 : i32
      %dma_start3A_48 = arith.constant 0 : i32
      %dma_start3A_49 = tpu.memref_slice %arg5[%dma_start3A, %dma_start3A_48] : memref<112x16xf32, #tpu.memory_space<vmem>> -> memref<72x16xf32, #tpu.memory_space<vmem>>
      %dma_start3A_50 = arith.constant 0 : i32
      %dma_start3A_51 = tpu.memref_slice %arg6[%add3A_22, %dma_start3A_50] : memref<10112x16xf32, #tpu.memory_space<vmem_shared>> -> memref<72x16xf32, #tpu.memory_space<vmem_shared>>
      %dma_start3A_52 = arith.constant 0 : i32
      %dma_start3A_53 = tpu.memref_slice %arg6[%add3A_22, %dma_start3A_52] : memref<10112x16xf32, #tpu.memory_space<vmem_shared>> -> memref<72x16xf32, #tpu.memory_space<vmem_shared>>
      %dma_start3A_54 = arith.constant 0 : i32
      %dma_start3A_55 = arith.constant 0 : i32
      %dma_start3A_56 = tpu.memref_slice %arg5[%dma_start3A_54, %dma_start3A_55] : memref<112x16xf32, #tpu.memory_space<vmem>> -> memref<72x16xf32, #tpu.memory_space<vmem>>
      tpu.enqueue_dma source(%dma_start3A_56 : memref<72x16xf32, #tpu.memory_space<vmem>>) target(%dma_start3A_53 : memref<72x16xf32, #tpu.memory_space<vmem_shared>>) target_semaphore(%run_scoped3A : memref<!tpu.dma_semaphore, #tpu.memory_space<semaphore_mem>>)
      %dma_wait3A = arith.constant 0 : i32
      %dma_wait3A_57 = arith.constant 0 : i32
      %dma_wait3A_58 = tpu.memref_slice %arg5[%dma_wait3A, %dma_wait3A_57] : memref<112x16xf32, #tpu.memory_space<vmem>> -> memref<72x16xf32, #tpu.memory_space<vmem>>
      %dma_wait3A_59 = arith.constant 0 : i32
      %dma_wait3A_60 = tpu.memref_slice %arg6[%add3A_22, %dma_wait3A_59] : memref<10112x16xf32, #tpu.memory_space<vmem_shared>> -> memref<72x16xf32, #tpu.memory_space<vmem_shared>>
      %dma_wait3A_61 = arith.constant 0 : i32
      %dma_wait3A_62 = tpu.memref_slice %arg6[%add3A_22, %dma_wait3A_61] : memref<10112x16xf32, #tpu.memory_space<vmem_shared>> -> memref<72x16xf32, #tpu.memory_space<vmem_shared>>
      %dma_wait3A_63 = arith.constant 0 : i32
      %dma_wait3A_64 = arith.constant 0 : i32
      %dma_wait3A_65 = tpu.memref_slice %arg5[%dma_wait3A_63, %dma_wait3A_64] : memref<112x16xf32, #tpu.memory_space<vmem>> -> memref<72x16xf32, #tpu.memory_space<vmem>>
      tpu.wait_dma2 semaphore(%run_scoped3A : memref<!tpu.dma_semaphore, #tpu.memory_space<semaphore_mem>>) src(%dma_wait3A_65 : memref<72x16xf32, #tpu.memory_space<vmem>>) dst(%dma_wait3A_62 : memref<72x16xf32, #tpu.memory_space<vmem_shared>>)
      tpu.yield
    }) : () -> ()
    %scan3A_23 = arith.constant 0 : i32
    %scan3A_24 = arith.constant 0 : i32
    %scan3A_25 = arith.constant 112 : i32
    %scan3A_26 = arith.addi %scan3A_24, %scan3A_25 : i32
    %scan3A_27 = arith.constant 1 : i32
    %scan3A_28 = scf.for %scan3A_48 = %scan3A_24 to %scan3A_26 step %scan3A_27 iter_args(%scan3A_49 = %scan3A_23) -> (i32)  : i32 {
      %broadcast_in_dim3A = arith.constant 1.000000e+00 : f32
      %broadcast_in_dim3A_50 = vector.broadcast %broadcast_in_dim3A : f32 to vector<16xf32>
      %swap3A = arith.index_cast %scan3A_48 : i32 to index
      %swap3A_51 = arith.constant 0 : index
      %swap3A_52 = tpu.vector_load %arg5[%swap3A, %swap3A_51] {strides = array<i32>} : memref<112x16xf32, #tpu.memory_space<vmem>>, vector<16xf32>,
      tpu.vector_store %arg5[%swap3A, %swap3A_51], %broadcast_in_dim3A_50 {strides = array<i32>} : memref<112x16xf32, #tpu.memory_space<vmem>>, vector<16xf32>,
      %scan3A_53 = arith.constant 0 : i32
      scf.yield %scan3A_53 : i32
    }
    %scan3A_29 = arith.constant 112 : i32
    %barrier3A = arith.constant 0 : index
    tpu.barrier barrier_id(%barrier3A)
    %scan3A_30 = arith.constant 0 : i32
    %scan3A_31 = arith.constant 0 : i32
    %scan3A_32 = arith.constant 90 : i32
    %scan3A_33 = arith.addi %scan3A_31, %scan3A_32 : i32
    %scan3A_34 = arith.constant 1 : i32
    %scan3A_35 = scf.for %scan3A_48 = %scan3A_31 to %scan3A_33 step %scan3A_34 iter_args(%scan3A_49 = %scan3A_30) -> (i32)  : i32 {
      %dma_start3A = arith.constant 0 : i32
      %dma_start3A_50 = tpu.memref_slice %arg4[%scan3A_48, %dma_start3A] : memref<90x112xi32, #tpu.memory_space<vmem>> -> memref<1x112xi32, #tpu.memory_space<vmem>>
      %dma_start3A_51 = tpu.memref_squeeze %dma_start3A_50 : memref<1x112xi32, #tpu.memory_space<vmem>> -> memref<112xi32, #tpu.memory_space<vmem>>
      %dma_start3A_52 = arith.constant 0 : i32
      %dma_start3A_53 = arith.constant 0 : i32
      %dma_start3A_54 = tpu.memref_slice %arg6[%dma_start3A_52, %dma_start3A_53] : memref<10112x16xf32, #tpu.memory_space<vmem_shared>> -> memref<10112x16xf32, #tpu.memory_space<vmem_shared>>
      tpu.enqueue_indirect_dma source(%arg5 : memref<112x16xf32, #tpu.memory_space<vmem>>) target(%dma_start3A_54 : memref<10112x16xf32, #tpu.memory_space<vmem_shared>>) offsets(%dma_start3A_51 : memref<112xi32, #tpu.memory_space<vmem>>) semaphore(%arg7 : memref<!tpu.dma_semaphore, #tpu.memory_space<semaphore_mem>>) {add = true}
      %scan3A_55 = arith.constant 0 : i32
      scf.yield %scan3A_55 : i32
    }
    %scan3A_36 = arith.constant 90 : i32
    %scan3A_37 = arith.constant 0 : i32
    %scan3A_38 = arith.constant 0 : i32
    %scan3A_39 = arith.constant 90 : i32
    %scan3A_40 = arith.addi %scan3A_38, %scan3A_39 : i32
    %scan3A_41 = arith.constant 1 : i32
    %scan3A_42 = scf.for %scan3A_48 = %scan3A_38 to %scan3A_40 step %scan3A_41 iter_args(%scan3A_49 = %scan3A_37) -> (i32)  : i32 {
      %dma_wait3A = arith.constant 0 : i32
      %dma_wait3A_50 = arith.constant 0 : i32
      %dma_wait3A_51 = tpu.memref_slice %arg4[%dma_wait3A, %dma_wait3A_50] : memref<90x112xi32, #tpu.memory_space<vmem>> -> memref<1x112xi32, #tpu.memory_space<vmem>>
      %dma_wait3A_52 = tpu.memref_squeeze %dma_wait3A_51 : memref<1x112xi32, #tpu.memory_space<vmem>> -> memref<112xi32, #tpu.memory_space<vmem>>
      %dma_wait3A_53 = arith.constant 0 : i32
      %dma_wait3A_54 = arith.constant 0 : i32
      %dma_wait3A_55 = tpu.memref_slice %arg6[%dma_wait3A_53, %dma_wait3A_54] : memref<10112x16xf32, #tpu.memory_space<vmem_shared>> -> memref<10112x16xf32, #tpu.memory_space<vmem_shared>>
      tpu.wait_indirect_dma semaphore(%arg7 : memref<!tpu.dma_semaphore, #tpu.memory_space<semaphore_mem>>) src(%arg5 : memref<112x16xf32, #tpu.memory_space<vmem>>) dst(%dma_wait3A_55 : memref<10112x16xf32, #tpu.memory_space<vmem_shared>>)
      %scan3A_56 = arith.constant 0 : i32
      scf.yield %scan3A_56 : i32
    }
    %scan3A_43 = arith.constant 90 : i32
    %barrier3A_44 = arith.constant 0 : index
    tpu.barrier barrier_id(%barrier3A_44)
    %mul3A_45 = arith.constant 10112 : i32
    %mul3A_46 = arith.muli %arg0, %mul3A_45 : i32
    %add3A_47 = arith.addi %mul3A_46, %mul3A_10 : i32
    "tpu.region"() ({
      %run_scoped3A = tpu.sem_alloc : memref<!tpu.dma_semaphore, #tpu.memory_space<semaphore_mem>>
      %dma_start3A = arith.constant 0 : i32
      %dma_start3A_48 = tpu.memref_slice %arg3[%add3A_47, %dma_start3A] : memref<20224x16xf32, #tpu.memory_space<hbm>> -> memref<632x16xf32, #tpu.memory_space<hbm>>
      %dma_start3A_49 = arith.constant 0 : i32
      %dma_start3A_50 = tpu.memref_slice %arg6[%mul3A_10, %dma_start3A_49] : memref<10112x16xf32, #tpu.memory_space<vmem_shared>> -> memref<632x16xf32, #tpu.memory_space<vmem_shared>>
      tpu.enqueue_dma source(%dma_start3A_50 : memref<632x16xf32, #tpu.memory_space<vmem_shared>>) target(%dma_start3A_48 : memref<632x16xf32, #tpu.memory_space<hbm>>) target_semaphore(%run_scoped3A : memref<!tpu.dma_semaphore, #tpu.memory_space<semaphore_mem>>)
      %dma_wait3A = arith.constant 0 : i32
      %dma_wait3A_51 = tpu.memref_slice %arg3[%add3A_47, %dma_wait3A] : memref<20224x16xf32, #tpu.memory_space<hbm>> -> memref<632x16xf32, #tpu.memory_space<hbm>>
      %dma_wait3A_52 = arith.constant 0 : i32
      %dma_wait3A_53 = tpu.memref_slice %arg6[%mul3A_10, %dma_wait3A_52] : memref<10112x16xf32, #tpu.memory_space<vmem_shared>> -> memref<632x16xf32, #tpu.memory_space<vmem_shared>>
      tpu.wait_dma2 semaphore(%run_scoped3A : memref<!tpu.dma_semaphore, #tpu.memory_space<semaphore_mem>>) src(%dma_wait3A_53 : memref<632x16xf32, #tpu.memory_space<vmem_shared>>) dst(%dma_wait3A_51 : memref<632x16xf32, #tpu.memory_space<hbm>>)
      tpu.yield
    }) : () -> ()
    return
  }
}

#map = affine_map<(d0, d1) -> (0, 0)>
module attributes {stable_mosaic.version = 14 : i64} {
  func.func @agg(%arg0: i32, %arg1: i32, %arg2: memref<20224x64xf32, #tpu.memory_space<hbm>>, %arg3: memref<2880x112xi32, #tpu.memory_space<hbm>>, %arg4: memref<2880x112xi32, #tpu.memory_space<hbm>>, %arg5: memref<20224x64xf32, #tpu.memory_space<hbm>>, %arg6: memref<30x112xi32, #tpu.memory_space<vmem>>, %arg7: memref<30x112xi32, #tpu.memory_space<vmem>>, %arg8: memref<112x64xf32, #tpu.memory_space<vmem>>, %arg9: memref<112x64xf32, #tpu.memory_space<vmem>>, %arg10: memref<112x64xf32, #tpu.memory_space<vmem>>, %arg11: memref<10112x64xf32, #tpu.memory_space<vmem_shared>>, %arg12: memref<!tpu.dma_semaphore, #tpu.memory_space<semaphore_mem>>, %arg13: memref<!tpu.dma_semaphore, #tpu.memory_space<semaphore_mem>>, %arg14: memref<!tpu.dma_semaphore, #tpu.memory_space<semaphore_mem>>, %arg15: memref<!tpu.dma_semaphore, #tpu.memory_space<semaphore_mem>>) attributes {dimension_semantics = [#tpu.dimension_semantics<core_parallel>, #tpu.dimension_semantics<subcore_parallel>], iteration_bounds = array<i64: 2, 16>, scalar_prefetch = 0 : i64, scratch_operands = 10 : i64, tpu.core_type = #tpu.core_type<sc_vector_subcore>, window_params = [{transform_indices = #map}, {transform_indices = #map}, {transform_indices = #map}, {transform_indices = #map}]} {
    %mul3A = arith.constant 10112 : i32
    %mul3A_0 = arith.muli %arg0, %mul3A : i32
    %scan3A = arith.constant 0 : i32
    %scan3A_1 = arith.constant 0 : i32
    %scan3A_2 = arith.constant 448 : i32
    %scan3A_3 = arith.addi %scan3A_1, %scan3A_2 : i32
    %scan3A_4 = arith.constant 1 : i32
    %scan3A_5 = scf.for %scan3A_31 = %scan3A_1 to %scan3A_3 step %scan3A_4 iter_args(%scan3A_32 = %scan3A) -> (i32)  : i32 {
      %jit3A = arith.constant 4 : i32
      %div3A = arith.divsi %scan3A_31, %jit3A : i32
      %sign3A = arith.constant 0 : i32
      %sign3A_33 = arith.cmpi sgt, %scan3A_31, %sign3A : i32
      %sign3A_34 = arith.extui %sign3A_33 : i1 to i32
      %sign3A_35 = arith.constant 0 : i32
      %sign3A_36 = arith.cmpi slt, %scan3A_31, %sign3A_35 : i32
      %sign3A_37 = arith.extui %sign3A_36 : i1 to i32
      %sign3A_38 = arith.subi %sign3A_34, %sign3A_37 : i32
      %sign3A_39 = arith.constant 0 : i32
      %sign3A_40 = arith.cmpi sgt, %jit3A, %sign3A_39 : i32
      %sign3A_41 = arith.extui %sign3A_40 : i1 to i32
      %sign3A_42 = arith.constant 0 : i32
      %sign3A_43 = arith.cmpi slt, %jit3A, %sign3A_42 : i32
      %sign3A_44 = arith.extui %sign3A_43 : i1 to i32
      %sign3A_45 = arith.subi %sign3A_41, %sign3A_44 : i32
      %ne3A = arith.cmpi ne, %sign3A_38, %sign3A_45 : i32
      %rem3A = arith.remsi %scan3A_31, %jit3A : i32
      %ne3A_46 = arith.constant 0 : i32
      %ne3A_47 = arith.cmpi ne, %rem3A, %ne3A_46 : i32
      %and3A = arith.andi %ne3A, %ne3A_47 : i1
      %sub3A = arith.constant 1 : i32
      %sub3A_48 = arith.subi %div3A, %sub3A : i32
      %select_n3A = arith.select %and3A, %sub3A_48, %div3A : i32
      %jit3A_49 = arith.constant 4 : i32
      %eq3A = arith.constant 0 : i32
      %eq3A_50 = arith.cmpi eq, %jit3A_49, %eq3A : i32
      %jit3A_51 = arith.constant 1 : i32
      %select_n3A_52 = arith.select %eq3A_50, %jit3A_51, %jit3A_49 : i32
      %rem3A_53 = arith.remsi %scan3A_31, %select_n3A_52 : i32
      %ne3A_54 = arith.constant 0 : i32
      %ne3A_55 = arith.cmpi ne, %rem3A_53, %ne3A_54 : i32
      %lt3A = arith.constant 0 : i32
      %lt3A_56 = arith.cmpi slt, %rem3A_53, %lt3A : i32
      %lt3A_57 = arith.constant 0 : i32
      %lt3A_58 = arith.cmpi slt, %select_n3A_52, %lt3A_57 : i32
      %ne3A_59 = arith.xori %lt3A_56, %lt3A_58 : i1
      %and3A_60 = arith.andi %ne3A_59, %ne3A_55 : i1
      %add3A_61 = arith.addi %rem3A_53, %select_n3A_52 : i32
      %select_n3A_62 = arith.select %and3A_60, %add3A_61, %rem3A_53 : i32
      %broadcast_in_dim3A = arith.constant 0.000000e+00 : f32
      %broadcast_in_dim3A_63 = vector.broadcast %broadcast_in_dim3A : f32 to vector<16xf32>
      %mul3A_64 = arith.constant 16 : i32
      %mul3A_65 = arith.muli %select_n3A_62, %mul3A_64 : i32
      %swap3A = arith.index_cast %select_n3A : i32 to index
      %swap3A_66 = arith.index_cast %mul3A_65 : i32 to index
      %swap3A_67 = tpu.vector_load %arg8[%swap3A, %swap3A_66] {strides = array<i32>} : memref<112x64xf32, #tpu.memory_space<vmem>>, vector<16xf32>,
      tpu.vector_store %arg8[%swap3A, %swap3A_66], %broadcast_in_dim3A_63 {strides = array<i32>} : memref<112x64xf32, #tpu.memory_space<vmem>>, vector<16xf32>,
      %scan3A_68 = arith.constant 0 : i32
      scf.yield %scan3A_68 : i32
    }
    %scan3A_6 = arith.constant 448 : i32
    %mul3A_7 = arith.constant 632 : i32
    %mul3A_8 = arith.muli %arg1, %mul3A_7 : i32
    %add3A = arith.constant 0 : i32
    %add3A_9 = arith.addi %mul3A_8, %add3A : i32
    "tpu.region"() ({
      %run_scoped3A = tpu.sem_alloc : memref<!tpu.dma_semaphore, #tpu.memory_space<semaphore_mem>>
      %dma_start3A = arith.constant 0 : i32
      %dma_start3A_31 = arith.constant 0 : i32
      %dma_start3A_32 = tpu.memref_slice %arg8[%dma_start3A, %dma_start3A_31] : memref<112x64xf32, #tpu.memory_space<vmem>> -> memref<112x64xf32, #tpu.memory_space<vmem>>
      %dma_start3A_33 = arith.constant 0 : i32
      %dma_start3A_34 = tpu.memref_slice %arg11[%add3A_9, %dma_start3A_33] : memref<10112x64xf32, #tpu.memory_space<vmem_shared>> -> memref<112x64xf32, #tpu.memory_space<vmem_shared>>
      %dma_start3A_35 = arith.constant 0 : i32
      %dma_start3A_36 = tpu.memref_slice %arg11[%add3A_9, %dma_start3A_35] : memref<10112x64xf32, #tpu.memory_space<vmem_shared>> -> memref<112x64xf32, #tpu.memory_space<vmem_shared>>
      %dma_start3A_37 = arith.constant 0 : i32
      %dma_start3A_38 = arith.constant 0 : i32
      %dma_start3A_39 = tpu.memref_slice %arg8[%dma_start3A_37, %dma_start3A_38] : memref<112x64xf32, #tpu.memory_space<vmem>> -> memref<112x64xf32, #tpu.memory_space<vmem>>
      tpu.enqueue_dma source(%dma_start3A_39 : memref<112x64xf32, #tpu.memory_space<vmem>>) target(%dma_start3A_36 : memref<112x64xf32, #tpu.memory_space<vmem_shared>>) target_semaphore(%run_scoped3A : memref<!tpu.dma_semaphore, #tpu.memory_space<semaphore_mem>>)
      %dma_wait3A = arith.constant 0 : i32
      %dma_wait3A_40 = arith.constant 0 : i32
      %dma_wait3A_41 = tpu.memref_slice %arg8[%dma_wait3A, %dma_wait3A_40] : memref<112x64xf32, #tpu.memory_space<vmem>> -> memref<112x64xf32, #tpu.memory_space<vmem>>
      %dma_wait3A_42 = arith.constant 0 : i32
      %dma_wait3A_43 = tpu.memref_slice %arg11[%add3A_9, %dma_wait3A_42] : memref<10112x64xf32, #tpu.memory_space<vmem_shared>> -> memref<112x64xf32, #tpu.memory_space<vmem_shared>>
      %dma_wait3A_44 = arith.constant 0 : i32
      %dma_wait3A_45 = tpu.memref_slice %arg11[%add3A_9, %dma_wait3A_44] : memref<10112x64xf32, #tpu.memory_space<vmem_shared>> -> memref<112x64xf32, #tpu.memory_space<vmem_shared>>
      %dma_wait3A_46 = arith.constant 0 : i32
      %dma_wait3A_47 = arith.constant 0 : i32
      %dma_wait3A_48 = tpu.memref_slice %arg8[%dma_wait3A_46, %dma_wait3A_47] : memref<112x64xf32, #tpu.memory_space<vmem>> -> memref<112x64xf32, #tpu.memory_space<vmem>>
      tpu.wait_dma2 semaphore(%run_scoped3A : memref<!tpu.dma_semaphore, #tpu.memory_space<semaphore_mem>>) src(%dma_wait3A_48 : memref<112x64xf32, #tpu.memory_space<vmem>>) dst(%dma_wait3A_45 : memref<112x64xf32, #tpu.memory_space<vmem_shared>>)
      tpu.yield
    }) : () -> ()
    %add3A_10 = arith.constant 112 : i32
    %add3A_11 = arith.addi %mul3A_8, %add3A_10 : i32
    "tpu.region"() ({
      %run_scoped3A = tpu.sem_alloc : memref<!tpu.dma_semaphore, #tpu.memory_space<semaphore_mem>>
      %dma_start3A = arith.constant 0 : i32
      %dma_start3A_31 = arith.constant 0 : i32
      %dma_start3A_32 = tpu.memref_slice %arg8[%dma_start3A, %dma_start3A_31] : memref<112x64xf32, #tpu.memory_space<vmem>> -> memref<112x64xf32, #tpu.memory_space<vmem>>
      %dma_start3A_33 = arith.constant 0 : i32
      %dma_start3A_34 = tpu.memref_slice %arg11[%add3A_11, %dma_start3A_33] : memref<10112x64xf32, #tpu.memory_space<vmem_shared>> -> memref<112x64xf32, #tpu.memory_space<vmem_shared>>
      %dma_start3A_35 = arith.constant 0 : i32
      %dma_start3A_36 = tpu.memref_slice %arg11[%add3A_11, %dma_start3A_35] : memref<10112x64xf32, #tpu.memory_space<vmem_shared>> -> memref<112x64xf32, #tpu.memory_space<vmem_shared>>
      %dma_start3A_37 = arith.constant 0 : i32
      %dma_start3A_38 = arith.constant 0 : i32
      %dma_start3A_39 = tpu.memref_slice %arg8[%dma_start3A_37, %dma_start3A_38] : memref<112x64xf32, #tpu.memory_space<vmem>> -> memref<112x64xf32, #tpu.memory_space<vmem>>
      tpu.enqueue_dma source(%dma_start3A_39 : memref<112x64xf32, #tpu.memory_space<vmem>>) target(%dma_start3A_36 : memref<112x64xf32, #tpu.memory_space<vmem_shared>>) target_semaphore(%run_scoped3A : memref<!tpu.dma_semaphore, #tpu.memory_space<semaphore_mem>>)
      %dma_wait3A = arith.constant 0 : i32
      %dma_wait3A_40 = arith.constant 0 : i32
      %dma_wait3A_41 = tpu.memref_slice %arg8[%dma_wait3A, %dma_wait3A_40] : memref<112x64xf32, #tpu.memory_space<vmem>> -> memref<112x64xf32, #tpu.memory_space<vmem>>
      %dma_wait3A_42 = arith.constant 0 : i32
      %dma_wait3A_43 = tpu.memref_slice %arg11[%add3A_11, %dma_wait3A_42] : memref<10112x64xf32, #tpu.memory_space<vmem_shared>> -> memref<112x64xf32, #tpu.memory_space<vmem_shared>>
      %dma_wait3A_44 = arith.constant 0 : i32
      %dma_wait3A_45 = tpu.memref_slice %arg11[%add3A_11, %dma_wait3A_44] : memref<10112x64xf32, #tpu.memory_space<vmem_shared>> -> memref<112x64xf32, #tpu.memory_space<vmem_shared>>
      %dma_wait3A_46 = arith.constant 0 : i32
      %dma_wait3A_47 = arith.constant 0 : i32
      %dma_wait3A_48 = tpu.memref_slice %arg8[%dma_wait3A_46, %dma_wait3A_47] : memref<112x64xf32, #tpu.memory_space<vmem>> -> memref<112x64xf32, #tpu.memory_space<vmem>>
      tpu.wait_dma2 semaphore(%run_scoped3A : memref<!tpu.dma_semaphore, #tpu.memory_space<semaphore_mem>>) src(%dma_wait3A_48 : memref<112x64xf32, #tpu.memory_space<vmem>>) dst(%dma_wait3A_45 : memref<112x64xf32, #tpu.memory_space<vmem_shared>>)
      tpu.yield
    }) : () -> ()
    %add3A_12 = arith.constant 224 : i32
    %add3A_13 = arith.addi %mul3A_8, %add3A_12 : i32
    "tpu.region"() ({
      %run_scoped3A = tpu.sem_alloc : memref<!tpu.dma_semaphore, #tpu.memory_space<semaphore_mem>>
      %dma_start3A = arith.constant 0 : i32
      %dma_start3A_31 = arith.constant 0 : i32
      %dma_start3A_32 = tpu.memref_slice %arg8[%dma_start3A, %dma_start3A_31] : memref<112x64xf32, #tpu.memory_space<vmem>> -> memref<112x64xf32, #tpu.memory_space<vmem>>
      %dma_start3A_33 = arith.constant 0 : i32
      %dma_start3A_34 = tpu.memref_slice %arg11[%add3A_13, %dma_start3A_33] : memref<10112x64xf32, #tpu.memory_space<vmem_shared>> -> memref<112x64xf32, #tpu.memory_space<vmem_shared>>
      %dma_start3A_35 = arith.constant 0 : i32
      %dma_start3A_36 = tpu.memref_slice %arg11[%add3A_13, %dma_start3A_35] : memref<10112x64xf32, #tpu.memory_space<vmem_shared>> -> memref<112x64xf32, #tpu.memory_space<vmem_shared>>
      %dma_start3A_37 = arith.constant 0 : i32
      %dma_start3A_38 = arith.constant 0 : i32
      %dma_start3A_39 = tpu.memref_slice %arg8[%dma_start3A_37, %dma_start3A_38] : memref<112x64xf32, #tpu.memory_space<vmem>> -> memref<112x64xf32, #tpu.memory_space<vmem>>
      tpu.enqueue_dma source(%dma_start3A_39 : memref<112x64xf32, #tpu.memory_space<vmem>>) target(%dma_start3A_36 : memref<112x64xf32, #tpu.memory_space<vmem_shared>>) target_semaphore(%run_scoped3A : memref<!tpu.dma_semaphore, #tpu.memory_space<semaphore_mem>>)
      %dma_wait3A = arith.constant 0 : i32
      %dma_wait3A_40 = arith.constant 0 : i32
      %dma_wait3A_41 = tpu.memref_slice %arg8[%dma_wait3A, %dma_wait3A_40] : memref<112x64xf32, #tpu.memory_space<vmem>> -> memref<112x64xf32, #tpu.memory_space<vmem>>
      %dma_wait3A_42 = arith.constant 0 : i32
      %dma_wait3A_43 = tpu.memref_slice %arg11[%add3A_13, %dma_wait3A_42] : memref<10112x64xf32, #tpu.memory_space<vmem_shared>> -> memref<112x64xf32, #tpu.memory_space<vmem_shared>>
      %dma_wait3A_44 = arith.constant 0 : i32
      %dma_wait3A_45 = tpu.memref_slice %arg11[%add3A_13, %dma_wait3A_44] : memref<10112x64xf32, #tpu.memory_space<vmem_shared>> -> memref<112x64xf32, #tpu.memory_space<vmem_shared>>
      %dma_wait3A_46 = arith.constant 0 : i32
      %dma_wait3A_47 = arith.constant 0 : i32
      %dma_wait3A_48 = tpu.memref_slice %arg8[%dma_wait3A_46, %dma_wait3A_47] : memref<112x64xf32, #tpu.memory_space<vmem>> -> memref<112x64xf32, #tpu.memory_space<vmem>>
      tpu.wait_dma2 semaphore(%run_scoped3A : memref<!tpu.dma_semaphore, #tpu.memory_space<semaphore_mem>>) src(%dma_wait3A_48 : memref<112x64xf32, #tpu.memory_space<vmem>>) dst(%dma_wait3A_45 : memref<112x64xf32, #tpu.memory_space<vmem_shared>>)
      tpu.yield
    }) : () -> ()
    %add3A_14 = arith.constant 336 : i32
    %add3A_15 = arith.addi %mul3A_8, %add3A_14 : i32
    "tpu.region"() ({
      %run_scoped3A = tpu.sem_alloc : memref<!tpu.dma_semaphore, #tpu.memory_space<semaphore_mem>>
      %dma_start3A = arith.constant 0 : i32
      %dma_start3A_31 = arith.constant 0 : i32
      %dma_start3A_32 = tpu.memref_slice %arg8[%dma_start3A, %dma_start3A_31] : memref<112x64xf32, #tpu.memory_space<vmem>> -> memref<112x64xf32, #tpu.memory_space<vmem>>
      %dma_start3A_33 = arith.constant 0 : i32
      %dma_start3A_34 = tpu.memref_slice %arg11[%add3A_15, %dma_start3A_33] : memref<10112x64xf32, #tpu.memory_space<vmem_shared>> -> memref<112x64xf32, #tpu.memory_space<vmem_shared>>
      %dma_start3A_35 = arith.constant 0 : i32
      %dma_start3A_36 = tpu.memref_slice %arg11[%add3A_15, %dma_start3A_35] : memref<10112x64xf32, #tpu.memory_space<vmem_shared>> -> memref<112x64xf32, #tpu.memory_space<vmem_shared>>
      %dma_start3A_37 = arith.constant 0 : i32
      %dma_start3A_38 = arith.constant 0 : i32
      %dma_start3A_39 = tpu.memref_slice %arg8[%dma_start3A_37, %dma_start3A_38] : memref<112x64xf32, #tpu.memory_space<vmem>> -> memref<112x64xf32, #tpu.memory_space<vmem>>
      tpu.enqueue_dma source(%dma_start3A_39 : memref<112x64xf32, #tpu.memory_space<vmem>>) target(%dma_start3A_36 : memref<112x64xf32, #tpu.memory_space<vmem_shared>>) target_semaphore(%run_scoped3A : memref<!tpu.dma_semaphore, #tpu.memory_space<semaphore_mem>>)
      %dma_wait3A = arith.constant 0 : i32
      %dma_wait3A_40 = arith.constant 0 : i32
      %dma_wait3A_41 = tpu.memref_slice %arg8[%dma_wait3A, %dma_wait3A_40] : memref<112x64xf32, #tpu.memory_space<vmem>> -> memref<112x64xf32, #tpu.memory_space<vmem>>
      %dma_wait3A_42 = arith.constant 0 : i32
      %dma_wait3A_43 = tpu.memref_slice %arg11[%add3A_15, %dma_wait3A_42] : memref<10112x64xf32, #tpu.memory_space<vmem_shared>> -> memref<112x64xf32, #tpu.memory_space<vmem_shared>>
      %dma_wait3A_44 = arith.constant 0 : i32
      %dma_wait3A_45 = tpu.memref_slice %arg11[%add3A_15, %dma_wait3A_44] : memref<10112x64xf32, #tpu.memory_space<vmem_shared>> -> memref<112x64xf32, #tpu.memory_space<vmem_shared>>
      %dma_wait3A_46 = arith.constant 0 : i32
      %dma_wait3A_47 = arith.constant 0 : i32
      %dma_wait3A_48 = tpu.memref_slice %arg8[%dma_wait3A_46, %dma_wait3A_47] : memref<112x64xf32, #tpu.memory_space<vmem>> -> memref<112x64xf32, #tpu.memory_space<vmem>>
      tpu.wait_dma2 semaphore(%run_scoped3A : memref<!tpu.dma_semaphore, #tpu.memory_space<semaphore_mem>>) src(%dma_wait3A_48 : memref<112x64xf32, #tpu.memory_space<vmem>>) dst(%dma_wait3A_45 : memref<112x64xf32, #tpu.memory_space<vmem_shared>>)
      tpu.yield
    }) : () -> ()
    %add3A_16 = arith.constant 448 : i32
    %add3A_17 = arith.addi %mul3A_8, %add3A_16 : i32
    "tpu.region"() ({
      %run_scoped3A = tpu.sem_alloc : memref<!tpu.dma_semaphore, #tpu.memory_space<semaphore_mem>>
      %dma_start3A = arith.constant 0 : i32
      %dma_start3A_31 = arith.constant 0 : i32
      %dma_start3A_32 = tpu.memref_slice %arg8[%dma_start3A, %dma_start3A_31] : memref<112x64xf32, #tpu.memory_space<vmem>> -> memref<112x64xf32, #tpu.memory_space<vmem>>
      %dma_start3A_33 = arith.constant 0 : i32
      %dma_start3A_34 = tpu.memref_slice %arg11[%add3A_17, %dma_start3A_33] : memref<10112x64xf32, #tpu.memory_space<vmem_shared>> -> memref<112x64xf32, #tpu.memory_space<vmem_shared>>
      %dma_start3A_35 = arith.constant 0 : i32
      %dma_start3A_36 = tpu.memref_slice %arg11[%add3A_17, %dma_start3A_35] : memref<10112x64xf32, #tpu.memory_space<vmem_shared>> -> memref<112x64xf32, #tpu.memory_space<vmem_shared>>
      %dma_start3A_37 = arith.constant 0 : i32
      %dma_start3A_38 = arith.constant 0 : i32
      %dma_start3A_39 = tpu.memref_slice %arg8[%dma_start3A_37, %dma_start3A_38] : memref<112x64xf32, #tpu.memory_space<vmem>> -> memref<112x64xf32, #tpu.memory_space<vmem>>
      tpu.enqueue_dma source(%dma_start3A_39 : memref<112x64xf32, #tpu.memory_space<vmem>>) target(%dma_start3A_36 : memref<112x64xf32, #tpu.memory_space<vmem_shared>>) target_semaphore(%run_scoped3A : memref<!tpu.dma_semaphore, #tpu.memory_space<semaphore_mem>>)
      %dma_wait3A = arith.constant 0 : i32
      %dma_wait3A_40 = arith.constant 0 : i32
      %dma_wait3A_41 = tpu.memref_slice %arg8[%dma_wait3A, %dma_wait3A_40] : memref<112x64xf32, #tpu.memory_space<vmem>> -> memref<112x64xf32, #tpu.memory_space<vmem>>
      %dma_wait3A_42 = arith.constant 0 : i32
      %dma_wait3A_43 = tpu.memref_slice %arg11[%add3A_17, %dma_wait3A_42] : memref<10112x64xf32, #tpu.memory_space<vmem_shared>> -> memref<112x64xf32, #tpu.memory_space<vmem_shared>>
      %dma_wait3A_44 = arith.constant 0 : i32
      %dma_wait3A_45 = tpu.memref_slice %arg11[%add3A_17, %dma_wait3A_44] : memref<10112x64xf32, #tpu.memory_space<vmem_shared>> -> memref<112x64xf32, #tpu.memory_space<vmem_shared>>
      %dma_wait3A_46 = arith.constant 0 : i32
      %dma_wait3A_47 = arith.constant 0 : i32
      %dma_wait3A_48 = tpu.memref_slice %arg8[%dma_wait3A_46, %dma_wait3A_47] : memref<112x64xf32, #tpu.memory_space<vmem>> -> memref<112x64xf32, #tpu.memory_space<vmem>>
      tpu.wait_dma2 semaphore(%run_scoped3A : memref<!tpu.dma_semaphore, #tpu.memory_space<semaphore_mem>>) src(%dma_wait3A_48 : memref<112x64xf32, #tpu.memory_space<vmem>>) dst(%dma_wait3A_45 : memref<112x64xf32, #tpu.memory_space<vmem_shared>>)
      tpu.yield
    }) : () -> ()
    %add3A_18 = arith.constant 560 : i32
    %add3A_19 = arith.addi %mul3A_8, %add3A_18 : i32
    "tpu.region"() ({
      %run_scoped3A = tpu.sem_alloc : memref<!tpu.dma_semaphore, #tpu.memory_space<semaphore_mem>>
      %dma_start3A = arith.constant 0 : i32
      %dma_start3A_31 = arith.constant 0 : i32
      %dma_start3A_32 = tpu.memref_slice %arg8[%dma_start3A, %dma_start3A_31] : memref<112x64xf32, #tpu.memory_space<vmem>> -> memref<72x64xf32, #tpu.memory_space<vmem>>
      %dma_start3A_33 = arith.constant 0 : i32
      %dma_start3A_34 = tpu.memref_slice %arg11[%add3A_19, %dma_start3A_33] : memref<10112x64xf32, #tpu.memory_space<vmem_shared>> -> memref<72x64xf32, #tpu.memory_space<vmem_shared>>
      %dma_start3A_35 = arith.constant 0 : i32
      %dma_start3A_36 = tpu.memref_slice %arg11[%add3A_19, %dma_start3A_35] : memref<10112x64xf32, #tpu.memory_space<vmem_shared>> -> memref<72x64xf32, #tpu.memory_space<vmem_shared>>
      %dma_start3A_37 = arith.constant 0 : i32
      %dma_start3A_38 = arith.constant 0 : i32
      %dma_start3A_39 = tpu.memref_slice %arg8[%dma_start3A_37, %dma_start3A_38] : memref<112x64xf32, #tpu.memory_space<vmem>> -> memref<72x64xf32, #tpu.memory_space<vmem>>
      tpu.enqueue_dma source(%dma_start3A_39 : memref<72x64xf32, #tpu.memory_space<vmem>>) target(%dma_start3A_36 : memref<72x64xf32, #tpu.memory_space<vmem_shared>>) target_semaphore(%run_scoped3A : memref<!tpu.dma_semaphore, #tpu.memory_space<semaphore_mem>>)
      %dma_wait3A = arith.constant 0 : i32
      %dma_wait3A_40 = arith.constant 0 : i32
      %dma_wait3A_41 = tpu.memref_slice %arg8[%dma_wait3A, %dma_wait3A_40] : memref<112x64xf32, #tpu.memory_space<vmem>> -> memref<72x64xf32, #tpu.memory_space<vmem>>
      %dma_wait3A_42 = arith.constant 0 : i32
      %dma_wait3A_43 = tpu.memref_slice %arg11[%add3A_19, %dma_wait3A_42] : memref<10112x64xf32, #tpu.memory_space<vmem_shared>> -> memref<72x64xf32, #tpu.memory_space<vmem_shared>>
      %dma_wait3A_44 = arith.constant 0 : i32
      %dma_wait3A_45 = tpu.memref_slice %arg11[%add3A_19, %dma_wait3A_44] : memref<10112x64xf32, #tpu.memory_space<vmem_shared>> -> memref<72x64xf32, #tpu.memory_space<vmem_shared>>
      %dma_wait3A_46 = arith.constant 0 : i32
      %dma_wait3A_47 = arith.constant 0 : i32
      %dma_wait3A_48 = tpu.memref_slice %arg8[%dma_wait3A_46, %dma_wait3A_47] : memref<112x64xf32, #tpu.memory_space<vmem>> -> memref<72x64xf32, #tpu.memory_space<vmem>>
      tpu.wait_dma2 semaphore(%run_scoped3A : memref<!tpu.dma_semaphore, #tpu.memory_space<semaphore_mem>>) src(%dma_wait3A_48 : memref<72x64xf32, #tpu.memory_space<vmem>>) dst(%dma_wait3A_45 : memref<72x64xf32, #tpu.memory_space<vmem_shared>>)
      tpu.yield
    }) : () -> ()
    %barrier3A = arith.constant 0 : index
    tpu.barrier barrier_id(%barrier3A)
    %scan3A_20 = arith.constant 0 : i32
    %scan3A_21 = arith.constant 0 : i32
    %scan3A_22 = arith.constant 6 : i32
    %scan3A_23 = arith.addi %scan3A_21, %scan3A_22 : i32
    %scan3A_24 = arith.constant 1 : i32
    %scan3A_25 = scf.for %scan3A_31 = %scan3A_21 to %scan3A_23 step %scan3A_24 iter_args(%scan3A_32 = %scan3A_20) -> (i32)  : i32 {
      %mul3A_33 = arith.constant 180 : i32
      %mul3A_34 = arith.muli %arg1, %mul3A_33 : i32
      %mul3A_35 = arith.constant 30 : i32
      %mul3A_36 = arith.muli %scan3A_31, %mul3A_35 : i32
      %add3A_37 = arith.addi %mul3A_34, %mul3A_36 : i32
      "tpu.region"() ({
        %run_scoped3A = tpu.sem_alloc : memref<!tpu.dma_semaphore, #tpu.memory_space<semaphore_mem>>
        %dma_start3A_854 = arith.constant 0 : i32
        %dma_start3A_855 = tpu.memref_slice %arg3[%add3A_37, %dma_start3A_854] : memref<2880x112xi32, #tpu.memory_space<hbm>> -> memref<30x112xi32, #tpu.memory_space<hbm>>
        %dma_start3A_856 = arith.constant 0 : i32
        %dma_start3A_857 = tpu.memref_slice %arg3[%add3A_37, %dma_start3A_856] : memref<2880x112xi32, #tpu.memory_space<hbm>> -> memref<30x112xi32, #tpu.memory_space<hbm>>
        tpu.enqueue_dma source(%dma_start3A_857 : memref<30x112xi32, #tpu.memory_space<hbm>>) target(%arg6 : memref<30x112xi32, #tpu.memory_space<vmem>>) target_semaphore(%run_scoped3A : memref<!tpu.dma_semaphore, #tpu.memory_space<semaphore_mem>>)
        %dma_wait3A_858 = arith.constant 0 : i32
        %dma_wait3A_859 = tpu.memref_slice %arg3[%add3A_37, %dma_wait3A_858] : memref<2880x112xi32, #tpu.memory_space<hbm>> -> memref<30x112xi32, #tpu.memory_space<hbm>>
        %dma_wait3A_860 = arith.constant 0 : i32
        %dma_wait3A_861 = tpu.memref_slice %arg3[%add3A_37, %dma_wait3A_860] : memref<2880x112xi32, #tpu.memory_space<hbm>> -> memref<30x112xi32, #tpu.memory_space<hbm>>
        tpu.wait_dma2 semaphore(%run_scoped3A : memref<!tpu.dma_semaphore, #tpu.memory_space<semaphore_mem>>) src(%dma_wait3A_861 : memref<30x112xi32, #tpu.memory_space<hbm>>) dst(%arg6 : memref<30x112xi32, #tpu.memory_space<vmem>>)
        tpu.yield
      }) : () -> ()
      "tpu.region"() ({
        %run_scoped3A = tpu.sem_alloc : memref<!tpu.dma_semaphore, #tpu.memory_space<semaphore_mem>>
        %dma_start3A_854 = arith.constant 0 : i32
        %dma_start3A_855 = tpu.memref_slice %arg4[%add3A_37, %dma_start3A_854] : memref<2880x112xi32, #tpu.memory_space<hbm>> -> memref<30x112xi32, #tpu.memory_space<hbm>>
        %dma_start3A_856 = arith.constant 0 : i32
        %dma_start3A_857 = tpu.memref_slice %arg4[%add3A_37, %dma_start3A_856] : memref<2880x112xi32, #tpu.memory_space<hbm>> -> memref<30x112xi32, #tpu.memory_space<hbm>>
        tpu.enqueue_dma source(%dma_start3A_857 : memref<30x112xi32, #tpu.memory_space<hbm>>) target(%arg7 : memref<30x112xi32, #tpu.memory_space<vmem>>) target_semaphore(%run_scoped3A : memref<!tpu.dma_semaphore, #tpu.memory_space<semaphore_mem>>)
        %dma_wait3A_858 = arith.constant 0 : i32
        %dma_wait3A_859 = tpu.memref_slice %arg4[%add3A_37, %dma_wait3A_858] : memref<2880x112xi32, #tpu.memory_space<hbm>> -> memref<30x112xi32, #tpu.memory_space<hbm>>
        %dma_wait3A_860 = arith.constant 0 : i32
        %dma_wait3A_861 = tpu.memref_slice %arg4[%add3A_37, %dma_wait3A_860] : memref<2880x112xi32, #tpu.memory_space<hbm>> -> memref<30x112xi32, #tpu.memory_space<hbm>>
        tpu.wait_dma2 semaphore(%run_scoped3A : memref<!tpu.dma_semaphore, #tpu.memory_space<semaphore_mem>>) src(%dma_wait3A_861 : memref<30x112xi32, #tpu.memory_space<hbm>>) dst(%arg7 : memref<30x112xi32, #tpu.memory_space<vmem>>)
        tpu.yield
      }) : () -> ()
      %scan3A_38 = arith.constant 0 : i32
      %scan3A_39 = arith.constant 0 : i32
      %scan3A_40 = arith.constant 210 : i32
      %scan3A_41 = arith.addi %scan3A_39, %scan3A_40 : i32
      %scan3A_42 = arith.constant 1 : i32
      %scan3A_43 = scf.for %scan3A_854 = %scan3A_39 to %scan3A_41 step %scan3A_42 iter_args(%scan3A_855 = %scan3A_38) -> (i32)  : i32 {
        %jit3A = arith.constant 7 : i32
        %div3A = arith.divsi %scan3A_854, %jit3A : i32
        %sign3A = arith.constant 0 : i32
        %sign3A_856 = arith.cmpi sgt, %scan3A_854, %sign3A : i32
        %sign3A_857 = arith.extui %sign3A_856 : i1 to i32
        %sign3A_858 = arith.constant 0 : i32
        %sign3A_859 = arith.cmpi slt, %scan3A_854, %sign3A_858 : i32
        %sign3A_860 = arith.extui %sign3A_859 : i1 to i32
        %sign3A_861 = arith.subi %sign3A_857, %sign3A_860 : i32
        %sign3A_862 = arith.constant 0 : i32
        %sign3A_863 = arith.cmpi sgt, %jit3A, %sign3A_862 : i32
        %sign3A_864 = arith.extui %sign3A_863 : i1 to i32
        %sign3A_865 = arith.constant 0 : i32
        %sign3A_866 = arith.cmpi slt, %jit3A, %sign3A_865 : i32
        %sign3A_867 = arith.extui %sign3A_866 : i1 to i32
        %sign3A_868 = arith.subi %sign3A_864, %sign3A_867 : i32
        %ne3A = arith.cmpi ne, %sign3A_861, %sign3A_868 : i32
        %rem3A = arith.remsi %scan3A_854, %jit3A : i32
        %ne3A_869 = arith.constant 0 : i32
        %ne3A_870 = arith.cmpi ne, %rem3A, %ne3A_869 : i32
        %and3A = arith.andi %ne3A, %ne3A_870 : i1
        %sub3A = arith.constant 1 : i32
        %sub3A_871 = arith.subi %div3A, %sub3A : i32
        %select_n3A = arith.select %and3A, %sub3A_871, %div3A : i32
        %jit3A_872 = arith.constant 7 : i32
        %eq3A = arith.constant 0 : i32
        %eq3A_873 = arith.cmpi eq, %jit3A_872, %eq3A : i32
        %jit3A_874 = arith.constant 1 : i32
        %select_n3A_875 = arith.select %eq3A_873, %jit3A_874, %jit3A_872 : i32
        %rem3A_876 = arith.remsi %scan3A_854, %select_n3A_875 : i32
        %ne3A_877 = arith.constant 0 : i32
        %ne3A_878 = arith.cmpi ne, %rem3A_876, %ne3A_877 : i32
        %lt3A = arith.constant 0 : i32
        %lt3A_879 = arith.cmpi slt, %rem3A_876, %lt3A : i32
        %lt3A_880 = arith.constant 0 : i32
        %lt3A_881 = arith.cmpi slt, %select_n3A_875, %lt3A_880 : i32
        %ne3A_882 = arith.xori %lt3A_879, %lt3A_881 : i1
        %and3A_883 = arith.andi %ne3A_882, %ne3A_878 : i1
        %add3A_884 = arith.addi %rem3A_876, %select_n3A_875 : i32
        %select_n3A_885 = arith.select %and3A_883, %add3A_884, %rem3A_876 : i32
        %mul3A_886 = arith.constant 16 : i32
        %mul3A_887 = arith.muli %select_n3A_885, %mul3A_886 : i32
        %get3A = arith.index_cast %select_n3A : i32 to index
        %get3A_888 = arith.index_cast %mul3A_887 : i32 to index
        %get3A_889 = tpu.vector_load %arg6[%get3A, %get3A_888] {strides = array<i32>} : memref<30x112xi32, #tpu.memory_space<vmem>>, vector<16xi32>,
        %add3A_890 = vector.broadcast %mul3A_0 : i32 to vector<16xi32>
        %add3A_891 = arith.addi %get3A_889, %add3A_890 : vector<16xi32>
        %mul3A_892 = arith.constant 16 : i32
        %mul3A_893 = arith.muli %select_n3A_885, %mul3A_892 : i32
        %swap3A = arith.index_cast %select_n3A : i32 to index
        %swap3A_894 = arith.index_cast %mul3A_893 : i32 to index
        %swap3A_895 = tpu.vector_load %arg6[%swap3A, %swap3A_894] {strides = array<i32>} : memref<30x112xi32, #tpu.memory_space<vmem>>, vector<16xi32>,
        tpu.vector_store %arg6[%swap3A, %swap3A_894], %add3A_891 {strides = array<i32>} : memref<30x112xi32, #tpu.memory_space<vmem>>, vector<16xi32>,
        %scan3A_896 = arith.constant 0 : i32
        scf.yield %scan3A_896 : i32
      }
      %scan3A_44 = arith.constant 210 : i32
      %dma_start3A = arith.constant 0 : i32
      %dma_start3A_45 = arith.constant 0 : i32
      %dma_start3A_46 = tpu.memref_slice %arg6[%dma_start3A, %dma_start3A_45] : memref<30x112xi32, #tpu.memory_space<vmem>> -> memref<1x112xi32, #tpu.memory_space<vmem>>
      %dma_start3A_47 = tpu.memref_squeeze %dma_start3A_46 : memref<1x112xi32, #tpu.memory_space<vmem>> -> memref<112xi32, #tpu.memory_space<vmem>>
      %dma_start3A_48 = arith.constant 0 : i32
      %dma_start3A_49 = arith.constant 0 : i32
      %dma_start3A_50 = tpu.memref_slice %arg2[%dma_start3A_48, %dma_start3A_49] : memref<20224x64xf32, #tpu.memory_space<hbm>> -> memref<20224x64xf32, #tpu.memory_space<hbm>>
      tpu.enqueue_indirect_dma source(%dma_start3A_50 : memref<20224x64xf32, #tpu.memory_space<hbm>>) target(%arg8 : memref<112x64xf32, #tpu.memory_space<vmem>>) offsets(%dma_start3A_47 : memref<112xi32, #tpu.memory_space<vmem>>) semaphore(%arg12 : memref<!tpu.dma_semaphore, #tpu.memory_space<semaphore_mem>>)
      %dma_start3A_51 = arith.constant 1 : i32
      %dma_start3A_52 = arith.constant 0 : i32
      %dma_start3A_53 = tpu.memref_slice %arg6[%dma_start3A_51, %dma_start3A_52] : memref<30x112xi32, #tpu.memory_space<vmem>> -> memref<1x112xi32, #tpu.memory_space<vmem>>
      %dma_start3A_54 = tpu.memref_squeeze %dma_start3A_53 : memref<1x112xi32, #tpu.memory_space<vmem>> -> memref<112xi32, #tpu.memory_space<vmem>>
      %dma_start3A_55 = arith.constant 0 : i32
      %dma_start3A_56 = arith.constant 0 : i32
      %dma_start3A_57 = tpu.memref_slice %arg2[%dma_start3A_55, %dma_start3A_56] : memref<20224x64xf32, #tpu.memory_space<hbm>> -> memref<20224x64xf32, #tpu.memory_space<hbm>>
      tpu.enqueue_indirect_dma source(%dma_start3A_57 : memref<20224x64xf32, #tpu.memory_space<hbm>>) target(%arg9 : memref<112x64xf32, #tpu.memory_space<vmem>>) offsets(%dma_start3A_54 : memref<112xi32, #tpu.memory_space<vmem>>) semaphore(%arg13 : memref<!tpu.dma_semaphore, #tpu.memory_space<semaphore_mem>>)
      %dma_wait3A = arith.constant 0 : i32
      %dma_wait3A_58 = arith.constant 0 : i32
      %dma_wait3A_59 = tpu.memref_slice %arg2[%dma_wait3A, %dma_wait3A_58] : memref<20224x64xf32, #tpu.memory_space<hbm>> -> memref<112x64xf32, #tpu.memory_space<hbm>>
      %dma_wait3A_60 = arith.constant 0 : i32
      %dma_wait3A_61 = arith.constant 0 : i32
      %dma_wait3A_62 = tpu.memref_slice %arg2[%dma_wait3A_60, %dma_wait3A_61] : memref<20224x64xf32, #tpu.memory_space<hbm>> -> memref<112x64xf32, #tpu.memory_space<hbm>>
      tpu.wait_dma2 semaphore(%arg12 : memref<!tpu.dma_semaphore, #tpu.memory_space<semaphore_mem>>) src(%dma_wait3A_62 : memref<112x64xf32, #tpu.memory_space<hbm>>) dst(%arg8 : memref<112x64xf32, #tpu.memory_space<vmem>>)
      %dma_start3A_63 = arith.constant 0 : i32
      %dma_start3A_64 = arith.constant 0 : i32
      %dma_start3A_65 = tpu.memref_slice %arg7[%dma_start3A_63, %dma_start3A_64] : memref<30x112xi32, #tpu.memory_space<vmem>> -> memref<1x112xi32, #tpu.memory_space<vmem>>
      %dma_start3A_66 = tpu.memref_squeeze %dma_start3A_65 : memref<1x112xi32, #tpu.memory_space<vmem>> -> memref<112xi32, #tpu.memory_space<vmem>>
      %dma_start3A_67 = arith.constant 0 : i32
      %dma_start3A_68 = arith.constant 0 : i32
      %dma_start3A_69 = tpu.memref_slice %arg11[%dma_start3A_67, %dma_start3A_68] : memref<10112x64xf32, #tpu.memory_space<vmem_shared>> -> memref<10112x64xf32, #tpu.memory_space<vmem_shared>>
      tpu.enqueue_indirect_dma source(%arg8 : memref<112x64xf32, #tpu.memory_space<vmem>>) target(%dma_start3A_69 : memref<10112x64xf32, #tpu.memory_space<vmem_shared>>) offsets(%dma_start3A_66 : memref<112xi32, #tpu.memory_space<vmem>>) semaphore(%arg15 : memref<!tpu.dma_semaphore, #tpu.memory_space<semaphore_mem>>) {add = true}
      %dma_start3A_70 = arith.constant 2 : i32
      %dma_start3A_71 = arith.constant 0 : i32
      %dma_start3A_72 = tpu.memref_slice %arg6[%dma_start3A_70, %dma_start3A_71] : memref<30x112xi32, #tpu.memory_space<vmem>> -> memref<1x112xi32, #tpu.memory_space<vmem>>
      %dma_start3A_73 = tpu.memref_squeeze %dma_start3A_72 : memref<1x112xi32, #tpu.memory_space<vmem>> -> memref<112xi32, #tpu.memory_space<vmem>>
      %dma_start3A_74 = arith.constant 0 : i32
      %dma_start3A_75 = arith.constant 0 : i32
      %dma_start3A_76 = tpu.memref_slice %arg2[%dma_start3A_74, %dma_start3A_75] : memref<20224x64xf32, #tpu.memory_space<hbm>> -> memref<20224x64xf32, #tpu.memory_space<hbm>>
      tpu.enqueue_indirect_dma source(%dma_start3A_76 : memref<20224x64xf32, #tpu.memory_space<hbm>>) target(%arg10 : memref<112x64xf32, #tpu.memory_space<vmem>>) offsets(%dma_start3A_73 : memref<112xi32, #tpu.memory_space<vmem>>) semaphore(%arg14 : memref<!tpu.dma_semaphore, #tpu.memory_space<semaphore_mem>>)
      %dma_wait3A_77 = arith.constant 0 : i32
      %dma_wait3A_78 = arith.constant 0 : i32
      %dma_wait3A_79 = tpu.memref_slice %arg2[%dma_wait3A_77, %dma_wait3A_78] : memref<20224x64xf32, #tpu.memory_space<hbm>> -> memref<112x64xf32, #tpu.memory_space<hbm>>
      %dma_wait3A_80 = arith.constant 0 : i32
      %dma_wait3A_81 = arith.constant 0 : i32
      %dma_wait3A_82 = tpu.memref_slice %arg2[%dma_wait3A_80, %dma_wait3A_81] : memref<20224x64xf32, #tpu.memory_space<hbm>> -> memref<112x64xf32, #tpu.memory_space<hbm>>
      tpu.wait_dma2 semaphore(%arg13 : memref<!tpu.dma_semaphore, #tpu.memory_space<semaphore_mem>>) src(%dma_wait3A_82 : memref<112x64xf32, #tpu.memory_space<hbm>>) dst(%arg9 : memref<112x64xf32, #tpu.memory_space<vmem>>)
      %dma_start3A_83 = arith.constant 1 : i32
      %dma_start3A_84 = arith.constant 0 : i32
      %dma_start3A_85 = tpu.memref_slice %arg7[%dma_start3A_83, %dma_start3A_84] : memref<30x112xi32, #tpu.memory_space<vmem>> -> memref<1x112xi32, #tpu.memory_space<vmem>>
      %dma_start3A_86 = tpu.memref_squeeze %dma_start3A_85 : memref<1x112xi32, #tpu.memory_space<vmem>> -> memref<112xi32, #tpu.memory_space<vmem>>
      %dma_start3A_87 = arith.constant 0 : i32
      %dma_start3A_88 = arith.constant 0 : i32
      %dma_start3A_89 = tpu.memref_slice %arg11[%dma_start3A_87, %dma_start3A_88] : memref<10112x64xf32, #tpu.memory_space<vmem_shared>> -> memref<10112x64xf32, #tpu.memory_space<vmem_shared>>
      tpu.enqueue_indirect_dma source(%arg9 : memref<112x64xf32, #tpu.memory_space<vmem>>) target(%dma_start3A_89 : memref<10112x64xf32, #tpu.memory_space<vmem_shared>>) offsets(%dma_start3A_86 : memref<112xi32, #tpu.memory_space<vmem>>) semaphore(%arg15 : memref<!tpu.dma_semaphore, #tpu.memory_space<semaphore_mem>>) {add = true}
      %dma_wait3A_90 = arith.constant 0 : i32
      %dma_wait3A_91 = arith.constant 0 : i32
      %dma_wait3A_92 = tpu.memref_slice %arg7[%dma_wait3A_90, %dma_wait3A_91] : memref<30x112xi32, #tpu.memory_space<vmem>> -> memref<1x112xi32, #tpu.memory_space<vmem>>
      %dma_wait3A_93 = tpu.memref_squeeze %dma_wait3A_92 : memref<1x112xi32, #tpu.memory_space<vmem>> -> memref<112xi32, #tpu.memory_space<vmem>>
      %dma_wait3A_94 = arith.constant 0 : i32
      %dma_wait3A_95 = arith.constant 0 : i32
      %dma_wait3A_96 = tpu.memref_slice %arg11[%dma_wait3A_94, %dma_wait3A_95] : memref<10112x64xf32, #tpu.memory_space<vmem_shared>> -> memref<10112x64xf32, #tpu.memory_space<vmem_shared>>
      tpu.wait_indirect_dma semaphore(%arg15 : memref<!tpu.dma_semaphore, #tpu.memory_space<semaphore_mem>>) src(%arg8 : memref<112x64xf32, #tpu.memory_space<vmem>>) dst(%dma_wait3A_96 : memref<10112x64xf32, #tpu.memory_space<vmem_shared>>)
      %dma_start3A_97 = arith.constant 3 : i32
      %dma_start3A_98 = arith.constant 0 : i32
      %dma_start3A_99 = tpu.memref_slice %arg6[%dma_start3A_97, %dma_start3A_98] : memref<30x112xi32, #tpu.memory_space<vmem>> -> memref<1x112xi32, #tpu.memory_space<vmem>>
      %dma_start3A_100 = tpu.memref_squeeze %dma_start3A_99 : memref<1x112xi32, #tpu.memory_space<vmem>> -> memref<112xi32, #tpu.memory_space<vmem>>
      %dma_start3A_101 = arith.constant 0 : i32
      %dma_start3A_102 = arith.constant 0 : i32
      %dma_start3A_103 = tpu.memref_slice %arg2[%dma_start3A_101, %dma_start3A_102] : memref<20224x64xf32, #tpu.memory_space<hbm>> -> memref<20224x64xf32, #tpu.memory_space<hbm>>
      tpu.enqueue_indirect_dma source(%dma_start3A_103 : memref<20224x64xf32, #tpu.memory_space<hbm>>) target(%arg8 : memref<112x64xf32, #tpu.memory_space<vmem>>) offsets(%dma_start3A_100 : memref<112xi32, #tpu.memory_space<vmem>>) semaphore(%arg12 : memref<!tpu.dma_semaphore, #tpu.memory_space<semaphore_mem>>)
      %dma_wait3A_104 = arith.constant 0 : i32
      %dma_wait3A_105 = arith.constant 0 : i32
      %dma_wait3A_106 = tpu.memref_slice %arg2[%dma_wait3A_104, %dma_wait3A_105] : memref<20224x64xf32, #tpu.memory_space<hbm>> -> memref<112x64xf32, #tpu.memory_space<hbm>>
      %dma_wait3A_107 = arith.constant 0 : i32
      %dma_wait3A_108 = arith.constant 0 : i32
      %dma_wait3A_109 = tpu.memref_slice %arg2[%dma_wait3A_107, %dma_wait3A_108] : memref<20224x64xf32, #tpu.memory_space<hbm>> -> memref<112x64xf32, #tpu.memory_space<hbm>>
      tpu.wait_dma2 semaphore(%arg14 : memref<!tpu.dma_semaphore, #tpu.memory_space<semaphore_mem>>) src(%dma_wait3A_109 : memref<112x64xf32, #tpu.memory_space<hbm>>) dst(%arg10 : memref<112x64xf32, #tpu.memory_space<vmem>>)
      %dma_start3A_110 = arith.constant 2 : i32
      %dma_start3A_111 = arith.constant 0 : i32
      %dma_start3A_112 = tpu.memref_slice %arg7[%dma_start3A_110, %dma_start3A_111] : memref<30x112xi32, #tpu.memory_space<vmem>> -> memref<1x112xi32, #tpu.memory_space<vmem>>
      %dma_start3A_113 = tpu.memref_squeeze %dma_start3A_112 : memref<1x112xi32, #tpu.memory_space<vmem>> -> memref<112xi32, #tpu.memory_space<vmem>>
      %dma_start3A_114 = arith.constant 0 : i32
      %dma_start3A_115 = arith.constant 0 : i32
      %dma_start3A_116 = tpu.memref_slice %arg11[%dma_start3A_114, %dma_start3A_115] : memref<10112x64xf32, #tpu.memory_space<vmem_shared>> -> memref<10112x64xf32, #tpu.memory_space<vmem_shared>>
      tpu.enqueue_indirect_dma source(%arg10 : memref<112x64xf32, #tpu.memory_space<vmem>>) target(%dma_start3A_116 : memref<10112x64xf32, #tpu.memory_space<vmem_shared>>) offsets(%dma_start3A_113 : memref<112xi32, #tpu.memory_space<vmem>>) semaphore(%arg15 : memref<!tpu.dma_semaphore, #tpu.memory_space<semaphore_mem>>) {add = true}
      %dma_wait3A_117 = arith.constant 0 : i32
      %dma_wait3A_118 = arith.constant 0 : i32
      %dma_wait3A_119 = tpu.memref_slice %arg7[%dma_wait3A_117, %dma_wait3A_118] : memref<30x112xi32, #tpu.memory_space<vmem>> -> memref<1x112xi32, #tpu.memory_space<vmem>>
      %dma_wait3A_120 = tpu.memref_squeeze %dma_wait3A_119 : memref<1x112xi32, #tpu.memory_space<vmem>> -> memref<112xi32, #tpu.memory_space<vmem>>
      %dma_wait3A_121 = arith.constant 0 : i32
      %dma_wait3A_122 = arith.constant 0 : i32
      %dma_wait3A_123 = tpu.memref_slice %arg11[%dma_wait3A_121, %dma_wait3A_122] : memref<10112x64xf32, #tpu.memory_space<vmem_shared>> -> memref<10112x64xf32, #tpu.memory_space<vmem_shared>>
      tpu.wait_indirect_dma semaphore(%arg15 : memref<!tpu.dma_semaphore, #tpu.memory_space<semaphore_mem>>) src(%arg8 : memref<112x64xf32, #tpu.memory_space<vmem>>) dst(%dma_wait3A_123 : memref<10112x64xf32, #tpu.memory_space<vmem_shared>>)
      %dma_start3A_124 = arith.constant 4 : i32
      %dma_start3A_125 = arith.constant 0 : i32
      %dma_start3A_126 = tpu.memref_slice %arg6[%dma_start3A_124, %dma_start3A_125] : memref<30x112xi32, #tpu.memory_space<vmem>> -> memref<1x112xi32, #tpu.memory_space<vmem>>
      %dma_start3A_127 = tpu.memref_squeeze %dma_start3A_126 : memref<1x112xi32, #tpu.memory_space<vmem>> -> memref<112xi32, #tpu.memory_space<vmem>>
      %dma_start3A_128 = arith.constant 0 : i32
      %dma_start3A_129 = arith.constant 0 : i32
      %dma_start3A_130 = tpu.memref_slice %arg2[%dma_start3A_128, %dma_start3A_129] : memref<20224x64xf32, #tpu.memory_space<hbm>> -> memref<20224x64xf32, #tpu.memory_space<hbm>>
      tpu.enqueue_indirect_dma source(%dma_start3A_130 : memref<20224x64xf32, #tpu.memory_space<hbm>>) target(%arg9 : memref<112x64xf32, #tpu.memory_space<vmem>>) offsets(%dma_start3A_127 : memref<112xi32, #tpu.memory_space<vmem>>) semaphore(%arg13 : memref<!tpu.dma_semaphore, #tpu.memory_space<semaphore_mem>>)
      %dma_wait3A_131 = arith.constant 0 : i32
      %dma_wait3A_132 = arith.constant 0 : i32
      %dma_wait3A_133 = tpu.memref_slice %arg2[%dma_wait3A_131, %dma_wait3A_132] : memref<20224x64xf32, #tpu.memory_space<hbm>> -> memref<112x64xf32, #tpu.memory_space<hbm>>
      %dma_wait3A_134 = arith.constant 0 : i32
      %dma_wait3A_135 = arith.constant 0 : i32
      %dma_wait3A_136 = tpu.memref_slice %arg2[%dma_wait3A_134, %dma_wait3A_135] : memref<20224x64xf32, #tpu.memory_space<hbm>> -> memref<112x64xf32, #tpu.memory_space<hbm>>
      tpu.wait_dma2 semaphore(%arg12 : memref<!tpu.dma_semaphore, #tpu.memory_space<semaphore_mem>>) src(%dma_wait3A_136 : memref<112x64xf32, #tpu.memory_space<hbm>>) dst(%arg8 : memref<112x64xf32, #tpu.memory_space<vmem>>)
      %dma_start3A_137 = arith.constant 3 : i32
      %dma_start3A_138 = arith.constant 0 : i32
      %dma_start3A_139 = tpu.memref_slice %arg7[%dma_start3A_137, %dma_start3A_138] : memref<30x112xi32, #tpu.memory_space<vmem>> -> memref<1x112xi32, #tpu.memory_space<vmem>>
      %dma_start3A_140 = tpu.memref_squeeze %dma_start3A_139 : memref<1x112xi32, #tpu.memory_space<vmem>> -> memref<112xi32, #tpu.memory_space<vmem>>
      %dma_start3A_141 = arith.constant 0 : i32
      %dma_start3A_142 = arith.constant 0 : i32
      %dma_start3A_143 = tpu.memref_slice %arg11[%dma_start3A_141, %dma_start3A_142] : memref<10112x64xf32, #tpu.memory_space<vmem_shared>> -> memref<10112x64xf32, #tpu.memory_space<vmem_shared>>
      tpu.enqueue_indirect_dma source(%arg8 : memref<112x64xf32, #tpu.memory_space<vmem>>) target(%dma_start3A_143 : memref<10112x64xf32, #tpu.memory_space<vmem_shared>>) offsets(%dma_start3A_140 : memref<112xi32, #tpu.memory_space<vmem>>) semaphore(%arg15 : memref<!tpu.dma_semaphore, #tpu.memory_space<semaphore_mem>>) {add = true}
      %dma_wait3A_144 = arith.constant 0 : i32
      %dma_wait3A_145 = arith.constant 0 : i32
      %dma_wait3A_146 = tpu.memref_slice %arg7[%dma_wait3A_144, %dma_wait3A_145] : memref<30x112xi32, #tpu.memory_space<vmem>> -> memref<1x112xi32, #tpu.memory_space<vmem>>
      %dma_wait3A_147 = tpu.memref_squeeze %dma_wait3A_146 : memref<1x112xi32, #tpu.memory_space<vmem>> -> memref<112xi32, #tpu.memory_space<vmem>>
      %dma_wait3A_148 = arith.constant 0 : i32
      %dma_wait3A_149 = arith.constant 0 : i32
      %dma_wait3A_150 = tpu.memref_slice %arg11[%dma_wait3A_148, %dma_wait3A_149] : memref<10112x64xf32, #tpu.memory_space<vmem_shared>> -> memref<10112x64xf32, #tpu.memory_space<vmem_shared>>
      tpu.wait_indirect_dma semaphore(%arg15 : memref<!tpu.dma_semaphore, #tpu.memory_space<semaphore_mem>>) src(%arg8 : memref<112x64xf32, #tpu.memory_space<vmem>>) dst(%dma_wait3A_150 : memref<10112x64xf32, #tpu.memory_space<vmem_shared>>)
      %dma_start3A_151 = arith.constant 5 : i32
      %dma_start3A_152 = arith.constant 0 : i32
      %dma_start3A_153 = tpu.memref_slice %arg6[%dma_start3A_151, %dma_start3A_152] : memref<30x112xi32, #tpu.memory_space<vmem>> -> memref<1x112xi32, #tpu.memory_space<vmem>>
      %dma_start3A_154 = tpu.memref_squeeze %dma_start3A_153 : memref<1x112xi32, #tpu.memory_space<vmem>> -> memref<112xi32, #tpu.memory_space<vmem>>
      %dma_start3A_155 = arith.constant 0 : i32
      %dma_start3A_156 = arith.constant 0 : i32
      %dma_start3A_157 = tpu.memref_slice %arg2[%dma_start3A_155, %dma_start3A_156] : memref<20224x64xf32, #tpu.memory_space<hbm>> -> memref<20224x64xf32, #tpu.memory_space<hbm>>
      tpu.enqueue_indirect_dma source(%dma_start3A_157 : memref<20224x64xf32, #tpu.memory_space<hbm>>) target(%arg10 : memref<112x64xf32, #tpu.memory_space<vmem>>) offsets(%dma_start3A_154 : memref<112xi32, #tpu.memory_space<vmem>>) semaphore(%arg14 : memref<!tpu.dma_semaphore, #tpu.memory_space<semaphore_mem>>)
      %dma_wait3A_158 = arith.constant 0 : i32
      %dma_wait3A_159 = arith.constant 0 : i32
      %dma_wait3A_160 = tpu.memref_slice %arg2[%dma_wait3A_158, %dma_wait3A_159] : memref<20224x64xf32, #tpu.memory_space<hbm>> -> memref<112x64xf32, #tpu.memory_space<hbm>>
      %dma_wait3A_161 = arith.constant 0 : i32
      %dma_wait3A_162 = arith.constant 0 : i32
      %dma_wait3A_163 = tpu.memref_slice %arg2[%dma_wait3A_161, %dma_wait3A_162] : memref<20224x64xf32, #tpu.memory_space<hbm>> -> memref<112x64xf32, #tpu.memory_space<hbm>>
      tpu.wait_dma2 semaphore(%arg13 : memref<!tpu.dma_semaphore, #tpu.memory_space<semaphore_mem>>) src(%dma_wait3A_163 : memref<112x64xf32, #tpu.memory_space<hbm>>) dst(%arg9 : memref<112x64xf32, #tpu.memory_space<vmem>>)
      %dma_start3A_164 = arith.constant 4 : i32
      %dma_start3A_165 = arith.constant 0 : i32
      %dma_start3A_166 = tpu.memref_slice %arg7[%dma_start3A_164, %dma_start3A_165] : memref<30x112xi32, #tpu.memory_space<vmem>> -> memref<1x112xi32, #tpu.memory_space<vmem>>
      %dma_start3A_167 = tpu.memref_squeeze %dma_start3A_166 : memref<1x112xi32, #tpu.memory_space<vmem>> -> memref<112xi32, #tpu.memory_space<vmem>>
      %dma_start3A_168 = arith.constant 0 : i32
      %dma_start3A_169 = arith.constant 0 : i32
      %dma_start3A_170 = tpu.memref_slice %arg11[%dma_start3A_168, %dma_start3A_169] : memref<10112x64xf32, #tpu.memory_space<vmem_shared>> -> memref<10112x64xf32, #tpu.memory_space<vmem_shared>>
      tpu.enqueue_indirect_dma source(%arg9 : memref<112x64xf32, #tpu.memory_space<vmem>>) target(%dma_start3A_170 : memref<10112x64xf32, #tpu.memory_space<vmem_shared>>) offsets(%dma_start3A_167 : memref<112xi32, #tpu.memory_space<vmem>>) semaphore(%arg15 : memref<!tpu.dma_semaphore, #tpu.memory_space<semaphore_mem>>) {add = true}
      %dma_wait3A_171 = arith.constant 0 : i32
      %dma_wait3A_172 = arith.constant 0 : i32
      %dma_wait3A_173 = tpu.memref_slice %arg7[%dma_wait3A_171, %dma_wait3A_172] : memref<30x112xi32, #tpu.memory_space<vmem>> -> memref<1x112xi32, #tpu.memory_space<vmem>>
      %dma_wait3A_174 = tpu.memref_squeeze %dma_wait3A_173 : memref<1x112xi32, #tpu.memory_space<vmem>> -> memref<112xi32, #tpu.memory_space<vmem>>
      %dma_wait3A_175 = arith.constant 0 : i32
      %dma_wait3A_176 = arith.constant 0 : i32
      %dma_wait3A_177 = tpu.memref_slice %arg11[%dma_wait3A_175, %dma_wait3A_176] : memref<10112x64xf32, #tpu.memory_space<vmem_shared>> -> memref<10112x64xf32, #tpu.memory_space<vmem_shared>>
      tpu.wait_indirect_dma semaphore(%arg15 : memref<!tpu.dma_semaphore, #tpu.memory_space<semaphore_mem>>) src(%arg8 : memref<112x64xf32, #tpu.memory_space<vmem>>) dst(%dma_wait3A_177 : memref<10112x64xf32, #tpu.memory_space<vmem_shared>>)
      %dma_start3A_178 = arith.constant 6 : i32
      %dma_start3A_179 = arith.constant 0 : i32
      %dma_start3A_180 = tpu.memref_slice %arg6[%dma_start3A_178, %dma_start3A_179] : memref<30x112xi32, #tpu.memory_space<vmem>> -> memref<1x112xi32, #tpu.memory_space<vmem>>
      %dma_start3A_181 = tpu.memref_squeeze %dma_start3A_180 : memref<1x112xi32, #tpu.memory_space<vmem>> -> memref<112xi32, #tpu.memory_space<vmem>>
      %dma_start3A_182 = arith.constant 0 : i32
      %dma_start3A_183 = arith.constant 0 : i32
      %dma_start3A_184 = tpu.memref_slice %arg2[%dma_start3A_182, %dma_start3A_183] : memref<20224x64xf32, #tpu.memory_space<hbm>> -> memref<20224x64xf32, #tpu.memory_space<hbm>>
      tpu.enqueue_indirect_dma source(%dma_start3A_184 : memref<20224x64xf32, #tpu.memory_space<hbm>>) target(%arg8 : memref<112x64xf32, #tpu.memory_space<vmem>>) offsets(%dma_start3A_181 : memref<112xi32, #tpu.memory_space<vmem>>) semaphore(%arg12 : memref<!tpu.dma_semaphore, #tpu.memory_space<semaphore_mem>>)
      %dma_wait3A_185 = arith.constant 0 : i32
      %dma_wait3A_186 = arith.constant 0 : i32
      %dma_wait3A_187 = tpu.memref_slice %arg2[%dma_wait3A_185, %dma_wait3A_186] : memref<20224x64xf32, #tpu.memory_space<hbm>> -> memref<112x64xf32, #tpu.memory_space<hbm>>
      %dma_wait3A_188 = arith.constant 0 : i32
      %dma_wait3A_189 = arith.constant 0 : i32
      %dma_wait3A_190 = tpu.memref_slice %arg2[%dma_wait3A_188, %dma_wait3A_189] : memref<20224x64xf32, #tpu.memory_space<hbm>> -> memref<112x64xf32, #tpu.memory_space<hbm>>
      tpu.wait_dma2 semaphore(%arg14 : memref<!tpu.dma_semaphore, #tpu.memory_space<semaphore_mem>>) src(%dma_wait3A_190 : memref<112x64xf32, #tpu.memory_space<hbm>>) dst(%arg10 : memref<112x64xf32, #tpu.memory_space<vmem>>)
      %dma_start3A_191 = arith.constant 5 : i32
      %dma_start3A_192 = arith.constant 0 : i32
      %dma_start3A_193 = tpu.memref_slice %arg7[%dma_start3A_191, %dma_start3A_192] : memref<30x112xi32, #tpu.memory_space<vmem>> -> memref<1x112xi32, #tpu.memory_space<vmem>>
      %dma_start3A_194 = tpu.memref_squeeze %dma_start3A_193 : memref<1x112xi32, #tpu.memory_space<vmem>> -> memref<112xi32, #tpu.memory_space<vmem>>
      %dma_start3A_195 = arith.constant 0 : i32
      %dma_start3A_196 = arith.constant 0 : i32
      %dma_start3A_197 = tpu.memref_slice %arg11[%dma_start3A_195, %dma_start3A_196] : memref<10112x64xf32, #tpu.memory_space<vmem_shared>> -> memref<10112x64xf32, #tpu.memory_space<vmem_shared>>
      tpu.enqueue_indirect_dma source(%arg10 : memref<112x64xf32, #tpu.memory_space<vmem>>) target(%dma_start3A_197 : memref<10112x64xf32, #tpu.memory_space<vmem_shared>>) offsets(%dma_start3A_194 : memref<112xi32, #tpu.memory_space<vmem>>) semaphore(%arg15 : memref<!tpu.dma_semaphore, #tpu.memory_space<semaphore_mem>>) {add = true}
      %dma_wait3A_198 = arith.constant 0 : i32
      %dma_wait3A_199 = arith.constant 0 : i32
      %dma_wait3A_200 = tpu.memref_slice %arg7[%dma_wait3A_198, %dma_wait3A_199] : memref<30x112xi32, #tpu.memory_space<vmem>> -> memref<1x112xi32, #tpu.memory_space<vmem>>
      %dma_wait3A_201 = tpu.memref_squeeze %dma_wait3A_200 : memref<1x112xi32, #tpu.memory_space<vmem>> -> memref<112xi32, #tpu.memory_space<vmem>>
      %dma_wait3A_202 = arith.constant 0 : i32
      %dma_wait3A_203 = arith.constant 0 : i32
      %dma_wait3A_204 = tpu.memref_slice %arg11[%dma_wait3A_202, %dma_wait3A_203] : memref<10112x64xf32, #tpu.memory_space<vmem_shared>> -> memref<10112x64xf32, #tpu.memory_space<vmem_shared>>
      tpu.wait_indirect_dma semaphore(%arg15 : memref<!tpu.dma_semaphore, #tpu.memory_space<semaphore_mem>>) src(%arg8 : memref<112x64xf32, #tpu.memory_space<vmem>>) dst(%dma_wait3A_204 : memref<10112x64xf32, #tpu.memory_space<vmem_shared>>)
      %dma_start3A_205 = arith.constant 7 : i32
      %dma_start3A_206 = arith.constant 0 : i32
      %dma_start3A_207 = tpu.memref_slice %arg6[%dma_start3A_205, %dma_start3A_206] : memref<30x112xi32, #tpu.memory_space<vmem>> -> memref<1x112xi32, #tpu.memory_space<vmem>>
      %dma_start3A_208 = tpu.memref_squeeze %dma_start3A_207 : memref<1x112xi32, #tpu.memory_space<vmem>> -> memref<112xi32, #tpu.memory_space<vmem>>
      %dma_start3A_209 = arith.constant 0 : i32
      %dma_start3A_210 = arith.constant 0 : i32
      %dma_start3A_211 = tpu.memref_slice %arg2[%dma_start3A_209, %dma_start3A_210] : memref<20224x64xf32, #tpu.memory_space<hbm>> -> memref<20224x64xf32, #tpu.memory_space<hbm>>
      tpu.enqueue_indirect_dma source(%dma_start3A_211 : memref<20224x64xf32, #tpu.memory_space<hbm>>) target(%arg9 : memref<112x64xf32, #tpu.memory_space<vmem>>) offsets(%dma_start3A_208 : memref<112xi32, #tpu.memory_space<vmem>>) semaphore(%arg13 : memref<!tpu.dma_semaphore, #tpu.memory_space<semaphore_mem>>)
      %dma_wait3A_212 = arith.constant 0 : i32
      %dma_wait3A_213 = arith.constant 0 : i32
      %dma_wait3A_214 = tpu.memref_slice %arg2[%dma_wait3A_212, %dma_wait3A_213] : memref<20224x64xf32, #tpu.memory_space<hbm>> -> memref<112x64xf32, #tpu.memory_space<hbm>>
      %dma_wait3A_215 = arith.constant 0 : i32
      %dma_wait3A_216 = arith.constant 0 : i32
      %dma_wait3A_217 = tpu.memref_slice %arg2[%dma_wait3A_215, %dma_wait3A_216] : memref<20224x64xf32, #tpu.memory_space<hbm>> -> memref<112x64xf32, #tpu.memory_space<hbm>>
      tpu.wait_dma2 semaphore(%arg12 : memref<!tpu.dma_semaphore, #tpu.memory_space<semaphore_mem>>) src(%dma_wait3A_217 : memref<112x64xf32, #tpu.memory_space<hbm>>) dst(%arg8 : memref<112x64xf32, #tpu.memory_space<vmem>>)
      %dma_start3A_218 = arith.constant 6 : i32
      %dma_start3A_219 = arith.constant 0 : i32
      %dma_start3A_220 = tpu.memref_slice %arg7[%dma_start3A_218, %dma_start3A_219] : memref<30x112xi32, #tpu.memory_space<vmem>> -> memref<1x112xi32, #tpu.memory_space<vmem>>
      %dma_start3A_221 = tpu.memref_squeeze %dma_start3A_220 : memref<1x112xi32, #tpu.memory_space<vmem>> -> memref<112xi32, #tpu.memory_space<vmem>>
      %dma_start3A_222 = arith.constant 0 : i32
      %dma_start3A_223 = arith.constant 0 : i32
      %dma_start3A_224 = tpu.memref_slice %arg11[%dma_start3A_222, %dma_start3A_223] : memref<10112x64xf32, #tpu.memory_space<vmem_shared>> -> memref<10112x64xf32, #tpu.memory_space<vmem_shared>>
      tpu.enqueue_indirect_dma source(%arg8 : memref<112x64xf32, #tpu.memory_space<vmem>>) target(%dma_start3A_224 : memref<10112x64xf32, #tpu.memory_space<vmem_shared>>) offsets(%dma_start3A_221 : memref<112xi32, #tpu.memory_space<vmem>>) semaphore(%arg15 : memref<!tpu.dma_semaphore, #tpu.memory_space<semaphore_mem>>) {add = true}
      %dma_wait3A_225 = arith.constant 0 : i32
      %dma_wait3A_226 = arith.constant 0 : i32
      %dma_wait3A_227 = tpu.memref_slice %arg7[%dma_wait3A_225, %dma_wait3A_226] : memref<30x112xi32, #tpu.memory_space<vmem>> -> memref<1x112xi32, #tpu.memory_space<vmem>>
      %dma_wait3A_228 = tpu.memref_squeeze %dma_wait3A_227 : memref<1x112xi32, #tpu.memory_space<vmem>> -> memref<112xi32, #tpu.memory_space<vmem>>
      %dma_wait3A_229 = arith.constant 0 : i32
      %dma_wait3A_230 = arith.constant 0 : i32
      %dma_wait3A_231 = tpu.memref_slice %arg11[%dma_wait3A_229, %dma_wait3A_230] : memref<10112x64xf32, #tpu.memory_space<vmem_shared>> -> memref<10112x64xf32, #tpu.memory_space<vmem_shared>>
      tpu.wait_indirect_dma semaphore(%arg15 : memref<!tpu.dma_semaphore, #tpu.memory_space<semaphore_mem>>) src(%arg8 : memref<112x64xf32, #tpu.memory_space<vmem>>) dst(%dma_wait3A_231 : memref<10112x64xf32, #tpu.memory_space<vmem_shared>>)
      %dma_start3A_232 = arith.constant 8 : i32
      %dma_start3A_233 = arith.constant 0 : i32
      %dma_start3A_234 = tpu.memref_slice %arg6[%dma_start3A_232, %dma_start3A_233] : memref<30x112xi32, #tpu.memory_space<vmem>> -> memref<1x112xi32, #tpu.memory_space<vmem>>
      %dma_start3A_235 = tpu.memref_squeeze %dma_start3A_234 : memref<1x112xi32, #tpu.memory_space<vmem>> -> memref<112xi32, #tpu.memory_space<vmem>>
      %dma_start3A_236 = arith.constant 0 : i32
      %dma_start3A_237 = arith.constant 0 : i32
      %dma_start3A_238 = tpu.memref_slice %arg2[%dma_start3A_236, %dma_start3A_237] : memref<20224x64xf32, #tpu.memory_space<hbm>> -> memref<20224x64xf32, #tpu.memory_space<hbm>>
      tpu.enqueue_indirect_dma source(%dma_start3A_238 : memref<20224x64xf32, #tpu.memory_space<hbm>>) target(%arg10 : memref<112x64xf32, #tpu.memory_space<vmem>>) offsets(%dma_start3A_235 : memref<112xi32, #tpu.memory_space<vmem>>) semaphore(%arg14 : memref<!tpu.dma_semaphore, #tpu.memory_space<semaphore_mem>>)
      %dma_wait3A_239 = arith.constant 0 : i32
      %dma_wait3A_240 = arith.constant 0 : i32
      %dma_wait3A_241 = tpu.memref_slice %arg2[%dma_wait3A_239, %dma_wait3A_240] : memref<20224x64xf32, #tpu.memory_space<hbm>> -> memref<112x64xf32, #tpu.memory_space<hbm>>
      %dma_wait3A_242 = arith.constant 0 : i32
      %dma_wait3A_243 = arith.constant 0 : i32
      %dma_wait3A_244 = tpu.memref_slice %arg2[%dma_wait3A_242, %dma_wait3A_243] : memref<20224x64xf32, #tpu.memory_space<hbm>> -> memref<112x64xf32, #tpu.memory_space<hbm>>
      tpu.wait_dma2 semaphore(%arg13 : memref<!tpu.dma_semaphore, #tpu.memory_space<semaphore_mem>>) src(%dma_wait3A_244 : memref<112x64xf32, #tpu.memory_space<hbm>>) dst(%arg9 : memref<112x64xf32, #tpu.memory_space<vmem>>)
      %dma_start3A_245 = arith.constant 7 : i32
      %dma_start3A_246 = arith.constant 0 : i32
      %dma_start3A_247 = tpu.memref_slice %arg7[%dma_start3A_245, %dma_start3A_246] : memref<30x112xi32, #tpu.memory_space<vmem>> -> memref<1x112xi32, #tpu.memory_space<vmem>>
      %dma_start3A_248 = tpu.memref_squeeze %dma_start3A_247 : memref<1x112xi32, #tpu.memory_space<vmem>> -> memref<112xi32, #tpu.memory_space<vmem>>
      %dma_start3A_249 = arith.constant 0 : i32
      %dma_start3A_250 = arith.constant 0 : i32
      %dma_start3A_251 = tpu.memref_slice %arg11[%dma_start3A_249, %dma_start3A_250] : memref<10112x64xf32, #tpu.memory_space<vmem_shared>> -> memref<10112x64xf32, #tpu.memory_space<vmem_shared>>
      tpu.enqueue_indirect_dma source(%arg9 : memref<112x64xf32, #tpu.memory_space<vmem>>) target(%dma_start3A_251 : memref<10112x64xf32, #tpu.memory_space<vmem_shared>>) offsets(%dma_start3A_248 : memref<112xi32, #tpu.memory_space<vmem>>) semaphore(%arg15 : memref<!tpu.dma_semaphore, #tpu.memory_space<semaphore_mem>>) {add = true}
      %dma_wait3A_252 = arith.constant 0 : i32
      %dma_wait3A_253 = arith.constant 0 : i32
      %dma_wait3A_254 = tpu.memref_slice %arg7[%dma_wait3A_252, %dma_wait3A_253] : memref<30x112xi32, #tpu.memory_space<vmem>> -> memref<1x112xi32, #tpu.memory_space<vmem>>
      %dma_wait3A_255 = tpu.memref_squeeze %dma_wait3A_254 : memref<1x112xi32, #tpu.memory_space<vmem>> -> memref<112xi32, #tpu.memory_space<vmem>>
      %dma_wait3A_256 = arith.constant 0 : i32
      %dma_wait3A_257 = arith.constant 0 : i32
      %dma_wait3A_258 = tpu.memref_slice %arg11[%dma_wait3A_256, %dma_wait3A_257] : memref<10112x64xf32, #tpu.memory_space<vmem_shared>> -> memref<10112x64xf32, #tpu.memory_space<vmem_shared>>
      tpu.wait_indirect_dma semaphore(%arg15 : memref<!tpu.dma_semaphore, #tpu.memory_space<semaphore_mem>>) src(%arg8 : memref<112x64xf32, #tpu.memory_space<vmem>>) dst(%dma_wait3A_258 : memref<10112x64xf32, #tpu.memory_space<vmem_shared>>)
      %dma_start3A_259 = arith.constant 9 : i32
      %dma_start3A_260 = arith.constant 0 : i32
      %dma_start3A_261 = tpu.memref_slice %arg6[%dma_start3A_259, %dma_start3A_260] : memref<30x112xi32, #tpu.memory_space<vmem>> -> memref<1x112xi32, #tpu.memory_space<vmem>>
      %dma_start3A_262 = tpu.memref_squeeze %dma_start3A_261 : memref<1x112xi32, #tpu.memory_space<vmem>> -> memref<112xi32, #tpu.memory_space<vmem>>
      %dma_start3A_263 = arith.constant 0 : i32
      %dma_start3A_264 = arith.constant 0 : i32
      %dma_start3A_265 = tpu.memref_slice %arg2[%dma_start3A_263, %dma_start3A_264] : memref<20224x64xf32, #tpu.memory_space<hbm>> -> memref<20224x64xf32, #tpu.memory_space<hbm>>
      tpu.enqueue_indirect_dma source(%dma_start3A_265 : memref<20224x64xf32, #tpu.memory_space<hbm>>) target(%arg8 : memref<112x64xf32, #tpu.memory_space<vmem>>) offsets(%dma_start3A_262 : memref<112xi32, #tpu.memory_space<vmem>>) semaphore(%arg12 : memref<!tpu.dma_semaphore, #tpu.memory_space<semaphore_mem>>)
      %dma_wait3A_266 = arith.constant 0 : i32
      %dma_wait3A_267 = arith.constant 0 : i32
      %dma_wait3A_268 = tpu.memref_slice %arg2[%dma_wait3A_266, %dma_wait3A_267] : memref<20224x64xf32, #tpu.memory_space<hbm>> -> memref<112x64xf32, #tpu.memory_space<hbm>>
      %dma_wait3A_269 = arith.constant 0 : i32
      %dma_wait3A_270 = arith.constant 0 : i32
      %dma_wait3A_271 = tpu.memref_slice %arg2[%dma_wait3A_269, %dma_wait3A_270] : memref<20224x64xf32, #tpu.memory_space<hbm>> -> memref<112x64xf32, #tpu.memory_space<hbm>>
      tpu.wait_dma2 semaphore(%arg14 : memref<!tpu.dma_semaphore, #tpu.memory_space<semaphore_mem>>) src(%dma_wait3A_271 : memref<112x64xf32, #tpu.memory_space<hbm>>) dst(%arg10 : memref<112x64xf32, #tpu.memory_space<vmem>>)
      %dma_start3A_272 = arith.constant 8 : i32
      %dma_start3A_273 = arith.constant 0 : i32
      %dma_start3A_274 = tpu.memref_slice %arg7[%dma_start3A_272, %dma_start3A_273] : memref<30x112xi32, #tpu.memory_space<vmem>> -> memref<1x112xi32, #tpu.memory_space<vmem>>
      %dma_start3A_275 = tpu.memref_squeeze %dma_start3A_274 : memref<1x112xi32, #tpu.memory_space<vmem>> -> memref<112xi32, #tpu.memory_space<vmem>>
      %dma_start3A_276 = arith.constant 0 : i32
      %dma_start3A_277 = arith.constant 0 : i32
      %dma_start3A_278 = tpu.memref_slice %arg11[%dma_start3A_276, %dma_start3A_277] : memref<10112x64xf32, #tpu.memory_space<vmem_shared>> -> memref<10112x64xf32, #tpu.memory_space<vmem_shared>>
      tpu.enqueue_indirect_dma source(%arg10 : memref<112x64xf32, #tpu.memory_space<vmem>>) target(%dma_start3A_278 : memref<10112x64xf32, #tpu.memory_space<vmem_shared>>) offsets(%dma_start3A_275 : memref<112xi32, #tpu.memory_space<vmem>>) semaphore(%arg15 : memref<!tpu.dma_semaphore, #tpu.memory_space<semaphore_mem>>) {add = true}
      %dma_wait3A_279 = arith.constant 0 : i32
      %dma_wait3A_280 = arith.constant 0 : i32
      %dma_wait3A_281 = tpu.memref_slice %arg7[%dma_wait3A_279, %dma_wait3A_280] : memref<30x112xi32, #tpu.memory_space<vmem>> -> memref<1x112xi32, #tpu.memory_space<vmem>>
      %dma_wait3A_282 = tpu.memref_squeeze %dma_wait3A_281 : memref<1x112xi32, #tpu.memory_space<vmem>> -> memref<112xi32, #tpu.memory_space<vmem>>
      %dma_wait3A_283 = arith.constant 0 : i32
      %dma_wait3A_284 = arith.constant 0 : i32
      %dma_wait3A_285 = tpu.memref_slice %arg11[%dma_wait3A_283, %dma_wait3A_284] : memref<10112x64xf32, #tpu.memory_space<vmem_shared>> -> memref<10112x64xf32, #tpu.memory_space<vmem_shared>>
      tpu.wait_indirect_dma semaphore(%arg15 : memref<!tpu.dma_semaphore, #tpu.memory_space<semaphore_mem>>) src(%arg8 : memref<112x64xf32, #tpu.memory_space<vmem>>) dst(%dma_wait3A_285 : memref<10112x64xf32, #tpu.memory_space<vmem_shared>>)
      %dma_start3A_286 = arith.constant 10 : i32
      %dma_start3A_287 = arith.constant 0 : i32
      %dma_start3A_288 = tpu.memref_slice %arg6[%dma_start3A_286, %dma_start3A_287] : memref<30x112xi32, #tpu.memory_space<vmem>> -> memref<1x112xi32, #tpu.memory_space<vmem>>
      %dma_start3A_289 = tpu.memref_squeeze %dma_start3A_288 : memref<1x112xi32, #tpu.memory_space<vmem>> -> memref<112xi32, #tpu.memory_space<vmem>>
      %dma_start3A_290 = arith.constant 0 : i32
      %dma_start3A_291 = arith.constant 0 : i32
      %dma_start3A_292 = tpu.memref_slice %arg2[%dma_start3A_290, %dma_start3A_291] : memref<20224x64xf32, #tpu.memory_space<hbm>> -> memref<20224x64xf32, #tpu.memory_space<hbm>>
      tpu.enqueue_indirect_dma source(%dma_start3A_292 : memref<20224x64xf32, #tpu.memory_space<hbm>>) target(%arg9 : memref<112x64xf32, #tpu.memory_space<vmem>>) offsets(%dma_start3A_289 : memref<112xi32, #tpu.memory_space<vmem>>) semaphore(%arg13 : memref<!tpu.dma_semaphore, #tpu.memory_space<semaphore_mem>>)
      %dma_wait3A_293 = arith.constant 0 : i32
      %dma_wait3A_294 = arith.constant 0 : i32
      %dma_wait3A_295 = tpu.memref_slice %arg2[%dma_wait3A_293, %dma_wait3A_294] : memref<20224x64xf32, #tpu.memory_space<hbm>> -> memref<112x64xf32, #tpu.memory_space<hbm>>
      %dma_wait3A_296 = arith.constant 0 : i32
      %dma_wait3A_297 = arith.constant 0 : i32
      %dma_wait3A_298 = tpu.memref_slice %arg2[%dma_wait3A_296, %dma_wait3A_297] : memref<20224x64xf32, #tpu.memory_space<hbm>> -> memref<112x64xf32, #tpu.memory_space<hbm>>
      tpu.wait_dma2 semaphore(%arg12 : memref<!tpu.dma_semaphore, #tpu.memory_space<semaphore_mem>>) src(%dma_wait3A_298 : memref<112x64xf32, #tpu.memory_space<hbm>>) dst(%arg8 : memref<112x64xf32, #tpu.memory_space<vmem>>)
      %dma_start3A_299 = arith.constant 9 : i32
      %dma_start3A_300 = arith.constant 0 : i32
      %dma_start3A_301 = tpu.memref_slice %arg7[%dma_start3A_299, %dma_start3A_300] : memref<30x112xi32, #tpu.memory_space<vmem>> -> memref<1x112xi32, #tpu.memory_space<vmem>>
      %dma_start3A_302 = tpu.memref_squeeze %dma_start3A_301 : memref<1x112xi32, #tpu.memory_space<vmem>> -> memref<112xi32, #tpu.memory_space<vmem>>
      %dma_start3A_303 = arith.constant 0 : i32
      %dma_start3A_304 = arith.constant 0 : i32
      %dma_start3A_305 = tpu.memref_slice %arg11[%dma_start3A_303, %dma_start3A_304] : memref<10112x64xf32, #tpu.memory_space<vmem_shared>> -> memref<10112x64xf32, #tpu.memory_space<vmem_shared>>
      tpu.enqueue_indirect_dma source(%arg8 : memref<112x64xf32, #tpu.memory_space<vmem>>) target(%dma_start3A_305 : memref<10112x64xf32, #tpu.memory_space<vmem_shared>>) offsets(%dma_start3A_302 : memref<112xi32, #tpu.memory_space<vmem>>) semaphore(%arg15 : memref<!tpu.dma_semaphore, #tpu.memory_space<semaphore_mem>>) {add = true}
      %dma_wait3A_306 = arith.constant 0 : i32
      %dma_wait3A_307 = arith.constant 0 : i32
      %dma_wait3A_308 = tpu.memref_slice %arg7[%dma_wait3A_306, %dma_wait3A_307] : memref<30x112xi32, #tpu.memory_space<vmem>> -> memref<1x112xi32, #tpu.memory_space<vmem>>
      %dma_wait3A_309 = tpu.memref_squeeze %dma_wait3A_308 : memref<1x112xi32, #tpu.memory_space<vmem>> -> memref<112xi32, #tpu.memory_space<vmem>>
      %dma_wait3A_310 = arith.constant 0 : i32
      %dma_wait3A_311 = arith.constant 0 : i32
      %dma_wait3A_312 = tpu.memref_slice %arg11[%dma_wait3A_310, %dma_wait3A_311] : memref<10112x64xf32, #tpu.memory_space<vmem_shared>> -> memref<10112x64xf32, #tpu.memory_space<vmem_shared>>
      tpu.wait_indirect_dma semaphore(%arg15 : memref<!tpu.dma_semaphore, #tpu.memory_space<semaphore_mem>>) src(%arg8 : memref<112x64xf32, #tpu.memory_space<vmem>>) dst(%dma_wait3A_312 : memref<10112x64xf32, #tpu.memory_space<vmem_shared>>)
      %dma_start3A_313 = arith.constant 11 : i32
      %dma_start3A_314 = arith.constant 0 : i32
      %dma_start3A_315 = tpu.memref_slice %arg6[%dma_start3A_313, %dma_start3A_314] : memref<30x112xi32, #tpu.memory_space<vmem>> -> memref<1x112xi32, #tpu.memory_space<vmem>>
      %dma_start3A_316 = tpu.memref_squeeze %dma_start3A_315 : memref<1x112xi32, #tpu.memory_space<vmem>> -> memref<112xi32, #tpu.memory_space<vmem>>
      %dma_start3A_317 = arith.constant 0 : i32
      %dma_start3A_318 = arith.constant 0 : i32
      %dma_start3A_319 = tpu.memref_slice %arg2[%dma_start3A_317, %dma_start3A_318] : memref<20224x64xf32, #tpu.memory_space<hbm>> -> memref<20224x64xf32, #tpu.memory_space<hbm>>
      tpu.enqueue_indirect_dma source(%dma_start3A_319 : memref<20224x64xf32, #tpu.memory_space<hbm>>) target(%arg10 : memref<112x64xf32, #tpu.memory_space<vmem>>) offsets(%dma_start3A_316 : memref<112xi32, #tpu.memory_space<vmem>>) semaphore(%arg14 : memref<!tpu.dma_semaphore, #tpu.memory_space<semaphore_mem>>)
      %dma_wait3A_320 = arith.constant 0 : i32
      %dma_wait3A_321 = arith.constant 0 : i32
      %dma_wait3A_322 = tpu.memref_slice %arg2[%dma_wait3A_320, %dma_wait3A_321] : memref<20224x64xf32, #tpu.memory_space<hbm>> -> memref<112x64xf32, #tpu.memory_space<hbm>>
      %dma_wait3A_323 = arith.constant 0 : i32
      %dma_wait3A_324 = arith.constant 0 : i32
      %dma_wait3A_325 = tpu.memref_slice %arg2[%dma_wait3A_323, %dma_wait3A_324] : memref<20224x64xf32, #tpu.memory_space<hbm>> -> memref<112x64xf32, #tpu.memory_space<hbm>>
      tpu.wait_dma2 semaphore(%arg13 : memref<!tpu.dma_semaphore, #tpu.memory_space<semaphore_mem>>) src(%dma_wait3A_325 : memref<112x64xf32, #tpu.memory_space<hbm>>) dst(%arg9 : memref<112x64xf32, #tpu.memory_space<vmem>>)
      %dma_start3A_326 = arith.constant 10 : i32
      %dma_start3A_327 = arith.constant 0 : i32
      %dma_start3A_328 = tpu.memref_slice %arg7[%dma_start3A_326, %dma_start3A_327] : memref<30x112xi32, #tpu.memory_space<vmem>> -> memref<1x112xi32, #tpu.memory_space<vmem>>
      %dma_start3A_329 = tpu.memref_squeeze %dma_start3A_328 : memref<1x112xi32, #tpu.memory_space<vmem>> -> memref<112xi32, #tpu.memory_space<vmem>>
      %dma_start3A_330 = arith.constant 0 : i32
      %dma_start3A_331 = arith.constant 0 : i32
      %dma_start3A_332 = tpu.memref_slice %arg11[%dma_start3A_330, %dma_start3A_331] : memref<10112x64xf32, #tpu.memory_space<vmem_shared>> -> memref<10112x64xf32, #tpu.memory_space<vmem_shared>>
      tpu.enqueue_indirect_dma source(%arg9 : memref<112x64xf32, #tpu.memory_space<vmem>>) target(%dma_start3A_332 : memref<10112x64xf32, #tpu.memory_space<vmem_shared>>) offsets(%dma_start3A_329 : memref<112xi32, #tpu.memory_space<vmem>>) semaphore(%arg15 : memref<!tpu.dma_semaphore, #tpu.memory_space<semaphore_mem>>) {add = true}
      %dma_wait3A_333 = arith.constant 0 : i32
      %dma_wait3A_334 = arith.constant 0 : i32
      %dma_wait3A_335 = tpu.memref_slice %arg7[%dma_wait3A_333, %dma_wait3A_334] : memref<30x112xi32, #tpu.memory_space<vmem>> -> memref<1x112xi32, #tpu.memory_space<vmem>>
      %dma_wait3A_336 = tpu.memref_squeeze %dma_wait3A_335 : memref<1x112xi32, #tpu.memory_space<vmem>> -> memref<112xi32, #tpu.memory_space<vmem>>
      %dma_wait3A_337 = arith.constant 0 : i32
      %dma_wait3A_338 = arith.constant 0 : i32
      %dma_wait3A_339 = tpu.memref_slice %arg11[%dma_wait3A_337, %dma_wait3A_338] : memref<10112x64xf32, #tpu.memory_space<vmem_shared>> -> memref<10112x64xf32, #tpu.memory_space<vmem_shared>>
      tpu.wait_indirect_dma semaphore(%arg15 : memref<!tpu.dma_semaphore, #tpu.memory_space<semaphore_mem>>) src(%arg8 : memref<112x64xf32, #tpu.memory_space<vmem>>) dst(%dma_wait3A_339 : memref<10112x64xf32, #tpu.memory_space<vmem_shared>>)
      %dma_start3A_340 = arith.constant 12 : i32
      %dma_start3A_341 = arith.constant 0 : i32
      %dma_start3A_342 = tpu.memref_slice %arg6[%dma_start3A_340, %dma_start3A_341] : memref<30x112xi32, #tpu.memory_space<vmem>> -> memref<1x112xi32, #tpu.memory_space<vmem>>
      %dma_start3A_343 = tpu.memref_squeeze %dma_start3A_342 : memref<1x112xi32, #tpu.memory_space<vmem>> -> memref<112xi32, #tpu.memory_space<vmem>>
      %dma_start3A_344 = arith.constant 0 : i32
      %dma_start3A_345 = arith.constant 0 : i32
      %dma_start3A_346 = tpu.memref_slice %arg2[%dma_start3A_344, %dma_start3A_345] : memref<20224x64xf32, #tpu.memory_space<hbm>> -> memref<20224x64xf32, #tpu.memory_space<hbm>>
      tpu.enqueue_indirect_dma source(%dma_start3A_346 : memref<20224x64xf32, #tpu.memory_space<hbm>>) target(%arg8 : memref<112x64xf32, #tpu.memory_space<vmem>>) offsets(%dma_start3A_343 : memref<112xi32, #tpu.memory_space<vmem>>) semaphore(%arg12 : memref<!tpu.dma_semaphore, #tpu.memory_space<semaphore_mem>>)
      %dma_wait3A_347 = arith.constant 0 : i32
      %dma_wait3A_348 = arith.constant 0 : i32
      %dma_wait3A_349 = tpu.memref_slice %arg2[%dma_wait3A_347, %dma_wait3A_348] : memref<20224x64xf32, #tpu.memory_space<hbm>> -> memref<112x64xf32, #tpu.memory_space<hbm>>
      %dma_wait3A_350 = arith.constant 0 : i32
      %dma_wait3A_351 = arith.constant 0 : i32
      %dma_wait3A_352 = tpu.memref_slice %arg2[%dma_wait3A_350, %dma_wait3A_351] : memref<20224x64xf32, #tpu.memory_space<hbm>> -> memref<112x64xf32, #tpu.memory_space<hbm>>
      tpu.wait_dma2 semaphore(%arg14 : memref<!tpu.dma_semaphore, #tpu.memory_space<semaphore_mem>>) src(%dma_wait3A_352 : memref<112x64xf32, #tpu.memory_space<hbm>>) dst(%arg10 : memref<112x64xf32, #tpu.memory_space<vmem>>)
      %dma_start3A_353 = arith.constant 11 : i32
      %dma_start3A_354 = arith.constant 0 : i32
      %dma_start3A_355 = tpu.memref_slice %arg7[%dma_start3A_353, %dma_start3A_354] : memref<30x112xi32, #tpu.memory_space<vmem>> -> memref<1x112xi32, #tpu.memory_space<vmem>>
      %dma_start3A_356 = tpu.memref_squeeze %dma_start3A_355 : memref<1x112xi32, #tpu.memory_space<vmem>> -> memref<112xi32, #tpu.memory_space<vmem>>
      %dma_start3A_357 = arith.constant 0 : i32
      %dma_start3A_358 = arith.constant 0 : i32
      %dma_start3A_359 = tpu.memref_slice %arg11[%dma_start3A_357, %dma_start3A_358] : memref<10112x64xf32, #tpu.memory_space<vmem_shared>> -> memref<10112x64xf32, #tpu.memory_space<vmem_shared>>
      tpu.enqueue_indirect_dma source(%arg10 : memref<112x64xf32, #tpu.memory_space<vmem>>) target(%dma_start3A_359 : memref<10112x64xf32, #tpu.memory_space<vmem_shared>>) offsets(%dma_start3A_356 : memref<112xi32, #tpu.memory_space<vmem>>) semaphore(%arg15 : memref<!tpu.dma_semaphore, #tpu.memory_space<semaphore_mem>>) {add = true}
      %dma_wait3A_360 = arith.constant 0 : i32
      %dma_wait3A_361 = arith.constant 0 : i32
      %dma_wait3A_362 = tpu.memref_slice %arg7[%dma_wait3A_360, %dma_wait3A_361] : memref<30x112xi32, #tpu.memory_space<vmem>> -> memref<1x112xi32, #tpu.memory_space<vmem>>
      %dma_wait3A_363 = tpu.memref_squeeze %dma_wait3A_362 : memref<1x112xi32, #tpu.memory_space<vmem>> -> memref<112xi32, #tpu.memory_space<vmem>>
      %dma_wait3A_364 = arith.constant 0 : i32
      %dma_wait3A_365 = arith.constant 0 : i32
      %dma_wait3A_366 = tpu.memref_slice %arg11[%dma_wait3A_364, %dma_wait3A_365] : memref<10112x64xf32, #tpu.memory_space<vmem_shared>> -> memref<10112x64xf32, #tpu.memory_space<vmem_shared>>
      tpu.wait_indirect_dma semaphore(%arg15 : memref<!tpu.dma_semaphore, #tpu.memory_space<semaphore_mem>>) src(%arg8 : memref<112x64xf32, #tpu.memory_space<vmem>>) dst(%dma_wait3A_366 : memref<10112x64xf32, #tpu.memory_space<vmem_shared>>)
      %dma_start3A_367 = arith.constant 13 : i32
      %dma_start3A_368 = arith.constant 0 : i32
      %dma_start3A_369 = tpu.memref_slice %arg6[%dma_start3A_367, %dma_start3A_368] : memref<30x112xi32, #tpu.memory_space<vmem>> -> memref<1x112xi32, #tpu.memory_space<vmem>>
      %dma_start3A_370 = tpu.memref_squeeze %dma_start3A_369 : memref<1x112xi32, #tpu.memory_space<vmem>> -> memref<112xi32, #tpu.memory_space<vmem>>
      %dma_start3A_371 = arith.constant 0 : i32
      %dma_start3A_372 = arith.constant 0 : i32
      %dma_start3A_373 = tpu.memref_slice %arg2[%dma_start3A_371, %dma_start3A_372] : memref<20224x64xf32, #tpu.memory_space<hbm>> -> memref<20224x64xf32, #tpu.memory_space<hbm>>
      tpu.enqueue_indirect_dma source(%dma_start3A_373 : memref<20224x64xf32, #tpu.memory_space<hbm>>) target(%arg9 : memref<112x64xf32, #tpu.memory_space<vmem>>) offsets(%dma_start3A_370 : memref<112xi32, #tpu.memory_space<vmem>>) semaphore(%arg13 : memref<!tpu.dma_semaphore, #tpu.memory_space<semaphore_mem>>)
      %dma_wait3A_374 = arith.constant 0 : i32
      %dma_wait3A_375 = arith.constant 0 : i32
      %dma_wait3A_376 = tpu.memref_slice %arg2[%dma_wait3A_374, %dma_wait3A_375] : memref<20224x64xf32, #tpu.memory_space<hbm>> -> memref<112x64xf32, #tpu.memory_space<hbm>>
      %dma_wait3A_377 = arith.constant 0 : i32
      %dma_wait3A_378 = arith.constant 0 : i32
      %dma_wait3A_379 = tpu.memref_slice %arg2[%dma_wait3A_377, %dma_wait3A_378] : memref<20224x64xf32, #tpu.memory_space<hbm>> -> memref<112x64xf32, #tpu.memory_space<hbm>>
      tpu.wait_dma2 semaphore(%arg12 : memref<!tpu.dma_semaphore, #tpu.memory_space<semaphore_mem>>) src(%dma_wait3A_379 : memref<112x64xf32, #tpu.memory_space<hbm>>) dst(%arg8 : memref<112x64xf32, #tpu.memory_space<vmem>>)
      %dma_start3A_380 = arith.constant 12 : i32
      %dma_start3A_381 = arith.constant 0 : i32
      %dma_start3A_382 = tpu.memref_slice %arg7[%dma_start3A_380, %dma_start3A_381] : memref<30x112xi32, #tpu.memory_space<vmem>> -> memref<1x112xi32, #tpu.memory_space<vmem>>
      %dma_start3A_383 = tpu.memref_squeeze %dma_start3A_382 : memref<1x112xi32, #tpu.memory_space<vmem>> -> memref<112xi32, #tpu.memory_space<vmem>>
      %dma_start3A_384 = arith.constant 0 : i32
      %dma_start3A_385 = arith.constant 0 : i32
      %dma_start3A_386 = tpu.memref_slice %arg11[%dma_start3A_384, %dma_start3A_385] : memref<10112x64xf32, #tpu.memory_space<vmem_shared>> -> memref<10112x64xf32, #tpu.memory_space<vmem_shared>>
      tpu.enqueue_indirect_dma source(%arg8 : memref<112x64xf32, #tpu.memory_space<vmem>>) target(%dma_start3A_386 : memref<10112x64xf32, #tpu.memory_space<vmem_shared>>) offsets(%dma_start3A_383 : memref<112xi32, #tpu.memory_space<vmem>>) semaphore(%arg15 : memref<!tpu.dma_semaphore, #tpu.memory_space<semaphore_mem>>) {add = true}
      %dma_wait3A_387 = arith.constant 0 : i32
      %dma_wait3A_388 = arith.constant 0 : i32
      %dma_wait3A_389 = tpu.memref_slice %arg7[%dma_wait3A_387, %dma_wait3A_388] : memref<30x112xi32, #tpu.memory_space<vmem>> -> memref<1x112xi32, #tpu.memory_space<vmem>>
      %dma_wait3A_390 = tpu.memref_squeeze %dma_wait3A_389 : memref<1x112xi32, #tpu.memory_space<vmem>> -> memref<112xi32, #tpu.memory_space<vmem>>
      %dma_wait3A_391 = arith.constant 0 : i32
      %dma_wait3A_392 = arith.constant 0 : i32
      %dma_wait3A_393 = tpu.memref_slice %arg11[%dma_wait3A_391, %dma_wait3A_392] : memref<10112x64xf32, #tpu.memory_space<vmem_shared>> -> memref<10112x64xf32, #tpu.memory_space<vmem_shared>>
      tpu.wait_indirect_dma semaphore(%arg15 : memref<!tpu.dma_semaphore, #tpu.memory_space<semaphore_mem>>) src(%arg8 : memref<112x64xf32, #tpu.memory_space<vmem>>) dst(%dma_wait3A_393 : memref<10112x64xf32, #tpu.memory_space<vmem_shared>>)
      %dma_start3A_394 = arith.constant 14 : i32
      %dma_start3A_395 = arith.constant 0 : i32
      %dma_start3A_396 = tpu.memref_slice %arg6[%dma_start3A_394, %dma_start3A_395] : memref<30x112xi32, #tpu.memory_space<vmem>> -> memref<1x112xi32, #tpu.memory_space<vmem>>
      %dma_start3A_397 = tpu.memref_squeeze %dma_start3A_396 : memref<1x112xi32, #tpu.memory_space<vmem>> -> memref<112xi32, #tpu.memory_space<vmem>>
      %dma_start3A_398 = arith.constant 0 : i32
      %dma_start3A_399 = arith.constant 0 : i32
      %dma_start3A_400 = tpu.memref_slice %arg2[%dma_start3A_398, %dma_start3A_399] : memref<20224x64xf32, #tpu.memory_space<hbm>> -> memref<20224x64xf32, #tpu.memory_space<hbm>>
      tpu.enqueue_indirect_dma source(%dma_start3A_400 : memref<20224x64xf32, #tpu.memory_space<hbm>>) target(%arg10 : memref<112x64xf32, #tpu.memory_space<vmem>>) offsets(%dma_start3A_397 : memref<112xi32, #tpu.memory_space<vmem>>) semaphore(%arg14 : memref<!tpu.dma_semaphore, #tpu.memory_space<semaphore_mem>>)
      %dma_wait3A_401 = arith.constant 0 : i32
      %dma_wait3A_402 = arith.constant 0 : i32
      %dma_wait3A_403 = tpu.memref_slice %arg2[%dma_wait3A_401, %dma_wait3A_402] : memref<20224x64xf32, #tpu.memory_space<hbm>> -> memref<112x64xf32, #tpu.memory_space<hbm>>
      %dma_wait3A_404 = arith.constant 0 : i32
      %dma_wait3A_405 = arith.constant 0 : i32
      %dma_wait3A_406 = tpu.memref_slice %arg2[%dma_wait3A_404, %dma_wait3A_405] : memref<20224x64xf32, #tpu.memory_space<hbm>> -> memref<112x64xf32, #tpu.memory_space<hbm>>
      tpu.wait_dma2 semaphore(%arg13 : memref<!tpu.dma_semaphore, #tpu.memory_space<semaphore_mem>>) src(%dma_wait3A_406 : memref<112x64xf32, #tpu.memory_space<hbm>>) dst(%arg9 : memref<112x64xf32, #tpu.memory_space<vmem>>)
      %dma_start3A_407 = arith.constant 13 : i32
      %dma_start3A_408 = arith.constant 0 : i32
      %dma_start3A_409 = tpu.memref_slice %arg7[%dma_start3A_407, %dma_start3A_408] : memref<30x112xi32, #tpu.memory_space<vmem>> -> memref<1x112xi32, #tpu.memory_space<vmem>>
      %dma_start3A_410 = tpu.memref_squeeze %dma_start3A_409 : memref<1x112xi32, #tpu.memory_space<vmem>> -> memref<112xi32, #tpu.memory_space<vmem>>
      %dma_start3A_411 = arith.constant 0 : i32
      %dma_start3A_412 = arith.constant 0 : i32
      %dma_start3A_413 = tpu.memref_slice %arg11[%dma_start3A_411, %dma_start3A_412] : memref<10112x64xf32, #tpu.memory_space<vmem_shared>> -> memref<10112x64xf32, #tpu.memory_space<vmem_shared>>
      tpu.enqueue_indirect_dma source(%arg9 : memref<112x64xf32, #tpu.memory_space<vmem>>) target(%dma_start3A_413 : memref<10112x64xf32, #tpu.memory_space<vmem_shared>>) offsets(%dma_start3A_410 : memref<112xi32, #tpu.memory_space<vmem>>) semaphore(%arg15 : memref<!tpu.dma_semaphore, #tpu.memory_space<semaphore_mem>>) {add = true}
      %dma_wait3A_414 = arith.constant 0 : i32
      %dma_wait3A_415 = arith.constant 0 : i32
      %dma_wait3A_416 = tpu.memref_slice %arg7[%dma_wait3A_414, %dma_wait3A_415] : memref<30x112xi32, #tpu.memory_space<vmem>> -> memref<1x112xi32, #tpu.memory_space<vmem>>
      %dma_wait3A_417 = tpu.memref_squeeze %dma_wait3A_416 : memref<1x112xi32, #tpu.memory_space<vmem>> -> memref<112xi32, #tpu.memory_space<vmem>>
      %dma_wait3A_418 = arith.constant 0 : i32
      %dma_wait3A_419 = arith.constant 0 : i32
      %dma_wait3A_420 = tpu.memref_slice %arg11[%dma_wait3A_418, %dma_wait3A_419] : memref<10112x64xf32, #tpu.memory_space<vmem_shared>> -> memref<10112x64xf32, #tpu.memory_space<vmem_shared>>
      tpu.wait_indirect_dma semaphore(%arg15 : memref<!tpu.dma_semaphore, #tpu.memory_space<semaphore_mem>>) src(%arg8 : memref<112x64xf32, #tpu.memory_space<vmem>>) dst(%dma_wait3A_420 : memref<10112x64xf32, #tpu.memory_space<vmem_shared>>)
      %dma_start3A_421 = arith.constant 15 : i32
      %dma_start3A_422 = arith.constant 0 : i32
      %dma_start3A_423 = tpu.memref_slice %arg6[%dma_start3A_421, %dma_start3A_422] : memref<30x112xi32, #tpu.memory_space<vmem>> -> memref<1x112xi32, #tpu.memory_space<vmem>>
      %dma_start3A_424 = tpu.memref_squeeze %dma_start3A_423 : memref<1x112xi32, #tpu.memory_space<vmem>> -> memref<112xi32, #tpu.memory_space<vmem>>
      %dma_start3A_425 = arith.constant 0 : i32
      %dma_start3A_426 = arith.constant 0 : i32
      %dma_start3A_427 = tpu.memref_slice %arg2[%dma_start3A_425, %dma_start3A_426] : memref<20224x64xf32, #tpu.memory_space<hbm>> -> memref<20224x64xf32, #tpu.memory_space<hbm>>
      tpu.enqueue_indirect_dma source(%dma_start3A_427 : memref<20224x64xf32, #tpu.memory_space<hbm>>) target(%arg8 : memref<112x64xf32, #tpu.memory_space<vmem>>) offsets(%dma_start3A_424 : memref<112xi32, #tpu.memory_space<vmem>>) semaphore(%arg12 : memref<!tpu.dma_semaphore, #tpu.memory_space<semaphore_mem>>)
      %dma_wait3A_428 = arith.constant 0 : i32
      %dma_wait3A_429 = arith.constant 0 : i32
      %dma_wait3A_430 = tpu.memref_slice %arg2[%dma_wait3A_428, %dma_wait3A_429] : memref<20224x64xf32, #tpu.memory_space<hbm>> -> memref<112x64xf32, #tpu.memory_space<hbm>>
      %dma_wait3A_431 = arith.constant 0 : i32
      %dma_wait3A_432 = arith.constant 0 : i32
      %dma_wait3A_433 = tpu.memref_slice %arg2[%dma_wait3A_431, %dma_wait3A_432] : memref<20224x64xf32, #tpu.memory_space<hbm>> -> memref<112x64xf32, #tpu.memory_space<hbm>>
      tpu.wait_dma2 semaphore(%arg14 : memref<!tpu.dma_semaphore, #tpu.memory_space<semaphore_mem>>) src(%dma_wait3A_433 : memref<112x64xf32, #tpu.memory_space<hbm>>) dst(%arg10 : memref<112x64xf32, #tpu.memory_space<vmem>>)
      %dma_start3A_434 = arith.constant 14 : i32
      %dma_start3A_435 = arith.constant 0 : i32
      %dma_start3A_436 = tpu.memref_slice %arg7[%dma_start3A_434, %dma_start3A_435] : memref<30x112xi32, #tpu.memory_space<vmem>> -> memref<1x112xi32, #tpu.memory_space<vmem>>
      %dma_start3A_437 = tpu.memref_squeeze %dma_start3A_436 : memref<1x112xi32, #tpu.memory_space<vmem>> -> memref<112xi32, #tpu.memory_space<vmem>>
      %dma_start3A_438 = arith.constant 0 : i32
      %dma_start3A_439 = arith.constant 0 : i32
      %dma_start3A_440 = tpu.memref_slice %arg11[%dma_start3A_438, %dma_start3A_439] : memref<10112x64xf32, #tpu.memory_space<vmem_shared>> -> memref<10112x64xf32, #tpu.memory_space<vmem_shared>>
      tpu.enqueue_indirect_dma source(%arg10 : memref<112x64xf32, #tpu.memory_space<vmem>>) target(%dma_start3A_440 : memref<10112x64xf32, #tpu.memory_space<vmem_shared>>) offsets(%dma_start3A_437 : memref<112xi32, #tpu.memory_space<vmem>>) semaphore(%arg15 : memref<!tpu.dma_semaphore, #tpu.memory_space<semaphore_mem>>) {add = true}
      %dma_wait3A_441 = arith.constant 0 : i32
      %dma_wait3A_442 = arith.constant 0 : i32
      %dma_wait3A_443 = tpu.memref_slice %arg7[%dma_wait3A_441, %dma_wait3A_442] : memref<30x112xi32, #tpu.memory_space<vmem>> -> memref<1x112xi32, #tpu.memory_space<vmem>>
      %dma_wait3A_444 = tpu.memref_squeeze %dma_wait3A_443 : memref<1x112xi32, #tpu.memory_space<vmem>> -> memref<112xi32, #tpu.memory_space<vmem>>
      %dma_wait3A_445 = arith.constant 0 : i32
      %dma_wait3A_446 = arith.constant 0 : i32
      %dma_wait3A_447 = tpu.memref_slice %arg11[%dma_wait3A_445, %dma_wait3A_446] : memref<10112x64xf32, #tpu.memory_space<vmem_shared>> -> memref<10112x64xf32, #tpu.memory_space<vmem_shared>>
      tpu.wait_indirect_dma semaphore(%arg15 : memref<!tpu.dma_semaphore, #tpu.memory_space<semaphore_mem>>) src(%arg8 : memref<112x64xf32, #tpu.memory_space<vmem>>) dst(%dma_wait3A_447 : memref<10112x64xf32, #tpu.memory_space<vmem_shared>>)
      %dma_start3A_448 = arith.constant 16 : i32
      %dma_start3A_449 = arith.constant 0 : i32
      %dma_start3A_450 = tpu.memref_slice %arg6[%dma_start3A_448, %dma_start3A_449] : memref<30x112xi32, #tpu.memory_space<vmem>> -> memref<1x112xi32, #tpu.memory_space<vmem>>
      %dma_start3A_451 = tpu.memref_squeeze %dma_start3A_450 : memref<1x112xi32, #tpu.memory_space<vmem>> -> memref<112xi32, #tpu.memory_space<vmem>>
      %dma_start3A_452 = arith.constant 0 : i32
      %dma_start3A_453 = arith.constant 0 : i32
      %dma_start3A_454 = tpu.memref_slice %arg2[%dma_start3A_452, %dma_start3A_453] : memref<20224x64xf32, #tpu.memory_space<hbm>> -> memref<20224x64xf32, #tpu.memory_space<hbm>>
      tpu.enqueue_indirect_dma source(%dma_start3A_454 : memref<20224x64xf32, #tpu.memory_space<hbm>>) target(%arg9 : memref<112x64xf32, #tpu.memory_space<vmem>>) offsets(%dma_start3A_451 : memref<112xi32, #tpu.memory_space<vmem>>) semaphore(%arg13 : memref<!tpu.dma_semaphore, #tpu.memory_space<semaphore_mem>>)
      %dma_wait3A_455 = arith.constant 0 : i32
      %dma_wait3A_456 = arith.constant 0 : i32
      %dma_wait3A_457 = tpu.memref_slice %arg2[%dma_wait3A_455, %dma_wait3A_456] : memref<20224x64xf32, #tpu.memory_space<hbm>> -> memref<112x64xf32, #tpu.memory_space<hbm>>
      %dma_wait3A_458 = arith.constant 0 : i32
      %dma_wait3A_459 = arith.constant 0 : i32
      %dma_wait3A_460 = tpu.memref_slice %arg2[%dma_wait3A_458, %dma_wait3A_459] : memref<20224x64xf32, #tpu.memory_space<hbm>> -> memref<112x64xf32, #tpu.memory_space<hbm>>
      tpu.wait_dma2 semaphore(%arg12 : memref<!tpu.dma_semaphore, #tpu.memory_space<semaphore_mem>>) src(%dma_wait3A_460 : memref<112x64xf32, #tpu.memory_space<hbm>>) dst(%arg8 : memref<112x64xf32, #tpu.memory_space<vmem>>)
      %dma_start3A_461 = arith.constant 15 : i32
      %dma_start3A_462 = arith.constant 0 : i32
      %dma_start3A_463 = tpu.memref_slice %arg7[%dma_start3A_461, %dma_start3A_462] : memref<30x112xi32, #tpu.memory_space<vmem>> -> memref<1x112xi32, #tpu.memory_space<vmem>>
      %dma_start3A_464 = tpu.memref_squeeze %dma_start3A_463 : memref<1x112xi32, #tpu.memory_space<vmem>> -> memref<112xi32, #tpu.memory_space<vmem>>
      %dma_start3A_465 = arith.constant 0 : i32
      %dma_start3A_466 = arith.constant 0 : i32
      %dma_start3A_467 = tpu.memref_slice %arg11[%dma_start3A_465, %dma_start3A_466] : memref<10112x64xf32, #tpu.memory_space<vmem_shared>> -> memref<10112x64xf32, #tpu.memory_space<vmem_shared>>
      tpu.enqueue_indirect_dma source(%arg8 : memref<112x64xf32, #tpu.memory_space<vmem>>) target(%dma_start3A_467 : memref<10112x64xf32, #tpu.memory_space<vmem_shared>>) offsets(%dma_start3A_464 : memref<112xi32, #tpu.memory_space<vmem>>) semaphore(%arg15 : memref<!tpu.dma_semaphore, #tpu.memory_space<semaphore_mem>>) {add = true}
      %dma_wait3A_468 = arith.constant 0 : i32
      %dma_wait3A_469 = arith.constant 0 : i32
      %dma_wait3A_470 = tpu.memref_slice %arg7[%dma_wait3A_468, %dma_wait3A_469] : memref<30x112xi32, #tpu.memory_space<vmem>> -> memref<1x112xi32, #tpu.memory_space<vmem>>
      %dma_wait3A_471 = tpu.memref_squeeze %dma_wait3A_470 : memref<1x112xi32, #tpu.memory_space<vmem>> -> memref<112xi32, #tpu.memory_space<vmem>>
      %dma_wait3A_472 = arith.constant 0 : i32
      %dma_wait3A_473 = arith.constant 0 : i32
      %dma_wait3A_474 = tpu.memref_slice %arg11[%dma_wait3A_472, %dma_wait3A_473] : memref<10112x64xf32, #tpu.memory_space<vmem_shared>> -> memref<10112x64xf32, #tpu.memory_space<vmem_shared>>
      tpu.wait_indirect_dma semaphore(%arg15 : memref<!tpu.dma_semaphore, #tpu.memory_space<semaphore_mem>>) src(%arg8 : memref<112x64xf32, #tpu.memory_space<vmem>>) dst(%dma_wait3A_474 : memref<10112x64xf32, #tpu.memory_space<vmem_shared>>)
      %dma_start3A_475 = arith.constant 17 : i32
      %dma_start3A_476 = arith.constant 0 : i32
      %dma_start3A_477 = tpu.memref_slice %arg6[%dma_start3A_475, %dma_start3A_476] : memref<30x112xi32, #tpu.memory_space<vmem>> -> memref<1x112xi32, #tpu.memory_space<vmem>>
      %dma_start3A_478 = tpu.memref_squeeze %dma_start3A_477 : memref<1x112xi32, #tpu.memory_space<vmem>> -> memref<112xi32, #tpu.memory_space<vmem>>
      %dma_start3A_479 = arith.constant 0 : i32
      %dma_start3A_480 = arith.constant 0 : i32
      %dma_start3A_481 = tpu.memref_slice %arg2[%dma_start3A_479, %dma_start3A_480] : memref<20224x64xf32, #tpu.memory_space<hbm>> -> memref<20224x64xf32, #tpu.memory_space<hbm>>
      tpu.enqueue_indirect_dma source(%dma_start3A_481 : memref<20224x64xf32, #tpu.memory_space<hbm>>) target(%arg10 : memref<112x64xf32, #tpu.memory_space<vmem>>) offsets(%dma_start3A_478 : memref<112xi32, #tpu.memory_space<vmem>>) semaphore(%arg14 : memref<!tpu.dma_semaphore, #tpu.memory_space<semaphore_mem>>)
      %dma_wait3A_482 = arith.constant 0 : i32
      %dma_wait3A_483 = arith.constant 0 : i32
      %dma_wait3A_484 = tpu.memref_slice %arg2[%dma_wait3A_482, %dma_wait3A_483] : memref<20224x64xf32, #tpu.memory_space<hbm>> -> memref<112x64xf32, #tpu.memory_space<hbm>>
      %dma_wait3A_485 = arith.constant 0 : i32
      %dma_wait3A_486 = arith.constant 0 : i32
      %dma_wait3A_487 = tpu.memref_slice %arg2[%dma_wait3A_485, %dma_wait3A_486] : memref<20224x64xf32, #tpu.memory_space<hbm>> -> memref<112x64xf32, #tpu.memory_space<hbm>>
      tpu.wait_dma2 semaphore(%arg13 : memref<!tpu.dma_semaphore, #tpu.memory_space<semaphore_mem>>) src(%dma_wait3A_487 : memref<112x64xf32, #tpu.memory_space<hbm>>) dst(%arg9 : memref<112x64xf32, #tpu.memory_space<vmem>>)
      %dma_start3A_488 = arith.constant 16 : i32
      %dma_start3A_489 = arith.constant 0 : i32
      %dma_start3A_490 = tpu.memref_slice %arg7[%dma_start3A_488, %dma_start3A_489] : memref<30x112xi32, #tpu.memory_space<vmem>> -> memref<1x112xi32, #tpu.memory_space<vmem>>
      %dma_start3A_491 = tpu.memref_squeeze %dma_start3A_490 : memref<1x112xi32, #tpu.memory_space<vmem>> -> memref<112xi32, #tpu.memory_space<vmem>>
      %dma_start3A_492 = arith.constant 0 : i32
      %dma_start3A_493 = arith.constant 0 : i32
      %dma_start3A_494 = tpu.memref_slice %arg11[%dma_start3A_492, %dma_start3A_493] : memref<10112x64xf32, #tpu.memory_space<vmem_shared>> -> memref<10112x64xf32, #tpu.memory_space<vmem_shared>>
      tpu.enqueue_indirect_dma source(%arg9 : memref<112x64xf32, #tpu.memory_space<vmem>>) target(%dma_start3A_494 : memref<10112x64xf32, #tpu.memory_space<vmem_shared>>) offsets(%dma_start3A_491 : memref<112xi32, #tpu.memory_space<vmem>>) semaphore(%arg15 : memref<!tpu.dma_semaphore, #tpu.memory_space<semaphore_mem>>) {add = true}
      %dma_wait3A_495 = arith.constant 0 : i32
      %dma_wait3A_496 = arith.constant 0 : i32
      %dma_wait3A_497 = tpu.memref_slice %arg7[%dma_wait3A_495, %dma_wait3A_496] : memref<30x112xi32, #tpu.memory_space<vmem>> -> memref<1x112xi32, #tpu.memory_space<vmem>>
      %dma_wait3A_498 = tpu.memref_squeeze %dma_wait3A_497 : memref<1x112xi32, #tpu.memory_space<vmem>> -> memref<112xi32, #tpu.memory_space<vmem>>
      %dma_wait3A_499 = arith.constant 0 : i32
      %dma_wait3A_500 = arith.constant 0 : i32
      %dma_wait3A_501 = tpu.memref_slice %arg11[%dma_wait3A_499, %dma_wait3A_500] : memref<10112x64xf32, #tpu.memory_space<vmem_shared>> -> memref<10112x64xf32, #tpu.memory_space<vmem_shared>>
      tpu.wait_indirect_dma semaphore(%arg15 : memref<!tpu.dma_semaphore, #tpu.memory_space<semaphore_mem>>) src(%arg8 : memref<112x64xf32, #tpu.memory_space<vmem>>) dst(%dma_wait3A_501 : memref<10112x64xf32, #tpu.memory_space<vmem_shared>>)
      %dma_start3A_502 = arith.constant 18 : i32
      %dma_start3A_503 = arith.constant 0 : i32
      %dma_start3A_504 = tpu.memref_slice %arg6[%dma_start3A_502, %dma_start3A_503] : memref<30x112xi32, #tpu.memory_space<vmem>> -> memref<1x112xi32, #tpu.memory_space<vmem>>
      %dma_start3A_505 = tpu.memref_squeeze %dma_start3A_504 : memref<1x112xi32, #tpu.memory_space<vmem>> -> memref<112xi32, #tpu.memory_space<vmem>>
      %dma_start3A_506 = arith.constant 0 : i32
      %dma_start3A_507 = arith.constant 0 : i32
      %dma_start3A_508 = tpu.memref_slice %arg2[%dma_start3A_506, %dma_start3A_507] : memref<20224x64xf32, #tpu.memory_space<hbm>> -> memref<20224x64xf32, #tpu.memory_space<hbm>>
      tpu.enqueue_indirect_dma source(%dma_start3A_508 : memref<20224x64xf32, #tpu.memory_space<hbm>>) target(%arg8 : memref<112x64xf32, #tpu.memory_space<vmem>>) offsets(%dma_start3A_505 : memref<112xi32, #tpu.memory_space<vmem>>) semaphore(%arg12 : memref<!tpu.dma_semaphore, #tpu.memory_space<semaphore_mem>>)
      %dma_wait3A_509 = arith.constant 0 : i32
      %dma_wait3A_510 = arith.constant 0 : i32
      %dma_wait3A_511 = tpu.memref_slice %arg2[%dma_wait3A_509, %dma_wait3A_510] : memref<20224x64xf32, #tpu.memory_space<hbm>> -> memref<112x64xf32, #tpu.memory_space<hbm>>
      %dma_wait3A_512 = arith.constant 0 : i32
      %dma_wait3A_513 = arith.constant 0 : i32
      %dma_wait3A_514 = tpu.memref_slice %arg2[%dma_wait3A_512, %dma_wait3A_513] : memref<20224x64xf32, #tpu.memory_space<hbm>> -> memref<112x64xf32, #tpu.memory_space<hbm>>
      tpu.wait_dma2 semaphore(%arg14 : memref<!tpu.dma_semaphore, #tpu.memory_space<semaphore_mem>>) src(%dma_wait3A_514 : memref<112x64xf32, #tpu.memory_space<hbm>>) dst(%arg10 : memref<112x64xf32, #tpu.memory_space<vmem>>)
      %dma_start3A_515 = arith.constant 17 : i32
      %dma_start3A_516 = arith.constant 0 : i32
      %dma_start3A_517 = tpu.memref_slice %arg7[%dma_start3A_515, %dma_start3A_516] : memref<30x112xi32, #tpu.memory_space<vmem>> -> memref<1x112xi32, #tpu.memory_space<vmem>>
      %dma_start3A_518 = tpu.memref_squeeze %dma_start3A_517 : memref<1x112xi32, #tpu.memory_space<vmem>> -> memref<112xi32, #tpu.memory_space<vmem>>
      %dma_start3A_519 = arith.constant 0 : i32
      %dma_start3A_520 = arith.constant 0 : i32
      %dma_start3A_521 = tpu.memref_slice %arg11[%dma_start3A_519, %dma_start3A_520] : memref<10112x64xf32, #tpu.memory_space<vmem_shared>> -> memref<10112x64xf32, #tpu.memory_space<vmem_shared>>
      tpu.enqueue_indirect_dma source(%arg10 : memref<112x64xf32, #tpu.memory_space<vmem>>) target(%dma_start3A_521 : memref<10112x64xf32, #tpu.memory_space<vmem_shared>>) offsets(%dma_start3A_518 : memref<112xi32, #tpu.memory_space<vmem>>) semaphore(%arg15 : memref<!tpu.dma_semaphore, #tpu.memory_space<semaphore_mem>>) {add = true}
      %dma_wait3A_522 = arith.constant 0 : i32
      %dma_wait3A_523 = arith.constant 0 : i32
      %dma_wait3A_524 = tpu.memref_slice %arg7[%dma_wait3A_522, %dma_wait3A_523] : memref<30x112xi32, #tpu.memory_space<vmem>> -> memref<1x112xi32, #tpu.memory_space<vmem>>
      %dma_wait3A_525 = tpu.memref_squeeze %dma_wait3A_524 : memref<1x112xi32, #tpu.memory_space<vmem>> -> memref<112xi32, #tpu.memory_space<vmem>>
      %dma_wait3A_526 = arith.constant 0 : i32
      %dma_wait3A_527 = arith.constant 0 : i32
      %dma_wait3A_528 = tpu.memref_slice %arg11[%dma_wait3A_526, %dma_wait3A_527] : memref<10112x64xf32, #tpu.memory_space<vmem_shared>> -> memref<10112x64xf32, #tpu.memory_space<vmem_shared>>
      tpu.wait_indirect_dma semaphore(%arg15 : memref<!tpu.dma_semaphore, #tpu.memory_space<semaphore_mem>>) src(%arg8 : memref<112x64xf32, #tpu.memory_space<vmem>>) dst(%dma_wait3A_528 : memref<10112x64xf32, #tpu.memory_space<vmem_shared>>)
      %dma_start3A_529 = arith.constant 19 : i32
      %dma_start3A_530 = arith.constant 0 : i32
      %dma_start3A_531 = tpu.memref_slice %arg6[%dma_start3A_529, %dma_start3A_530] : memref<30x112xi32, #tpu.memory_space<vmem>> -> memref<1x112xi32, #tpu.memory_space<vmem>>
      %dma_start3A_532 = tpu.memref_squeeze %dma_start3A_531 : memref<1x112xi32, #tpu.memory_space<vmem>> -> memref<112xi32, #tpu.memory_space<vmem>>
      %dma_start3A_533 = arith.constant 0 : i32
      %dma_start3A_534 = arith.constant 0 : i32
      %dma_start3A_535 = tpu.memref_slice %arg2[%dma_start3A_533, %dma_start3A_534] : memref<20224x64xf32, #tpu.memory_space<hbm>> -> memref<20224x64xf32, #tpu.memory_space<hbm>>
      tpu.enqueue_indirect_dma source(%dma_start3A_535 : memref<20224x64xf32, #tpu.memory_space<hbm>>) target(%arg9 : memref<112x64xf32, #tpu.memory_space<vmem>>) offsets(%dma_start3A_532 : memref<112xi32, #tpu.memory_space<vmem>>) semaphore(%arg13 : memref<!tpu.dma_semaphore, #tpu.memory_space<semaphore_mem>>)
      %dma_wait3A_536 = arith.constant 0 : i32
      %dma_wait3A_537 = arith.constant 0 : i32
      %dma_wait3A_538 = tpu.memref_slice %arg2[%dma_wait3A_536, %dma_wait3A_537] : memref<20224x64xf32, #tpu.memory_space<hbm>> -> memref<112x64xf32, #tpu.memory_space<hbm>>
      %dma_wait3A_539 = arith.constant 0 : i32
      %dma_wait3A_540 = arith.constant 0 : i32
      %dma_wait3A_541 = tpu.memref_slice %arg2[%dma_wait3A_539, %dma_wait3A_540] : memref<20224x64xf32, #tpu.memory_space<hbm>> -> memref<112x64xf32, #tpu.memory_space<hbm>>
      tpu.wait_dma2 semaphore(%arg12 : memref<!tpu.dma_semaphore, #tpu.memory_space<semaphore_mem>>) src(%dma_wait3A_541 : memref<112x64xf32, #tpu.memory_space<hbm>>) dst(%arg8 : memref<112x64xf32, #tpu.memory_space<vmem>>)
      %dma_start3A_542 = arith.constant 18 : i32
      %dma_start3A_543 = arith.constant 0 : i32
      %dma_start3A_544 = tpu.memref_slice %arg7[%dma_start3A_542, %dma_start3A_543] : memref<30x112xi32, #tpu.memory_space<vmem>> -> memref<1x112xi32, #tpu.memory_space<vmem>>
      %dma_start3A_545 = tpu.memref_squeeze %dma_start3A_544 : memref<1x112xi32, #tpu.memory_space<vmem>> -> memref<112xi32, #tpu.memory_space<vmem>>
      %dma_start3A_546 = arith.constant 0 : i32
      %dma_start3A_547 = arith.constant 0 : i32
      %dma_start3A_548 = tpu.memref_slice %arg11[%dma_start3A_546, %dma_start3A_547] : memref<10112x64xf32, #tpu.memory_space<vmem_shared>> -> memref<10112x64xf32, #tpu.memory_space<vmem_shared>>
      tpu.enqueue_indirect_dma source(%arg8 : memref<112x64xf32, #tpu.memory_space<vmem>>) target(%dma_start3A_548 : memref<10112x64xf32, #tpu.memory_space<vmem_shared>>) offsets(%dma_start3A_545 : memref<112xi32, #tpu.memory_space<vmem>>) semaphore(%arg15 : memref<!tpu.dma_semaphore, #tpu.memory_space<semaphore_mem>>) {add = true}
      %dma_wait3A_549 = arith.constant 0 : i32
      %dma_wait3A_550 = arith.constant 0 : i32
      %dma_wait3A_551 = tpu.memref_slice %arg7[%dma_wait3A_549, %dma_wait3A_550] : memref<30x112xi32, #tpu.memory_space<vmem>> -> memref<1x112xi32, #tpu.memory_space<vmem>>
      %dma_wait3A_552 = tpu.memref_squeeze %dma_wait3A_551 : memref<1x112xi32, #tpu.memory_space<vmem>> -> memref<112xi32, #tpu.memory_space<vmem>>
      %dma_wait3A_553 = arith.constant 0 : i32
      %dma_wait3A_554 = arith.constant 0 : i32
      %dma_wait3A_555 = tpu.memref_slice %arg11[%dma_wait3A_553, %dma_wait3A_554] : memref<10112x64xf32, #tpu.memory_space<vmem_shared>> -> memref<10112x64xf32, #tpu.memory_space<vmem_shared>>
      tpu.wait_indirect_dma semaphore(%arg15 : memref<!tpu.dma_semaphore, #tpu.memory_space<semaphore_mem>>) src(%arg8 : memref<112x64xf32, #tpu.memory_space<vmem>>) dst(%dma_wait3A_555 : memref<10112x64xf32, #tpu.memory_space<vmem_shared>>)
      %dma_start3A_556 = arith.constant 20 : i32
      %dma_start3A_557 = arith.constant 0 : i32
      %dma_start3A_558 = tpu.memref_slice %arg6[%dma_start3A_556, %dma_start3A_557] : memref<30x112xi32, #tpu.memory_space<vmem>> -> memref<1x112xi32, #tpu.memory_space<vmem>>
      %dma_start3A_559 = tpu.memref_squeeze %dma_start3A_558 : memref<1x112xi32, #tpu.memory_space<vmem>> -> memref<112xi32, #tpu.memory_space<vmem>>
      %dma_start3A_560 = arith.constant 0 : i32
      %dma_start3A_561 = arith.constant 0 : i32
      %dma_start3A_562 = tpu.memref_slice %arg2[%dma_start3A_560, %dma_start3A_561] : memref<20224x64xf32, #tpu.memory_space<hbm>> -> memref<20224x64xf32, #tpu.memory_space<hbm>>
      tpu.enqueue_indirect_dma source(%dma_start3A_562 : memref<20224x64xf32, #tpu.memory_space<hbm>>) target(%arg10 : memref<112x64xf32, #tpu.memory_space<vmem>>) offsets(%dma_start3A_559 : memref<112xi32, #tpu.memory_space<vmem>>) semaphore(%arg14 : memref<!tpu.dma_semaphore, #tpu.memory_space<semaphore_mem>>)
      %dma_wait3A_563 = arith.constant 0 : i32
      %dma_wait3A_564 = arith.constant 0 : i32
      %dma_wait3A_565 = tpu.memref_slice %arg2[%dma_wait3A_563, %dma_wait3A_564] : memref<20224x64xf32, #tpu.memory_space<hbm>> -> memref<112x64xf32, #tpu.memory_space<hbm>>
      %dma_wait3A_566 = arith.constant 0 : i32
      %dma_wait3A_567 = arith.constant 0 : i32
      %dma_wait3A_568 = tpu.memref_slice %arg2[%dma_wait3A_566, %dma_wait3A_567] : memref<20224x64xf32, #tpu.memory_space<hbm>> -> memref<112x64xf32, #tpu.memory_space<hbm>>
      tpu.wait_dma2 semaphore(%arg13 : memref<!tpu.dma_semaphore, #tpu.memory_space<semaphore_mem>>) src(%dma_wait3A_568 : memref<112x64xf32, #tpu.memory_space<hbm>>) dst(%arg9 : memref<112x64xf32, #tpu.memory_space<vmem>>)
      %dma_start3A_569 = arith.constant 19 : i32
      %dma_start3A_570 = arith.constant 0 : i32
      %dma_start3A_571 = tpu.memref_slice %arg7[%dma_start3A_569, %dma_start3A_570] : memref<30x112xi32, #tpu.memory_space<vmem>> -> memref<1x112xi32, #tpu.memory_space<vmem>>
      %dma_start3A_572 = tpu.memref_squeeze %dma_start3A_571 : memref<1x112xi32, #tpu.memory_space<vmem>> -> memref<112xi32, #tpu.memory_space<vmem>>
      %dma_start3A_573 = arith.constant 0 : i32
      %dma_start3A_574 = arith.constant 0 : i32
      %dma_start3A_575 = tpu.memref_slice %arg11[%dma_start3A_573, %dma_start3A_574] : memref<10112x64xf32, #tpu.memory_space<vmem_shared>> -> memref<10112x64xf32, #tpu.memory_space<vmem_shared>>
      tpu.enqueue_indirect_dma source(%arg9 : memref<112x64xf32, #tpu.memory_space<vmem>>) target(%dma_start3A_575 : memref<10112x64xf32, #tpu.memory_space<vmem_shared>>) offsets(%dma_start3A_572 : memref<112xi32, #tpu.memory_space<vmem>>) semaphore(%arg15 : memref<!tpu.dma_semaphore, #tpu.memory_space<semaphore_mem>>) {add = true}
      %dma_wait3A_576 = arith.constant 0 : i32
      %dma_wait3A_577 = arith.constant 0 : i32
      %dma_wait3A_578 = tpu.memref_slice %arg7[%dma_wait3A_576, %dma_wait3A_577] : memref<30x112xi32, #tpu.memory_space<vmem>> -> memref<1x112xi32, #tpu.memory_space<vmem>>
      %dma_wait3A_579 = tpu.memref_squeeze %dma_wait3A_578 : memref<1x112xi32, #tpu.memory_space<vmem>> -> memref<112xi32, #tpu.memory_space<vmem>>
      %dma_wait3A_580 = arith.constant 0 : i32
      %dma_wait3A_581 = arith.constant 0 : i32
      %dma_wait3A_582 = tpu.memref_slice %arg11[%dma_wait3A_580, %dma_wait3A_581] : memref<10112x64xf32, #tpu.memory_space<vmem_shared>> -> memref<10112x64xf32, #tpu.memory_space<vmem_shared>>
      tpu.wait_indirect_dma semaphore(%arg15 : memref<!tpu.dma_semaphore, #tpu.memory_space<semaphore_mem>>) src(%arg8 : memref<112x64xf32, #tpu.memory_space<vmem>>) dst(%dma_wait3A_582 : memref<10112x64xf32, #tpu.memory_space<vmem_shared>>)
      %dma_start3A_583 = arith.constant 21 : i32
      %dma_start3A_584 = arith.constant 0 : i32
      %dma_start3A_585 = tpu.memref_slice %arg6[%dma_start3A_583, %dma_start3A_584] : memref<30x112xi32, #tpu.memory_space<vmem>> -> memref<1x112xi32, #tpu.memory_space<vmem>>
      %dma_start3A_586 = tpu.memref_squeeze %dma_start3A_585 : memref<1x112xi32, #tpu.memory_space<vmem>> -> memref<112xi32, #tpu.memory_space<vmem>>
      %dma_start3A_587 = arith.constant 0 : i32
      %dma_start3A_588 = arith.constant 0 : i32
      %dma_start3A_589 = tpu.memref_slice %arg2[%dma_start3A_587, %dma_start3A_588] : memref<20224x64xf32, #tpu.memory_space<hbm>> -> memref<20224x64xf32, #tpu.memory_space<hbm>>
      tpu.enqueue_indirect_dma source(%dma_start3A_589 : memref<20224x64xf32, #tpu.memory_space<hbm>>) target(%arg8 : memref<112x64xf32, #tpu.memory_space<vmem>>) offsets(%dma_start3A_586 : memref<112xi32, #tpu.memory_space<vmem>>) semaphore(%arg12 : memref<!tpu.dma_semaphore, #tpu.memory_space<semaphore_mem>>)
      %dma_wait3A_590 = arith.constant 0 : i32
      %dma_wait3A_591 = arith.constant 0 : i32
      %dma_wait3A_592 = tpu.memref_slice %arg2[%dma_wait3A_590, %dma_wait3A_591] : memref<20224x64xf32, #tpu.memory_space<hbm>> -> memref<112x64xf32, #tpu.memory_space<hbm>>
      %dma_wait3A_593 = arith.constant 0 : i32
      %dma_wait3A_594 = arith.constant 0 : i32
      %dma_wait3A_595 = tpu.memref_slice %arg2[%dma_wait3A_593, %dma_wait3A_594] : memref<20224x64xf32, #tpu.memory_space<hbm>> -> memref<112x64xf32, #tpu.memory_space<hbm>>
      tpu.wait_dma2 semaphore(%arg14 : memref<!tpu.dma_semaphore, #tpu.memory_space<semaphore_mem>>) src(%dma_wait3A_595 : memref<112x64xf32, #tpu.memory_space<hbm>>) dst(%arg10 : memref<112x64xf32, #tpu.memory_space<vmem>>)
      %dma_start3A_596 = arith.constant 20 : i32
      %dma_start3A_597 = arith.constant 0 : i32
      %dma_start3A_598 = tpu.memref_slice %arg7[%dma_start3A_596, %dma_start3A_597] : memref<30x112xi32, #tpu.memory_space<vmem>> -> memref<1x112xi32, #tpu.memory_space<vmem>>
      %dma_start3A_599 = tpu.memref_squeeze %dma_start3A_598 : memref<1x112xi32, #tpu.memory_space<vmem>> -> memref<112xi32, #tpu.memory_space<vmem>>
      %dma_start3A_600 = arith.constant 0 : i32
      %dma_start3A_601 = arith.constant 0 : i32
      %dma_start3A_602 = tpu.memref_slice %arg11[%dma_start3A_600, %dma_start3A_601] : memref<10112x64xf32, #tpu.memory_space<vmem_shared>> -> memref<10112x64xf32, #tpu.memory_space<vmem_shared>>
      tpu.enqueue_indirect_dma source(%arg10 : memref<112x64xf32, #tpu.memory_space<vmem>>) target(%dma_start3A_602 : memref<10112x64xf32, #tpu.memory_space<vmem_shared>>) offsets(%dma_start3A_599 : memref<112xi32, #tpu.memory_space<vmem>>) semaphore(%arg15 : memref<!tpu.dma_semaphore, #tpu.memory_space<semaphore_mem>>) {add = true}
      %dma_wait3A_603 = arith.constant 0 : i32
      %dma_wait3A_604 = arith.constant 0 : i32
      %dma_wait3A_605 = tpu.memref_slice %arg7[%dma_wait3A_603, %dma_wait3A_604] : memref<30x112xi32, #tpu.memory_space<vmem>> -> memref<1x112xi32, #tpu.memory_space<vmem>>
      %dma_wait3A_606 = tpu.memref_squeeze %dma_wait3A_605 : memref<1x112xi32, #tpu.memory_space<vmem>> -> memref<112xi32, #tpu.memory_space<vmem>>
      %dma_wait3A_607 = arith.constant 0 : i32
      %dma_wait3A_608 = arith.constant 0 : i32
      %dma_wait3A_609 = tpu.memref_slice %arg11[%dma_wait3A_607, %dma_wait3A_608] : memref<10112x64xf32, #tpu.memory_space<vmem_shared>> -> memref<10112x64xf32, #tpu.memory_space<vmem_shared>>
      tpu.wait_indirect_dma semaphore(%arg15 : memref<!tpu.dma_semaphore, #tpu.memory_space<semaphore_mem>>) src(%arg8 : memref<112x64xf32, #tpu.memory_space<vmem>>) dst(%dma_wait3A_609 : memref<10112x64xf32, #tpu.memory_space<vmem_shared>>)
      %dma_start3A_610 = arith.constant 22 : i32
      %dma_start3A_611 = arith.constant 0 : i32
      %dma_start3A_612 = tpu.memref_slice %arg6[%dma_start3A_610, %dma_start3A_611] : memref<30x112xi32, #tpu.memory_space<vmem>> -> memref<1x112xi32, #tpu.memory_space<vmem>>
      %dma_start3A_613 = tpu.memref_squeeze %dma_start3A_612 : memref<1x112xi32, #tpu.memory_space<vmem>> -> memref<112xi32, #tpu.memory_space<vmem>>
      %dma_start3A_614 = arith.constant 0 : i32
      %dma_start3A_615 = arith.constant 0 : i32
      %dma_start3A_616 = tpu.memref_slice %arg2[%dma_start3A_614, %dma_start3A_615] : memref<20224x64xf32, #tpu.memory_space<hbm>> -> memref<20224x64xf32, #tpu.memory_space<hbm>>
      tpu.enqueue_indirect_dma source(%dma_start3A_616 : memref<20224x64xf32, #tpu.memory_space<hbm>>) target(%arg9 : memref<112x64xf32, #tpu.memory_space<vmem>>) offsets(%dma_start3A_613 : memref<112xi32, #tpu.memory_space<vmem>>) semaphore(%arg13 : memref<!tpu.dma_semaphore, #tpu.memory_space<semaphore_mem>>)
      %dma_wait3A_617 = arith.constant 0 : i32
      %dma_wait3A_618 = arith.constant 0 : i32
      %dma_wait3A_619 = tpu.memref_slice %arg2[%dma_wait3A_617, %dma_wait3A_618] : memref<20224x64xf32, #tpu.memory_space<hbm>> -> memref<112x64xf32, #tpu.memory_space<hbm>>
      %dma_wait3A_620 = arith.constant 0 : i32
      %dma_wait3A_621 = arith.constant 0 : i32
      %dma_wait3A_622 = tpu.memref_slice %arg2[%dma_wait3A_620, %dma_wait3A_621] : memref<20224x64xf32, #tpu.memory_space<hbm>> -> memref<112x64xf32, #tpu.memory_space<hbm>>
      tpu.wait_dma2 semaphore(%arg12 : memref<!tpu.dma_semaphore, #tpu.memory_space<semaphore_mem>>) src(%dma_wait3A_622 : memref<112x64xf32, #tpu.memory_space<hbm>>) dst(%arg8 : memref<112x64xf32, #tpu.memory_space<vmem>>)
      %dma_start3A_623 = arith.constant 21 : i32
      %dma_start3A_624 = arith.constant 0 : i32
      %dma_start3A_625 = tpu.memref_slice %arg7[%dma_start3A_623, %dma_start3A_624] : memref<30x112xi32, #tpu.memory_space<vmem>> -> memref<1x112xi32, #tpu.memory_space<vmem>>
      %dma_start3A_626 = tpu.memref_squeeze %dma_start3A_625 : memref<1x112xi32, #tpu.memory_space<vmem>> -> memref<112xi32, #tpu.memory_space<vmem>>
      %dma_start3A_627 = arith.constant 0 : i32
      %dma_start3A_628 = arith.constant 0 : i32
      %dma_start3A_629 = tpu.memref_slice %arg11[%dma_start3A_627, %dma_start3A_628] : memref<10112x64xf32, #tpu.memory_space<vmem_shared>> -> memref<10112x64xf32, #tpu.memory_space<vmem_shared>>
      tpu.enqueue_indirect_dma source(%arg8 : memref<112x64xf32, #tpu.memory_space<vmem>>) target(%dma_start3A_629 : memref<10112x64xf32, #tpu.memory_space<vmem_shared>>) offsets(%dma_start3A_626 : memref<112xi32, #tpu.memory_space<vmem>>) semaphore(%arg15 : memref<!tpu.dma_semaphore, #tpu.memory_space<semaphore_mem>>) {add = true}
      %dma_wait3A_630 = arith.constant 0 : i32
      %dma_wait3A_631 = arith.constant 0 : i32
      %dma_wait3A_632 = tpu.memref_slice %arg7[%dma_wait3A_630, %dma_wait3A_631] : memref<30x112xi32, #tpu.memory_space<vmem>> -> memref<1x112xi32, #tpu.memory_space<vmem>>
      %dma_wait3A_633 = tpu.memref_squeeze %dma_wait3A_632 : memref<1x112xi32, #tpu.memory_space<vmem>> -> memref<112xi32, #tpu.memory_space<vmem>>
      %dma_wait3A_634 = arith.constant 0 : i32
      %dma_wait3A_635 = arith.constant 0 : i32
      %dma_wait3A_636 = tpu.memref_slice %arg11[%dma_wait3A_634, %dma_wait3A_635] : memref<10112x64xf32, #tpu.memory_space<vmem_shared>> -> memref<10112x64xf32, #tpu.memory_space<vmem_shared>>
      tpu.wait_indirect_dma semaphore(%arg15 : memref<!tpu.dma_semaphore, #tpu.memory_space<semaphore_mem>>) src(%arg8 : memref<112x64xf32, #tpu.memory_space<vmem>>) dst(%dma_wait3A_636 : memref<10112x64xf32, #tpu.memory_space<vmem_shared>>)
      %dma_start3A_637 = arith.constant 23 : i32
      %dma_start3A_638 = arith.constant 0 : i32
      %dma_start3A_639 = tpu.memref_slice %arg6[%dma_start3A_637, %dma_start3A_638] : memref<30x112xi32, #tpu.memory_space<vmem>> -> memref<1x112xi32, #tpu.memory_space<vmem>>
      %dma_start3A_640 = tpu.memref_squeeze %dma_start3A_639 : memref<1x112xi32, #tpu.memory_space<vmem>> -> memref<112xi32, #tpu.memory_space<vmem>>
      %dma_start3A_641 = arith.constant 0 : i32
      %dma_start3A_642 = arith.constant 0 : i32
      %dma_start3A_643 = tpu.memref_slice %arg2[%dma_start3A_641, %dma_start3A_642] : memref<20224x64xf32, #tpu.memory_space<hbm>> -> memref<20224x64xf32, #tpu.memory_space<hbm>>
      tpu.enqueue_indirect_dma source(%dma_start3A_643 : memref<20224x64xf32, #tpu.memory_space<hbm>>) target(%arg10 : memref<112x64xf32, #tpu.memory_space<vmem>>) offsets(%dma_start3A_640 : memref<112xi32, #tpu.memory_space<vmem>>) semaphore(%arg14 : memref<!tpu.dma_semaphore, #tpu.memory_space<semaphore_mem>>)
      %dma_wait3A_644 = arith.constant 0 : i32
      %dma_wait3A_645 = arith.constant 0 : i32
      %dma_wait3A_646 = tpu.memref_slice %arg2[%dma_wait3A_644, %dma_wait3A_645] : memref<20224x64xf32, #tpu.memory_space<hbm>> -> memref<112x64xf32, #tpu.memory_space<hbm>>
      %dma_wait3A_647 = arith.constant 0 : i32
      %dma_wait3A_648 = arith.constant 0 : i32
      %dma_wait3A_649 = tpu.memref_slice %arg2[%dma_wait3A_647, %dma_wait3A_648] : memref<20224x64xf32, #tpu.memory_space<hbm>> -> memref<112x64xf32, #tpu.memory_space<hbm>>
      tpu.wait_dma2 semaphore(%arg13 : memref<!tpu.dma_semaphore, #tpu.memory_space<semaphore_mem>>) src(%dma_wait3A_649 : memref<112x64xf32, #tpu.memory_space<hbm>>) dst(%arg9 : memref<112x64xf32, #tpu.memory_space<vmem>>)
      %dma_start3A_650 = arith.constant 22 : i32
      %dma_start3A_651 = arith.constant 0 : i32
      %dma_start3A_652 = tpu.memref_slice %arg7[%dma_start3A_650, %dma_start3A_651] : memref<30x112xi32, #tpu.memory_space<vmem>> -> memref<1x112xi32, #tpu.memory_space<vmem>>
      %dma_start3A_653 = tpu.memref_squeeze %dma_start3A_652 : memref<1x112xi32, #tpu.memory_space<vmem>> -> memref<112xi32, #tpu.memory_space<vmem>>
      %dma_start3A_654 = arith.constant 0 : i32
      %dma_start3A_655 = arith.constant 0 : i32
      %dma_start3A_656 = tpu.memref_slice %arg11[%dma_start3A_654, %dma_start3A_655] : memref<10112x64xf32, #tpu.memory_space<vmem_shared>> -> memref<10112x64xf32, #tpu.memory_space<vmem_shared>>
      tpu.enqueue_indirect_dma source(%arg9 : memref<112x64xf32, #tpu.memory_space<vmem>>) target(%dma_start3A_656 : memref<10112x64xf32, #tpu.memory_space<vmem_shared>>) offsets(%dma_start3A_653 : memref<112xi32, #tpu.memory_space<vmem>>) semaphore(%arg15 : memref<!tpu.dma_semaphore, #tpu.memory_space<semaphore_mem>>) {add = true}
      %dma_wait3A_657 = arith.constant 0 : i32
      %dma_wait3A_658 = arith.constant 0 : i32
      %dma_wait3A_659 = tpu.memref_slice %arg7[%dma_wait3A_657, %dma_wait3A_658] : memref<30x112xi32, #tpu.memory_space<vmem>> -> memref<1x112xi32, #tpu.memory_space<vmem>>
      %dma_wait3A_660 = tpu.memref_squeeze %dma_wait3A_659 : memref<1x112xi32, #tpu.memory_space<vmem>> -> memref<112xi32, #tpu.memory_space<vmem>>
      %dma_wait3A_661 = arith.constant 0 : i32
      %dma_wait3A_662 = arith.constant 0 : i32
      %dma_wait3A_663 = tpu.memref_slice %arg11[%dma_wait3A_661, %dma_wait3A_662] : memref<10112x64xf32, #tpu.memory_space<vmem_shared>> -> memref<10112x64xf32, #tpu.memory_space<vmem_shared>>
      tpu.wait_indirect_dma semaphore(%arg15 : memref<!tpu.dma_semaphore, #tpu.memory_space<semaphore_mem>>) src(%arg8 : memref<112x64xf32, #tpu.memory_space<vmem>>) dst(%dma_wait3A_663 : memref<10112x64xf32, #tpu.memory_space<vmem_shared>>)
      %dma_start3A_664 = arith.constant 24 : i32
      %dma_start3A_665 = arith.constant 0 : i32
      %dma_start3A_666 = tpu.memref_slice %arg6[%dma_start3A_664, %dma_start3A_665] : memref<30x112xi32, #tpu.memory_space<vmem>> -> memref<1x112xi32, #tpu.memory_space<vmem>>
      %dma_start3A_667 = tpu.memref_squeeze %dma_start3A_666 : memref<1x112xi32, #tpu.memory_space<vmem>> -> memref<112xi32, #tpu.memory_space<vmem>>
      %dma_start3A_668 = arith.constant 0 : i32
      %dma_start3A_669 = arith.constant 0 : i32
      %dma_start3A_670 = tpu.memref_slice %arg2[%dma_start3A_668, %dma_start3A_669] : memref<20224x64xf32, #tpu.memory_space<hbm>> -> memref<20224x64xf32, #tpu.memory_space<hbm>>
      tpu.enqueue_indirect_dma source(%dma_start3A_670 : memref<20224x64xf32, #tpu.memory_space<hbm>>) target(%arg8 : memref<112x64xf32, #tpu.memory_space<vmem>>) offsets(%dma_start3A_667 : memref<112xi32, #tpu.memory_space<vmem>>) semaphore(%arg12 : memref<!tpu.dma_semaphore, #tpu.memory_space<semaphore_mem>>)
      %dma_wait3A_671 = arith.constant 0 : i32
      %dma_wait3A_672 = arith.constant 0 : i32
      %dma_wait3A_673 = tpu.memref_slice %arg2[%dma_wait3A_671, %dma_wait3A_672] : memref<20224x64xf32, #tpu.memory_space<hbm>> -> memref<112x64xf32, #tpu.memory_space<hbm>>
      %dma_wait3A_674 = arith.constant 0 : i32
      %dma_wait3A_675 = arith.constant 0 : i32
      %dma_wait3A_676 = tpu.memref_slice %arg2[%dma_wait3A_674, %dma_wait3A_675] : memref<20224x64xf32, #tpu.memory_space<hbm>> -> memref<112x64xf32, #tpu.memory_space<hbm>>
      tpu.wait_dma2 semaphore(%arg14 : memref<!tpu.dma_semaphore, #tpu.memory_space<semaphore_mem>>) src(%dma_wait3A_676 : memref<112x64xf32, #tpu.memory_space<hbm>>) dst(%arg10 : memref<112x64xf32, #tpu.memory_space<vmem>>)
      %dma_start3A_677 = arith.constant 23 : i32
      %dma_start3A_678 = arith.constant 0 : i32
      %dma_start3A_679 = tpu.memref_slice %arg7[%dma_start3A_677, %dma_start3A_678] : memref<30x112xi32, #tpu.memory_space<vmem>> -> memref<1x112xi32, #tpu.memory_space<vmem>>
      %dma_start3A_680 = tpu.memref_squeeze %dma_start3A_679 : memref<1x112xi32, #tpu.memory_space<vmem>> -> memref<112xi32, #tpu.memory_space<vmem>>
      %dma_start3A_681 = arith.constant 0 : i32
      %dma_start3A_682 = arith.constant 0 : i32
      %dma_start3A_683 = tpu.memref_slice %arg11[%dma_start3A_681, %dma_start3A_682] : memref<10112x64xf32, #tpu.memory_space<vmem_shared>> -> memref<10112x64xf32, #tpu.memory_space<vmem_shared>>
      tpu.enqueue_indirect_dma source(%arg10 : memref<112x64xf32, #tpu.memory_space<vmem>>) target(%dma_start3A_683 : memref<10112x64xf32, #tpu.memory_space<vmem_shared>>) offsets(%dma_start3A_680 : memref<112xi32, #tpu.memory_space<vmem>>) semaphore(%arg15 : memref<!tpu.dma_semaphore, #tpu.memory_space<semaphore_mem>>) {add = true}
      %dma_wait3A_684 = arith.constant 0 : i32
      %dma_wait3A_685 = arith.constant 0 : i32
      %dma_wait3A_686 = tpu.memref_slice %arg7[%dma_wait3A_684, %dma_wait3A_685] : memref<30x112xi32, #tpu.memory_space<vmem>> -> memref<1x112xi32, #tpu.memory_space<vmem>>
      %dma_wait3A_687 = tpu.memref_squeeze %dma_wait3A_686 : memref<1x112xi32, #tpu.memory_space<vmem>> -> memref<112xi32, #tpu.memory_space<vmem>>
      %dma_wait3A_688 = arith.constant 0 : i32
      %dma_wait3A_689 = arith.constant 0 : i32
      %dma_wait3A_690 = tpu.memref_slice %arg11[%dma_wait3A_688, %dma_wait3A_689] : memref<10112x64xf32, #tpu.memory_space<vmem_shared>> -> memref<10112x64xf32, #tpu.memory_space<vmem_shared>>
      tpu.wait_indirect_dma semaphore(%arg15 : memref<!tpu.dma_semaphore, #tpu.memory_space<semaphore_mem>>) src(%arg8 : memref<112x64xf32, #tpu.memory_space<vmem>>) dst(%dma_wait3A_690 : memref<10112x64xf32, #tpu.memory_space<vmem_shared>>)
      %dma_start3A_691 = arith.constant 25 : i32
      %dma_start3A_692 = arith.constant 0 : i32
      %dma_start3A_693 = tpu.memref_slice %arg6[%dma_start3A_691, %dma_start3A_692] : memref<30x112xi32, #tpu.memory_space<vmem>> -> memref<1x112xi32, #tpu.memory_space<vmem>>
      %dma_start3A_694 = tpu.memref_squeeze %dma_start3A_693 : memref<1x112xi32, #tpu.memory_space<vmem>> -> memref<112xi32, #tpu.memory_space<vmem>>
      %dma_start3A_695 = arith.constant 0 : i32
      %dma_start3A_696 = arith.constant 0 : i32
      %dma_start3A_697 = tpu.memref_slice %arg2[%dma_start3A_695, %dma_start3A_696] : memref<20224x64xf32, #tpu.memory_space<hbm>> -> memref<20224x64xf32, #tpu.memory_space<hbm>>
      tpu.enqueue_indirect_dma source(%dma_start3A_697 : memref<20224x64xf32, #tpu.memory_space<hbm>>) target(%arg9 : memref<112x64xf32, #tpu.memory_space<vmem>>) offsets(%dma_start3A_694 : memref<112xi32, #tpu.memory_space<vmem>>) semaphore(%arg13 : memref<!tpu.dma_semaphore, #tpu.memory_space<semaphore_mem>>)
      %dma_wait3A_698 = arith.constant 0 : i32
      %dma_wait3A_699 = arith.constant 0 : i32
      %dma_wait3A_700 = tpu.memref_slice %arg2[%dma_wait3A_698, %dma_wait3A_699] : memref<20224x64xf32, #tpu.memory_space<hbm>> -> memref<112x64xf32, #tpu.memory_space<hbm>>
      %dma_wait3A_701 = arith.constant 0 : i32
      %dma_wait3A_702 = arith.constant 0 : i32
      %dma_wait3A_703 = tpu.memref_slice %arg2[%dma_wait3A_701, %dma_wait3A_702] : memref<20224x64xf32, #tpu.memory_space<hbm>> -> memref<112x64xf32, #tpu.memory_space<hbm>>
      tpu.wait_dma2 semaphore(%arg12 : memref<!tpu.dma_semaphore, #tpu.memory_space<semaphore_mem>>) src(%dma_wait3A_703 : memref<112x64xf32, #tpu.memory_space<hbm>>) dst(%arg8 : memref<112x64xf32, #tpu.memory_space<vmem>>)
      %dma_start3A_704 = arith.constant 24 : i32
      %dma_start3A_705 = arith.constant 0 : i32
      %dma_start3A_706 = tpu.memref_slice %arg7[%dma_start3A_704, %dma_start3A_705] : memref<30x112xi32, #tpu.memory_space<vmem>> -> memref<1x112xi32, #tpu.memory_space<vmem>>
      %dma_start3A_707 = tpu.memref_squeeze %dma_start3A_706 : memref<1x112xi32, #tpu.memory_space<vmem>> -> memref<112xi32, #tpu.memory_space<vmem>>
      %dma_start3A_708 = arith.constant 0 : i32
      %dma_start3A_709 = arith.constant 0 : i32
      %dma_start3A_710 = tpu.memref_slice %arg11[%dma_start3A_708, %dma_start3A_709] : memref<10112x64xf32, #tpu.memory_space<vmem_shared>> -> memref<10112x64xf32, #tpu.memory_space<vmem_shared>>
      tpu.enqueue_indirect_dma source(%arg8 : memref<112x64xf32, #tpu.memory_space<vmem>>) target(%dma_start3A_710 : memref<10112x64xf32, #tpu.memory_space<vmem_shared>>) offsets(%dma_start3A_707 : memref<112xi32, #tpu.memory_space<vmem>>) semaphore(%arg15 : memref<!tpu.dma_semaphore, #tpu.memory_space<semaphore_mem>>) {add = true}
      %dma_wait3A_711 = arith.constant 0 : i32
      %dma_wait3A_712 = arith.constant 0 : i32
      %dma_wait3A_713 = tpu.memref_slice %arg7[%dma_wait3A_711, %dma_wait3A_712] : memref<30x112xi32, #tpu.memory_space<vmem>> -> memref<1x112xi32, #tpu.memory_space<vmem>>
      %dma_wait3A_714 = tpu.memref_squeeze %dma_wait3A_713 : memref<1x112xi32, #tpu.memory_space<vmem>> -> memref<112xi32, #tpu.memory_space<vmem>>
      %dma_wait3A_715 = arith.constant 0 : i32
      %dma_wait3A_716 = arith.constant 0 : i32
      %dma_wait3A_717 = tpu.memref_slice %arg11[%dma_wait3A_715, %dma_wait3A_716] : memref<10112x64xf32, #tpu.memory_space<vmem_shared>> -> memref<10112x64xf32, #tpu.memory_space<vmem_shared>>
      tpu.wait_indirect_dma semaphore(%arg15 : memref<!tpu.dma_semaphore, #tpu.memory_space<semaphore_mem>>) src(%arg8 : memref<112x64xf32, #tpu.memory_space<vmem>>) dst(%dma_wait3A_717 : memref<10112x64xf32, #tpu.memory_space<vmem_shared>>)
      %dma_start3A_718 = arith.constant 26 : i32
      %dma_start3A_719 = arith.constant 0 : i32
      %dma_start3A_720 = tpu.memref_slice %arg6[%dma_start3A_718, %dma_start3A_719] : memref<30x112xi32, #tpu.memory_space<vmem>> -> memref<1x112xi32, #tpu.memory_space<vmem>>
      %dma_start3A_721 = tpu.memref_squeeze %dma_start3A_720 : memref<1x112xi32, #tpu.memory_space<vmem>> -> memref<112xi32, #tpu.memory_space<vmem>>
      %dma_start3A_722 = arith.constant 0 : i32
      %dma_start3A_723 = arith.constant 0 : i32
      %dma_start3A_724 = tpu.memref_slice %arg2[%dma_start3A_722, %dma_start3A_723] : memref<20224x64xf32, #tpu.memory_space<hbm>> -> memref<20224x64xf32, #tpu.memory_space<hbm>>
      tpu.enqueue_indirect_dma source(%dma_start3A_724 : memref<20224x64xf32, #tpu.memory_space<hbm>>) target(%arg10 : memref<112x64xf32, #tpu.memory_space<vmem>>) offsets(%dma_start3A_721 : memref<112xi32, #tpu.memory_space<vmem>>) semaphore(%arg14 : memref<!tpu.dma_semaphore, #tpu.memory_space<semaphore_mem>>)
      %dma_wait3A_725 = arith.constant 0 : i32
      %dma_wait3A_726 = arith.constant 0 : i32
      %dma_wait3A_727 = tpu.memref_slice %arg2[%dma_wait3A_725, %dma_wait3A_726] : memref<20224x64xf32, #tpu.memory_space<hbm>> -> memref<112x64xf32, #tpu.memory_space<hbm>>
      %dma_wait3A_728 = arith.constant 0 : i32
      %dma_wait3A_729 = arith.constant 0 : i32
      %dma_wait3A_730 = tpu.memref_slice %arg2[%dma_wait3A_728, %dma_wait3A_729] : memref<20224x64xf32, #tpu.memory_space<hbm>> -> memref<112x64xf32, #tpu.memory_space<hbm>>
      tpu.wait_dma2 semaphore(%arg13 : memref<!tpu.dma_semaphore, #tpu.memory_space<semaphore_mem>>) src(%dma_wait3A_730 : memref<112x64xf32, #tpu.memory_space<hbm>>) dst(%arg9 : memref<112x64xf32, #tpu.memory_space<vmem>>)
      %dma_start3A_731 = arith.constant 25 : i32
      %dma_start3A_732 = arith.constant 0 : i32
      %dma_start3A_733 = tpu.memref_slice %arg7[%dma_start3A_731, %dma_start3A_732] : memref<30x112xi32, #tpu.memory_space<vmem>> -> memref<1x112xi32, #tpu.memory_space<vmem>>
      %dma_start3A_734 = tpu.memref_squeeze %dma_start3A_733 : memref<1x112xi32, #tpu.memory_space<vmem>> -> memref<112xi32, #tpu.memory_space<vmem>>
      %dma_start3A_735 = arith.constant 0 : i32
      %dma_start3A_736 = arith.constant 0 : i32
      %dma_start3A_737 = tpu.memref_slice %arg11[%dma_start3A_735, %dma_start3A_736] : memref<10112x64xf32, #tpu.memory_space<vmem_shared>> -> memref<10112x64xf32, #tpu.memory_space<vmem_shared>>
      tpu.enqueue_indirect_dma source(%arg9 : memref<112x64xf32, #tpu.memory_space<vmem>>) target(%dma_start3A_737 : memref<10112x64xf32, #tpu.memory_space<vmem_shared>>) offsets(%dma_start3A_734 : memref<112xi32, #tpu.memory_space<vmem>>) semaphore(%arg15 : memref<!tpu.dma_semaphore, #tpu.memory_space<semaphore_mem>>) {add = true}
      %dma_wait3A_738 = arith.constant 0 : i32
      %dma_wait3A_739 = arith.constant 0 : i32
      %dma_wait3A_740 = tpu.memref_slice %arg7[%dma_wait3A_738, %dma_wait3A_739] : memref<30x112xi32, #tpu.memory_space<vmem>> -> memref<1x112xi32, #tpu.memory_space<vmem>>
      %dma_wait3A_741 = tpu.memref_squeeze %dma_wait3A_740 : memref<1x112xi32, #tpu.memory_space<vmem>> -> memref<112xi32, #tpu.memory_space<vmem>>
      %dma_wait3A_742 = arith.constant 0 : i32
      %dma_wait3A_743 = arith.constant 0 : i32
      %dma_wait3A_744 = tpu.memref_slice %arg11[%dma_wait3A_742, %dma_wait3A_743] : memref<10112x64xf32, #tpu.memory_space<vmem_shared>> -> memref<10112x64xf32, #tpu.memory_space<vmem_shared>>
      tpu.wait_indirect_dma semaphore(%arg15 : memref<!tpu.dma_semaphore, #tpu.memory_space<semaphore_mem>>) src(%arg8 : memref<112x64xf32, #tpu.memory_space<vmem>>) dst(%dma_wait3A_744 : memref<10112x64xf32, #tpu.memory_space<vmem_shared>>)
      %dma_start3A_745 = arith.constant 27 : i32
      %dma_start3A_746 = arith.constant 0 : i32
      %dma_start3A_747 = tpu.memref_slice %arg6[%dma_start3A_745, %dma_start3A_746] : memref<30x112xi32, #tpu.memory_space<vmem>> -> memref<1x112xi32, #tpu.memory_space<vmem>>
      %dma_start3A_748 = tpu.memref_squeeze %dma_start3A_747 : memref<1x112xi32, #tpu.memory_space<vmem>> -> memref<112xi32, #tpu.memory_space<vmem>>
      %dma_start3A_749 = arith.constant 0 : i32
      %dma_start3A_750 = arith.constant 0 : i32
      %dma_start3A_751 = tpu.memref_slice %arg2[%dma_start3A_749, %dma_start3A_750] : memref<20224x64xf32, #tpu.memory_space<hbm>> -> memref<20224x64xf32, #tpu.memory_space<hbm>>
      tpu.enqueue_indirect_dma source(%dma_start3A_751 : memref<20224x64xf32, #tpu.memory_space<hbm>>) target(%arg8 : memref<112x64xf32, #tpu.memory_space<vmem>>) offsets(%dma_start3A_748 : memref<112xi32, #tpu.memory_space<vmem>>) semaphore(%arg12 : memref<!tpu.dma_semaphore, #tpu.memory_space<semaphore_mem>>)
      %dma_wait3A_752 = arith.constant 0 : i32
      %dma_wait3A_753 = arith.constant 0 : i32
      %dma_wait3A_754 = tpu.memref_slice %arg2[%dma_wait3A_752, %dma_wait3A_753] : memref<20224x64xf32, #tpu.memory_space<hbm>> -> memref<112x64xf32, #tpu.memory_space<hbm>>
      %dma_wait3A_755 = arith.constant 0 : i32
      %dma_wait3A_756 = arith.constant 0 : i32
      %dma_wait3A_757 = tpu.memref_slice %arg2[%dma_wait3A_755, %dma_wait3A_756] : memref<20224x64xf32, #tpu.memory_space<hbm>> -> memref<112x64xf32, #tpu.memory_space<hbm>>
      tpu.wait_dma2 semaphore(%arg14 : memref<!tpu.dma_semaphore, #tpu.memory_space<semaphore_mem>>) src(%dma_wait3A_757 : memref<112x64xf32, #tpu.memory_space<hbm>>) dst(%arg10 : memref<112x64xf32, #tpu.memory_space<vmem>>)
      %dma_start3A_758 = arith.constant 26 : i32
      %dma_start3A_759 = arith.constant 0 : i32
      %dma_start3A_760 = tpu.memref_slice %arg7[%dma_start3A_758, %dma_start3A_759] : memref<30x112xi32, #tpu.memory_space<vmem>> -> memref<1x112xi32, #tpu.memory_space<vmem>>
      %dma_start3A_761 = tpu.memref_squeeze %dma_start3A_760 : memref<1x112xi32, #tpu.memory_space<vmem>> -> memref<112xi32, #tpu.memory_space<vmem>>
      %dma_start3A_762 = arith.constant 0 : i32
      %dma_start3A_763 = arith.constant 0 : i32
      %dma_start3A_764 = tpu.memref_slice %arg11[%dma_start3A_762, %dma_start3A_763] : memref<10112x64xf32, #tpu.memory_space<vmem_shared>> -> memref<10112x64xf32, #tpu.memory_space<vmem_shared>>
      tpu.enqueue_indirect_dma source(%arg10 : memref<112x64xf32, #tpu.memory_space<vmem>>) target(%dma_start3A_764 : memref<10112x64xf32, #tpu.memory_space<vmem_shared>>) offsets(%dma_start3A_761 : memref<112xi32, #tpu.memory_space<vmem>>) semaphore(%arg15 : memref<!tpu.dma_semaphore, #tpu.memory_space<semaphore_mem>>) {add = true}
      %dma_wait3A_765 = arith.constant 0 : i32
      %dma_wait3A_766 = arith.constant 0 : i32
      %dma_wait3A_767 = tpu.memref_slice %arg7[%dma_wait3A_765, %dma_wait3A_766] : memref<30x112xi32, #tpu.memory_space<vmem>> -> memref<1x112xi32, #tpu.memory_space<vmem>>
      %dma_wait3A_768 = tpu.memref_squeeze %dma_wait3A_767 : memref<1x112xi32, #tpu.memory_space<vmem>> -> memref<112xi32, #tpu.memory_space<vmem>>
      %dma_wait3A_769 = arith.constant 0 : i32
      %dma_wait3A_770 = arith.constant 0 : i32
      %dma_wait3A_771 = tpu.memref_slice %arg11[%dma_wait3A_769, %dma_wait3A_770] : memref<10112x64xf32, #tpu.memory_space<vmem_shared>> -> memref<10112x64xf32, #tpu.memory_space<vmem_shared>>
      tpu.wait_indirect_dma semaphore(%arg15 : memref<!tpu.dma_semaphore, #tpu.memory_space<semaphore_mem>>) src(%arg8 : memref<112x64xf32, #tpu.memory_space<vmem>>) dst(%dma_wait3A_771 : memref<10112x64xf32, #tpu.memory_space<vmem_shared>>)
      %dma_start3A_772 = arith.constant 28 : i32
      %dma_start3A_773 = arith.constant 0 : i32
      %dma_start3A_774 = tpu.memref_slice %arg6[%dma_start3A_772, %dma_start3A_773] : memref<30x112xi32, #tpu.memory_space<vmem>> -> memref<1x112xi32, #tpu.memory_space<vmem>>
      %dma_start3A_775 = tpu.memref_squeeze %dma_start3A_774 : memref<1x112xi32, #tpu.memory_space<vmem>> -> memref<112xi32, #tpu.memory_space<vmem>>
      %dma_start3A_776 = arith.constant 0 : i32
      %dma_start3A_777 = arith.constant 0 : i32
      %dma_start3A_778 = tpu.memref_slice %arg2[%dma_start3A_776, %dma_start3A_777] : memref<20224x64xf32, #tpu.memory_space<hbm>> -> memref<20224x64xf32, #tpu.memory_space<hbm>>
      tpu.enqueue_indirect_dma source(%dma_start3A_778 : memref<20224x64xf32, #tpu.memory_space<hbm>>) target(%arg9 : memref<112x64xf32, #tpu.memory_space<vmem>>) offsets(%dma_start3A_775 : memref<112xi32, #tpu.memory_space<vmem>>) semaphore(%arg13 : memref<!tpu.dma_semaphore, #tpu.memory_space<semaphore_mem>>)
      %dma_wait3A_779 = arith.constant 0 : i32
      %dma_wait3A_780 = arith.constant 0 : i32
      %dma_wait3A_781 = tpu.memref_slice %arg2[%dma_wait3A_779, %dma_wait3A_780] : memref<20224x64xf32, #tpu.memory_space<hbm>> -> memref<112x64xf32, #tpu.memory_space<hbm>>
      %dma_wait3A_782 = arith.constant 0 : i32
      %dma_wait3A_783 = arith.constant 0 : i32
      %dma_wait3A_784 = tpu.memref_slice %arg2[%dma_wait3A_782, %dma_wait3A_783] : memref<20224x64xf32, #tpu.memory_space<hbm>> -> memref<112x64xf32, #tpu.memory_space<hbm>>
      tpu.wait_dma2 semaphore(%arg12 : memref<!tpu.dma_semaphore, #tpu.memory_space<semaphore_mem>>) src(%dma_wait3A_784 : memref<112x64xf32, #tpu.memory_space<hbm>>) dst(%arg8 : memref<112x64xf32, #tpu.memory_space<vmem>>)
      %dma_start3A_785 = arith.constant 27 : i32
      %dma_start3A_786 = arith.constant 0 : i32
      %dma_start3A_787 = tpu.memref_slice %arg7[%dma_start3A_785, %dma_start3A_786] : memref<30x112xi32, #tpu.memory_space<vmem>> -> memref<1x112xi32, #tpu.memory_space<vmem>>
      %dma_start3A_788 = tpu.memref_squeeze %dma_start3A_787 : memref<1x112xi32, #tpu.memory_space<vmem>> -> memref<112xi32, #tpu.memory_space<vmem>>
      %dma_start3A_789 = arith.constant 0 : i32
      %dma_start3A_790 = arith.constant 0 : i32
      %dma_start3A_791 = tpu.memref_slice %arg11[%dma_start3A_789, %dma_start3A_790] : memref<10112x64xf32, #tpu.memory_space<vmem_shared>> -> memref<10112x64xf32, #tpu.memory_space<vmem_shared>>
      tpu.enqueue_indirect_dma source(%arg8 : memref<112x64xf32, #tpu.memory_space<vmem>>) target(%dma_start3A_791 : memref<10112x64xf32, #tpu.memory_space<vmem_shared>>) offsets(%dma_start3A_788 : memref<112xi32, #tpu.memory_space<vmem>>) semaphore(%arg15 : memref<!tpu.dma_semaphore, #tpu.memory_space<semaphore_mem>>) {add = true}
      %dma_wait3A_792 = arith.constant 0 : i32
      %dma_wait3A_793 = arith.constant 0 : i32
      %dma_wait3A_794 = tpu.memref_slice %arg7[%dma_wait3A_792, %dma_wait3A_793] : memref<30x112xi32, #tpu.memory_space<vmem>> -> memref<1x112xi32, #tpu.memory_space<vmem>>
      %dma_wait3A_795 = tpu.memref_squeeze %dma_wait3A_794 : memref<1x112xi32, #tpu.memory_space<vmem>> -> memref<112xi32, #tpu.memory_space<vmem>>
      %dma_wait3A_796 = arith.constant 0 : i32
      %dma_wait3A_797 = arith.constant 0 : i32
      %dma_wait3A_798 = tpu.memref_slice %arg11[%dma_wait3A_796, %dma_wait3A_797] : memref<10112x64xf32, #tpu.memory_space<vmem_shared>> -> memref<10112x64xf32, #tpu.memory_space<vmem_shared>>
      tpu.wait_indirect_dma semaphore(%arg15 : memref<!tpu.dma_semaphore, #tpu.memory_space<semaphore_mem>>) src(%arg8 : memref<112x64xf32, #tpu.memory_space<vmem>>) dst(%dma_wait3A_798 : memref<10112x64xf32, #tpu.memory_space<vmem_shared>>)
      %dma_start3A_799 = arith.constant 29 : i32
      %dma_start3A_800 = arith.constant 0 : i32
      %dma_start3A_801 = tpu.memref_slice %arg6[%dma_start3A_799, %dma_start3A_800] : memref<30x112xi32, #tpu.memory_space<vmem>> -> memref<1x112xi32, #tpu.memory_space<vmem>>
      %dma_start3A_802 = tpu.memref_squeeze %dma_start3A_801 : memref<1x112xi32, #tpu.memory_space<vmem>> -> memref<112xi32, #tpu.memory_space<vmem>>
      %dma_start3A_803 = arith.constant 0 : i32
      %dma_start3A_804 = arith.constant 0 : i32
      %dma_start3A_805 = tpu.memref_slice %arg2[%dma_start3A_803, %dma_start3A_804] : memref<20224x64xf32, #tpu.memory_space<hbm>> -> memref<20224x64xf32, #tpu.memory_space<hbm>>
      tpu.enqueue_indirect_dma source(%dma_start3A_805 : memref<20224x64xf32, #tpu.memory_space<hbm>>) target(%arg10 : memref<112x64xf32, #tpu.memory_space<vmem>>) offsets(%dma_start3A_802 : memref<112xi32, #tpu.memory_space<vmem>>) semaphore(%arg14 : memref<!tpu.dma_semaphore, #tpu.memory_space<semaphore_mem>>)
      %dma_wait3A_806 = arith.constant 0 : i32
      %dma_wait3A_807 = arith.constant 0 : i32
      %dma_wait3A_808 = tpu.memref_slice %arg2[%dma_wait3A_806, %dma_wait3A_807] : memref<20224x64xf32, #tpu.memory_space<hbm>> -> memref<112x64xf32, #tpu.memory_space<hbm>>
      %dma_wait3A_809 = arith.constant 0 : i32
      %dma_wait3A_810 = arith.constant 0 : i32
      %dma_wait3A_811 = tpu.memref_slice %arg2[%dma_wait3A_809, %dma_wait3A_810] : memref<20224x64xf32, #tpu.memory_space<hbm>> -> memref<112x64xf32, #tpu.memory_space<hbm>>
      tpu.wait_dma2 semaphore(%arg13 : memref<!tpu.dma_semaphore, #tpu.memory_space<semaphore_mem>>) src(%dma_wait3A_811 : memref<112x64xf32, #tpu.memory_space<hbm>>) dst(%arg9 : memref<112x64xf32, #tpu.memory_space<vmem>>)
      %dma_start3A_812 = arith.constant 28 : i32
      %dma_start3A_813 = arith.constant 0 : i32
      %dma_start3A_814 = tpu.memref_slice %arg7[%dma_start3A_812, %dma_start3A_813] : memref<30x112xi32, #tpu.memory_space<vmem>> -> memref<1x112xi32, #tpu.memory_space<vmem>>
      %dma_start3A_815 = tpu.memref_squeeze %dma_start3A_814 : memref<1x112xi32, #tpu.memory_space<vmem>> -> memref<112xi32, #tpu.memory_space<vmem>>
      %dma_start3A_816 = arith.constant 0 : i32
      %dma_start3A_817 = arith.constant 0 : i32
      %dma_start3A_818 = tpu.memref_slice %arg11[%dma_start3A_816, %dma_start3A_817] : memref<10112x64xf32, #tpu.memory_space<vmem_shared>> -> memref<10112x64xf32, #tpu.memory_space<vmem_shared>>
      tpu.enqueue_indirect_dma source(%arg9 : memref<112x64xf32, #tpu.memory_space<vmem>>) target(%dma_start3A_818 : memref<10112x64xf32, #tpu.memory_space<vmem_shared>>) offsets(%dma_start3A_815 : memref<112xi32, #tpu.memory_space<vmem>>) semaphore(%arg15 : memref<!tpu.dma_semaphore, #tpu.memory_space<semaphore_mem>>) {add = true}
      %dma_wait3A_819 = arith.constant 0 : i32
      %dma_wait3A_820 = arith.constant 0 : i32
      %dma_wait3A_821 = tpu.memref_slice %arg7[%dma_wait3A_819, %dma_wait3A_820] : memref<30x112xi32, #tpu.memory_space<vmem>> -> memref<1x112xi32, #tpu.memory_space<vmem>>
      %dma_wait3A_822 = tpu.memref_squeeze %dma_wait3A_821 : memref<1x112xi32, #tpu.memory_space<vmem>> -> memref<112xi32, #tpu.memory_space<vmem>>
      %dma_wait3A_823 = arith.constant 0 : i32
      %dma_wait3A_824 = arith.constant 0 : i32
      %dma_wait3A_825 = tpu.memref_slice %arg11[%dma_wait3A_823, %dma_wait3A_824] : memref<10112x64xf32, #tpu.memory_space<vmem_shared>> -> memref<10112x64xf32, #tpu.memory_space<vmem_shared>>
      tpu.wait_indirect_dma semaphore(%arg15 : memref<!tpu.dma_semaphore, #tpu.memory_space<semaphore_mem>>) src(%arg8 : memref<112x64xf32, #tpu.memory_space<vmem>>) dst(%dma_wait3A_825 : memref<10112x64xf32, #tpu.memory_space<vmem_shared>>)
      %dma_wait3A_826 = arith.constant 0 : i32
      %dma_wait3A_827 = arith.constant 0 : i32
      %dma_wait3A_828 = tpu.memref_slice %arg2[%dma_wait3A_826, %dma_wait3A_827] : memref<20224x64xf32, #tpu.memory_space<hbm>> -> memref<112x64xf32, #tpu.memory_space<hbm>>
      %dma_wait3A_829 = arith.constant 0 : i32
      %dma_wait3A_830 = arith.constant 0 : i32
      %dma_wait3A_831 = tpu.memref_slice %arg2[%dma_wait3A_829, %dma_wait3A_830] : memref<20224x64xf32, #tpu.memory_space<hbm>> -> memref<112x64xf32, #tpu.memory_space<hbm>>
      tpu.wait_dma2 semaphore(%arg14 : memref<!tpu.dma_semaphore, #tpu.memory_space<semaphore_mem>>) src(%dma_wait3A_831 : memref<112x64xf32, #tpu.memory_space<hbm>>) dst(%arg10 : memref<112x64xf32, #tpu.memory_space<vmem>>)
      %dma_start3A_832 = arith.constant 29 : i32
      %dma_start3A_833 = arith.constant 0 : i32
      %dma_start3A_834 = tpu.memref_slice %arg7[%dma_start3A_832, %dma_start3A_833] : memref<30x112xi32, #tpu.memory_space<vmem>> -> memref<1x112xi32, #tpu.memory_space<vmem>>
      %dma_start3A_835 = tpu.memref_squeeze %dma_start3A_834 : memref<1x112xi32, #tpu.memory_space<vmem>> -> memref<112xi32, #tpu.memory_space<vmem>>
      %dma_start3A_836 = arith.constant 0 : i32
      %dma_start3A_837 = arith.constant 0 : i32
      %dma_start3A_838 = tpu.memref_slice %arg11[%dma_start3A_836, %dma_start3A_837] : memref<10112x64xf32, #tpu.memory_space<vmem_shared>> -> memref<10112x64xf32, #tpu.memory_space<vmem_shared>>
      tpu.enqueue_indirect_dma source(%arg10 : memref<112x64xf32, #tpu.memory_space<vmem>>) target(%dma_start3A_838 : memref<10112x64xf32, #tpu.memory_space<vmem_shared>>) offsets(%dma_start3A_835 : memref<112xi32, #tpu.memory_space<vmem>>) semaphore(%arg15 : memref<!tpu.dma_semaphore, #tpu.memory_space<semaphore_mem>>) {add = true}
      %dma_wait3A_839 = arith.constant 0 : i32
      %dma_wait3A_840 = arith.constant 0 : i32
      %dma_wait3A_841 = tpu.memref_slice %arg7[%dma_wait3A_839, %dma_wait3A_840] : memref<30x112xi32, #tpu.memory_space<vmem>> -> memref<1x112xi32, #tpu.memory_space<vmem>>
      %dma_wait3A_842 = tpu.memref_squeeze %dma_wait3A_841 : memref<1x112xi32, #tpu.memory_space<vmem>> -> memref<112xi32, #tpu.memory_space<vmem>>
      %dma_wait3A_843 = arith.constant 0 : i32
      %dma_wait3A_844 = arith.constant 0 : i32
      %dma_wait3A_845 = tpu.memref_slice %arg11[%dma_wait3A_843, %dma_wait3A_844] : memref<10112x64xf32, #tpu.memory_space<vmem_shared>> -> memref<10112x64xf32, #tpu.memory_space<vmem_shared>>
      tpu.wait_indirect_dma semaphore(%arg15 : memref<!tpu.dma_semaphore, #tpu.memory_space<semaphore_mem>>) src(%arg8 : memref<112x64xf32, #tpu.memory_space<vmem>>) dst(%dma_wait3A_845 : memref<10112x64xf32, #tpu.memory_space<vmem_shared>>)
      %dma_wait3A_846 = arith.constant 0 : i32
      %dma_wait3A_847 = arith.constant 0 : i32
      %dma_wait3A_848 = tpu.memref_slice %arg7[%dma_wait3A_846, %dma_wait3A_847] : memref<30x112xi32, #tpu.memory_space<vmem>> -> memref<1x112xi32, #tpu.memory_space<vmem>>
      %dma_wait3A_849 = tpu.memref_squeeze %dma_wait3A_848 : memref<1x112xi32, #tpu.memory_space<vmem>> -> memref<112xi32, #tpu.memory_space<vmem>>
      %dma_wait3A_850 = arith.constant 0 : i32
      %dma_wait3A_851 = arith.constant 0 : i32
      %dma_wait3A_852 = tpu.memref_slice %arg11[%dma_wait3A_850, %dma_wait3A_851] : memref<10112x64xf32, #tpu.memory_space<vmem_shared>> -> memref<10112x64xf32, #tpu.memory_space<vmem_shared>>
      tpu.wait_indirect_dma semaphore(%arg15 : memref<!tpu.dma_semaphore, #tpu.memory_space<semaphore_mem>>) src(%arg8 : memref<112x64xf32, #tpu.memory_space<vmem>>) dst(%dma_wait3A_852 : memref<10112x64xf32, #tpu.memory_space<vmem_shared>>)
      %scan3A_853 = arith.constant 0 : i32
      scf.yield %scan3A_853 : i32
    }
    %scan3A_26 = arith.constant 6 : i32
    %barrier3A_27 = arith.constant 0 : index
    tpu.barrier barrier_id(%barrier3A_27)
    %mul3A_28 = arith.constant 10112 : i32
    %mul3A_29 = arith.muli %arg0, %mul3A_28 : i32
    %add3A_30 = arith.addi %mul3A_29, %mul3A_8 : i32
    "tpu.region"() ({
      %run_scoped3A = tpu.sem_alloc : memref<!tpu.dma_semaphore, #tpu.memory_space<semaphore_mem>>
      %dma_start3A = arith.constant 0 : i32
      %dma_start3A_31 = tpu.memref_slice %arg5[%add3A_30, %dma_start3A] : memref<20224x64xf32, #tpu.memory_space<hbm>> -> memref<632x64xf32, #tpu.memory_space<hbm>>
      %dma_start3A_32 = arith.constant 0 : i32
      %dma_start3A_33 = tpu.memref_slice %arg11[%mul3A_8, %dma_start3A_32] : memref<10112x64xf32, #tpu.memory_space<vmem_shared>> -> memref<632x64xf32, #tpu.memory_space<vmem_shared>>
      tpu.enqueue_dma source(%dma_start3A_33 : memref<632x64xf32, #tpu.memory_space<vmem_shared>>) target(%dma_start3A_31 : memref<632x64xf32, #tpu.memory_space<hbm>>) target_semaphore(%run_scoped3A : memref<!tpu.dma_semaphore, #tpu.memory_space<semaphore_mem>>)
      %dma_wait3A = arith.constant 0 : i32
      %dma_wait3A_34 = tpu.memref_slice %arg5[%add3A_30, %dma_wait3A] : memref<20224x64xf32, #tpu.memory_space<hbm>> -> memref<632x64xf32, #tpu.memory_space<hbm>>
      %dma_wait3A_35 = arith.constant 0 : i32
      %dma_wait3A_36 = tpu.memref_slice %arg11[%mul3A_8, %dma_wait3A_35] : memref<10112x64xf32, #tpu.memory_space<vmem_shared>> -> memref<632x64xf32, #tpu.memory_space<vmem_shared>>
      tpu.wait_dma2 semaphore(%run_scoped3A : memref<!tpu.dma_semaphore, #tpu.memory_space<semaphore_mem>>) src(%dma_wait3A_36 : memref<632x64xf32, #tpu.memory_space<vmem_shared>>) dst(%dma_wait3A_34 : memref<632x64xf32, #tpu.memory_space<hbm>>)
      tpu.yield
    }) : () -> ()
    return
  }
}

module attributes {stable_mosaic.version = 14 : i64} {
  func.func @_prep_body(%arg0: i32, %arg1: memref<1x400x16xf32, #tpu.memory_space<vmem>>, %arg2: memref<1x400x16xf32, #tpu.memory_space<vmem>>, %arg3: memref<400x128xf32, #tpu.memory_space<vmem>>, %arg4: memref<2x400x64xf32, #tpu.memory_space<vmem>>, %arg5: memref<400x1xf32, #tpu.memory_space<vmem>>) attributes {dimension_semantics = [#tpu.dimension_semantics<arbitrary>], iteration_bounds = array<i64: 25>, scalar_prefetch = 0 : i64, scratch_operands = 0 : i64, tpu.core_type = #tpu.core_type<tc>, window_params = [{transform_indices = @transform_0, window_bounds = array<i64: 1, 400, 16>}, {transform_indices = @transform_1, window_bounds = array<i64: 1, 400, 16>}, {transform_indices = @transform_2, window_bounds = array<i64: 400, 128>}, {transform_indices = @transform_3, window_bounds = array<i64: 2, 400, 64>}, {transform_indices = @transform_4, window_bounds = array<i64: 400, 1>}]} {
    %get3A = arith.constant 0 : index
    %get3A_0 = arith.constant 0 : index
    %get3A_1 = arith.constant 0 : index
    %get3A_2 = vector.load %arg1[%get3A, %get3A_0, %get3A_1] : memref<1x400x16xf32, #tpu.memory_space<vmem>>, vector<1x400x1xf32>
    %get3A_3 = vector.shape_cast %get3A_2 : vector<1x400x1xf32> to vector<400x1xf32>
    %get3A_4 = arith.constant 0 : index
    %get3A_5 = arith.constant 0 : index
    %get3A_6 = arith.constant 0 : index
    %get3A_7 = vector.load %arg2[%get3A_4, %get3A_5, %get3A_6] : memref<1x400x16xf32, #tpu.memory_space<vmem>>, vector<1x400x1xf32>
    %get3A_8 = vector.shape_cast %get3A_7 : vector<1x400x1xf32> to vector<400x1xf32>
    %add3A = arith.addf %get3A_3, %get3A_8 : vector<400x1xf32>
    %add3A_9 = arith.constant 1.000000e+00 : f32
    %add3A_10 = vector.broadcast %add3A_9 : f32 to vector<400x1xf32>
    %add3A_11 = arith.addf %add3A, %add3A_10 : vector<400x1xf32>
    %rsqrt3A = math.rsqrt %add3A_11 : vector<400x1xf32>
    %get3A_12 = arith.constant 0 : index
    %get3A_13 = arith.constant 0 : index
    %get3A_14 = vector.load %arg3[%get3A_12, %get3A_13] : memref<400x128xf32, #tpu.memory_space<vmem>>, vector<400x128xf32>
    %mul3A = vector.broadcast %rsqrt3A : vector<400x1xf32> to vector<400x128xf32>
    %mul3A_15 = arith.mulf %get3A_14, %mul3A : vector<400x128xf32>
    %slice3A = vector.extract_strided_slice %mul3A_15 {offsets = [0, 0], sizes = [400, 64], strides = [1, 1]} : vector<400x128xf32> to vector<400x64xf32>
    %swap3A = arith.constant 0 : index
    %swap3A_16 = arith.constant 0 : index
    %swap3A_17 = arith.constant 0 : index
    %swap3A_18 = vector.load %arg4[%swap3A, %swap3A_16, %swap3A_17] : memref<2x400x64xf32, #tpu.memory_space<vmem>>, vector<1x400x64xf32>
    %swap3A_19 = vector.shape_cast %swap3A_18 : vector<1x400x64xf32> to vector<400x64xf32>
    %swap3A_20 = vector.shape_cast %slice3A : vector<400x64xf32> to vector<1x400x64xf32>
    tpu.vector_store %arg4[%swap3A, %swap3A_16, %swap3A_17], %swap3A_20 {strides = array<i32>} : memref<2x400x64xf32, #tpu.memory_space<vmem>>, vector<1x400x64xf32>,
    %slice3A_21 = vector.extract_strided_slice %mul3A_15 {offsets = [0, 64], sizes = [400, 64], strides = [1, 1]} : vector<400x128xf32> to vector<400x64xf32>
    %swap3A_22 = arith.constant 1 : index
    %swap3A_23 = arith.constant 0 : index
    %swap3A_24 = arith.constant 0 : index
    %swap3A_25 = vector.load %arg4[%swap3A_22, %swap3A_23, %swap3A_24] : memref<2x400x64xf32, #tpu.memory_space<vmem>>, vector<1x400x64xf32>
    %swap3A_26 = vector.shape_cast %swap3A_25 : vector<1x400x64xf32> to vector<400x64xf32>
    %swap3A_27 = vector.shape_cast %slice3A_21 : vector<400x64xf32> to vector<1x400x64xf32>
    tpu.vector_store %arg4[%swap3A_22, %swap3A_23, %swap3A_24], %swap3A_27 {strides = array<i32>} : memref<2x400x64xf32, #tpu.memory_space<vmem>>, vector<1x400x64xf32>,
    %swap3A_28 = arith.constant 0 : index
    %swap3A_29 = arith.constant 0 : index
    %swap3A_30 = vector.load %arg5[%swap3A_28, %swap3A_29] : memref<400x1xf32, #tpu.memory_space<vmem>>, vector<400x1xf32>
    tpu.vector_store %arg5[%swap3A_28, %swap3A_29], %rsqrt3A {strides = array<i32>} : memref<400x1xf32, #tpu.memory_space<vmem>>, vector<400x1xf32>,
    return
  }
  func.func @transform_0(%arg0: i32) -> (i32, i32, i32) {
    %c0_i32 = arith.constant 0 : i32
    %c0_i32_0 = arith.constant 0 : i32
    %c0_i32_1 = arith.constant 0 : i32
    return %c0_i32, %arg0, %c0_i32_0 : i32, i32, i32
  }
  func.func @transform_1(%arg0: i32) -> (i32, i32, i32) {
    %c1_i32 = arith.constant 1 : i32
    %c0_i32 = arith.constant 0 : i32
    %c0_i32_0 = arith.constant 0 : i32
    return %c1_i32, %arg0, %c0_i32 : i32, i32, i32
  }
  func.func @transform_2(%arg0: i32) -> (i32, i32) {
    %c0_i32 = arith.constant 0 : i32
    %c0_i32_0 = arith.constant 0 : i32
    return %arg0, %c0_i32 : i32, i32
  }
  func.func @transform_3(%arg0: i32) -> (i32, i32, i32) {
    %c0_i32 = arith.constant 0 : i32
    %c0_i32_0 = arith.constant 0 : i32
    %c0_i32_1 = arith.constant 0 : i32
    return %c0_i32, %arg0, %c0_i32_0 : i32, i32, i32
  }
  func.func @transform_4(%arg0: i32) -> (i32, i32) {
    %c0_i32 = arith.constant 0 : i32
    %c0_i32_0 = arith.constant 0 : i32
    return %arg0, %c0_i32 : i32, i32
  }
}

module attributes {stable_mosaic.version = 14 : i64} {
  func.func @_l1_body(%arg0: i32, %arg1: memref<1x400x64xf32, #tpu.memory_space<vmem>>, %arg2: memref<1x400x64xf32, #tpu.memory_space<vmem>>, %arg3: memref<400x128xf32, #tpu.memory_space<vmem>>, %arg4: memref<400x1xf32, #tpu.memory_space<vmem>>, %arg5: memref<128x256xf32, #tpu.memory_space<vmem>>, %arg6: memref<1x256xf32, #tpu.memory_space<vmem>>, %arg7: memref<1x256xf32, #tpu.memory_space<vmem>>, %arg8: memref<1x256xf32, #tpu.memory_space<vmem>>, %arg9: memref<2x400x128xf32, #tpu.memory_space<vmem>>) attributes {dimension_semantics = [#tpu.dimension_semantics<arbitrary>], iteration_bounds = array<i64: 25>, scalar_prefetch = 0 : i64, scratch_operands = 0 : i64, tpu.core_type = #tpu.core_type<tc>, window_params = [{transform_indices = @transform_0, window_bounds = array<i64: 1, 400, 64>}, {transform_indices = @transform_1, window_bounds = array<i64: 1, 400, 64>}, {transform_indices = @transform_2, window_bounds = array<i64: 400, 128>}, {transform_indices = @transform_3, window_bounds = array<i64: 400, 1>}, {pipeline_mode = #tpu.pipeline_mode<synchronous>, transform_indices = @transform_4, window_bounds = array<i64: 128, 256>}, {pipeline_mode = #tpu.pipeline_mode<synchronous>, transform_indices = @transform_5, window_bounds = array<i64: 1, 256>}, {pipeline_mode = #tpu.pipeline_mode<synchronous>, transform_indices = @transform_6, window_bounds = array<i64: 1, 256>}, {pipeline_mode = #tpu.pipeline_mode<synchronous>, transform_indices = @transform_7, window_bounds = array<i64: 1, 256>}, {transform_indices = @transform_8, window_bounds = array<i64: 2, 400, 128>}]} {
    %get3A = arith.constant 0 : index
    %get3A_0 = arith.constant 0 : index
    %get3A_1 = arith.constant 0 : index
    %get3A_2 = vector.load %arg1[%get3A, %get3A_0, %get3A_1] : memref<1x400x64xf32, #tpu.memory_space<vmem>>, vector<1x400x64xf32>
    %get3A_3 = vector.shape_cast %get3A_2 : vector<1x400x64xf32> to vector<400x64xf32>
    %get3A_4 = arith.constant 0 : index
    %get3A_5 = arith.constant 0 : index
    %get3A_6 = arith.constant 0 : index
    %get3A_7 = vector.load %arg2[%get3A_4, %get3A_5, %get3A_6] : memref<1x400x64xf32, #tpu.memory_space<vmem>>, vector<1x400x64xf32>
    %get3A_8 = vector.shape_cast %get3A_7 : vector<1x400x64xf32> to vector<400x64xf32>
    %concatenate3A = tpu.concatenate %get3A_3, %get3A_8 in 1 : vector<400x64xf32>, vector<400x64xf32> -> vector<400x128xf32>
    %get3A_9 = arith.constant 0 : index
    %get3A_10 = arith.constant 0 : index
    %get3A_11 = vector.load %arg4[%get3A_9, %get3A_10] : memref<400x1xf32, #tpu.memory_space<vmem>>, vector<400x1xf32>
    %get3A_12 = arith.constant 0 : index
    %get3A_13 = arith.constant 0 : index
    %get3A_14 = vector.load %arg3[%get3A_12, %get3A_13] : memref<400x128xf32, #tpu.memory_space<vmem>>, vector<400x128xf32>
    %mul3A = vector.broadcast %get3A_11 : vector<400x1xf32> to vector<400x128xf32>
    %mul3A_15 = arith.mulf %get3A_14, %mul3A : vector<400x128xf32>
    %add3A = arith.addf %concatenate3A, %mul3A_15 : vector<400x128xf32>
    %mul3A_16 = vector.broadcast %get3A_11 : vector<400x1xf32> to vector<400x128xf32>
    %mul3A_17 = arith.mulf %add3A, %mul3A_16 : vector<400x128xf32>
    %get3A_18 = arith.constant 0 : index
    %get3A_19 = arith.constant 0 : index
    %get3A_20 = vector.load %arg5[%get3A_18, %get3A_19] : memref<128x256xf32, #tpu.memory_space<vmem>>, vector<128x256xf32>
    %dot_general3A = arith.constant dense<0.000000e+00> : vector<400x256xf32>
    %dot_general3A_21 = tpu.matmul %mul3A_17, %get3A_20, %dot_general3A {dimension_numbers = #tpu.dot_dimension_numbers<[1], [0], [0], [1], [0, 0, 1, 1], [], []>, transpose_lhs_hint = false} : vector<400x128xf32>, vector<128x256xf32>, vector<400x256xf32> -> vector<400x256xf32>
    %get3A_22 = arith.constant 0 : index
    %get3A_23 = arith.constant 0 : index
    %get3A_24 = vector.load %arg6[%get3A_22, %get3A_23] : memref<1x256xf32, #tpu.memory_space<vmem>>, vector<1x256xf32>
    %add3A_25 = vector.broadcast %get3A_24 : vector<1x256xf32> to vector<400x256xf32>
    %add3A_26 = arith.addf %dot_general3A_21, %add3A_25 : vector<400x256xf32>
    %max3A = arith.constant 0.000000e+00 : f32
    %max3A_27 = vector.broadcast %max3A : f32 to vector<400x256xf32>
    %max3A_28 = arith.maximumf %add3A_26, %max3A_27 : vector<400x256xf32>
    %reduce_sum3A = arith.constant dense<0.000000e+00> : vector<400xf32>
    %reduce_sum3A_29 = vector.multi_reduction <add>, %max3A_28, %reduce_sum3A [1] : vector<400x256xf32> to vector<400xf32>
    %broadcast_in_dim3A = vector.shape_cast %reduce_sum3A_29 : vector<400xf32> to vector<400x1xf32>
    %div3A = arith.constant 2.560000e+02 : f32
    %div3A_30 = vector.broadcast %div3A : f32 to vector<400x1xf32>
    %div3A_31 = arith.divf %broadcast_in_dim3A, %div3A_30 : vector<400x1xf32>
    %sub3A = vector.broadcast %div3A_31 : vector<400x1xf32> to vector<400x256xf32>
    %sub3A_32 = arith.subf %max3A_28, %sub3A : vector<400x256xf32>
    %integer_pow3A = arith.mulf %sub3A_32, %sub3A_32 : vector<400x256xf32>
    %reduce_sum3A_33 = arith.constant dense<0.000000e+00> : vector<400xf32>
    %reduce_sum3A_34 = vector.multi_reduction <add>, %integer_pow3A, %reduce_sum3A_33 [1] : vector<400x256xf32> to vector<400xf32>
    %broadcast_in_dim3A_35 = vector.shape_cast %reduce_sum3A_34 : vector<400xf32> to vector<400x1xf32>
    %div3A_36 = arith.constant 2.560000e+02 : f32
    %div3A_37 = vector.broadcast %div3A_36 : f32 to vector<400x1xf32>
    %div3A_38 = arith.divf %broadcast_in_dim3A_35, %div3A_37 : vector<400x1xf32>
    %sub3A_39 = vector.broadcast %div3A_31 : vector<400x1xf32> to vector<400x256xf32>
    %sub3A_40 = arith.subf %max3A_28, %sub3A_39 : vector<400x256xf32>
    %add3A_41 = arith.constant 9.99999974E-6 : f32
    %add3A_42 = vector.broadcast %add3A_41 : f32 to vector<400x1xf32>
    %add3A_43 = arith.addf %div3A_38, %add3A_42 : vector<400x1xf32>
    %rsqrt3A = math.rsqrt %add3A_43 : vector<400x1xf32>
    %mul3A_44 = vector.broadcast %rsqrt3A : vector<400x1xf32> to vector<400x256xf32>
    %mul3A_45 = arith.mulf %sub3A_40, %mul3A_44 : vector<400x256xf32>
    %get3A_46 = arith.constant 0 : index
    %get3A_47 = arith.constant 0 : index
    %get3A_48 = vector.load %arg7[%get3A_46, %get3A_47] : memref<1x256xf32, #tpu.memory_space<vmem>>, vector<1x256xf32>
    %mul3A_49 = vector.broadcast %get3A_48 : vector<1x256xf32> to vector<400x256xf32>
    %mul3A_50 = arith.mulf %mul3A_45, %mul3A_49 : vector<400x256xf32>
    %get3A_51 = arith.constant 0 : index
    %get3A_52 = arith.constant 0 : index
    %get3A_53 = vector.load %arg8[%get3A_51, %get3A_52] : memref<1x256xf32, #tpu.memory_space<vmem>>, vector<1x256xf32>
    %add3A_54 = vector.broadcast %get3A_53 : vector<1x256xf32> to vector<400x256xf32>
    %add3A_55 = arith.addf %mul3A_50, %add3A_54 : vector<400x256xf32>
    %mul3A_56 = vector.broadcast %get3A_11 : vector<400x1xf32> to vector<400x256xf32>
    %mul3A_57 = arith.mulf %add3A_55, %mul3A_56 : vector<400x256xf32>
    %slice3A = vector.extract_strided_slice %mul3A_57 {offsets = [0, 0], sizes = [400, 128], strides = [1, 1]} : vector<400x256xf32> to vector<400x128xf32>
    %swap3A = arith.constant 0 : index
    %swap3A_58 = arith.constant 0 : index
    %swap3A_59 = arith.constant 0 : index
    %swap3A_60 = vector.load %arg9[%swap3A, %swap3A_58, %swap3A_59] : memref<2x400x128xf32, #tpu.memory_space<vmem>>, vector<1x400x128xf32>
    %swap3A_61 = vector.shape_cast %swap3A_60 : vector<1x400x128xf32> to vector<400x128xf32>
    %swap3A_62 = vector.shape_cast %slice3A : vector<400x128xf32> to vector<1x400x128xf32>
    tpu.vector_store %arg9[%swap3A, %swap3A_58, %swap3A_59], %swap3A_62 {strides = array<i32>} : memref<2x400x128xf32, #tpu.memory_space<vmem>>, vector<1x400x128xf32>,
    %slice3A_63 = vector.extract_strided_slice %mul3A_57 {offsets = [0, 128], sizes = [400, 128], strides = [1, 1]} : vector<400x256xf32> to vector<400x128xf32>
    %swap3A_64 = arith.constant 1 : index
    %swap3A_65 = arith.constant 0 : index
    %swap3A_66 = arith.constant 0 : index
    %swap3A_67 = vector.load %arg9[%swap3A_64, %swap3A_65, %swap3A_66] : memref<2x400x128xf32, #tpu.memory_space<vmem>>, vector<1x400x128xf32>
    %swap3A_68 = vector.shape_cast %swap3A_67 : vector<1x400x128xf32> to vector<400x128xf32>
    %swap3A_69 = vector.shape_cast %slice3A_63 : vector<400x128xf32> to vector<1x400x128xf32>
    tpu.vector_store %arg9[%swap3A_64, %swap3A_65, %swap3A_66], %swap3A_69 {strides = array<i32>} : memref<2x400x128xf32, #tpu.memory_space<vmem>>, vector<1x400x128xf32>,
    return
  }
  func.func @transform_0(%arg0: i32) -> (i32, i32, i32) {
    %c0_i32 = arith.constant 0 : i32
    %c0_i32_0 = arith.constant 0 : i32
    %c0_i32_1 = arith.constant 0 : i32
    return %c0_i32, %arg0, %c0_i32_0 : i32, i32, i32
  }
  func.func @transform_1(%arg0: i32) -> (i32, i32, i32) {
    %c1_i32 = arith.constant 1 : i32
    %c0_i32 = arith.constant 0 : i32
    %c0_i32_0 = arith.constant 0 : i32
    return %c1_i32, %arg0, %c0_i32 : i32, i32, i32
  }
  func.func @transform_2(%arg0: i32) -> (i32, i32) {
    %c0_i32 = arith.constant 0 : i32
    %c0_i32_0 = arith.constant 0 : i32
    return %arg0, %c0_i32 : i32, i32
  }
  func.func @transform_3(%arg0: i32) -> (i32, i32) {
    %c0_i32 = arith.constant 0 : i32
    %c0_i32_0 = arith.constant 0 : i32
    return %arg0, %c0_i32 : i32, i32
  }
  func.func @transform_4(%arg0: i32) -> (i32, i32) {
    %c0_i32 = arith.constant 0 : i32
    %c0_i32_0 = arith.constant 0 : i32
    %c0_i32_1 = arith.constant 0 : i32
    return %c0_i32, %c0_i32_0 : i32, i32
  }
  func.func @transform_5(%arg0: i32) -> (i32, i32) {
    %c0_i32 = arith.constant 0 : i32
    %c0_i32_0 = arith.constant 0 : i32
    %c0_i32_1 = arith.constant 0 : i32
    return %c0_i32, %c0_i32_0 : i32, i32
  }
  func.func @transform_6(%arg0: i32) -> (i32, i32) {
    %c0_i32 = arith.constant 0 : i32
    %c0_i32_0 = arith.constant 0 : i32
    %c0_i32_1 = arith.constant 0 : i32
    return %c0_i32, %c0_i32_0 : i32, i32
  }
  func.func @transform_7(%arg0: i32) -> (i32, i32) {
    %c0_i32 = arith.constant 0 : i32
    %c0_i32_0 = arith.constant 0 : i32
    %c0_i32_1 = arith.constant 0 : i32
    return %c0_i32, %c0_i32_0 : i32, i32
  }
  func.func @transform_8(%arg0: i32) -> (i32, i32, i32) {
    %c0_i32 = arith.constant 0 : i32
    %c0_i32_0 = arith.constant 0 : i32
    %c0_i32_1 = arith.constant 0 : i32
    return %c0_i32, %arg0, %c0_i32_0 : i32, i32, i32
  }
}

module attributes {stable_mosaic.version = 14 : i64} {
  func.func @_l2_body(%arg0: i32, %arg1: memref<1x400x128xf32, #tpu.memory_space<vmem>>, %arg2: memref<1x400x128xf32, #tpu.memory_space<vmem>>, %arg3: memref<1x400x128xf32, #tpu.memory_space<vmem>>, %arg4: memref<1x400x128xf32, #tpu.memory_space<vmem>>, %arg5: memref<400x1xf32, #tpu.memory_space<vmem>>, %arg6: memref<256x256xf32, #tpu.memory_space<vmem>>, %arg7: memref<1x256xf32, #tpu.memory_space<vmem>>, %arg8: memref<256x256xf32, #tpu.memory_space<vmem>>, %arg9: memref<1x256xf32, #tpu.memory_space<vmem>>, %arg10: memref<256x64xf32, #tpu.memory_space<vmem>>, %arg11: memref<1x64xf32, #tpu.memory_space<vmem>>, %arg12: memref<400x256xf32, #tpu.memory_space<vmem>>, %arg13: memref<400x64xf32, #tpu.memory_space<vmem>>) attributes {dimension_semantics = [#tpu.dimension_semantics<arbitrary>], iteration_bounds = array<i64: 25>, scalar_prefetch = 0 : i64, scratch_operands = 0 : i64, tpu.core_type = #tpu.core_type<tc>, window_params = [{transform_indices = @transform_0, window_bounds = array<i64: 1, 400, 128>}, {transform_indices = @transform_1, window_bounds = array<i64: 1, 400, 128>}, {transform_indices = @transform_2, window_bounds = array<i64: 1, 400, 128>}, {transform_indices = @transform_3, window_bounds = array<i64: 1, 400, 128>}, {transform_indices = @transform_4, window_bounds = array<i64: 400, 1>}, {pipeline_mode = #tpu.pipeline_mode<synchronous>, transform_indices = @transform_5, window_bounds = array<i64: 256, 256>}, {pipeline_mode = #tpu.pipeline_mode<synchronous>, transform_indices = @transform_6, window_bounds = array<i64: 1, 256>}, {pipeline_mode = #tpu.pipeline_mode<synchronous>, transform_indices = @transform_7, window_bounds = array<i64: 256, 256>}, {pipeline_mode = #tpu.pipeline_mode<synchronous>, transform_indices = @transform_8, window_bounds = array<i64: 1, 256>}, {pipeline_mode = #tpu.pipeline_mode<synchronous>, transform_indices = @transform_9, window_bounds = array<i64: 256, 64>}, {pipeline_mode = #tpu.pipeline_mode<synchronous>, transform_indices = @transform_10, window_bounds = array<i64: 1, 64>}, {transform_indices = @transform_11, window_bounds = array<i64: 400, 256>}, {transform_indices = @transform_12, window_bounds = array<i64: 400, 64>}]} {
    %get3A = arith.constant 0 : index
    %get3A_0 = arith.constant 0 : index
    %get3A_1 = arith.constant 0 : index
    %get3A_2 = vector.load %arg1[%get3A, %get3A_0, %get3A_1] : memref<1x400x128xf32, #tpu.memory_space<vmem>>, vector<1x400x128xf32>
    %get3A_3 = vector.shape_cast %get3A_2 : vector<1x400x128xf32> to vector<400x128xf32>
    %get3A_4 = arith.constant 0 : index
    %get3A_5 = arith.constant 0 : index
    %get3A_6 = arith.constant 0 : index
    %get3A_7 = vector.load %arg2[%get3A_4, %get3A_5, %get3A_6] : memref<1x400x128xf32, #tpu.memory_space<vmem>>, vector<1x400x128xf32>
    %get3A_8 = vector.shape_cast %get3A_7 : vector<1x400x128xf32> to vector<400x128xf32>
    %concatenate3A = tpu.concatenate %get3A_3, %get3A_8 in 1 : vector<400x128xf32>, vector<400x128xf32> -> vector<400x256xf32>
    %get3A_9 = arith.constant 0 : index
    %get3A_10 = arith.constant 0 : index
    %get3A_11 = arith.constant 0 : index
    %get3A_12 = vector.load %arg3[%get3A_9, %get3A_10, %get3A_11] : memref<1x400x128xf32, #tpu.memory_space<vmem>>, vector<1x400x128xf32>
    %get3A_13 = vector.shape_cast %get3A_12 : vector<1x400x128xf32> to vector<400x128xf32>
    %get3A_14 = arith.constant 0 : index
    %get3A_15 = arith.constant 0 : index
    %get3A_16 = arith.constant 0 : index
    %get3A_17 = vector.load %arg4[%get3A_14, %get3A_15, %get3A_16] : memref<1x400x128xf32, #tpu.memory_space<vmem>>, vector<1x400x128xf32>
    %get3A_18 = vector.shape_cast %get3A_17 : vector<1x400x128xf32> to vector<400x128xf32>
    %concatenate3A_19 = tpu.concatenate %get3A_13, %get3A_18 in 1 : vector<400x128xf32>, vector<400x128xf32> -> vector<400x256xf32>
    %get3A_20 = arith.constant 0 : index
    %get3A_21 = arith.constant 0 : index
    %get3A_22 = vector.load %arg5[%get3A_20, %get3A_21] : memref<400x1xf32, #tpu.memory_space<vmem>>, vector<400x1xf32>
    %add3A = arith.addf %concatenate3A, %concatenate3A_19 : vector<400x256xf32>
    %mul3A = vector.broadcast %get3A_22 : vector<400x1xf32> to vector<400x256xf32>
    %mul3A_23 = arith.mulf %add3A, %mul3A : vector<400x256xf32>
    %get3A_24 = arith.constant 0 : index
    %get3A_25 = arith.constant 0 : index
    %get3A_26 = vector.load %arg6[%get3A_24, %get3A_25] : memref<256x256xf32, #tpu.memory_space<vmem>>, vector<256x256xf32>
    %dot_general3A = arith.constant dense<0.000000e+00> : vector<400x256xf32>
    %dot_general3A_27 = tpu.matmul %mul3A_23, %get3A_26, %dot_general3A {dimension_numbers = #tpu.dot_dimension_numbers<[1], [0], [0], [1], [0, 0, 1, 1], [], []>, transpose_lhs_hint = false} : vector<400x256xf32>, vector<256x256xf32>, vector<400x256xf32> -> vector<400x256xf32>
    %get3A_28 = arith.constant 0 : index
    %get3A_29 = arith.constant 0 : index
    %get3A_30 = vector.load %arg7[%get3A_28, %get3A_29] : memref<1x256xf32, #tpu.memory_space<vmem>>, vector<1x256xf32>
    %add3A_31 = vector.broadcast %get3A_30 : vector<1x256xf32> to vector<400x256xf32>
    %add3A_32 = arith.addf %dot_general3A_27, %add3A_31 : vector<400x256xf32>
    %swap3A = arith.constant 0 : index
    %swap3A_33 = arith.constant 0 : index
    %swap3A_34 = vector.load %arg12[%swap3A, %swap3A_33] : memref<400x256xf32, #tpu.memory_space<vmem>>, vector<400x256xf32>
    tpu.vector_store %arg12[%swap3A, %swap3A_33], %add3A_32 {strides = array<i32>} : memref<400x256xf32, #tpu.memory_space<vmem>>, vector<400x256xf32>,
    %max3A = arith.constant 0.000000e+00 : f32
    %max3A_35 = vector.broadcast %max3A : f32 to vector<400x256xf32>
    %max3A_36 = arith.maximumf %add3A_32, %max3A_35 : vector<400x256xf32>
    %get3A_37 = arith.constant 0 : index
    %get3A_38 = arith.constant 0 : index
    %get3A_39 = vector.load %arg8[%get3A_37, %get3A_38] : memref<256x256xf32, #tpu.memory_space<vmem>>, vector<256x256xf32>
    %dot_general3A_40 = arith.constant dense<0.000000e+00> : vector<400x256xf32>
    %dot_general3A_41 = tpu.matmul %max3A_36, %get3A_39, %dot_general3A_40 {dimension_numbers = #tpu.dot_dimension_numbers<[1], [0], [0], [1], [0, 0, 1, 1], [], []>, transpose_lhs_hint = false} : vector<400x256xf32>, vector<256x256xf32>, vector<400x256xf32> -> vector<400x256xf32>
    %get3A_42 = arith.constant 0 : index
    %get3A_43 = arith.constant 0 : index
    %get3A_44 = vector.load %arg9[%get3A_42, %get3A_43] : memref<1x256xf32, #tpu.memory_space<vmem>>, vector<1x256xf32>
    %add3A_45 = vector.broadcast %get3A_44 : vector<1x256xf32> to vector<400x256xf32>
    %add3A_46 = arith.addf %dot_general3A_41, %add3A_45 : vector<400x256xf32>
    %get3A_47 = arith.constant 0 : index
    %get3A_48 = arith.constant 0 : index
    %get3A_49 = vector.load %arg10[%get3A_47, %get3A_48] : memref<256x64xf32, #tpu.memory_space<vmem>>, vector<256x64xf32>
    %dot_general3A_50 = arith.constant dense<0.000000e+00> : vector<400x64xf32>
    %dot_general3A_51 = tpu.matmul %add3A_46, %get3A_49, %dot_general3A_50 {dimension_numbers = #tpu.dot_dimension_numbers<[1], [0], [0], [1], [0, 0, 1, 1], [], []>, transpose_lhs_hint = false} : vector<400x256xf32>, vector<256x64xf32>, vector<400x64xf32> -> vector<400x64xf32>
    %get3A_52 = arith.constant 0 : index
    %get3A_53 = arith.constant 0 : index
    %get3A_54 = vector.load %arg11[%get3A_52, %get3A_53] : memref<1x64xf32, #tpu.memory_space<vmem>>, vector<1x64xf32>
    %add3A_55 = vector.broadcast %get3A_54 : vector<1x64xf32> to vector<400x64xf32>
    %add3A_56 = arith.addf %dot_general3A_51, %add3A_55 : vector<400x64xf32>
    %reduce_max3A = arith.constant dense<0xFF800000> : vector<400xf32>
    %reduce_max3A_57 = vector.multi_reduction <maximumf>, %add3A_56, %reduce_max3A [1] : vector<400x64xf32> to vector<400xf32>
    %broadcast_in_dim3A = vector.shape_cast %reduce_max3A_57 : vector<400xf32> to vector<400x1xf32>
    %sub3A = vector.broadcast %broadcast_in_dim3A : vector<400x1xf32> to vector<400x64xf32>
    %sub3A_58 = arith.subf %add3A_56, %sub3A : vector<400x64xf32>
    %exp3A = math.exp %sub3A_58 : vector<400x64xf32>
    %reduce_sum3A = arith.constant dense<0.000000e+00> : vector<400xf32>
    %reduce_sum3A_59 = vector.multi_reduction <add>, %exp3A, %reduce_sum3A [1] : vector<400x64xf32> to vector<400xf32>
    %broadcast_in_dim3A_60 = vector.shape_cast %reduce_sum3A_59 : vector<400xf32> to vector<400x1xf32>
    %log3A = math.log %broadcast_in_dim3A_60 : vector<400x1xf32>
    %add3A_61 = arith.addf %log3A, %broadcast_in_dim3A : vector<400x1xf32>
    %sub3A_62 = vector.broadcast %add3A_61 : vector<400x1xf32> to vector<400x64xf32>
    %sub3A_63 = arith.subf %add3A_56, %sub3A_62 : vector<400x64xf32>
    %swap3A_64 = arith.constant 0 : index
    %swap3A_65 = arith.constant 0 : index
    %swap3A_66 = vector.load %arg13[%swap3A_64, %swap3A_65] : memref<400x64xf32, #tpu.memory_space<vmem>>, vector<400x64xf32>
    tpu.vector_store %arg13[%swap3A_64, %swap3A_65], %sub3A_63 {strides = array<i32>} : memref<400x64xf32, #tpu.memory_space<vmem>>, vector<400x64xf32>,
    return
  }
  func.func @transform_0(%arg0: i32) -> (i32, i32, i32) {
    %c0_i32 = arith.constant 0 : i32
    %c0_i32_0 = arith.constant 0 : i32
    %c0_i32_1 = arith.constant 0 : i32
    return %c0_i32, %arg0, %c0_i32_0 : i32, i32, i32
  }
  func.func @transform_1(%arg0: i32) -> (i32, i32, i32) {
    %c1_i32 = arith.constant 1 : i32
    %c0_i32 = arith.constant 0 : i32
    %c0_i32_0 = arith.constant 0 : i32
    return %c1_i32, %arg0, %c0_i32 : i32, i32, i32
  }
  func.func @transform_2(%arg0: i32) -> (i32, i32, i32) {
    %c0_i32 = arith.constant 0 : i32
    %c0_i32_0 = arith.constant 0 : i32
    %c0_i32_1 = arith.constant 0 : i32
    return %c0_i32, %arg0, %c0_i32_0 : i32, i32, i32
  }
  func.func @transform_3(%arg0: i32) -> (i32, i32, i32) {
    %c1_i32 = arith.constant 1 : i32
    %c0_i32 = arith.constant 0 : i32
    %c0_i32_0 = arith.constant 0 : i32
    return %c1_i32, %arg0, %c0_i32 : i32, i32, i32
  }
  func.func @transform_4(%arg0: i32) -> (i32, i32) {
    %c0_i32 = arith.constant 0 : i32
    %c0_i32_0 = arith.constant 0 : i32
    return %arg0, %c0_i32 : i32, i32
  }
  func.func @transform_5(%arg0: i32) -> (i32, i32) {
    %c0_i32 = arith.constant 0 : i32
    %c0_i32_0 = arith.constant 0 : i32
    %c0_i32_1 = arith.constant 0 : i32
    return %c0_i32, %c0_i32_0 : i32, i32
  }
  func.func @transform_6(%arg0: i32) -> (i32, i32) {
    %c0_i32 = arith.constant 0 : i32
    %c0_i32_0 = arith.constant 0 : i32
    %c0_i32_1 = arith.constant 0 : i32
    return %c0_i32, %c0_i32_0 : i32, i32
  }
  func.func @transform_7(%arg0: i32) -> (i32, i32) {
    %c0_i32 = arith.constant 0 : i32
    %c0_i32_0 = arith.constant 0 : i32
    %c0_i32_1 = arith.constant 0 : i32
    return %c0_i32, %c0_i32_0 : i32, i32
  }
  func.func @transform_8(%arg0: i32) -> (i32, i32) {
    %c0_i32 = arith.constant 0 : i32
    %c0_i32_0 = arith.constant 0 : i32
    %c0_i32_1 = arith.constant 0 : i32
    return %c0_i32, %c0_i32_0 : i32, i32
  }
  func.func @transform_9(%arg0: i32) -> (i32, i32) {
    %c0_i32 = arith.constant 0 : i32
    %c0_i32_0 = arith.constant 0 : i32
    %c0_i32_1 = arith.constant 0 : i32
    return %c0_i32, %c0_i32_0 : i32, i32
  }
  func.func @transform_10(%arg0: i32) -> (i32, i32) {
    %c0_i32 = arith.constant 0 : i32
    %c0_i32_0 = arith.constant 0 : i32
    %c0_i32_1 = arith.constant 0 : i32
    return %c0_i32, %c0_i32_0 : i32, i32
  }
  func.func @transform_11(%arg0: i32) -> (i32, i32) {
    %c0_i32 = arith.constant 0 : i32
    %c0_i32_0 = arith.constant 0 : i32
    return %arg0, %c0_i32 : i32, i32
  }
  func.func @transform_12(%arg0: i32) -> (i32, i32) {
    %c0_i32 = arith.constant 0 : i32
    %c0_i32_0 = arith.constant 0 : i32
    return %arg0, %c0_i32 : i32, i32
  }
}

</mosaic_0001>

<sc_bundles>
// kernel: kernel.11.cloned.1.call-start
scs
__scs_entry_jumppad:
0x0: {  	(pc) =	sbr.rel $0x88, $3  }
0x1: {  	(tag) =	ssettag $0x0;
	lr =	simm.s32 $0x1  }
0x2: {  	[smem:$0x3F95] =	sst lr;
	_ =	strace $0xD0000000  }
0x3: {  	_ = 	snop  }
0x4: {  	_ = 	snop  }
0x5: {  	_ = 	snop  }
0x6: {  	_ = 	snop  }
0x7: {  	_ = 	snop  }
__scs_overlays_trampoline_lowered:
0x8: {  	[smem:$0x3FA4] =	sst s0  }
0x9: {  	[smem:$0x3FA5] =	sst s1  }
0xa: {  	[smem:$0x3FA6] =	sst s2  }
0xb: {  	[smem:$0x3FA7] =	sst s3  }
0xc: {  	[smem:$0x3FA8] =	sst s4  }
0xd: {  	[smem:$0x3FA9] =	sst s5  }
0xe: {  	[smem:$0x3FAA] =	sst s6  }
0xf: {  	[smem:$0x3FAB] =	sst s7  }
0x10: {  	[smem:$0x3FAC] =	sst s8  }
0x11: {  	[smem:$0x3FAD] =	sst s9;
	s0 =	simm.s32 @!p0 $0x0  }
0x12: {  	s1 =	sld [smem:$0x3F93];
	s0 =	simm.s32 @p0 $0x1  }
0x13: {  	[smem:$0x3FAE] =	sst s0;
	s0 =	simm.s32 @!p1 $0x0  }
0x14: {  	s2 =	sld [smem:$0x3F92];
	s0 =	simm.s32 @p1 $0x1  }
0x15: {  	[smem:$0x3FAF] =	sst s0;
	s0 =	simm.s32 @!p2 $0x0  }
0x16: {  	s3 =	sld [smem:$0x3FDB];
	s0 =	simm.s32 @p2 $0x1  }
0x17: {  	s4 =	simm.s32 $0x1BF5;
	[smem:$0x3FB1] =	sst s0  }
0x18: {  	s0 =	sld [smem:$0x3F94];
	_ =	swait.ge [sflag:s4], $0x0  }
0x19: {  	s7 =	sld [smem:$0x3F95]  }
0x1a: {  	s8 =	sadd.s32 $0xFFFFE003, lr  }
0x1b: {  	s9 =	sadd.s32 $0xFFFFFEF7, lr;
	s5 =	simm.s32 $0xFFFFFFFF;
	p2 =	slt.u32 s8, $0xFFFFF086  }
0x1c: {  	p1 =	slt.u32 s9, $0xF7A;
	s5 =	simm.s32 @!p2 $0x0  }
0x1d: {  	s5 =	simm.s32 @p1 $0x1;
	p0 =	seq.s32 s7, s2  }
0x1e: {  	s7 =	smul.u32 @!p0 $0xF7A, s2;
	p2 =	seq.s32 @!p0 s5, $0x0  }
0x1f: {  	s9 =	smul.u32 $0xF7A, s1;
	s8 =	simm.s32 @!p0 $0x1BF5;
	p2 =	por !p2, p0  }
0x20: {  	[sflag:s8] =	ssyncset.s32 @!p0 $0xFFFFF086;
	s6 =	sadd.s32 @!p0 s3, s7;
	s7 =	simm.s32 @!p0 $0x108  }
0x21: {  	s3 =	sadd.s32 s3, s9;
	s6 =	sadd.s32 @!p0 $0x88, s6;
	s7 =	simm.s32 @p2 $0x1082  }
0x22: {  	[simem:s7], [sflag:s8] =	dma.local @!p0 [hbm:s6], $0xF7A  }
0x23: {  	s9 =	sor.u32 $0xD0000000, s2;
	s6 =	simm.s32 $0x108;
	_ =	swait.ge @!p0 [sflag:s8], $0x0  }
0x24: {  	s3 =	sadd.s32 $0x88, s3;
	s6 =	simm.s32 @!p1 $0x1082;
	[sflag:s4] =	ssyncset.s32 $0xFFFFF086  }
0x25: {  	[simem:s6], [sflag:s4] =	dma.local [hbm:s3], $0xF7A  }
0x26: {  	[smem:$0x3F95] =	sst s1;
	(tag) =	ssettag s2;
	_ =	strace s9  }
0x27: {  	s1 =	sld [smem:$0x3FA5]  }
0x28: {  	s2 =	sld [smem:$0x3FA6]  }
0x29: {  	s4 =	sld [smem:$0x3FA8]  }
0x2a: {  	p0 =	seq.s32 s5, $0x0;
	s5 =	sld [smem:$0x3FA9]  }
0x2b: {  	s6 =	sld [smem:$0x3FAA]  }
0x2c: {  	s7 =	sld [smem:$0x3FAB]  }
0x2d: {  	s3 =	simm.s32 $0x108;
	s8 =	sld [smem:$0x3FAC]  }
0x2e: {  	s3 =	simm.s32 @!p0 $0x1082;
	s9 =	sld [smem:$0x3FAD]  }
0x2f: {  	lr =	sadd.s32 s0, s3;
	s0 =	sld [smem:$0x3FA4]  }
0x30: {  	s3 =	sld [smem:$0x3FA7]  }
0x31: {  	[smem:$0x3FB0] =	sst s10  }
0x32: {  	s10 =	sld [smem:$0x3FAE];
	_ =	sdelay $0x3  }
0x33: {  	p0 =	seq.s32 s10, $0x1;
	s10 =	sld [smem:$0x3FB0];
	_ =	sdelay $0x3  }
0x34: {  	[smem:$0x3FB0] =	sst s10  }
0x35: {  	s10 =	sld [smem:$0x3FAF];
	_ =	sdelay $0x3  }
0x36: {  	p1 =	seq.s32 s10, $0x1;
	s10 =	sld [smem:$0x3FB0];
	_ =	sdelay $0x3  }
0x37: {  	[smem:$0x3FB0] =	sst s10  }
0x38: {  	s10 =	sld [smem:$0x3FB1]  }
0x39: {  	_ = 	snop;
	(pc) =	sbr.ind lr, $3  }
0x3a: {  	_ = 	snop  }
0x3b: {  	_ = 	snop  }
0x3c: {  	p2 =	seq.s32 s10, $0x1;
	s10 =	sld [smem:$0x3FB0]  }
0x3d: {  	_ =	shalt  }
0x3e: {  	_ =	shalt  }
0x3f: {  	_ =	shalt  }
0x40: {  	_ =	shalt  }
0x41: {  	_ =	shalt  }
0x42: {  	_ =	shalt  }
0x43: {  	_ =	shalt  }
0x44: {  	_ =	shalt  }
0x45: {  	_ =	shalt  }
0x46: {  	_ =	shalt  }
0x47: {  	_ =	shalt  }
0x48: {  	_ =	shalt  }
0x49: {  	_ =	shalt  }
0x4a: {  	_ =	shalt  }
0x4b: {  	_ =	shalt  }
0x4c: {  	_ =	shalt  }
0x4d: {  	_ =	shalt  }
0x4e: {  	_ =	shalt  }
0x4f: {  	_ =	shalt  }
0x50: {  	_ =	shalt  }
0x51: {  	_ =	shalt  }
0x52: {  	_ =	shalt  }
0x53: {  	_ =	shalt  }
0x54: {  	_ =	shalt  }
0x55: {  	_ =	shalt  }
0x56: {  	_ =	shalt  }
0x57: {  	_ =	shalt  }
0x58: {  	_ =	shalt  }
0x59: {  	_ =	shalt  }
0x5a: {  	_ =	shalt  }
0x5b: {  	_ =	shalt  }
0x5c: {  	_ =	shalt  }
0x5d: {  	_ =	shalt  }
0x5e: {  	_ =	shalt  }
0x5f: {  	_ =	shalt  }
0x60: {  	_ =	shalt  }
0x61: {  	_ =	shalt  }
0x62: {  	_ =	shalt  }
0x63: {  	_ =	shalt  }
0x64: {  	_ =	shalt  }
0x65: {  	_ =	shalt  }
0x66: {  	_ =	shalt  }
0x67: {  	_ =	shalt  }
0x68: {  	_ =	shalt  }
0x69: {  	_ =	shalt  }
0x6a: {  	_ =	shalt  }
0x6b: {  	_ =	shalt  }
0x6c: {  	_ =	shalt  }
0x6d: {  	_ =	shalt  }
0x6e: {  	_ =	shalt  }
0x6f: {  	_ =	shalt  }
0x70: {  	_ =	shalt  }
0x71: {  	_ =	shalt  }
0x72: {  	_ =	shalt  }
0x73: {  	_ =	shalt  }
0x74: {  	_ =	shalt  }
0x75: {  	_ =	shalt  }
0x76: {  	_ =	shalt  }
0x77: {  	_ =	shalt  }
0x78: {  	_ =	shalt  }
0x79: {  	_ =	shalt  }
0x7a: {  	_ =	shalt  }
0x7b: {  	_ =	shalt  }
0x7c: {  	_ =	shalt  }
0x7d: {  	_ =	shalt  }
0x7e: {  	_ =	shalt  }
0x7f: {  	_ =	shalt  }
0x80: {  	_ =	shalt  }
0x81: {  	_ =	shalt  }
0x82: {  	_ =	shalt  }
0x83: {  	_ =	shalt  }
0x84: {  	_ =	shalt  }
0x85: {  	_ =	shalt  }
0x86: {  	_ =	shalt  }
0x87: {  	_ =	shalt  }
.Lfunc_end0:
.L_simem_size_0:
called_computation.1_lowered:
.L_overlay_start_0:
0x88: {  	s2 =	sld [smem:$0x3FD9]  }
0x89: {  	s3 =	sld [smem:$0x3FFE];
	_ =	sdelay $0x1  }
0x8a: {  	s1 =	srdreg.scid  }
0x8b: {  	s0 =	sand.u32 $0x1, s1  }
0x8c: {  	s14 =	sshll.u32 s0, $0xA;
	s2 =	sadd.s32 s3, s2  }
0x8d: {  	s2 =	sadd.s32 s2, s14  }
0x8e: {  	[smem:$0x3FBC] =	sst s2  }
0x8f: {  	_ = 	snop  }
0x90: {  	s2 =	sld [smem:$0x3FD0];
	_ =	sdelay $0x2  }
0x91: {  	s15 =	simm.s32 $0xA;
	s4 =	simm.s32 $0x10  }
0x92: {  	[smem:s4], [sflag:s15] =	dma.local [hbm:s2], $0x1  }
0x93: {  	_ =	swait.eq [sflag:s15], $0x1  }
0x94: {  	[sflag:s15] =	ssyncset.done $0x0  }
0x95: {  	[sflag:s15] =	ssyncadd.s32 $0xFFFFFFFF  }
0x96: {  	s16 =	sld [smem:$0x10];
	(tm) =	ssettm $0x1  }
0x97: {  	s17 =	sld [smem:$0x3FFB];
	_ =	sdelay $0x3  }
0x98: {  	_ =	strace s17  }
0x99: {  	s3 =	sld [smem:$0x3FFC];
	_ =	sdelay $0x3  }
0x9a: {  	_ =	strace s3  }
0x9b: {  	s3 =	sld [smem:$0x3FFD];
	_ =	sdelay $0x3  }
0x9c: {  	_ =	strace s3  }
0x9d: {  	_ =	strace $0x8FFFFFFF  }
0x9e: {  	s18 =	sld [smem:$0x3FDB];
	_ =	sdelay $0x1  }
0x9f: {  	s19 =	simm.s32 $_scs_section_size  }
0xa0: {  	s5 =	simm.s32 $_size__tile_overlayer_lowered;
	s6 =	simm.s32 $_tile_overlayer_lowered  }
0xa1: {  	s22 =	simm.s32 $0x1BFF;
	s21 =	sshll.u32 s6, $0x1;
	s3 =	sadd.s32 s19, s18  }
0xa2: {  	s7 =	simm.s32 $0x0;
	s20 =	sshll.u32 s5, $0x1;
	s5 =	sadd.s32 s21, s3  }
0xa3: {  	[timem:s7], [sflag:s22] =	dma.local [hbm:s5], s20  }
0xa4: {  	_ =	swait.ge [sflag:s22], s20  }
0xa5: {  	s4 =	ssub.s32 $0x0, s20;
	[sflag:s22] =	ssyncset.done $0x0  }
0xa6: {  	[sflag:s22] =	ssyncadd.s32 s4;
	_ =	sdelay $0x1  }
0xa7: {  	s23 =	simm.s32 $0x1B8B  }
0xa8: {  	_ =	swait.ge [sflag:s23], $0x1  }
0xa9: {  	[sflag:s23] =	ssyncset.done $0x0  }
0xaa: {  	s25 =	simm.s32 $0x1B8E;
	s24 =	sld [smem:$0x3FFE];
	[sflag:s23] =	ssyncadd.s32 $0xFFFFFFFF  }
0xab: {  	s26 =	simm.s32 $execute0_lowered;
	[smem:$0x3FD2] =	sst s25  }
0xac: {  	s5 =	sshll.u32 s26, $0x1;
	_ =	strace $0x80000049;
	[dreg:$0x1] =	wrdreg $0xFFFFFFFF  }
0xad: {  	s28 =	simm.s32 $_size_execute0_lowered;
	s3 =	sadd.s32 s3, s5;
	[dreg:$0x0] =	wrdreg $0x0  }
0xae: {  	s5 =	sshll.u32 s28, $0x1;
	[dreg:$0x2] =	wrdreg s3  }
0xaf: {  	[dreg:$0x3] =	wrdreg s5  }
0xb0: {  	[dreg:$0x4] =	wrdreg $0xC0  }
0xb1: {  	_ =	task [dreg:s7], $0x5FFFF  }
0xb2: {  	[dreg:$0x1] =	wrdreg $0xFFFFFFFF  }
0xb3: {  	[dreg:$0x0] =	wrdreg $0x60  }
0xb4: {  	[dreg:$0x2] =	wrdreg s16  }
0xb5: {  	[dreg:$0x3] =	wrdreg s24  }
0xb6: {  	[dreg:$0x4] =	wrdreg $0x6E400  }
0xb7: {  	[dreg:$0x5] =	wrdreg $0x9  }
0xb8: {  	_ =	task.clear_ibuf [dreg:s7], $0x6FFFF;
	_ =	strace $0x90000049  }
0xb9: {  	s29 =	simm.s32 $0x9;
	_ =	strace $0x8000004B  }
0xba: {  	_ =	swait.ge [sflag:s29], $0x1  }
0xbb: {  	[sflag:s29] =	ssyncadd.s32 $0xFFFFFFFF  }
0xbc: {  	_ =	strace $0x9000004B  }
0xbd: {  	_ =	sfence  }
0xbe: {  	s30 =	sld [smem:$0x0];
	_ =	sdelay $0x2  }
0xbf: {  	s31 =	sshll.u32 s1, $0xD;
	s1 =	sshrl.u32 s1, $0x2  }
0xc0: {  	s3 =	sand.u32 $0x4000, s31;
	s1 =	sadd.s32 s1, s30  }
0xc1: {  	s0 =	sor.u32 s3, s0;
	s1 =	sshll.u32 s1, $0x11  }
0xc2: {  	s0 =	sor.u32 s1, s0  }
0xc3: {  	s0 =	sadd.s32 $0x8F2B, s0  }
0xc4: {  	[sflag:s0] =	ssyncadd.remote.s32 $0x1  }
0xc5: {  	_ =	sfence.sel $0xFFFF  }
0xc6: {  	[dreg:$0x0] =	wrdreg $0xFFFFFFFF;
	(pc) =	sbr.abs _section_cstart, $3  }
0xc7: {  	[dreg:$0x1] =	wrdreg $0xFFFFFFFF  }
0xc8: {  	_ =	task.clear_ibuf [dreg:s7], $0x2FFFF;
	_ =	strace $0x9FFFFFFF  }
0xc9: {  	(tm) =	ssettm $0x7FFFFFFF  }
tec
execute0_lowered:
.L_overlay_start_1:
0x0: {  	(tag) =	ssettag $0x1  }
0x1: {  	s0 =	rddreg [dreg:$0x0]  }
0x2: {  	s1 =	rddreg [dreg:$0x1];
	s2 =	srdreg.scid  }
0x3: {  	s3 =	rddreg [dreg:$0x2];
	s10 =	stileid.u32;
	s5 =	simm.s32 $0x0  }
0x4: {  	s16 =	simm.s32 $0x1A40;
	s17 =	simm.s32 $0x5;
	s18 =	simm.s32 $0xD20  }
0x5: {  	s19 =	simm.s32 $0x70;
	s20 =	simm.s32 $0x3640;
	s21 =	simm.s32 $0x1  }
0x6: {  	s29 =	simm.s32 $0x3;
	s31 =	simm.s32 $0x0;
	s4 =	smul.u32 $0x278, s10  }
0x7: {  	s2 =	sand.u32 $0x1, s2;
	[smem:$0x7FF] =	sst s5;
	s7 =	smul.u32 $0x27800, s10  }
0x8: {  	s5 =	sadd.s32 $0xC600, s1;
	s6 =	sadd.s32 $0x2800, s1;
	s13 =	smul.u32 $0xB4, s10  }
0x9: {  	s8 =	smul.u32 $0x2780, s2;
	s2 =	ssub.s32 $0x2, s2;
	s7 =	sshrl.u32 s7, $0x2  }
0xa: {  	_ =	strace $0x8000004A;
	s9 =	sshrl.u32 s2, $0x1;
	s12 =	sadd.s32 s7, s3  }
0xb: {  	s4 =	sadd.s32 s4, s8;
	s23 =	sadd.s32 $0x1C00, s12;
	[dreg:$0x4] =	wrdreg s12  }
0xc: {  	s2 =	ssub.s32 s2, s9;
	s24 =	sadd.s32 $0x3800, s12;
	[dreg:$0x5] =	wrdreg s23  }
0xd: {  	v0 =	vmov s8;
	s8 =	simm.s32 $0x1960;
	s25 =	sadd.s32 $0x5400, s12;
	[dreg:$0x6] =	wrdreg s24  }
0xe: {  	s9 =	simm.s32 $0x19D0;
	s26 =	sadd.s32 $0x7000, s12;
	[dreg:$0x7] =	wrdreg s25  }
0xf: {  	s7 =	simm.s32 $0x0;
	s28 =	sadd.s32 $0x8C00, s12;
	[dreg:$0x8] =	wrdreg s26  }
0x10: {  	s4 =	sshll.u32 s4, $0x3;
	s30 =	smax.u32 s2, $0x1;
	[dreg:$0x9] =	wrdreg s28  }
0x11: {  	s2 =	simm.s32 $0xCB0;
	s1 =	sadd.s32 s4, s1;
	[dreg:$0xb] =	wrdreg s30  }
0x12: {  	s23 =	simm.s32 $0x5240;
	s24 =	simm.s32 $0x2;
	s1 =	sadd.s32 $0x16400, s1  }
0x13: {  	v1 =	vimm.f32 $0.0e+00;
	s26 =	simm.s32 $0x4;
	[dreg:$0xa] =	wrdreg s1;
	s1 =	simm.s32 $0x18F0  }
.LBB2_1:
0x14: {  	s30 =	simm.s32 $0x0  }
0x15: {  	s4 =	sand.u32 $0x7F00, s30  }
0x16: {  	[dreg:$0xc] =	wrdreg s7;
	s10 =	sand.u32 $0x30, s30;
	s4 =	sshrl.u32 s4, $0x2  }
0x17: {  	s7 =	simm.s32 $0x40;
	s4 =	sor.u32 s10, s4;
	s10 =	simm.s32 $0x0  }
.LBB2_2:
0x18: {  	p0 =	sne.s32 s7, $0x6FC0  }
0x19: {  	[tilespmem:s4+$0x1A40] =	vst v1;
	s10 =	sadd.s32 $0x10, s10;
	s4 =	smov.u32 s7;
	s7 =	sadd.s32 $0x40, s7  }
.Ltmp0:
0x1a: {  	(pc) =	sbr.rel @p0 .LBB2_2-.Ltmp0, $4  }
0x1b: {  	_ = 	snop  }
0x1c: {  	s4 =	sand.u32 $0x7F00, s4  }
0x1d: {  	s11 =	sand.u32 $0x30, s10;
	s4 =	sshrl.u32 s4, $0x2  }
0x1e: {  	s4 =	sor.u32 s11, s4  }
0x1f: {  	[tilespmem:s4+$0x1A40] =	vst v1  }
0x20: {  	[spmem:s12] =	stream.linear.scatter [tilespmem:s16], [sflag:$0x5], $0x1C00, $0x38;
	[tilespmem:$0x10C40] =	vst v63  }
0x21: {  	_ =	swait.ge [sflag:s17], $0x1C00  }
0x22: {  	[sflag:s17] =	ssyncset.done $0x0  }
0x23: {  	s15 =	rddreg [dreg:$0x5];
	[sflag:s17] =	ssyncadd.s32 $0xFFFFE400  }
0x24: {  	[spmem:s15] =	stream.linear.scatter [tilespmem:s16], [sflag:$0x5], $0x1C00, $0x38;
	[tilespmem:$0x10C40] =	vst v63  }
0x25: {  	_ =	swait.ge [sflag:s17], $0x1C00  }
0x26: {  	[sflag:s17] =	ssyncset.done $0x0  }
0x27: {  	s22 =	rddreg [dreg:$0x6];
	[sflag:s17] =	ssyncadd.s32 $0xFFFFE400  }
0x28: {  	[spmem:s22] =	stream.linear.scatter [tilespmem:s16], [sflag:$0x5], $0x1C00, $0x38;
	[tilespmem:$0x10C40] =	vst v63  }
0x29: {  	_ =	swait.ge [sflag:s17], $0x1C00  }
0x2a: {  	[sflag:s17] =	ssyncset.done $0x0  }
0x2b: {  	s25 =	rddreg [dreg:$0x7];
	[sflag:s17] =	ssyncadd.s32 $0xFFFFE400  }
0x2c: {  	[spmem:s25] =	stream.linear.scatter [tilespmem:s16], [sflag:$0x5], $0x1C00, $0x38;
	[tilespmem:$0x10C40] =	vst v63  }
0x2d: {  	_ =	swait.ge [sflag:s17], $0x1C00  }
0x2e: {  	[sflag:s17] =	ssyncset.done $0x0  }
0x2f: {  	s28 =	rddreg [dreg:$0x8];
	[sflag:s17] =	ssyncadd.s32 $0xFFFFE400  }
0x30: {  	[spmem:s28] =	stream.linear.scatter [tilespmem:s16], [sflag:$0x5], $0x1C00, $0x38;
	[tilespmem:$0x10C40] =	vst v63  }
0x31: {  	_ =	swait.ge [sflag:s17], $0x1C00  }
0x32: {  	[sflag:s17] =	ssyncset.done $0x0  }
0x33: {  	s30 =	rddreg [dreg:$0x9];
	[sflag:s17] =	ssyncadd.s32 $0xFFFFE400  }
0x34: {  	[spmem:s30] =	stream.linear.scatter [tilespmem:s16], [sflag:$0x5], $0x1200, $0x38;
	[tilespmem:$0x10C40] =	vst v63  }
0x35: {  	_ =	swait.ge [sflag:s17], $0x1200  }
0x36: {  	[sflag:s17] =	ssyncset.done $0x0  }
0x37: {  	[sflag:s17] =	ssyncadd.s32 $0xFFFFEE00  }
0x38: {  	s10 =	simm.s32 $0x0;
	s11 =	simm.s32 $0x0;
	[bflag:$0x0] =	sbarrier.arrive $0xFFFF  }
.LBB2_4:
0x39: {  	s4 =	smul.u32 $0x1E, s11;
	_ =	sdelay $0x1  }
0x3a: {  	s25 =	smul.u32 $0x25, s10;
	s4 =	sadd.s32 s13, s4  }
0x3b: {  	s4 =	smul.u32 $0xE, s4;
	_ =	sdelay $0x1  }
0x3c: {  	s28 =	sshrl.u32 s25, $0x8;
	s7 =	sadd.s32 s5, s4  }
0x3d: {  	[tilespmem:s10], [sflag:$0x5] =	stream.linear.gather [hbm4b:s7+s10], $0xD20, $0x38;
	[tilespmem:$0x10C40] =	vst v63  }
0x3e: {  	s7 =	ssub.s32 $0x0, s28;
	_ =	swait.ge [sflag:s17], $0xD20  }
0x3f: {  	s14 =	simm.s32 $0x1;
	s7 =	sand.u32 $0xFE, s7;
	[sflag:s17] =	ssyncset.done $0x0  }
0x40: {  	s4 =	sadd.s32 s6, s4;
	s7 =	sshrl.u32 s7, $0x1;
	[sflag:s17] =	ssyncadd.s32 $0xFFFFF2E0  }
0x41: {  	[tilespmem:s18], [sflag:$0x5] =	stream.linear.gather [hbm4b:s4+s10], $0xD20, $0x38;
	[tilespmem:$0x10C40] =	vst v63  }
0x42: {  	s30 =	smul.u32 $0x25, s14;
	s4 =	sadd.s32 s28, s7  }
0x43: {  	s4 =	sand.u32 $0xFC, s4  }
0x44: {  	s7 =	sshrl.u32 s30, $0x8;
	s4 =	sshrl.u32 s4, $0x2  }
0x45: {  	s12 =	simm.s32 $0x2;
	s22 =	ssub.s32 $0x1, s7;
	s15 =	smul.u32 $0x7, s4  }
0x46: {  	_ =	swait.ge [sflag:s17], $0xD20;
	s25 =	sand.u32 $0xFE, s22;
	s22 =	smul.u32 $0x25, s12  }
0x47: {  	[sflag:s17] =	ssyncset.done $0x0;
	s4 =	smul.u32 $0x1C0, s4;
	s15 =	ssub.s32 $0x0, s15  }
0x48: {  	[sflag:s17] =	ssyncadd.s32 $0xFFFFF2E0;
	s25 =	sshrl.u32 s25, $0x1;
	s15 =	sand.u32 $0xFF, s15  }
0x49: {  	s25 =	sadd.s32 s7, s25;
	s28 =	sshrl.u32 s4, $0x2;
	s15 =	sshll.u32 s15, $0x4  }
0x4a: {  	s7 =	simm.s32 $0x3;
	s4 =	sand.u32 $0xFC, s25;
	s15 =	sadd.s32 s15, s28  }
.LBB2_5:
0x4b: {  	p0 =	sne.s32 s7, $0xD1;
	s4 =	sshrl.u32 s4, $0x2;
	v2 =	vld [tilespmem:s15+$0x0];
	s25 =	smov.u32 s14  }
0x4c: {  	s28 =	sshrl.u32 s22, $0x8;
	s14 =	smov.u32 s12;
	s22 =	smul.u32 $0x7, s4  }
.Ltmp1:
0x4d: {  	s12 =	smov.u32 s7;
	s30 =	ssub.s32 s14, s28;
	(pc) =	sbr.rel @p0 .LBB2_5-.Ltmp1, $4  }
0x4e: {  	s4 =	smul.u32 $0x1C0, s4;
	s30 =	sand.u32 $0xFE, s30;
	s25 =	ssub.s32 s25, s22  }
0x4f: {  	s22 =	smul.u32 $0x25, s7;
	s30 =	sshrl.u32 s30, $0x1;
	s25 =	sand.u32 $0xFF, s25  }
0x50: {  	s28 =	sadd.s32 s28, s30;
	s30 =	sshrl.u32 s4, $0x2;
	s25 =	sshll.u32 s25, $0x4;
	v2 =	vadd.s32 v0, v2  }
0x51: {  	s7 =	sadd.s32 $0x1, s7;
	s4 =	sand.u32 $0xFC, s28;
	[tilespmem:s15+$0x0] =	vst v2;
	s15 =	sadd.s32 s25, s30  }
0x52: {  	s4 =	sshrl.u32 s4, $0x2;
	v2 =	vld [tilespmem:s15+$0x0]  }
0x53: {  	s7 =	sshrl.u32 s22, $0x8;
	s30 =	smul.u32 $0x7, s4  }
0x54: {  	s25 =	ssub.s32 s12, s7  }
0x55: {  	s4 =	smul.u32 $0x1C0, s4;
	s28 =	sand.u32 $0xFE, s25;
	s14 =	ssub.s32 s14, s30  }
0x56: {  	s22 =	sshrl.u32 s28, $0x1;
	s14 =	sand.u32 $0xFF, s14  }
0x57: {  	s4 =	sshrl.u32 s4, $0x2;
	s7 =	sadd.s32 s7, s22;
	s14 =	sshll.u32 s14, $0x4;
	v2 =	vadd.s32 v0, v2  }
0x58: {  	s7 =	sand.u32 $0xFC, s7;
	s4 =	sadd.s32 s14, s4;
	[tilespmem:s15+$0x0] =	vst v2  }
0x59: {  	s7 =	sshrl.u32 s7, $0x2;
	v2 =	vld [tilespmem:s4+$0x0]  }
0x5a: {  	s30 =	smul.u32 $0x7, s7;
	_ =	sdelay $0x1  }
0x5b: {  	s7 =	smul.u32 $0x1C0, s7;
	s14 =	ssub.s32 s12, s30  }
0x5c: {  	s12 =	sand.u32 $0xFF, s14  }
0x5d: {  	s7 =	sshrl.u32 s7, $0x2;
	s12 =	sshll.u32 s12, $0x4;
	v2 =	vadd.s32 v0, v2  }
0x5e: {  	s7 =	sadd.s32 s12, s7;
	[tilespmem:s4+$0x0] =	vst v2  }
0x5f: {  	v2 =	vld [tilespmem:s7+$0x0];
	_ =	sdelay $0x4  }
0x60: {  	v2 =	vadd.s32 v0, v2  }
0x61: {  	[tilespmem:s7+$0x0] =	vst v2  }
0x62: {  	[tilespmem:s16], [sflag:$0x1] =	stream.indirect.gather [hbm4b:s0+s19], $0x40, s31, s19, $0xb8;
	[tilespmem:$0x10C40] =	vst v63  }
0x63: {  	_ = 	snop  }
0x64: {  	[tilespmem:s20], [sflag:$0x2] =	stream.indirect.gather [hbm4b:s0+s19], $0x40, s19, s19, $0xb8;
	[tilespmem:$0x10C40] =	vst v63  }
0x65: {  	_ =	swait.ge [sflag:s21], $0x1C00  }
0x66: {  	[sflag:s21] =	ssyncset.done $0x0  }
0x67: {  	[sflag:s21] =	ssyncadd.s32 $0xFFFFE400  }
0x68: {  	[spmem:s3] =	stream.indirect.scatter.add.f32 [tilespmem:s16], [sflag:$0x4], $0x40, s18, s19, $0xb8;
	[tilespmem:$0x10C40] =	vst v63  }
0x69: {  	s15 =	simm.s32 $0xE0  }
0x6a: {  	[tilespmem:s23], [sflag:$0x3] =	stream.indirect.gather [hbm4b:s0+s19], $0x40, s15, s19, $0xb8;
	[tilespmem:$0x10C40] =	vst v63  }
0x6b: {  	_ =	swait.ge [sflag:s24], $0x1C00  }
0x6c: {  	[sflag:s24] =	ssyncset.done $0x0  }
0x6d: {  	s22 =	simm.s32 $0xD90;
	[sflag:s24] =	ssyncadd.s32 $0xFFFFE400  }
0x6e: {  	[spmem:s3] =	stream.indirect.scatter.add.f32 [tilespmem:s20], [sflag:$0x4], $0x40, s22, s19, $0xb8;
	[tilespmem:$0x10C40] =	vst v63  }
0x6f: {  	_ =	swait.ge [sflag:s26], $0x1C00  }
0x70: {  	[sflag:s26] =	ssyncset.done $0x0  }
0x71: {  	s25 =	simm.s32 $0x150;
	[sflag:s26] =	ssyncadd.s32 $0xFFFFE400  }
0x72: {  	[tilespmem:s16], [sflag:$0x1] =	stream.indirect.gather [hbm4b:s0+s19], $0x40, s25, s19, $0xb8;
	[tilespmem:$0x10C40] =	vst v63  }
0x73: {  	_ =	swait.ge [sflag:s29], $0x1C00  }
0x74: {  	[sflag:s29] =	ssyncset.done $0x0  }
0x75: {  	s28 =	simm.s32 $0xE00;
	[sflag:s29] =	ssyncadd.s32 $0xFFFFE400  }
0x76: {  	[spmem:s3] =	stream.indirect.scatter.add.f32 [tilespmem:s23], [sflag:$0x4], $0x40, s28, s19, $0xb8;
	[tilespmem:$0x10C40] =	vst v63  }
0x77: {  	_ =	swait.ge [sflag:s26], $0x1C00  }
0x78: {  	[sflag:s26] =	ssyncset.done $0x0  }
0x79: {  	s30 =	simm.s32 $0x1C0;
	[sflag:s26] =	ssyncadd.s32 $0xFFFFE400  }
0x7a: {  	[tilespmem:s20], [sflag:$0x2] =	stream.indirect.gather [hbm4b:s0+s19], $0x40, s30, s19, $0xb8;
	[tilespmem:$0x10C40] =	vst v63  }
0x7b: {  	_ =	swait.ge [sflag:s21], $0x1C00  }
0x7c: {  	[sflag:s21] =	ssyncset.done $0x0  }
0x7d: {  	s7 =	simm.s32 $0xE70;
	[sflag:s21] =	ssyncadd.s32 $0xFFFFE400  }
0x7e: {  	[spmem:s3] =	stream.indirect.scatter.add.f32 [tilespmem:s16], [sflag:$0x4], $0x40, s7, s19, $0xb8;
	[tilespmem:$0x10C40] =	vst v63  }
0x7f: {  	_ =	swait.ge [sflag:s26], $0x1C00  }
0x80: {  	[sflag:s26] =	ssyncset.done $0x0  }
0x81: {  	s12 =	simm.s32 $0x230;
	[sflag:s26] =	ssyncadd.s32 $0xFFFFE400  }
0x82: {  	[tilespmem:s23], [sflag:$0x3] =	stream.indirect.gather [hbm4b:s0+s19], $0x40, s12, s19, $0xb8;
	[tilespmem:$0x10C40] =	vst v63  }
0x83: {  	_ =	swait.ge [sflag:s24], $0x1C00  }
0x84: {  	[sflag:s24] =	ssyncset.done $0x0  }
0x85: {  	s14 =	simm.s32 $0xEE0;
	[sflag:s24] =	ssyncadd.s32 $0xFFFFE400  }
0x86: {  	[spmem:s3] =	stream.indirect.scatter.add.f32 [tilespmem:s20], [sflag:$0x4], $0x40, s14, s19, $0xb8;
	[tilespmem:$0x10C40] =	vst v63  }
0x87: {  	_ =	swait.ge [sflag:s26], $0x1C00  }
0x88: {  	[sflag:s26] =	ssyncset.done $0x0  }
0x89: {  	s15 =	simm.s32 $0x2A0;
	[sflag:s26] =	ssyncadd.s32 $0xFFFFE400  }
0x8a: {  	[tilespmem:s16], [sflag:$0x1] =	stream.indirect.gather [hbm4b:s0+s19], $0x40, s15, s19, $0xb8;
	[tilespmem:$0x10C40] =	vst v63  }
0x8b: {  	_ =	swait.ge [sflag:s29], $0x1C00  }
0x8c: {  	[sflag:s29] =	ssyncset.done $0x0  }
0x8d: {  	s22 =	simm.s32 $0xF50;
	[sflag:s29] =	ssyncadd.s32 $0xFFFFE400  }
0x8e: {  	[spmem:s3] =	stream.indirect.scatter.add.f32 [tilespmem:s23], [sflag:$0x4], $0x40, s22, s19, $0xb8;
	[tilespmem:$0x10C40] =	vst v63  }
0x8f: {  	_ =	swait.ge [sflag:s26], $0x1C00  }
0x90: {  	[sflag:s26] =	ssyncset.done $0x0  }
0x91: {  	s25 =	simm.s32 $0x310;
	[sflag:s26] =	ssyncadd.s32 $0xFFFFE400  }
0x92: {  	[tilespmem:s20], [sflag:$0x2] =	stream.indirect.gather [hbm4b:s0+s19], $0x40, s25, s19, $0xb8;
	[tilespmem:$0x10C40] =	vst v63  }
0x93: {  	_ =	swait.ge [sflag:s21], $0x1C00  }
0x94: {  	[sflag:s21] =	ssyncset.done $0x0  }
0x95: {  	s28 =	simm.s32 $0xFC0;
	[sflag:s21] =	ssyncadd.s32 $0xFFFFE400  }
0x96: {  	[spmem:s3] =	stream.indirect.scatter.add.f32 [tilespmem:s16], [sflag:$0x4], $0x40, s28, s19, $0xb8;
	[tilespmem:$0x10C40] =	vst v63  }
0x97: {  	_ =	swait.ge [sflag:s26], $0x1C00  }
0x98: {  	[sflag:s26] =	ssyncset.done $0x0  }
0x99: {  	s30 =	simm.s32 $0x380;
	[sflag:s26] =	ssyncadd.s32 $0xFFFFE400  }
0x9a: {  	[tilespmem:s23], [sflag:$0x3] =	stream.indirect.gather [hbm4b:s0+s19], $0x40, s30, s19, $0xb8;
	[tilespmem:$0x10C40] =	vst v63  }
0x9b: {  	_ =	swait.ge [sflag:s24], $0x1C00  }
0x9c: {  	[sflag:s24] =	ssyncset.done $0x0  }
0x9d: {  	s7 =	simm.s32 $0x1030;
	[sflag:s24] =	ssyncadd.s32 $0xFFFFE400  }
0x9e: {  	[spmem:s3] =	stream.indirect.scatter.add.f32 [tilespmem:s20], [sflag:$0x4], $0x40, s7, s19, $0xb8;
	[tilespmem:$0x10C40] =	vst v63  }
0x9f: {  	_ =	swait.ge [sflag:s26], $0x1C00  }
0xa0: {  	[sflag:s26] =	ssyncset.done $0x0  }
0xa1: {  	s12 =	simm.s32 $0x3F0;
	[sflag:s26] =	ssyncadd.s32 $0xFFFFE400  }
0xa2: {  	[tilespmem:s16], [sflag:$0x1] =	stream.indirect.gather [hbm4b:s0+s19], $0x40, s12, s19, $0xb8;
	[tilespmem:$0x10C40] =	vst v63  }
0xa3: {  	_ =	swait.ge [sflag:s29], $0x1C00  }
0xa4: {  	[sflag:s29] =	ssyncset.done $0x0  }
0xa5: {  	s14 =	simm.s32 $0x10A0;
	[sflag:s29] =	ssyncadd.s32 $0xFFFFE400  }
0xa6: {  	[spmem:s3] =	stream.indirect.scatter.add.f32 [tilespmem:s23], [sflag:$0x4], $0x40, s14, s19, $0xb8;
	[tilespmem:$0x10C40] =	vst v63  }
0xa7: {  	_ =	swait.ge [sflag:s26], $0x1C00  }
0xa8: {  	[sflag:s26] =	ssyncset.done $0x0  }
0xa9: {  	s15 =	simm.s32 $0x460;
	[sflag:s26] =	ssyncadd.s32 $0xFFFFE400  }
0xaa: {  	[tilespmem:s20], [sflag:$0x2] =	stream.indirect.gather [hbm4b:s0+s19], $0x40, s15, s19, $0xb8;
	[tilespmem:$0x10C40] =	vst v63  }
0xab: {  	_ =	swait.ge [sflag:s21], $0x1C00  }
0xac: {  	[sflag:s21] =	ssyncset.done $0x0  }
0xad: {  	s22 =	simm.s32 $0x1110;
	[sflag:s21] =	ssyncadd.s32 $0xFFFFE400  }
0xae: {  	[spmem:s3] =	stream.indirect.scatter.add.f32 [tilespmem:s16], [sflag:$0x4], $0x40, s22, s19, $0xb8;
	[tilespmem:$0x10C40] =	vst v63  }
0xaf: {  	_ =	swait.ge [sflag:s26], $0x1C00  }
0xb0: {  	[sflag:s26] =	ssyncset.done $0x0  }
0xb1: {  	s25 =	simm.s32 $0x4D0;
	[sflag:s26] =	ssyncadd.s32 $0xFFFFE400  }
0xb2: {  	[tilespmem:s23], [sflag:$0x3] =	stream.indirect.gather [hbm4b:s0+s19], $0x40, s25, s19, $0xb8;
	[tilespmem:$0x10C40] =	vst v63  }
0xb3: {  	_ =	swait.ge [sflag:s24], $0x1C00  }
0xb4: {  	[sflag:s24] =	ssyncset.done $0x0  }
0xb5: {  	s28 =	simm.s32 $0x1180;
	[sflag:s24] =	ssyncadd.s32 $0xFFFFE400  }
0xb6: {  	[spmem:s3] =	stream.indirect.scatter.add.f32 [tilespmem:s20], [sflag:$0x4], $0x40, s28, s19, $0xb8;
	[tilespmem:$0x10C40] =	vst v63  }
0xb7: {  	_ =	swait.ge [sflag:s26], $0x1C00  }
0xb8: {  	[sflag:s26] =	ssyncset.done $0x0  }
0xb9: {  	s30 =	simm.s32 $0x540;
	[sflag:s26] =	ssyncadd.s32 $0xFFFFE400  }
0xba: {  	[tilespmem:s16], [sflag:$0x1] =	stream.indirect.gather [hbm4b:s0+s19], $0x40, s30, s19, $0xb8;
	[tilespmem:$0x10C40] =	vst v63  }
0xbb: {  	_ =	swait.ge [sflag:s29], $0x1C00  }
0xbc: {  	[sflag:s29] =	ssyncset.done $0x0  }
0xbd: {  	s7 =	simm.s32 $0x11F0;
	[sflag:s29] =	ssyncadd.s32 $0xFFFFE400  }
0xbe: {  	[spmem:s3] =	stream.indirect.scatter.add.f32 [tilespmem:s23], [sflag:$0x4], $0x40, s7, s19, $0xb8;
	[tilespmem:$0x10C40] =	vst v63  }
0xbf: {  	_ =	swait.ge [sflag:s26], $0x1C00  }
0xc0: {  	[sflag:s26] =	ssyncset.done $0x0  }
0xc1: {  	s12 =	simm.s32 $0x5B0;
	[sflag:s26] =	ssyncadd.s32 $0xFFFFE400  }
0xc2: {  	[tilespmem:s20], [sflag:$0x2] =	stream.indirect.gather [hbm4b:s0+s19], $0x40, s12, s19, $0xb8;
	[tilespmem:$0x10C40] =	vst v63  }
0xc3: {  	_ =	swait.ge [sflag:s21], $0x1C00  }
0xc4: {  	[sflag:s21] =	ssyncset.done $0x0  }
0xc5: {  	s14 =	simm.s32 $0x1260;
	[sflag:s21] =	ssyncadd.s32 $0xFFFFE400  }
0xc6: {  	[spmem:s3] =	stream.indirect.scatter.add.f32 [tilespmem:s16], [sflag:$0x4], $0x40, s14, s19, $0xb8;
	[tilespmem:$0x10C40] =	vst v63  }
0xc7: {  	_ =	swait.ge [sflag:s26], $0x1C00  }
0xc8: {  	[sflag:s26] =	ssyncset.done $0x0  }
0xc9: {  	s15 =	simm.s32 $0x620;
	[sflag:s26] =	ssyncadd.s32 $0xFFFFE400  }
0xca: {  	[tilespmem:s23], [sflag:$0x3] =	stream.indirect.gather [hbm4b:s0+s19], $0x40, s15, s19, $0xb8;
	[tilespmem:$0x10C40] =	vst v63  }
0xcb: {  	_ =	swait.ge [sflag:s24], $0x1C00  }
0xcc: {  	[sflag:s24] =	ssyncset.done $0x0  }
0xcd: {  	s22 =	simm.s32 $0x12D0;
	[sflag:s24] =	ssyncadd.s32 $0xFFFFE400  }
0xce: {  	[spmem:s3] =	stream.indirect.scatter.add.f32 [tilespmem:s20], [sflag:$0x4], $0x40, s22, s19, $0xb8;
	[tilespmem:$0x10C40] =	vst v63  }
0xcf: {  	_ =	swait.ge [sflag:s26], $0x1C00  }
0xd0: {  	[sflag:s26] =	ssyncset.done $0x0  }
0xd1: {  	s25 =	simm.s32 $0x690;
	[sflag:s26] =	ssyncadd.s32 $0xFFFFE400  }
0xd2: {  	[tilespmem:s16], [sflag:$0x1] =	stream.indirect.gather [hbm4b:s0+s19], $0x40, s25, s19, $0xb8;
	[tilespmem:$0x10C40] =	vst v63  }
0xd3: {  	_ =	swait.ge [sflag:s29], $0x1C00  }
0xd4: {  	[sflag:s29] =	ssyncset.done $0x0  }
0xd5: {  	s28 =	simm.s32 $0x1340;
	[sflag:s29] =	ssyncadd.s32 $0xFFFFE400  }
0xd6: {  	[spmem:s3] =	stream.indirect.scatter.add.f32 [tilespmem:s23], [sflag:$0x4], $0x40, s28, s19, $0xb8;
	[tilespmem:$0x10C40] =	vst v63  }
0xd7: {  	_ =	swait.ge [sflag:s26], $0x1C00  }
0xd8: {  	[sflag:s26] =	ssyncset.done $0x0  }
0xd9: {  	s30 =	simm.s32 $0x700;
	[sflag:s26] =	ssyncadd.s32 $0xFFFFE400  }
0xda: {  	[tilespmem:s20], [sflag:$0x2] =	stream.indirect.gather [hbm4b:s0+s19], $0x40, s30, s19, $0xb8;
	[tilespmem:$0x10C40] =	vst v63  }
0xdb: {  	_ =	swait.ge [sflag:s21], $0x1C00  }
0xdc: {  	[sflag:s21] =	ssyncset.done $0x0  }
0xdd: {  	s7 =	simm.s32 $0x13B0;
	[sflag:s21] =	ssyncadd.s32 $0xFFFFE400  }
0xde: {  	[spmem:s3] =	stream.indirect.scatter.add.f32 [tilespmem:s16], [sflag:$0x4], $0x40, s7, s19, $0xb8;
	[tilespmem:$0x10C40] =	vst v63  }
0xdf: {  	_ =	swait.ge [sflag:s26], $0x1C00  }
0xe0: {  	[sflag:s26] =	ssyncset.done $0x0  }
0xe1: {  	s12 =	simm.s32 $0x770;
	[sflag:s26] =	ssyncadd.s32 $0xFFFFE400  }
0xe2: {  	[tilespmem:s23], [sflag:$0x3] =	stream.indirect.gather [hbm4b:s0+s19], $0x40, s12, s19, $0xb8;
	[tilespmem:$0x10C40] =	vst v63  }
0xe3: {  	_ =	swait.ge [sflag:s24], $0x1C00  }
0xe4: {  	[sflag:s24] =	ssyncset.done $0x0  }
0xe5: {  	s14 =	simm.s32 $0x1420;
	[sflag:s24] =	ssyncadd.s32 $0xFFFFE400  }
0xe6: {  	[spmem:s3] =	stream.indirect.scatter.add.f32 [tilespmem:s20], [sflag:$0x4], $0x40, s14, s19, $0xb8;
	[tilespmem:$0x10C40] =	vst v63  }
0xe7: {  	_ =	swait.ge [sflag:s26], $0x1C00  }
0xe8: {  	[sflag:s26] =	ssyncset.done $0x0  }
0xe9: {  	s15 =	simm.s32 $0x7E0;
	[sflag:s26] =	ssyncadd.s32 $0xFFFFE400  }
0xea: {  	[tilespmem:s16], [sflag:$0x1] =	stream.indirect.gather [hbm4b:s0+s19], $0x40, s15, s19, $0xb8;
	[tilespmem:$0x10C40] =	vst v63  }
0xeb: {  	_ =	swait.ge [sflag:s29], $0x1C00  }
0xec: {  	[sflag:s29] =	ssyncset.done $0x0  }
0xed: {  	s22 =	simm.s32 $0x1490;
	[sflag:s29] =	ssyncadd.s32 $0xFFFFE400  }
0xee: {  	[spmem:s3] =	stream.indirect.scatter.add.f32 [tilespmem:s23], [sflag:$0x4], $0x40, s22, s19, $0xb8;
	[tilespmem:$0x10C40] =	vst v63  }
0xef: {  	_ =	swait.ge [sflag:s26], $0x1C00  }
0xf0: {  	[sflag:s26] =	ssyncset.done $0x0  }
0xf1: {  	s25 =	simm.s32 $0x850;
	[sflag:s26] =	ssyncadd.s32 $0xFFFFE400  }
0xf2: {  	[tilespmem:s20], [sflag:$0x2] =	stream.indirect.gather [hbm4b:s0+s19], $0x40, s25, s19, $0xb8;
	[tilespmem:$0x10C40] =	vst v63  }
0xf3: {  	_ =	swait.ge [sflag:s21], $0x1C00  }
0xf4: {  	[sflag:s21] =	ssyncset.done $0x0  }
0xf5: {  	s28 =	simm.s32 $0x1500;
	[sflag:s21] =	ssyncadd.s32 $0xFFFFE400  }
0xf6: {  	[spmem:s3] =	stream.indirect.scatter.add.f32 [tilespmem:s16], [sflag:$0x4], $0x40, s28, s19, $0xb8;
	[tilespmem:$0x10C40] =	vst v63  }
0xf7: {  	_ =	swait.ge [sflag:s26], $0x1C00  }
0xf8: {  	[sflag:s26] =	ssyncset.done $0x0  }
0xf9: {  	s30 =	simm.s32 $0x8C0;
	[sflag:s26] =	ssyncadd.s32 $0xFFFFE400  }
0xfa: {  	[tilespmem:s23], [sflag:$0x3] =	stream.indirect.gather [hbm4b:s0+s19], $0x40, s30, s19, $0xb8;
	[tilespmem:$0x10C40] =	vst v63  }
0xfb: {  	_ =	swait.ge [sflag:s24], $0x1C00  }
0xfc: {  	[sflag:s24] =	ssyncset.done $0x0  }
0xfd: {  	s7 =	simm.s32 $0x1570;
	[sflag:s24] =	ssyncadd.s32 $0xFFFFE400  }
0xfe: {  	[spmem:s3] =	stream.indirect.scatter.add.f32 [tilespmem:s20], [sflag:$0x4], $0x40, s7, s19, $0xb8;
	[tilespmem:$0x10C40] =	vst v63  }
0xff: {  	_ =	swait.ge [sflag:s26], $0x1C00  }
0x100: {  	[sflag:s26] =	ssyncset.done $0x0  }
0x101: {  	s12 =	simm.s32 $0x930;
	[sflag:s26] =	ssyncadd.s32 $0xFFFFE400  }
0x102: {  	[tilespmem:s16], [sflag:$0x1] =	stream.indirect.gather [hbm4b:s0+s19], $0x40, s12, s19, $0xb8;
	[tilespmem:$0x10C40] =	vst v63  }
0x103: {  	_ =	swait.ge [sflag:s29], $0x1C00  }
0x104: {  	[sflag:s29] =	ssyncset.done $0x0  }
0x105: {  	s14 =	simm.s32 $0x15E0;
	[sflag:s29] =	ssyncadd.s32 $0xFFFFE400  }
0x106: {  	[spmem:s3] =	stream.indirect.scatter.add.f32 [tilespmem:s23], [sflag:$0x4], $0x40, s14, s19, $0xb8;
	[tilespmem:$0x10C40] =	vst v63  }
0x107: {  	_ =	swait.ge [sflag:s26], $0x1C00  }
0x108: {  	[sflag:s26] =	ssyncset.done $0x0  }
0x109: {  	s15 =	simm.s32 $0x9A0;
	[sflag:s26] =	ssyncadd.s32 $0xFFFFE400  }
0x10a: {  	[tilespmem:s20], [sflag:$0x2] =	stream.indirect.gather [hbm4b:s0+s19], $0x40, s15, s19, $0xb8;
	[tilespmem:$0x10C40] =	vst v63  }
0x10b: {  	_ =	swait.ge [sflag:s21], $0x1C00  }
0x10c: {  	[sflag:s21] =	ssyncset.done $0x0  }
0x10d: {  	s22 =	simm.s32 $0x1650;
	[sflag:s21] =	ssyncadd.s32 $0xFFFFE400  }
0x10e: {  	[spmem:s3] =	stream.indirect.scatter.add.f32 [tilespmem:s16], [sflag:$0x4], $0x40, s22, s19, $0xb8;
	[tilespmem:$0x10C40] =	vst v63  }
0x10f: {  	_ =	swait.ge [sflag:s26], $0x1C00  }
0x110: {  	[sflag:s26] =	ssyncset.done $0x0  }
0x111: {  	s25 =	simm.s32 $0xA10;
	[sflag:s26] =	ssyncadd.s32 $0xFFFFE400  }
0x112: {  	[tilespmem:s23], [sflag:$0x3] =	stream.indirect.gather [hbm4b:s0+s19], $0x40, s25, s19, $0xb8;
	[tilespmem:$0x10C40] =	vst v63  }
0x113: {  	_ =	swait.ge [sflag:s24], $0x1C00  }
0x114: {  	[sflag:s24] =	ssyncset.done $0x0  }
0x115: {  	s28 =	simm.s32 $0x16C0;
	[sflag:s24] =	ssyncadd.s32 $0xFFFFE400  }
0x116: {  	[spmem:s3] =	stream.indirect.scatter.add.f32 [tilespmem:s20], [sflag:$0x4], $0x40, s28, s19, $0xb8;
	[tilespmem:$0x10C40] =	vst v63  }
0x117: {  	_ =	swait.ge [sflag:s26], $0x1C00  }
0x118: {  	[sflag:s26] =	ssyncset.done $0x0  }
0x119: {  	s30 =	simm.s32 $0xA80;
	[sflag:s26] =	ssyncadd.s32 $0xFFFFE400  }
0x11a: {  	[tilespmem:s16], [sflag:$0x1] =	stream.indirect.gather [hbm4b:s0+s19], $0x40, s30, s19, $0xb8;
	[tilespmem:$0x10C40] =	vst v63  }
0x11b: {  	_ =	swait.ge [sflag:s29], $0x1C00  }
0x11c: {  	[sflag:s29] =	ssyncset.done $0x0  }
0x11d: {  	s7 =	simm.s32 $0x1730;
	[sflag:s29] =	ssyncadd.s32 $0xFFFFE400  }
0x11e: {  	[spmem:s3] =	stream.indirect.scatter.add.f32 [tilespmem:s23], [sflag:$0x4], $0x40, s7, s19, $0xb8;
	[tilespmem:$0x10C40] =	vst v63  }
0x11f: {  	_ =	swait.ge [sflag:s26], $0x1C00  }
0x120: {  	[sflag:s26] =	ssyncset.done $0x0  }
0x121: {  	s12 =	simm.s32 $0xAF0;
	[sflag:s26] =	ssyncadd.s32 $0xFFFFE400  }
0x122: {  	[tilespmem:s20], [sflag:$0x2] =	stream.indirect.gather [hbm4b:s0+s19], $0x40, s12, s19, $0xb8;
	[tilespmem:$0x10C40] =	vst v63  }
0x123: {  	_ =	swait.ge [sflag:s21], $0x1C00  }
0x124: {  	[sflag:s21] =	ssyncset.done $0x0  }
0x125: {  	s14 =	simm.s32 $0x17A0;
	[sflag:s21] =	ssyncadd.s32 $0xFFFFE400  }
0x126: {  	[spmem:s3] =	stream.indirect.scatter.add.f32 [tilespmem:s16], [sflag:$0x4], $0x40, s14, s19, $0xb8;
	[tilespmem:$0x10C40] =	vst v63  }
0x127: {  	_ =	swait.ge [sflag:s26], $0x1C00  }
0x128: {  	[sflag:s26] =	ssyncset.done $0x0  }
0x129: {  	s15 =	simm.s32 $0xB60;
	[sflag:s26] =	ssyncadd.s32 $0xFFFFE400  }
0x12a: {  	[tilespmem:s23], [sflag:$0x3] =	stream.indirect.gather [hbm4b:s0+s19], $0x40, s15, s19, $0xb8;
	[tilespmem:$0x10C40] =	vst v63  }
0x12b: {  	_ =	swait.ge [sflag:s24], $0x1C00  }
0x12c: {  	[sflag:s24] =	ssyncset.done $0x0  }
0x12d: {  	s22 =	simm.s32 $0x1810;
	[sflag:s24] =	ssyncadd.s32 $0xFFFFE400  }
0x12e: {  	[spmem:s3] =	stream.indirect.scatter.add.f32 [tilespmem:s20], [sflag:$0x4], $0x40, s22, s19, $0xb8;
	[tilespmem:$0x10C40] =	vst v63  }
0x12f: {  	_ =	swait.ge [sflag:s26], $0x1C00  }
0x130: {  	[sflag:s26] =	ssyncset.done $0x0  }
0x131: {  	s25 =	simm.s32 $0xBD0;
	[sflag:s26] =	ssyncadd.s32 $0xFFFFE400  }
0x132: {  	[tilespmem:s16], [sflag:$0x1] =	stream.indirect.gather [hbm4b:s0+s19], $0x40, s25, s19, $0xb8;
	[tilespmem:$0x10C40] =	vst v63  }
0x133: {  	_ =	swait.ge [sflag:s29], $0x1C00  }
0x134: {  	[sflag:s29] =	ssyncset.done $0x0  }
0x135: {  	s28 =	simm.s32 $0x1880;
	[sflag:s29] =	ssyncadd.s32 $0xFFFFE400  }
0x136: {  	[spmem:s3] =	stream.indirect.scatter.add.f32 [tilespmem:s23], [sflag:$0x4], $0x40, s28, s19, $0xb8;
	[tilespmem:$0x10C40] =	vst v63  }
0x137: {  	_ =	swait.ge [sflag:s26], $0x1C00  }
0x138: {  	[sflag:s26] =	ssyncset.done $0x0  }
0x139: {  	s30 =	simm.s32 $0xC40;
	[sflag:s26] =	ssyncadd.s32 $0xFFFFE400  }
0x13a: {  	[tilespmem:s20], [sflag:$0x2] =	stream.indirect.gather [hbm4b:s0+s19], $0x40, s30, s19, $0xb8;
	[tilespmem:$0x10C40] =	vst v63  }
0x13b: {  	_ =	swait.ge [sflag:s21], $0x1C00  }
0x13c: {  	[sflag:s21] =	ssyncset.done $0x0  }
0x13d: {  	[sflag:s21] =	ssyncadd.s32 $0xFFFFE400  }
0x13e: {  	[spmem:s3] =	stream.indirect.scatter.add.f32 [tilespmem:s16], [sflag:$0x4], $0x40, s1, s19, $0xb8;
	[tilespmem:$0x10C40] =	vst v63  }
0x13f: {  	_ =	swait.ge [sflag:s26], $0x1C00  }
0x140: {  	[sflag:s26] =	ssyncset.done $0x0  }
0x141: {  	[sflag:s26] =	ssyncadd.s32 $0xFFFFE400  }
0x142: {  	[tilespmem:s23], [sflag:$0x3] =	stream.indirect.gather [hbm4b:s0+s19], $0x40, s2, s19, $0xb8;
	[tilespmem:$0x10C40] =	vst v63  }
0x143: {  	_ =	swait.ge [sflag:s24], $0x1C00  }
0x144: {  	[sflag:s24] =	ssyncset.done $0x0  }
0x145: {  	[sflag:s24] =	ssyncadd.s32 $0xFFFFE400  }
0x146: {  	[spmem:s3] =	stream.indirect.scatter.add.f32 [tilespmem:s20], [sflag:$0x4], $0x40, s8, s19, $0xb8;
	[tilespmem:$0x10C40] =	vst v63  }
0x147: {  	_ =	swait.ge [sflag:s26], $0x1C00  }
0x148: {  	[sflag:s26] =	ssyncset.done $0x0  }
0x149: {  	[sflag:s26] =	ssyncadd.s32 $0xFFFFE400  }
0x14a: {  	_ =	swait.ge [sflag:s29], $0x1C00  }
0x14b: {  	[sflag:s29] =	ssyncset.done $0x0  }
0x14c: {  	s11 =	sadd.s32 $0x1, s11;
	[sflag:s29] =	ssyncadd.s32 $0xFFFFE400  }
0x14d: {  	[spmem:s3] =	stream.indirect.scatter.add.f32 [tilespmem:s23], [sflag:$0x4], $0x40, s9, s19, $0xb8;
	[tilespmem:$0x10C40] =	vst v63  }
0x14e: {  	p0 =	sne.s32 s11, $0x6;
	_ =	swait.ge [sflag:s26], $0x1C00  }
.Ltmp2:
0x14f: {  	[sflag:s26] =	ssyncset.done $0x0;
	(pc) =	sbr.rel @p0 .LBB2_4-.Ltmp2, $4  }
0x150: {  	[sflag:s26] =	ssyncadd.s32 $0xFFFFE400  }
0x151: {  	_ =	swait.ge [sflag:s26], $0x1C00  }
0x152: {  	[sflag:s26] =	ssyncset.done $0x0  }
0x153: {  	[sflag:s26] =	ssyncadd.s32 $0xFFFFE400  }
0x154: {  	s4 =	stileid.u32;
	[bflag:$0x0] =	sbarrier.arrive $0xFFFF  }
0x155: {  	s4 =	sshll.u32 s4, $0x6;
	s12 =	rddreg [dreg:$0x4]  }
0x156: {  	s10 =	rddreg [dreg:$0xa];
	s4 =	sor.u32 $0x1C05, s4;
	s7 =	sshrl.u32 s12, $0x3  }
0x157: {  	[hbm:s10], [sflag:s4] =	dma.local [spmem:s7], $0x13C0  }
0x158: {  	_ =	swait.ge [sflag:s17], $0x13C0  }
0x159: {  	s28 =	rddreg [dreg:$0xc]  }
0x15a: {  	s30 =	rddreg [dreg:$0xb];
	s7 =	sadd.s32 $0x1, s28  }
0x15b: {  	p0 =	sne.s32 s7, s30  }
.Ltmp3:
0x15c: {  	_ = 	snop;
	(pc) =	sbr.rel @p0 .LBB2_1-.Ltmp3, $3  }
0x15d: {  	_ =	sdelay $0x1  }
0x15e: {  	[sflag:s17] =	ssyncset.done $0x0  }
0x15f: {  	[sflag:s17] =	ssyncadd.s32 $0xFFFFEC40  }
0x160: {  	_ =	sfence.sel $0x180000  }
0x161: {  	[bflag:$0x0] =	sbarrier.arrive $0xFFFF  }
0x162: {  	_ =	strace $0x9000004A  }
0x163: {  	s0 =	stileid.u32;
	[bflag:$0x2] =	sbarrier.arrive $0xFFFF  }
0x164: {  	p0 =	sne.s32 s0, $0x0;
	s0 =	rddreg [dreg:$0x3]  }
0x165: {  	s0 =	sadd.s32 @!p0 $0x100000, s0  }
0x166: {  	[sflag:s0] =	ssyncadd.tile.s32 @!p0 $0x1;
	_ =	shalt  }
.Lfunc_end2:
_tile_overlayer_lowered:
.L_overlay_start_2:
0x167: {  	(tag) =	ssettag $0x2  }
0x168: {  	s0 =	rddreg [dreg:$0x0];
	s2 =	stileid.u32  }
0x169: {  	s1 =	rddreg [dreg:$0x1];
	p0 =	sne.s32 s2, $0x0  }
0x16a: {  	s3 =	rddreg [dreg:$0x2];
	[bflag:$0x3] =	sbarrier.arrive $0xFFFF;
	s2 =	simm.s32 @!p0 $0x1C05  }
0x16b: {  	[timem:s3], [sflag:s2] =	dma.local @!p0 [hbm:s0], s1  }
0x16c: {  	s0 =	simm.s32 @!p0 $0x5  }
0x16d: {  	_ =	swait.ge @!p0 [sflag:s0], s1  }
0x16e: {  	s1 =	ssub.s32 @!p0 $0x0, s1;
	[sflag:s0] =	ssyncset.done @!p0 $0x0  }
0x16f: {  	[sflag:s0] =	ssyncadd.s32 @!p0 s1  }
0x170: {  	[bflag:$0x3] =	sbarrier.arrive $0xFFFF  }
0x171: {  	_ =	shalt  }

// kernel: kernel.14.cloned.1.call-start
scs
__scs_entry_jumppad:
0x0: {  	(pc) =	sbr.rel $0x88, $3  }
0x1: {  	(tag) =	ssettag $0x0;
	lr =	simm.s32 $0x1  }
0x2: {  	[smem:$0x3F95] =	sst lr;
	_ =	strace $0xD0000000  }
0x3: {  	_ = 	snop  }
0x4: {  	_ = 	snop  }
0x5: {  	_ = 	snop  }
0x6: {  	_ = 	snop  }
0x7: {  	_ = 	snop  }
__scs_overlays_trampoline_lowered:
0x8: {  	[smem:$0x3FA4] =	sst s0  }
0x9: {  	[smem:$0x3FA5] =	sst s1  }
0xa: {  	[smem:$0x3FA6] =	sst s2  }
0xb: {  	[smem:$0x3FA7] =	sst s3  }
0xc: {  	[smem:$0x3FA8] =	sst s4  }
0xd: {  	[smem:$0x3FA9] =	sst s5  }
0xe: {  	[smem:$0x3FAA] =	sst s6  }
0xf: {  	[smem:$0x3FAB] =	sst s7  }
0x10: {  	[smem:$0x3FAC] =	sst s8  }
0x11: {  	[smem:$0x3FAD] =	sst s9;
	s0 =	simm.s32 @!p0 $0x0  }
0x12: {  	s1 =	sld [smem:$0x3F93];
	s0 =	simm.s32 @p0 $0x1  }
0x13: {  	[smem:$0x3FAE] =	sst s0;
	s0 =	simm.s32 @!p1 $0x0  }
0x14: {  	s2 =	sld [smem:$0x3F92];
	s0 =	simm.s32 @p1 $0x1  }
0x15: {  	[smem:$0x3FAF] =	sst s0;
	s0 =	simm.s32 @!p2 $0x0  }
0x16: {  	s3 =	sld [smem:$0x3FDB];
	s0 =	simm.s32 @p2 $0x1  }
0x17: {  	s4 =	simm.s32 $0x1BF5;
	[smem:$0x3FB1] =	sst s0  }
0x18: {  	s0 =	sld [smem:$0x3F94];
	_ =	swait.ge [sflag:s4], $0x0  }
0x19: {  	s7 =	sld [smem:$0x3F95]  }
0x1a: {  	s8 =	sadd.s32 $0xFFFFE003, lr  }
0x1b: {  	s9 =	sadd.s32 $0xFFFFFEF7, lr;
	s5 =	simm.s32 $0xFFFFFFFF;
	p2 =	slt.u32 s8, $0xFFFFF086  }
0x1c: {  	p1 =	slt.u32 s9, $0xF7A;
	s5 =	simm.s32 @!p2 $0x0  }
0x1d: {  	s5 =	simm.s32 @p1 $0x1;
	p0 =	seq.s32 s7, s2  }
0x1e: {  	s7 =	smul.u32 @!p0 $0xF7A, s2;
	p2 =	seq.s32 @!p0 s5, $0x0  }
0x1f: {  	s9 =	smul.u32 $0xF7A, s1;
	s8 =	simm.s32 @!p0 $0x1BF5;
	p2 =	por !p2, p0  }
0x20: {  	[sflag:s8] =	ssyncset.s32 @!p0 $0xFFFFF086;
	s6 =	sadd.s32 @!p0 s3, s7;
	s7 =	simm.s32 @!p0 $0x108  }
0x21: {  	s3 =	sadd.s32 s3, s9;
	s6 =	sadd.s32 @!p0 $0x88, s6;
	s7 =	simm.s32 @p2 $0x1082  }
0x22: {  	[simem:s7], [sflag:s8] =	dma.local @!p0 [hbm:s6], $0xF7A  }
0x23: {  	s9 =	sor.u32 $0xD0000000, s2;
	s6 =	simm.s32 $0x108;
	_ =	swait.ge @!p0 [sflag:s8], $0x0  }
0x24: {  	s3 =	sadd.s32 $0x88, s3;
	s6 =	simm.s32 @!p1 $0x1082;
	[sflag:s4] =	ssyncset.s32 $0xFFFFF086  }
0x25: {  	[simem:s6], [sflag:s4] =	dma.local [hbm:s3], $0xF7A  }
0x26: {  	[smem:$0x3F95] =	sst s1;
	(tag) =	ssettag s2;
	_ =	strace s9  }
0x27: {  	s1 =	sld [smem:$0x3FA5]  }
0x28: {  	s2 =	sld [smem:$0x3FA6]  }
0x29: {  	s4 =	sld [smem:$0x3FA8]  }
0x2a: {  	p0 =	seq.s32 s5, $0x0;
	s5 =	sld [smem:$0x3FA9]  }
0x2b: {  	s6 =	sld [smem:$0x3FAA]  }
0x2c: {  	s7 =	sld [smem:$0x3FAB]  }
0x2d: {  	s3 =	simm.s32 $0x108;
	s8 =	sld [smem:$0x3FAC]  }
0x2e: {  	s3 =	simm.s32 @!p0 $0x1082;
	s9 =	sld [smem:$0x3FAD]  }
0x2f: {  	lr =	sadd.s32 s0, s3;
	s0 =	sld [smem:$0x3FA4]  }
0x30: {  	s3 =	sld [smem:$0x3FA7]  }
0x31: {  	[smem:$0x3FB0] =	sst s10  }
0x32: {  	s10 =	sld [smem:$0x3FAE];
	_ =	sdelay $0x3  }
0x33: {  	p0 =	seq.s32 s10, $0x1;
	s10 =	sld [smem:$0x3FB0];
	_ =	sdelay $0x3  }
0x34: {  	[smem:$0x3FB0] =	sst s10  }
0x35: {  	s10 =	sld [smem:$0x3FAF];
	_ =	sdelay $0x3  }
0x36: {  	p1 =	seq.s32 s10, $0x1;
	s10 =	sld [smem:$0x3FB0];
	_ =	sdelay $0x3  }
0x37: {  	[smem:$0x3FB0] =	sst s10  }
0x38: {  	s10 =	sld [smem:$0x3FB1]  }
0x39: {  	_ = 	snop;
	(pc) =	sbr.ind lr, $3  }
0x3a: {  	_ = 	snop  }
0x3b: {  	_ = 	snop  }
0x3c: {  	p2 =	seq.s32 s10, $0x1;
	s10 =	sld [smem:$0x3FB0]  }
0x3d: {  	_ =	shalt  }
0x3e: {  	_ =	shalt  }
0x3f: {  	_ =	shalt  }
0x40: {  	_ =	shalt  }
0x41: {  	_ =	shalt  }
0x42: {  	_ =	shalt  }
0x43: {  	_ =	shalt  }
0x44: {  	_ =	shalt  }
0x45: {  	_ =	shalt  }
0x46: {  	_ =	shalt  }
0x47: {  	_ =	shalt  }
0x48: {  	_ =	shalt  }
0x49: {  	_ =	shalt  }
0x4a: {  	_ =	shalt  }
0x4b: {  	_ =	shalt  }
0x4c: {  	_ =	shalt  }
0x4d: {  	_ =	shalt  }
0x4e: {  	_ =	shalt  }
0x4f: {  	_ =	shalt  }
0x50: {  	_ =	shalt  }
0x51: {  	_ =	shalt  }
0x52: {  	_ =	shalt  }
0x53: {  	_ =	shalt  }
0x54: {  	_ =	shalt  }
0x55: {  	_ =	shalt  }
0x56: {  	_ =	shalt  }
0x57: {  	_ =	shalt  }
0x58: {  	_ =	shalt  }
0x59: {  	_ =	shalt  }
0x5a: {  	_ =	shalt  }
0x5b: {  	_ =	shalt  }
0x5c: {  	_ =	shalt  }
0x5d: {  	_ =	shalt  }
0x5e: {  	_ =	shalt  }
0x5f: {  	_ =	shalt  }
0x60: {  	_ =	shalt  }
0x61: {  	_ =	shalt  }
0x62: {  	_ =	shalt  }
0x63: {  	_ =	shalt  }
0x64: {  	_ =	shalt  }
0x65: {  	_ =	shalt  }
0x66: {  	_ =	shalt  }
0x67: {  	_ =	shalt  }
0x68: {  	_ =	shalt  }
0x69: {  	_ =	shalt  }
0x6a: {  	_ =	shalt  }
0x6b: {  	_ =	shalt  }
0x6c: {  	_ =	shalt  }
0x6d: {  	_ =	shalt  }
0x6e: {  	_ =	shalt  }
0x6f: {  	_ =	shalt  }
0x70: {  	_ =	shalt  }
0x71: {  	_ =	shalt  }
0x72: {  	_ =	shalt  }
0x73: {  	_ =	shalt  }
0x74: {  	_ =	shalt  }
0x75: {  	_ =	shalt  }
0x76: {  	_ =	shalt  }
0x77: {  	_ =	shalt  }
0x78: {  	_ =	shalt  }
0x79: {  	_ =	shalt  }
0x7a: {  	_ =	shalt  }
0x7b: {  	_ =	shalt  }
0x7c: {  	_ =	shalt  }
0x7d: {  	_ =	shalt  }
0x7e: {  	_ =	shalt  }
0x7f: {  	_ =	shalt  }
0x80: {  	_ =	shalt  }
0x81: {  	_ =	shalt  }
0x82: {  	_ =	shalt  }
0x83: {  	_ =	shalt  }
0x84: {  	_ =	shalt  }
0x85: {  	_ =	shalt  }
0x86: {  	_ =	shalt  }
0x87: {  	_ =	shalt  }
.Lfunc_end0:
.L_simem_size_0:
called_computation.2_lowered:
.L_overlay_start_0:
0x88: {  	s2 =	sld [smem:$0x3FD9]  }
0x89: {  	s3 =	sld [smem:$0x3FFE];
	_ =	sdelay $0x1  }
0x8a: {  	s1 =	srdreg.scid  }
0x8b: {  	s0 =	sand.u32 $0x1, s1  }
0x8c: {  	s16 =	sshll.u32 s0, $0xA;
	s2 =	sadd.s32 s3, s2  }
0x8d: {  	s2 =	sadd.s32 s2, s16  }
0x8e: {  	[smem:$0x3FBC] =	sst s2  }
0x8f: {  	_ = 	snop  }
0x90: {  	(tm) =	ssettm $0x1  }
0x91: {  	s17 =	sld [smem:$0x3FFB];
	_ =	sdelay $0x3  }
0x92: {  	_ =	strace s17  }
0x93: {  	s2 =	sld [smem:$0x3FFC];
	_ =	sdelay $0x3  }
0x94: {  	_ =	strace s2  }
0x95: {  	s2 =	sld [smem:$0x3FFD];
	_ =	sdelay $0x3  }
0x96: {  	_ =	strace s2  }
0x97: {  	_ =	strace $0x8FFFFFFF  }
0x98: {  	s18 =	sld [smem:$0x3FDB];
	_ =	sdelay $0x1  }
0x99: {  	s19 =	simm.s32 $_scs_section_size  }
0x9a: {  	s4 =	simm.s32 $_size__tile_overlayer_lowered;
	s5 =	simm.s32 $_tile_overlayer_lowered  }
0x9b: {  	s22 =	simm.s32 $0x1BFF;
	s21 =	sshll.u32 s5, $0x1;
	s2 =	sadd.s32 s19, s18  }
0x9c: {  	s6 =	simm.s32 $0x0;
	s20 =	sshll.u32 s4, $0x1;
	s4 =	sadd.s32 s21, s2  }
0x9d: {  	[timem:s6], [sflag:s22] =	dma.local [hbm:s4], s20  }
0x9e: {  	_ =	swait.ge [sflag:s22], s20  }
0x9f: {  	s3 =	ssub.s32 $0x0, s20;
	[sflag:s22] =	ssyncset.done $0x0  }
0xa0: {  	[sflag:s22] =	ssyncadd.s32 s3;
	_ =	sdelay $0x1  }
0xa1: {  	s23 =	simm.s32 $0x1B8B  }
0xa2: {  	_ =	swait.ge [sflag:s23], $0x1  }
0xa3: {  	[sflag:s23] =	ssyncset.done $0x0  }
0xa4: {  	s25 =	simm.s32 $0x1B8E;
	s24 =	sld [smem:$0x3FFE];
	[sflag:s23] =	ssyncadd.s32 $0xFFFFFFFF  }
0xa5: {  	s26 =	simm.s32 $execute0_lowered;
	[smem:$0x3FD2] =	sst s25  }
0xa6: {  	s4 =	sshll.u32 s26, $0x1;
	_ =	strace $0x8000004C;
	[dreg:$0x1] =	wrdreg $0xFFFFFFFF  }
0xa7: {  	s28 =	simm.s32 $_size_execute0_lowered;
	s2 =	sadd.s32 s2, s4;
	[dreg:$0x0] =	wrdreg $0x0  }
0xa8: {  	s4 =	sshll.u32 s28, $0x1;
	[dreg:$0x2] =	wrdreg s2  }
0xa9: {  	[dreg:$0x3] =	wrdreg s4  }
0xaa: {  	[dreg:$0x4] =	wrdreg $0xC0  }
0xab: {  	_ =	task [dreg:s6], $0x5FFFF  }
0xac: {  	[dreg:$0x1] =	wrdreg $0xFFFFFFFF  }
0xad: {  	[dreg:$0x0] =	wrdreg $0x60  }
0xae: {  	[dreg:$0x2] =	wrdreg s24  }
0xaf: {  	[dreg:$0x3] =	wrdreg $0xC2400  }
0xb0: {  	[dreg:$0x4] =	wrdreg $0x9  }
0xb1: {  	_ =	task.clear_ibuf [dreg:s6], $0x5FFFF;
	_ =	strace $0x9000004C  }
0xb2: {  	s29 =	simm.s32 $0x9;
	_ =	strace $0x8000004E  }
0xb3: {  	_ =	swait.ge [sflag:s29], $0x1  }
0xb4: {  	[sflag:s29] =	ssyncadd.s32 $0xFFFFFFFF  }
0xb5: {  	_ =	strace $0x9000004E  }
0xb6: {  	_ =	sfence  }
0xb7: {  	s30 =	sld [smem:$0x0];
	_ =	sdelay $0x2  }
0xb8: {  	s31 =	sshll.u32 s1, $0xD;
	s1 =	sshrl.u32 s1, $0x2  }
0xb9: {  	s3 =	sand.u32 $0x4000, s31;
	s1 =	sadd.s32 s1, s30  }
0xba: {  	s0 =	sor.u32 s3, s0;
	s1 =	sshll.u32 s1, $0x11  }
0xbb: {  	s0 =	sor.u32 s1, s0  }
0xbc: {  	s0 =	sadd.s32 $0x8F2B, s0  }
0xbd: {  	[sflag:s0] =	ssyncadd.remote.s32 $0x1  }
0xbe: {  	_ =	sfence.sel $0xFFFF  }
0xbf: {  	[dreg:$0x0] =	wrdreg $0xFFFFFFFF;
	(pc) =	sbr.abs _section_cstart, $3  }
0xc0: {  	[dreg:$0x1] =	wrdreg $0xFFFFFFFF  }
0xc1: {  	_ =	task.clear_ibuf [dreg:s6], $0x2FFFF;
	_ =	strace $0x9FFFFFFF  }
0xc2: {  	(tm) =	ssettm $0x7FFFFFFF  }
0xc3: {  	_ =	shalt  }
tec
execute0_lowered:
.L_overlay_start_1:
0x0: {  	(tag) =	ssettag $0x1  }
0x1: {  	s0 =	rddreg [dreg:$0x0]  }
0x2: {  	s1 =	rddreg [dreg:$0x1];
	s2 =	srdreg.scid  }
0x3: {  	s3 =	simm.s32 $0x0;
	s10 =	stileid.u32;
	s16 =	simm.s32 $0x1A40  }
0x4: {  	s17 =	simm.s32 $0x5;
	s18 =	simm.s32 $0xD20;
	s19 =	simm.s32 $0x70  }
0x5: {  	s20 =	simm.s32 $0x5240;
	s21 =	simm.s32 $0x1;
	s29 =	simm.s32 $0x3  }
0x6: {  	s31 =	simm.s32 $0x0;
	s2 =	sand.u32 $0x1, s2;
	s22 =	smul.u32 $0x278, s10  }
0x7: {  	[smem:$0x7FF] =	sst s3;
	s7 =	smul.u32 $0x4F000, s10;
	s4 =	sadd.s32 $0x16400, s0  }
0x8: {  	s5 =	sadd.s32 $0xC600, s0;
	s6 =	sadd.s32 $0x2800, s0;
	s13 =	smul.u32 $0xB4, s10  }
0x9: {  	s8 =	smul.u32 $0x2780, s2;
	s2 =	ssub.s32 $0x2, s2;
	s7 =	sshrl.u32 s7, $0x2  }
0xa: {  	_ =	strace $0x8000004D;
	s9 =	sshrl.u32 s2, $0x1;
	s12 =	sadd.s32 s7, s1  }
0xb: {  	s3 =	sadd.s32 s22, s8;
	s23 =	sadd.s32 $0x3800, s12;
	[dreg:$0x3] =	wrdreg s12  }
0xc: {  	s2 =	ssub.s32 s2, s9;
	s24 =	sadd.s32 $0x7000, s12;
	[dreg:$0x4] =	wrdreg s23  }
0xd: {  	v0 =	vmov s8;
	s8 =	simm.s32 $0x1960;
	s25 =	sadd.s32 $0xA800, s12;
	[dreg:$0x5] =	wrdreg s24  }
0xe: {  	s9 =	simm.s32 $0x19D0;
	s26 =	sadd.s32 $0xE000, s12;
	[dreg:$0x6] =	wrdreg s25  }
0xf: {  	s7 =	simm.s32 $0x0;
	s28 =	sadd.s32 $0x11800, s12;
	[dreg:$0x7] =	wrdreg s26  }
0x10: {  	s3 =	sshll.u32 s3, $0x4;
	s30 =	smax.u32 s2, $0x1;
	[dreg:$0x8] =	wrdreg s28  }
0x11: {  	s2 =	simm.s32 $0xCB0;
	s0 =	sadd.s32 s3, s0;
	[dreg:$0xa] =	wrdreg s30  }
0x12: {  	s23 =	simm.s32 $0x8A40;
	s24 =	simm.s32 $0x2;
	s0 =	sadd.s32 $0x65400, s0  }
0x13: {  	v1 =	vimm.f32 $0.0e+00;
	s26 =	simm.s32 $0x4;
	[dreg:$0x9] =	wrdreg s0;
	s0 =	simm.s32 $0x18F0  }
.LBB2_1:
0x14: {  	s30 =	simm.s32 $0x0  }
0x15: {  	s3 =	sand.u32 $0xFE00, s30  }
0x16: {  	[dreg:$0xb] =	wrdreg s7;
	s10 =	sand.u32 $0x70, s30;
	s3 =	sshrl.u32 s3, $0x2  }
0x17: {  	s7 =	simm.s32 $0x40;
	s3 =	sor.u32 s10, s3;
	s10 =	simm.s32 $0x0  }
.LBB2_2:
0x18: {  	p0 =	sne.s32 s7, $0xDFC0  }
0x19: {  	[tilespmem:s3+$0x1A40] =	vst v1;
	s10 =	sadd.s32 $0x10, s10;
	s3 =	smov.u32 s7;
	s7 =	sadd.s32 $0x40, s7  }
.Ltmp0:
0x1a: {  	(pc) =	sbr.rel @p0 .LBB2_2-.Ltmp0, $4  }
0x1b: {  	_ = 	snop  }
0x1c: {  	s3 =	sand.u32 $0xFE00, s3  }
0x1d: {  	s11 =	sand.u32 $0x70, s10;
	s3 =	sshrl.u32 s3, $0x2  }
0x1e: {  	s3 =	sor.u32 s11, s3  }
0x1f: {  	[tilespmem:s3+$0x1A40] =	vst v1  }
0x20: {  	[spmem:s12] =	stream.linear.scatter [tilespmem:s16], [sflag:$0x5], $0x3800, $0x38;
	[tilespmem:$0x1FE40] =	vst v63  }
0x21: {  	_ =	swait.ge [sflag:s17], $0x3800  }
0x22: {  	[sflag:s17] =	ssyncset.done $0x0  }
0x23: {  	s15 =	rddreg [dreg:$0x4];
	[sflag:s17] =	ssyncadd.s32 $0xFFFFC800  }
0x24: {  	[spmem:s15] =	stream.linear.scatter [tilespmem:s16], [sflag:$0x5], $0x3800, $0x38;
	[tilespmem:$0x1FE40] =	vst v63  }
0x25: {  	_ =	swait.ge [sflag:s17], $0x3800  }
0x26: {  	[sflag:s17] =	ssyncset.done $0x0  }
0x27: {  	s22 =	rddreg [dreg:$0x5];
	[sflag:s17] =	ssyncadd.s32 $0xFFFFC800  }
0x28: {  	[spmem:s22] =	stream.linear.scatter [tilespmem:s16], [sflag:$0x5], $0x3800, $0x38;
	[tilespmem:$0x1FE40] =	vst v63  }
0x29: {  	_ =	swait.ge [sflag:s17], $0x3800  }
0x2a: {  	[sflag:s17] =	ssyncset.done $0x0  }
0x2b: {  	s25 =	rddreg [dreg:$0x6];
	[sflag:s17] =	ssyncadd.s32 $0xFFFFC800  }
0x2c: {  	[spmem:s25] =	stream.linear.scatter [tilespmem:s16], [sflag:$0x5], $0x3800, $0x38;
	[tilespmem:$0x1FE40] =	vst v63  }
0x2d: {  	_ =	swait.ge [sflag:s17], $0x3800  }
0x2e: {  	[sflag:s17] =	ssyncset.done $0x0  }
0x2f: {  	s28 =	rddreg [dreg:$0x7];
	[sflag:s17] =	ssyncadd.s32 $0xFFFFC800  }
0x30: {  	[spmem:s28] =	stream.linear.scatter [tilespmem:s16], [sflag:$0x5], $0x3800, $0x38;
	[tilespmem:$0x1FE40] =	vst v63  }
0x31: {  	_ =	swait.ge [sflag:s17], $0x3800  }
0x32: {  	[sflag:s17] =	ssyncset.done $0x0  }
0x33: {  	s30 =	rddreg [dreg:$0x8];
	[sflag:s17] =	ssyncadd.s32 $0xFFFFC800  }
0x34: {  	[spmem:s30] =	stream.linear.scatter [tilespmem:s16], [sflag:$0x5], $0x2400, $0x38;
	[tilespmem:$0x1FE40] =	vst v63  }
0x35: {  	_ =	swait.ge [sflag:s17], $0x2400  }
0x36: {  	[sflag:s17] =	ssyncset.done $0x0  }
0x37: {  	[sflag:s17] =	ssyncadd.s32 $0xFFFFDC00  }
0x38: {  	s10 =	simm.s32 $0x0;
	s11 =	simm.s32 $0x0;
	[bflag:$0x0] =	sbarrier.arrive $0xFFFF  }
.LBB2_4:
0x39: {  	s3 =	smul.u32 $0x1E, s11;
	_ =	sdelay $0x1  }
0x3a: {  	s25 =	smul.u32 $0x25, s10;
	s3 =	sadd.s32 s13, s3  }
0x3b: {  	s3 =	smul.u32 $0xE, s3;
	_ =	sdelay $0x1  }
0x3c: {  	s28 =	sshrl.u32 s25, $0x8;
	s7 =	sadd.s32 s5, s3  }
0x3d: {  	[tilespmem:s10], [sflag:$0x5] =	stream.linear.gather [hbm4b:s7+s10], $0xD20, $0x38;
	[tilespmem:$0x1FE40] =	vst v63  }
0x3e: {  	s7 =	ssub.s32 $0x0, s28;
	_ =	swait.ge [sflag:s17], $0xD20  }
0x3f: {  	s14 =	simm.s32 $0x1;
	s7 =	sand.u32 $0xFE, s7;
	[sflag:s17] =	ssyncset.done $0x0  }
0x40: {  	s3 =	sadd.s32 s6, s3;
	s7 =	sshrl.u32 s7, $0x1;
	[sflag:s17] =	ssyncadd.s32 $0xFFFFF2E0  }
0x41: {  	[tilespmem:s18], [sflag:$0x5] =	stream.linear.gather [hbm4b:s3+s10], $0xD20, $0x38;
	[tilespmem:$0x1FE40] =	vst v63  }
0x42: {  	s30 =	smul.u32 $0x25, s14;
	s3 =	sadd.s32 s28, s7  }
0x43: {  	s3 =	sand.u32 $0xFC, s3  }
0x44: {  	s7 =	sshrl.u32 s30, $0x8;
	s3 =	sshrl.u32 s3, $0x2  }
0x45: {  	s12 =	simm.s32 $0x2;
	s22 =	ssub.s32 $0x1, s7;
	s15 =	smul.u32 $0x7, s3  }
0x46: {  	_ =	swait.ge [sflag:s17], $0xD20;
	s25 =	sand.u32 $0xFE, s22;
	s22 =	smul.u32 $0x25, s12  }
0x47: {  	[sflag:s17] =	ssyncset.done $0x0;
	s3 =	smul.u32 $0x1C0, s3;
	s15 =	ssub.s32 $0x0, s15  }
0x48: {  	[sflag:s17] =	ssyncadd.s32 $0xFFFFF2E0;
	s25 =	sshrl.u32 s25, $0x1;
	s15 =	sand.u32 $0xFF, s15  }
0x49: {  	s25 =	sadd.s32 s7, s25;
	s28 =	sshrl.u32 s3, $0x2;
	s15 =	sshll.u32 s15, $0x4  }
0x4a: {  	s7 =	simm.s32 $0x3;
	s3 =	sand.u32 $0xFC, s25;
	s15 =	sadd.s32 s15, s28  }
.LBB2_5:
0x4b: {  	p0 =	sne.s32 s7, $0xD1;
	s3 =	sshrl.u32 s3, $0x2;
	v2 =	vld [tilespmem:s15+$0x0];
	s25 =	smov.u32 s14  }
0x4c: {  	s28 =	sshrl.u32 s22, $0x8;
	s14 =	smov.u32 s12;
	s22 =	smul.u32 $0x7, s3  }
.Ltmp1:
0x4d: {  	s12 =	smov.u32 s7;
	s30 =	ssub.s32 s14, s28;
	(pc) =	sbr.rel @p0 .LBB2_5-.Ltmp1, $4  }
0x4e: {  	s3 =	smul.u32 $0x1C0, s3;
	s30 =	sand.u32 $0xFE, s30;
	s25 =	ssub.s32 s25, s22  }
0x4f: {  	s22 =	smul.u32 $0x25, s7;
	s30 =	sshrl.u32 s30, $0x1;
	s25 =	sand.u32 $0xFF, s25  }
0x50: {  	s28 =	sadd.s32 s28, s30;
	s30 =	sshrl.u32 s3, $0x2;
	s25 =	sshll.u32 s25, $0x4;
	v2 =	vadd.s32 v0, v2  }
0x51: {  	s7 =	sadd.s32 $0x1, s7;
	s3 =	sand.u32 $0xFC, s28;
	[tilespmem:s15+$0x0] =	vst v2;
	s15 =	sadd.s32 s25, s30  }
0x52: {  	s3 =	sshrl.u32 s3, $0x2;
	v2 =	vld [tilespmem:s15+$0x0]  }
0x53: {  	s7 =	sshrl.u32 s22, $0x8;
	s30 =	smul.u32 $0x7, s3  }
0x54: {  	s25 =	ssub.s32 s12, s7  }
0x55: {  	s3 =	smul.u32 $0x1C0, s3;
	s28 =	sand.u32 $0xFE, s25;
	s14 =	ssub.s32 s14, s30  }
0x56: {  	s22 =	sshrl.u32 s28, $0x1;
	s14 =	sand.u32 $0xFF, s14  }
0x57: {  	s3 =	sshrl.u32 s3, $0x2;
	s7 =	sadd.s32 s7, s22;
	s14 =	sshll.u32 s14, $0x4;
	v2 =	vadd.s32 v0, v2  }
0x58: {  	s7 =	sand.u32 $0xFC, s7;
	s3 =	sadd.s32 s14, s3;
	[tilespmem:s15+$0x0] =	vst v2  }
0x59: {  	s7 =	sshrl.u32 s7, $0x2;
	v2 =	vld [tilespmem:s3+$0x0]  }
0x5a: {  	s30 =	smul.u32 $0x7, s7;
	_ =	sdelay $0x1  }
0x5b: {  	s7 =	smul.u32 $0x1C0, s7;
	s14 =	ssub.s32 s12, s30  }
0x5c: {  	s12 =	sand.u32 $0xFF, s14  }
0x5d: {  	s7 =	sshrl.u32 s7, $0x2;
	s12 =	sshll.u32 s12, $0x4;
	v2 =	vadd.s32 v0, v2  }
0x5e: {  	s7 =	sadd.s32 s12, s7;
	[tilespmem:s3+$0x0] =	vst v2  }
0x5f: {  	v2 =	vld [tilespmem:s7+$0x0];
	_ =	sdelay $0x4  }
0x60: {  	v2 =	vadd.s32 v0, v2  }
0x61: {  	[tilespmem:s7+$0x0] =	vst v2  }
0x62: {  	[tilespmem:s16], [sflag:$0x1] =	stream.indirect.gather [hbm4b:s4+s19], $0x80, s31, s19, $0xb8;
	[tilespmem:$0x1FE40] =	vst v63  }
0x63: {  	_ = 	snop  }
0x64: {  	[tilespmem:s20], [sflag:$0x2] =	stream.indirect.gather [hbm4b:s4+s19], $0x80, s19, s19, $0xb8;
	[tilespmem:$0x1FE40] =	vst v63  }
0x65: {  	_ =	swait.ge [sflag:s21], $0x3800  }
0x66: {  	[sflag:s21] =	ssyncset.done $0x0  }
0x67: {  	[sflag:s21] =	ssyncadd.s32 $0xFFFFC800  }
0x68: {  	[spmem:s1] =	stream.indirect.scatter.add.f32 [tilespmem:s16], [sflag:$0x4], $0x80, s18, s19, $0xb8;
	[tilespmem:$0x1FE40] =	vst v63  }
0x69: {  	s15 =	simm.s32 $0xE0  }
0x6a: {  	[tilespmem:s23], [sflag:$0x3] =	stream.indirect.gather [hbm4b:s4+s19], $0x80, s15, s19, $0xb8;
	[tilespmem:$0x1FE40] =	vst v63  }
0x6b: {  	_ =	swait.ge [sflag:s24], $0x3800  }
0x6c: {  	[sflag:s24] =	ssyncset.done $0x0  }
0x6d: {  	s22 =	simm.s32 $0xD90;
	[sflag:s24] =	ssyncadd.s32 $0xFFFFC800  }
0x6e: {  	[spmem:s1] =	stream.indirect.scatter.add.f32 [tilespmem:s20], [sflag:$0x4], $0x80, s22, s19, $0xb8;
	[tilespmem:$0x1FE40] =	vst v63  }
0x6f: {  	_ =	swait.ge [sflag:s26], $0x3800  }
0x70: {  	[sflag:s26] =	ssyncset.done $0x0  }
0x71: {  	s25 =	simm.s32 $0x150;
	[sflag:s26] =	ssyncadd.s32 $0xFFFFC800  }
0x72: {  	[tilespmem:s16], [sflag:$0x1] =	stream.indirect.gather [hbm4b:s4+s19], $0x80, s25, s19, $0xb8;
	[tilespmem:$0x1FE40] =	vst v63  }
0x73: {  	_ =	swait.ge [sflag:s29], $0x3800  }
0x74: {  	[sflag:s29] =	ssyncset.done $0x0  }
0x75: {  	s28 =	simm.s32 $0xE00;
	[sflag:s29] =	ssyncadd.s32 $0xFFFFC800  }
0x76: {  	[spmem:s1] =	stream.indirect.scatter.add.f32 [tilespmem:s23], [sflag:$0x4], $0x80, s28, s19, $0xb8;
	[tilespmem:$0x1FE40] =	vst v63  }
0x77: {  	_ =	swait.ge [sflag:s26], $0x3800  }
0x78: {  	[sflag:s26] =	ssyncset.done $0x0  }
0x79: {  	s30 =	simm.s32 $0x1C0;
	[sflag:s26] =	ssyncadd.s32 $0xFFFFC800  }
0x7a: {  	[tilespmem:s20], [sflag:$0x2] =	stream.indirect.gather [hbm4b:s4+s19], $0x80, s30, s19, $0xb8;
	[tilespmem:$0x1FE40] =	vst v63  }
0x7b: {  	_ =	swait.ge [sflag:s21], $0x3800  }
0x7c: {  	[sflag:s21] =	ssyncset.done $0x0  }
0x7d: {  	s7 =	simm.s32 $0xE70;
	[sflag:s21] =	ssyncadd.s32 $0xFFFFC800  }
0x7e: {  	[spmem:s1] =	stream.indirect.scatter.add.f32 [tilespmem:s16], [sflag:$0x4], $0x80, s7, s19, $0xb8;
	[tilespmem:$0x1FE40] =	vst v63  }
0x7f: {  	_ =	swait.ge [sflag:s26], $0x3800  }
0x80: {  	[sflag:s26] =	ssyncset.done $0x0  }
0x81: {  	s12 =	simm.s32 $0x230;
	[sflag:s26] =	ssyncadd.s32 $0xFFFFC800  }
0x82: {  	[tilespmem:s23], [sflag:$0x3] =	stream.indirect.gather [hbm4b:s4+s19], $0x80, s12, s19, $0xb8;
	[tilespmem:$0x1FE40] =	vst v63  }
0x83: {  	_ =	swait.ge [sflag:s24], $0x3800  }
0x84: {  	[sflag:s24] =	ssyncset.done $0x0  }
0x85: {  	s14 =	simm.s32 $0xEE0;
	[sflag:s24] =	ssyncadd.s32 $0xFFFFC800  }
0x86: {  	[spmem:s1] =	stream.indirect.scatter.add.f32 [tilespmem:s20], [sflag:$0x4], $0x80, s14, s19, $0xb8;
	[tilespmem:$0x1FE40] =	vst v63  }
0x87: {  	_ =	swait.ge [sflag:s26], $0x3800  }
0x88: {  	[sflag:s26] =	ssyncset.done $0x0  }
0x89: {  	s15 =	simm.s32 $0x2A0;
	[sflag:s26] =	ssyncadd.s32 $0xFFFFC800  }
0x8a: {  	[tilespmem:s16], [sflag:$0x1] =	stream.indirect.gather [hbm4b:s4+s19], $0x80, s15, s19, $0xb8;
	[tilespmem:$0x1FE40] =	vst v63  }
0x8b: {  	_ =	swait.ge [sflag:s29], $0x3800  }
0x8c: {  	[sflag:s29] =	ssyncset.done $0x0  }
0x8d: {  	s22 =	simm.s32 $0xF50;
	[sflag:s29] =	ssyncadd.s32 $0xFFFFC800  }
0x8e: {  	[spmem:s1] =	stream.indirect.scatter.add.f32 [tilespmem:s23], [sflag:$0x4], $0x80, s22, s19, $0xb8;
	[tilespmem:$0x1FE40] =	vst v63  }
0x8f: {  	_ =	swait.ge [sflag:s26], $0x3800  }
0x90: {  	[sflag:s26] =	ssyncset.done $0x0  }
0x91: {  	s25 =	simm.s32 $0x310;
	[sflag:s26] =	ssyncadd.s32 $0xFFFFC800  }
0x92: {  	[tilespmem:s20], [sflag:$0x2] =	stream.indirect.gather [hbm4b:s4+s19], $0x80, s25, s19, $0xb8;
	[tilespmem:$0x1FE40] =	vst v63  }
0x93: {  	_ =	swait.ge [sflag:s21], $0x3800  }
0x94: {  	[sflag:s21] =	ssyncset.done $0x0  }
0x95: {  	s28 =	simm.s32 $0xFC0;
	[sflag:s21] =	ssyncadd.s32 $0xFFFFC800  }
0x96: {  	[spmem:s1] =	stream.indirect.scatter.add.f32 [tilespmem:s16], [sflag:$0x4], $0x80, s28, s19, $0xb8;
	[tilespmem:$0x1FE40] =	vst v63  }
0x97: {  	_ =	swait.ge [sflag:s26], $0x3800  }
0x98: {  	[sflag:s26] =	ssyncset.done $0x0  }
0x99: {  	s30 =	simm.s32 $0x380;
	[sflag:s26] =	ssyncadd.s32 $0xFFFFC800  }
0x9a: {  	[tilespmem:s23], [sflag:$0x3] =	stream.indirect.gather [hbm4b:s4+s19], $0x80, s30, s19, $0xb8;
	[tilespmem:$0x1FE40] =	vst v63  }
0x9b: {  	_ =	swait.ge [sflag:s24], $0x3800  }
0x9c: {  	[sflag:s24] =	ssyncset.done $0x0  }
0x9d: {  	s7 =	simm.s32 $0x1030;
	[sflag:s24] =	ssyncadd.s32 $0xFFFFC800  }
0x9e: {  	[spmem:s1] =	stream.indirect.scatter.add.f32 [tilespmem:s20], [sflag:$0x4], $0x80, s7, s19, $0xb8;
	[tilespmem:$0x1FE40] =	vst v63  }
0x9f: {  	_ =	swait.ge [sflag:s26], $0x3800  }
0xa0: {  	[sflag:s26] =	ssyncset.done $0x0  }
0xa1: {  	s12 =	simm.s32 $0x3F0;
	[sflag:s26] =	ssyncadd.s32 $0xFFFFC800  }
0xa2: {  	[tilespmem:s16], [sflag:$0x1] =	stream.indirect.gather [hbm4b:s4+s19], $0x80, s12, s19, $0xb8;
	[tilespmem:$0x1FE40] =	vst v63  }
0xa3: {  	_ =	swait.ge [sflag:s29], $0x3800  }
0xa4: {  	[sflag:s29] =	ssyncset.done $0x0  }
0xa5: {  	s14 =	simm.s32 $0x10A0;
	[sflag:s29] =	ssyncadd.s32 $0xFFFFC800  }
0xa6: {  	[spmem:s1] =	stream.indirect.scatter.add.f32 [tilespmem:s23], [sflag:$0x4], $0x80, s14, s19, $0xb8;
	[tilespmem:$0x1FE40] =	vst v63  }
0xa7: {  	_ =	swait.ge [sflag:s26], $0x3800  }
0xa8: {  	[sflag:s26] =	ssyncset.done $0x0  }
0xa9: {  	s15 =	simm.s32 $0x460;
	[sflag:s26] =	ssyncadd.s32 $0xFFFFC800  }
0xaa: {  	[tilespmem:s20], [sflag:$0x2] =	stream.indirect.gather [hbm4b:s4+s19], $0x80, s15, s19, $0xb8;
	[tilespmem:$0x1FE40] =	vst v63  }
0xab: {  	_ =	swait.ge [sflag:s21], $0x3800  }
0xac: {  	[sflag:s21] =	ssyncset.done $0x0  }
0xad: {  	s22 =	simm.s32 $0x1110;
	[sflag:s21] =	ssyncadd.s32 $0xFFFFC800  }
0xae: {  	[spmem:s1] =	stream.indirect.scatter.add.f32 [tilespmem:s16], [sflag:$0x4], $0x80, s22, s19, $0xb8;
	[tilespmem:$0x1FE40] =	vst v63  }
0xaf: {  	_ =	swait.ge [sflag:s26], $0x3800  }
0xb0: {  	[sflag:s26] =	ssyncset.done $0x0  }
0xb1: {  	s25 =	simm.s32 $0x4D0;
	[sflag:s26] =	ssyncadd.s32 $0xFFFFC800  }
0xb2: {  	[tilespmem:s23], [sflag:$0x3] =	stream.indirect.gather [hbm4b:s4+s19], $0x80, s25, s19, $0xb8;
	[tilespmem:$0x1FE40] =	vst v63  }
0xb3: {  	_ =	swait.ge [sflag:s24], $0x3800  }
0xb4: {  	[sflag:s24] =	ssyncset.done $0x0  }
0xb5: {  	s28 =	simm.s32 $0x1180;
	[sflag:s24] =	ssyncadd.s32 $0xFFFFC800  }
0xb6: {  	[spmem:s1] =	stream.indirect.scatter.add.f32 [tilespmem:s20], [sflag:$0x4], $0x80, s28, s19, $0xb8;
	[tilespmem:$0x1FE40] =	vst v63  }
0xb7: {  	_ =	swait.ge [sflag:s26], $0x3800  }
0xb8: {  	[sflag:s26] =	ssyncset.done $0x0  }
0xb9: {  	s30 =	simm.s32 $0x540;
	[sflag:s26] =	ssyncadd.s32 $0xFFFFC800  }
0xba: {  	[tilespmem:s16], [sflag:$0x1] =	stream.indirect.gather [hbm4b:s4+s19], $0x80, s30, s19, $0xb8;
	[tilespmem:$0x1FE40] =	vst v63  }
0xbb: {  	_ =	swait.ge [sflag:s29], $0x3800  }
0xbc: {  	[sflag:s29] =	ssyncset.done $0x0  }
0xbd: {  	s7 =	simm.s32 $0x11F0;
	[sflag:s29] =	ssyncadd.s32 $0xFFFFC800  }
0xbe: {  	[spmem:s1] =	stream.indirect.scatter.add.f32 [tilespmem:s23], [sflag:$0x4], $0x80, s7, s19, $0xb8;
	[tilespmem:$0x1FE40] =	vst v63  }
0xbf: {  	_ =	swait.ge [sflag:s26], $0x3800  }
0xc0: {  	[sflag:s26] =	ssyncset.done $0x0  }
0xc1: {  	s12 =	simm.s32 $0x5B0;
	[sflag:s26] =	ssyncadd.s32 $0xFFFFC800  }
0xc2: {  	[tilespmem:s20], [sflag:$0x2] =	stream.indirect.gather [hbm4b:s4+s19], $0x80, s12, s19, $0xb8;
	[tilespmem:$0x1FE40] =	vst v63  }
0xc3: {  	_ =	swait.ge [sflag:s21], $0x3800  }
0xc4: {  	[sflag:s21] =	ssyncset.done $0x0  }
0xc5: {  	s14 =	simm.s32 $0x1260;
	[sflag:s21] =	ssyncadd.s32 $0xFFFFC800  }
0xc6: {  	[spmem:s1] =	stream.indirect.scatter.add.f32 [tilespmem:s16], [sflag:$0x4], $0x80, s14, s19, $0xb8;
	[tilespmem:$0x1FE40] =	vst v63  }
0xc7: {  	_ =	swait.ge [sflag:s26], $0x3800  }
0xc8: {  	[sflag:s26] =	ssyncset.done $0x0  }
0xc9: {  	s15 =	simm.s32 $0x620;
	[sflag:s26] =	ssyncadd.s32 $0xFFFFC800  }
0xca: {  	[tilespmem:s23], [sflag:$0x3] =	stream.indirect.gather [hbm4b:s4+s19], $0x80, s15, s19, $0xb8;
	[tilespmem:$0x1FE40] =	vst v63  }
0xcb: {  	_ =	swait.ge [sflag:s24], $0x3800  }
0xcc: {  	[sflag:s24] =	ssyncset.done $0x0  }
0xcd: {  	s22 =	simm.s32 $0x12D0;
	[sflag:s24] =	ssyncadd.s32 $0xFFFFC800  }
0xce: {  	[spmem:s1] =	stream.indirect.scatter.add.f32 [tilespmem:s20], [sflag:$0x4], $0x80, s22, s19, $0xb8;
	[tilespmem:$0x1FE40] =	vst v63  }
0xcf: {  	_ =	swait.ge [sflag:s26], $0x3800  }
0xd0: {  	[sflag:s26] =	ssyncset.done $0x0  }
0xd1: {  	s25 =	simm.s32 $0x690;
	[sflag:s26] =	ssyncadd.s32 $0xFFFFC800  }
0xd2: {  	[tilespmem:s16], [sflag:$0x1] =	stream.indirect.gather [hbm4b:s4+s19], $0x80, s25, s19, $0xb8;
	[tilespmem:$0x1FE40] =	vst v63  }
0xd3: {  	_ =	swait.ge [sflag:s29], $0x3800  }
0xd4: {  	[sflag:s29] =	ssyncset.done $0x0  }
0xd5: {  	s28 =	simm.s32 $0x1340;
	[sflag:s29] =	ssyncadd.s32 $0xFFFFC800  }
0xd6: {  	[spmem:s1] =	stream.indirect.scatter.add.f32 [tilespmem:s23], [sflag:$0x4], $0x80, s28, s19, $0xb8;
	[tilespmem:$0x1FE40] =	vst v63  }
0xd7: {  	_ =	swait.ge [sflag:s26], $0x3800  }
0xd8: {  	[sflag:s26] =	ssyncset.done $0x0  }
0xd9: {  	s30 =	simm.s32 $0x700;
	[sflag:s26] =	ssyncadd.s32 $0xFFFFC800  }
0xda: {  	[tilespmem:s20], [sflag:$0x2] =	stream.indirect.gather [hbm4b:s4+s19], $0x80, s30, s19, $0xb8;
	[tilespmem:$0x1FE40] =	vst v63  }
0xdb: {  	_ =	swait.ge [sflag:s21], $0x3800  }
0xdc: {  	[sflag:s21] =	ssyncset.done $0x0  }
0xdd: {  	s7 =	simm.s32 $0x13B0;
	[sflag:s21] =	ssyncadd.s32 $0xFFFFC800  }
0xde: {  	[spmem:s1] =	stream.indirect.scatter.add.f32 [tilespmem:s16], [sflag:$0x4], $0x80, s7, s19, $0xb8;
	[tilespmem:$0x1FE40] =	vst v63  }
0xdf: {  	_ =	swait.ge [sflag:s26], $0x3800  }
0xe0: {  	[sflag:s26] =	ssyncset.done $0x0  }
0xe1: {  	s12 =	simm.s32 $0x770;
	[sflag:s26] =	ssyncadd.s32 $0xFFFFC800  }
0xe2: {  	[tilespmem:s23], [sflag:$0x3] =	stream.indirect.gather [hbm4b:s4+s19], $0x80, s12, s19, $0xb8;
	[tilespmem:$0x1FE40] =	vst v63  }
0xe3: {  	_ =	swait.ge [sflag:s24], $0x3800  }
0xe4: {  	[sflag:s24] =	ssyncset.done $0x0  }
0xe5: {  	s14 =	simm.s32 $0x1420;
	[sflag:s24] =	ssyncadd.s32 $0xFFFFC800  }
0xe6: {  	[spmem:s1] =	stream.indirect.scatter.add.f32 [tilespmem:s20], [sflag:$0x4], $0x80, s14, s19, $0xb8;
	[tilespmem:$0x1FE40] =	vst v63  }
0xe7: {  	_ =	swait.ge [sflag:s26], $0x3800  }
0xe8: {  	[sflag:s26] =	ssyncset.done $0x0  }
0xe9: {  	s15 =	simm.s32 $0x7E0;
	[sflag:s26] =	ssyncadd.s32 $0xFFFFC800  }
0xea: {  	[tilespmem:s16], [sflag:$0x1] =	stream.indirect.gather [hbm4b:s4+s19], $0x80, s15, s19, $0xb8;
	[tilespmem:$0x1FE40] =	vst v63  }
0xeb: {  	_ =	swait.ge [sflag:s29], $0x3800  }
0xec: {  	[sflag:s29] =	ssyncset.done $0x0  }
0xed: {  	s22 =	simm.s32 $0x1490;
	[sflag:s29] =	ssyncadd.s32 $0xFFFFC800  }
0xee: {  	[spmem:s1] =	stream.indirect.scatter.add.f32 [tilespmem:s23], [sflag:$0x4], $0x80, s22, s19, $0xb8;
	[tilespmem:$0x1FE40] =	vst v63  }
0xef: {  	_ =	swait.ge [sflag:s26], $0x3800  }
0xf0: {  	[sflag:s26] =	ssyncset.done $0x0  }
0xf1: {  	s25 =	simm.s32 $0x850;
	[sflag:s26] =	ssyncadd.s32 $0xFFFFC800  }
0xf2: {  	[tilespmem:s20], [sflag:$0x2] =	stream.indirect.gather [hbm4b:s4+s19], $0x80, s25, s19, $0xb8;
	[tilespmem:$0x1FE40] =	vst v63  }
0xf3: {  	_ =	swait.ge [sflag:s21], $0x3800  }
0xf4: {  	[sflag:s21] =	ssyncset.done $0x0  }
0xf5: {  	s28 =	simm.s32 $0x1500;
	[sflag:s21] =	ssyncadd.s32 $0xFFFFC800  }
0xf6: {  	[spmem:s1] =	stream.indirect.scatter.add.f32 [tilespmem:s16], [sflag:$0x4], $0x80, s28, s19, $0xb8;
	[tilespmem:$0x1FE40] =	vst v63  }
0xf7: {  	_ =	swait.ge [sflag:s26], $0x3800  }
0xf8: {  	[sflag:s26] =	ssyncset.done $0x0  }
0xf9: {  	s30 =	simm.s32 $0x8C0;
	[sflag:s26] =	ssyncadd.s32 $0xFFFFC800  }
0xfa: {  	[tilespmem:s23], [sflag:$0x3] =	stream.indirect.gather [hbm4b:s4+s19], $0x80, s30, s19, $0xb8;
	[tilespmem:$0x1FE40] =	vst v63  }
0xfb: {  	_ =	swait.ge [sflag:s24], $0x3800  }
0xfc: {  	[sflag:s24] =	ssyncset.done $0x0  }
0xfd: {  	s7 =	simm.s32 $0x1570;
	[sflag:s24] =	ssyncadd.s32 $0xFFFFC800  }
0xfe: {  	[spmem:s1] =	stream.indirect.scatter.add.f32 [tilespmem:s20], [sflag:$0x4], $0x80, s7, s19, $0xb8;
	[tilespmem:$0x1FE40] =	vst v63  }
0xff: {  	_ =	swait.ge [sflag:s26], $0x3800  }
0x100: {  	[sflag:s26] =	ssyncset.done $0x0  }
0x101: {  	s12 =	simm.s32 $0x930;
	[sflag:s26] =	ssyncadd.s32 $0xFFFFC800  }
0x102: {  	[tilespmem:s16], [sflag:$0x1] =	stream.indirect.gather [hbm4b:s4+s19], $0x80, s12, s19, $0xb8;
	[tilespmem:$0x1FE40] =	vst v63  }
0x103: {  	_ =	swait.ge [sflag:s29], $0x3800  }
0x104: {  	[sflag:s29] =	ssyncset.done $0x0  }
0x105: {  	s14 =	simm.s32 $0x15E0;
	[sflag:s29] =	ssyncadd.s32 $0xFFFFC800  }
0x106: {  	[spmem:s1] =	stream.indirect.scatter.add.f32 [tilespmem:s23], [sflag:$0x4], $0x80, s14, s19, $0xb8;
	[tilespmem:$0x1FE40] =	vst v63  }
0x107: {  	_ =	swait.ge [sflag:s26], $0x3800  }
0x108: {  	[sflag:s26] =	ssyncset.done $0x0  }
0x109: {  	s15 =	simm.s32 $0x9A0;
	[sflag:s26] =	ssyncadd.s32 $0xFFFFC800  }
0x10a: {  	[tilespmem:s20], [sflag:$0x2] =	stream.indirect.gather [hbm4b:s4+s19], $0x80, s15, s19, $0xb8;
	[tilespmem:$0x1FE40] =	vst v63  }
0x10b: {  	_ =	swait.ge [sflag:s21], $0x3800  }
0x10c: {  	[sflag:s21] =	ssyncset.done $0x0  }
0x10d: {  	s22 =	simm.s32 $0x1650;
	[sflag:s21] =	ssyncadd.s32 $0xFFFFC800  }
0x10e: {  	[spmem:s1] =	stream.indirect.scatter.add.f32 [tilespmem:s16], [sflag:$0x4], $0x80, s22, s19, $0xb8;
	[tilespmem:$0x1FE40] =	vst v63  }
0x10f: {  	_ =	swait.ge [sflag:s26], $0x3800  }
0x110: {  	[sflag:s26] =	ssyncset.done $0x0  }
0x111: {  	s25 =	simm.s32 $0xA10;
	[sflag:s26] =	ssyncadd.s32 $0xFFFFC800  }
0x112: {  	[tilespmem:s23], [sflag:$0x3] =	stream.indirect.gather [hbm4b:s4+s19], $0x80, s25, s19, $0xb8;
	[tilespmem:$0x1FE40] =	vst v63  }
0x113: {  	_ =	swait.ge [sflag:s24], $0x3800  }
0x114: {  	[sflag:s24] =	ssyncset.done $0x0  }
0x115: {  	s28 =	simm.s32 $0x16C0;
	[sflag:s24] =	ssyncadd.s32 $0xFFFFC800  }
0x116: {  	[spmem:s1] =	stream.indirect.scatter.add.f32 [tilespmem:s20], [sflag:$0x4], $0x80, s28, s19, $0xb8;
	[tilespmem:$0x1FE40] =	vst v63  }
0x117: {  	_ =	swait.ge [sflag:s26], $0x3800  }
0x118: {  	[sflag:s26] =	ssyncset.done $0x0  }
0x119: {  	s30 =	simm.s32 $0xA80;
	[sflag:s26] =	ssyncadd.s32 $0xFFFFC800  }
0x11a: {  	[tilespmem:s16], [sflag:$0x1] =	stream.indirect.gather [hbm4b:s4+s19], $0x80, s30, s19, $0xb8;
	[tilespmem:$0x1FE40] =	vst v63  }
0x11b: {  	_ =	swait.ge [sflag:s29], $0x3800  }
0x11c: {  	[sflag:s29] =	ssyncset.done $0x0  }
0x11d: {  	s7 =	simm.s32 $0x1730;
	[sflag:s29] =	ssyncadd.s32 $0xFFFFC800  }
0x11e: {  	[spmem:s1] =	stream.indirect.scatter.add.f32 [tilespmem:s23], [sflag:$0x4], $0x80, s7, s19, $0xb8;
	[tilespmem:$0x1FE40] =	vst v63  }
0x11f: {  	_ =	swait.ge [sflag:s26], $0x3800  }
0x120: {  	[sflag:s26] =	ssyncset.done $0x0  }
0x121: {  	s12 =	simm.s32 $0xAF0;
	[sflag:s26] =	ssyncadd.s32 $0xFFFFC800  }
0x122: {  	[tilespmem:s20], [sflag:$0x2] =	stream.indirect.gather [hbm4b:s4+s19], $0x80, s12, s19, $0xb8;
	[tilespmem:$0x1FE40] =	vst v63  }
0x123: {  	_ =	swait.ge [sflag:s21], $0x3800  }
0x124: {  	[sflag:s21] =	ssyncset.done $0x0  }
0x125: {  	s14 =	simm.s32 $0x17A0;
	[sflag:s21] =	ssyncadd.s32 $0xFFFFC800  }
0x126: {  	[spmem:s1] =	stream.indirect.scatter.add.f32 [tilespmem:s16], [sflag:$0x4], $0x80, s14, s19, $0xb8;
	[tilespmem:$0x1FE40] =	vst v63  }
0x127: {  	_ =	swait.ge [sflag:s26], $0x3800  }
0x128: {  	[sflag:s26] =	ssyncset.done $0x0  }
0x129: {  	s15 =	simm.s32 $0xB60;
	[sflag:s26] =	ssyncadd.s32 $0xFFFFC800  }
0x12a: {  	[tilespmem:s23], [sflag:$0x3] =	stream.indirect.gather [hbm4b:s4+s19], $0x80, s15, s19, $0xb8;
	[tilespmem:$0x1FE40] =	vst v63  }
0x12b: {  	_ =	swait.ge [sflag:s24], $0x3800  }
0x12c: {  	[sflag:s24] =	ssyncset.done $0x0  }
0x12d: {  	s22 =	simm.s32 $0x1810;
	[sflag:s24] =	ssyncadd.s32 $0xFFFFC800  }
0x12e: {  	[spmem:s1] =	stream.indirect.scatter.add.f32 [tilespmem:s20], [sflag:$0x4], $0x80, s22, s19, $0xb8;
	[tilespmem:$0x1FE40] =	vst v63  }
0x12f: {  	_ =	swait.ge [sflag:s26], $0x3800  }
0x130: {  	[sflag:s26] =	ssyncset.done $0x0  }
0x131: {  	s25 =	simm.s32 $0xBD0;
	[sflag:s26] =	ssyncadd.s32 $0xFFFFC800  }
0x132: {  	[tilespmem:s16], [sflag:$0x1] =	stream.indirect.gather [hbm4b:s4+s19], $0x80, s25, s19, $0xb8;
	[tilespmem:$0x1FE40] =	vst v63  }
0x133: {  	_ =	swait.ge [sflag:s29], $0x3800  }
0x134: {  	[sflag:s29] =	ssyncset.done $0x0  }
0x135: {  	s28 =	simm.s32 $0x1880;
	[sflag:s29] =	ssyncadd.s32 $0xFFFFC800  }
0x136: {  	[spmem:s1] =	stream.indirect.scatter.add.f32 [tilespmem:s23], [sflag:$0x4], $0x80, s28, s19, $0xb8;
	[tilespmem:$0x1FE40] =	vst v63  }
0x137: {  	_ =	swait.ge [sflag:s26], $0x3800  }
0x138: {  	[sflag:s26] =	ssyncset.done $0x0  }
0x139: {  	s30 =	simm.s32 $0xC40;
	[sflag:s26] =	ssyncadd.s32 $0xFFFFC800  }
0x13a: {  	[tilespmem:s20], [sflag:$0x2] =	stream.indirect.gather [hbm4b:s4+s19], $0x80, s30, s19, $0xb8;
	[tilespmem:$0x1FE40] =	vst v63  }
0x13b: {  	_ =	swait.ge [sflag:s21], $0x3800  }
0x13c: {  	[sflag:s21] =	ssyncset.done $0x0  }
0x13d: {  	[sflag:s21] =	ssyncadd.s32 $0xFFFFC800  }
0x13e: {  	[spmem:s1] =	stream.indirect.scatter.add.f32 [tilespmem:s16], [sflag:$0x4], $0x80, s0, s19, $0xb8;
	[tilespmem:$0x1FE40] =	vst v63  }
0x13f: {  	_ =	swait.ge [sflag:s26], $0x3800  }
0x140: {  	[sflag:s26] =	ssyncset.done $0x0  }
0x141: {  	[sflag:s26] =	ssyncadd.s32 $0xFFFFC800  }
0x142: {  	[tilespmem:s23], [sflag:$0x3] =	stream.indirect.gather [hbm4b:s4+s19], $0x80, s2, s19, $0xb8;
	[tilespmem:$0x1FE40] =	vst v63  }
0x143: {  	_ =	swait.ge [sflag:s24], $0x3800  }
0x144: {  	[sflag:s24] =	ssyncset.done $0x0  }
0x145: {  	[sflag:s24] =	ssyncadd.s32 $0xFFFFC800  }
0x146: {  	[spmem:s1] =	stream.indirect.scatter.add.f32 [tilespmem:s20], [sflag:$0x4], $0x80, s8, s19, $0xb8;
	[tilespmem:$0x1FE40] =	vst v63  }
0x147: {  	_ =	swait.ge [sflag:s26], $0x3800  }
0x148: {  	[sflag:s26] =	ssyncset.done $0x0  }
0x149: {  	[sflag:s26] =	ssyncadd.s32 $0xFFFFC800  }
0x14a: {  	_ =	swait.ge [sflag:s29], $0x3800  }
0x14b: {  	[sflag:s29] =	ssyncset.done $0x0  }
0x14c: {  	s11 =	sadd.s32 $0x1, s11;
	[sflag:s29] =	ssyncadd.s32 $0xFFFFC800  }
0x14d: {  	[spmem:s1] =	stream.indirect.scatter.add.f32 [tilespmem:s23], [sflag:$0x4], $0x80, s9, s19, $0xb8;
	[tilespmem:$0x1FE40] =	vst v63  }
0x14e: {  	p0 =	sne.s32 s11, $0x6;
	_ =	swait.ge [sflag:s26], $0x3800  }
.Ltmp2:
0x14f: {  	[sflag:s26] =	ssyncset.done $0x0;
	(pc) =	sbr.rel @p0 .LBB2_4-.Ltmp2, $4  }
0x150: {  	[sflag:s26] =	ssyncadd.s32 $0xFFFFC800  }
0x151: {  	_ =	swait.ge [sflag:s26], $0x3800  }
0x152: {  	[sflag:s26] =	ssyncset.done $0x0  }
0x153: {  	[sflag:s26] =	ssyncadd.s32 $0xFFFFC800  }
0x154: {  	s3 =	stileid.u32;
	[bflag:$0x0] =	sbarrier.arrive $0xFFFF  }
0x155: {  	s3 =	sshll.u32 s3, $0x6;
	s12 =	rddreg [dreg:$0x3]  }
0x156: {  	s10 =	rddreg [dreg:$0x9];
	s3 =	sor.u32 $0x1C05, s3;
	s7 =	sshrl.u32 s12, $0x3  }
0x157: {  	[hbm:s10], [sflag:s3] =	dma.local [spmem:s7], $0x2780  }
0x158: {  	_ =	swait.ge [sflag:s17], $0x2780  }
0x159: {  	s28 =	rddreg [dreg:$0xb]  }
0x15a: {  	s30 =	rddreg [dreg:$0xa];
	s7 =	sadd.s32 $0x1, s28  }
0x15b: {  	p0 =	sne.s32 s7, s30  }
.Ltmp3:
0x15c: {  	_ = 	snop;
	(pc) =	sbr.rel @p0 .LBB2_1-.Ltmp3, $3  }
0x15d: {  	_ =	sdelay $0x1  }
0x15e: {  	[sflag:s17] =	ssyncset.done $0x0  }
0x15f: {  	[sflag:s17] =	ssyncadd.s32 $0xFFFFD880  }
0x160: {  	_ =	sfence.sel $0x180000  }
0x161: {  	[bflag:$0x0] =	sbarrier.arrive $0xFFFF  }
0x162: {  	_ =	strace $0x9000004D  }
0x163: {  	s0 =	stileid.u32;
	[bflag:$0x2] =	sbarrier.arrive $0xFFFF  }
0x164: {  	p0 =	sne.s32 s0, $0x0;
	s0 =	rddreg [dreg:$0x2]  }
0x165: {  	s0 =	sadd.s32 @!p0 $0x100000, s0  }
0x166: {  	[sflag:s0] =	ssyncadd.tile.s32 @!p0 $0x1;
	_ =	shalt  }
.Lfunc_end2:
_tile_overlayer_lowered:
.L_overlay_start_2:
0x167: {  	(tag) =	ssettag $0x2  }
0x168: {  	s0 =	rddreg [dreg:$0x0];
	s2 =	stileid.u32  }
0x169: {  	s1 =	rddreg [dreg:$0x1];
	p0 =	sne.s32 s2, $0x0  }
0x16a: {  	s3 =	rddreg [dreg:$0x2];
	[bflag:$0x3] =	sbarrier.arrive $0xFFFF;
	s2 =	simm.s32 @!p0 $0x1C05  }
0x16b: {  	[timem:s3], [sflag:s2] =	dma.local @!p0 [hbm:s0], s1  }
0x16c: {  	s0 =	simm.s32 @!p0 $0x5  }
0x16d: {  	_ =	swait.ge @!p0 [sflag:s0], s1  }
0x16e: {  	s1 =	ssub.s32 @!p0 $0x0, s1;
	[sflag:s0] =	ssyncset.done @!p0 $0x0  }
0x16f: {  	[sflag:s0] =	ssyncadd.s32 @!p0 s1  }
0x170: {  	[bflag:$0x3] =	sbarrier.arrive $0xFFFF  }
0x171: {  	_ =	shalt  }

// kernel: kernel.8.cloned.1.call-start
scs
__scs_entry_jumppad:
0x0: {  	(pc) =	sbr.rel $0x88, $3  }
0x1: {  	(tag) =	ssettag $0x0;
	lr =	simm.s32 $0x1  }
0x2: {  	[smem:$0x3F95] =	sst lr;
	_ =	strace $0xD0000000  }
0x3: {  	_ = 	snop  }
0x4: {  	_ = 	snop  }
0x5: {  	_ = 	snop  }
0x6: {  	_ = 	snop  }
0x7: {  	_ = 	snop  }
__scs_overlays_trampoline_lowered:
0x8: {  	[smem:$0x3FA4] =	sst s0  }
0x9: {  	[smem:$0x3FA5] =	sst s1  }
0xa: {  	[smem:$0x3FA6] =	sst s2  }
0xb: {  	[smem:$0x3FA7] =	sst s3  }
0xc: {  	[smem:$0x3FA8] =	sst s4  }
0xd: {  	[smem:$0x3FA9] =	sst s5  }
0xe: {  	[smem:$0x3FAA] =	sst s6  }
0xf: {  	[smem:$0x3FAB] =	sst s7  }
0x10: {  	[smem:$0x3FAC] =	sst s8  }
0x11: {  	[smem:$0x3FAD] =	sst s9;
	s0 =	simm.s32 @!p0 $0x0  }
0x12: {  	s1 =	sld [smem:$0x3F93];
	s0 =	simm.s32 @p0 $0x1  }
0x13: {  	[smem:$0x3FAE] =	sst s0;
	s0 =	simm.s32 @!p1 $0x0  }
0x14: {  	s2 =	sld [smem:$0x3F92];
	s0 =	simm.s32 @p1 $0x1  }
0x15: {  	[smem:$0x3FAF] =	sst s0;
	s0 =	simm.s32 @!p2 $0x0  }
0x16: {  	s3 =	sld [smem:$0x3FDB];
	s0 =	simm.s32 @p2 $0x1  }
0x17: {  	s4 =	simm.s32 $0x1BF5;
	[smem:$0x3FB1] =	sst s0  }
0x18: {  	s0 =	sld [smem:$0x3F94];
	_ =	swait.ge [sflag:s4], $0x0  }
0x19: {  	s7 =	sld [smem:$0x3F95]  }
0x1a: {  	s8 =	sadd.s32 $0xFFFFE003, lr  }
0x1b: {  	s9 =	sadd.s32 $0xFFFFFEF7, lr;
	s5 =	simm.s32 $0xFFFFFFFF;
	p2 =	slt.u32 s8, $0xFFFFF086  }
0x1c: {  	p1 =	slt.u32 s9, $0xF7A;
	s5 =	simm.s32 @!p2 $0x0  }
0x1d: {  	s5 =	simm.s32 @p1 $0x1;
	p0 =	seq.s32 s7, s2  }
0x1e: {  	s7 =	smul.u32 @!p0 $0xF7A, s2;
	p2 =	seq.s32 @!p0 s5, $0x0  }
0x1f: {  	s9 =	smul.u32 $0xF7A, s1;
	s8 =	simm.s32 @!p0 $0x1BF5;
	p2 =	por !p2, p0  }
0x20: {  	[sflag:s8] =	ssyncset.s32 @!p0 $0xFFFFF086;
	s6 =	sadd.s32 @!p0 s3, s7;
	s7 =	simm.s32 @!p0 $0x108  }
0x21: {  	s3 =	sadd.s32 s3, s9;
	s6 =	sadd.s32 @!p0 $0x88, s6;
	s7 =	simm.s32 @p2 $0x1082  }
0x22: {  	[simem:s7], [sflag:s8] =	dma.local @!p0 [hbm:s6], $0xF7A  }
0x23: {  	s9 =	sor.u32 $0xD0000000, s2;
	s6 =	simm.s32 $0x108;
	_ =	swait.ge @!p0 [sflag:s8], $0x0  }
0x24: {  	s3 =	sadd.s32 $0x88, s3;
	s6 =	simm.s32 @!p1 $0x1082;
	[sflag:s4] =	ssyncset.s32 $0xFFFFF086  }
0x25: {  	[simem:s6], [sflag:s4] =	dma.local [hbm:s3], $0xF7A  }
0x26: {  	[smem:$0x3F95] =	sst s1;
	(tag) =	ssettag s2;
	_ =	strace s9  }
0x27: {  	s1 =	sld [smem:$0x3FA5]  }
0x28: {  	s2 =	sld [smem:$0x3FA6]  }
0x29: {  	s4 =	sld [smem:$0x3FA8]  }
0x2a: {  	p0 =	seq.s32 s5, $0x0;
	s5 =	sld [smem:$0x3FA9]  }
0x2b: {  	s6 =	sld [smem:$0x3FAA]  }
0x2c: {  	s7 =	sld [smem:$0x3FAB]  }
0x2d: {  	s3 =	simm.s32 $0x108;
	s8 =	sld [smem:$0x3FAC]  }
0x2e: {  	s3 =	simm.s32 @!p0 $0x1082;
	s9 =	sld [smem:$0x3FAD]  }
0x2f: {  	lr =	sadd.s32 s0, s3;
	s0 =	sld [smem:$0x3FA4]  }
0x30: {  	s3 =	sld [smem:$0x3FA7]  }
0x31: {  	[smem:$0x3FB0] =	sst s10  }
0x32: {  	s10 =	sld [smem:$0x3FAE];
	_ =	sdelay $0x3  }
0x33: {  	p0 =	seq.s32 s10, $0x1;
	s10 =	sld [smem:$0x3FB0];
	_ =	sdelay $0x3  }
0x34: {  	[smem:$0x3FB0] =	sst s10  }
0x35: {  	s10 =	sld [smem:$0x3FAF];
	_ =	sdelay $0x3  }
0x36: {  	p1 =	seq.s32 s10, $0x1;
	s10 =	sld [smem:$0x3FB0];
	_ =	sdelay $0x3  }
0x37: {  	[smem:$0x3FB0] =	sst s10  }
0x38: {  	s10 =	sld [smem:$0x3FB1]  }
0x39: {  	_ = 	snop;
	(pc) =	sbr.ind lr, $3  }
0x3a: {  	_ = 	snop  }
0x3b: {  	_ = 	snop  }
0x3c: {  	p2 =	seq.s32 s10, $0x1;
	s10 =	sld [smem:$0x3FB0]  }
0x3d: {  	_ =	shalt  }
0x3e: {  	_ =	shalt  }
0x3f: {  	_ =	shalt  }
0x40: {  	_ =	shalt  }
0x41: {  	_ =	shalt  }
0x42: {  	_ =	shalt  }
0x43: {  	_ =	shalt  }
0x44: {  	_ =	shalt  }
0x45: {  	_ =	shalt  }
0x46: {  	_ =	shalt  }
0x47: {  	_ =	shalt  }
0x48: {  	_ =	shalt  }
0x49: {  	_ =	shalt  }
0x4a: {  	_ =	shalt  }
0x4b: {  	_ =	shalt  }
0x4c: {  	_ =	shalt  }
0x4d: {  	_ =	shalt  }
0x4e: {  	_ =	shalt  }
0x4f: {  	_ =	shalt  }
0x50: {  	_ =	shalt  }
0x51: {  	_ =	shalt  }
0x52: {  	_ =	shalt  }
0x53: {  	_ =	shalt  }
0x54: {  	_ =	shalt  }
0x55: {  	_ =	shalt  }
0x56: {  	_ =	shalt  }
0x57: {  	_ =	shalt  }
0x58: {  	_ =	shalt  }
0x59: {  	_ =	shalt  }
0x5a: {  	_ =	shalt  }
0x5b: {  	_ =	shalt  }
0x5c: {  	_ =	shalt  }
0x5d: {  	_ =	shalt  }
0x5e: {  	_ =	shalt  }
0x5f: {  	_ =	shalt  }
0x60: {  	_ =	shalt  }
0x61: {  	_ =	shalt  }
0x62: {  	_ =	shalt  }
0x63: {  	_ =	shalt  }
0x64: {  	_ =	shalt  }
0x65: {  	_ =	shalt  }
0x66: {  	_ =	shalt  }
0x67: {  	_ =	shalt  }
0x68: {  	_ =	shalt  }
0x69: {  	_ =	shalt  }
0x6a: {  	_ =	shalt  }
0x6b: {  	_ =	shalt  }
0x6c: {  	_ =	shalt  }
0x6d: {  	_ =	shalt  }
0x6e: {  	_ =	shalt  }
0x6f: {  	_ =	shalt  }
0x70: {  	_ =	shalt  }
0x71: {  	_ =	shalt  }
0x72: {  	_ =	shalt  }
0x73: {  	_ =	shalt  }
0x74: {  	_ =	shalt  }
0x75: {  	_ =	shalt  }
0x76: {  	_ =	shalt  }
0x77: {  	_ =	shalt  }
0x78: {  	_ =	shalt  }
0x79: {  	_ =	shalt  }
0x7a: {  	_ =	shalt  }
0x7b: {  	_ =	shalt  }
0x7c: {  	_ =	shalt  }
0x7d: {  	_ =	shalt  }
0x7e: {  	_ =	shalt  }
0x7f: {  	_ =	shalt  }
0x80: {  	_ =	shalt  }
0x81: {  	_ =	shalt  }
0x82: {  	_ =	shalt  }
0x83: {  	_ =	shalt  }
0x84: {  	_ =	shalt  }
0x85: {  	_ =	shalt  }
0x86: {  	_ =	shalt  }
0x87: {  	_ =	shalt  }
.Lfunc_end0:
.L_simem_size_0:
called_computation_lowered:
.L_overlay_start_0:
0x88: {  	s2 =	sld [smem:$0x3FD9]  }
0x89: {  	s3 =	sld [smem:$0x3FFE];
	_ =	sdelay $0x1  }
0x8a: {  	s1 =	srdreg.scid  }
0x8b: {  	s0 =	sand.u32 $0x1, s1  }
0x8c: {  	s14 =	sshll.u32 s0, $0xA;
	s2 =	sadd.s32 s3, s2  }
0x8d: {  	s2 =	sadd.s32 s2, s14  }
0x8e: {  	[smem:$0x3FBC] =	sst s2  }
0x8f: {  	_ = 	snop  }
0x90: {  	s2 =	sld [smem:$0x3FD0];
	_ =	sdelay $0x2  }
0x91: {  	s15 =	simm.s32 $0xA;
	s4 =	simm.s32 $0x10  }
0x92: {  	[smem:s4], [sflag:s15] =	dma.local [hbm:s2], $0x1  }
0x93: {  	_ =	swait.eq [sflag:s15], $0x1  }
0x94: {  	[sflag:s15] =	ssyncset.done $0x0  }
0x95: {  	[sflag:s15] =	ssyncadd.s32 $0xFFFFFFFF  }
0x96: {  	s16 =	sld [smem:$0x11];
	(tm) =	ssettm $0x1  }
0x97: {  	s17 =	sld [smem:$0x3FFB];
	_ =	sdelay $0x3  }
0x98: {  	_ =	strace s17  }
0x99: {  	s3 =	sld [smem:$0x3FFC];
	_ =	sdelay $0x3  }
0x9a: {  	_ =	strace s3  }
0x9b: {  	s3 =	sld [smem:$0x3FFD];
	_ =	sdelay $0x3  }
0x9c: {  	_ =	strace s3  }
0x9d: {  	_ =	strace $0x8FFFFFFF  }
0x9e: {  	s18 =	sld [smem:$0x3FDB];
	_ =	sdelay $0x1  }
0x9f: {  	s19 =	simm.s32 $_scs_section_size  }
0xa0: {  	s5 =	simm.s32 $_size__tile_overlayer_lowered;
	s6 =	simm.s32 $_tile_overlayer_lowered  }
0xa1: {  	s22 =	simm.s32 $0x1BFF;
	s21 =	sshll.u32 s6, $0x1;
	s3 =	sadd.s32 s19, s18  }
0xa2: {  	s7 =	simm.s32 $0x0;
	s20 =	sshll.u32 s5, $0x1;
	s5 =	sadd.s32 s21, s3  }
0xa3: {  	[timem:s7], [sflag:s22] =	dma.local [hbm:s5], s20  }
0xa4: {  	_ =	swait.ge [sflag:s22], s20  }
0xa5: {  	s4 =	ssub.s32 $0x0, s20;
	[sflag:s22] =	ssyncset.done $0x0  }
0xa6: {  	[sflag:s22] =	ssyncadd.s32 s4;
	_ =	sdelay $0x1  }
0xa7: {  	s23 =	simm.s32 $0x1B8B  }
0xa8: {  	_ =	swait.ge [sflag:s23], $0x1  }
0xa9: {  	[sflag:s23] =	ssyncset.done $0x0  }
0xaa: {  	s25 =	simm.s32 $0x1B8E;
	s24 =	sld [smem:$0x3FFE];
	[sflag:s23] =	ssyncadd.s32 $0xFFFFFFFF  }
0xab: {  	s26 =	simm.s32 $execute0_lowered;
	[smem:$0x3FD2] =	sst s25  }
0xac: {  	s5 =	sshll.u32 s26, $0x1;
	_ =	strace $0x80000046;
	[dreg:$0x1] =	wrdreg $0xFFFFFFFF  }
0xad: {  	s28 =	simm.s32 $_size_execute0_lowered;
	s3 =	sadd.s32 s3, s5;
	[dreg:$0x0] =	wrdreg $0x0  }
0xae: {  	s5 =	sshll.u32 s28, $0x1;
	[dreg:$0x2] =	wrdreg s3  }
0xaf: {  	[dreg:$0x3] =	wrdreg s5  }
0xb0: {  	[dreg:$0x4] =	wrdreg $0xC0  }
0xb1: {  	_ =	task [dreg:s7], $0x5FFFF  }
0xb2: {  	[dreg:$0x1] =	wrdreg $0xFFFFFFFF  }
0xb3: {  	[dreg:$0x0] =	wrdreg $0x60  }
0xb4: {  	[dreg:$0x2] =	wrdreg s24  }
0xb5: {  	[dreg:$0x3] =	wrdreg s16  }
0xb6: {  	[dreg:$0x4] =	wrdreg $0x2E600  }
0xb7: {  	[dreg:$0x5] =	wrdreg $0x9  }
0xb8: {  	_ =	task.clear_ibuf [dreg:s7], $0x6FFFF;
	_ =	strace $0x90000046  }
0xb9: {  	s29 =	simm.s32 $0x9;
	_ =	strace $0x80000048  }
0xba: {  	_ =	swait.ge [sflag:s29], $0x1  }
0xbb: {  	[sflag:s29] =	ssyncadd.s32 $0xFFFFFFFF  }
0xbc: {  	_ =	strace $0x90000048  }
0xbd: {  	_ =	sfence  }
0xbe: {  	s30 =	sld [smem:$0x0];
	_ =	sdelay $0x2  }
0xbf: {  	s31 =	sshll.u32 s1, $0xD;
	s1 =	sshrl.u32 s1, $0x2  }
0xc0: {  	s3 =	sand.u32 $0x4000, s31;
	s1 =	sadd.s32 s1, s30  }
0xc1: {  	s0 =	sor.u32 s3, s0;
	s1 =	sshll.u32 s1, $0x11  }
0xc2: {  	s0 =	sor.u32 s1, s0  }
0xc3: {  	s0 =	sadd.s32 $0x8F2B, s0  }
0xc4: {  	[sflag:s0] =	ssyncadd.remote.s32 $0x1  }
0xc5: {  	_ =	sfence.sel $0xFFFF  }
0xc6: {  	[dreg:$0x0] =	wrdreg $0xFFFFFFFF;
	(pc) =	sbr.abs _section_cstart, $3  }
0xc7: {  	[dreg:$0x1] =	wrdreg $0xFFFFFFFF  }
0xc8: {  	_ =	task.clear_ibuf [dreg:s7], $0x2FFFF;
	_ =	strace $0x9FFFFFFF  }
0xc9: {  	(tm) =	ssettm $0x7FFFFFFF  }
tec
execute0_lowered:
.L_overlay_start_1:
0x0: {  	(tag) =	ssettag $0x1  }
0x1: {  	s4 =	rddreg [dreg:$0x0]  }
0x2: {  	s0 =	srdreg.scid;
	s11 =	rddreg [dreg:$0x1]  }
0x3: {  	s2 =	rddreg [dreg:$0x2];
	s3 =	simm.s32 $0x0;
	s14 =	simm.s32 $0x2760  }
0x4: {  	s15 =	simm.s32 $0x70;
	s5 =	sand.u32 $0x1, s0;
	s0 =	stileid.u32  }
0x5: {  	s16 =	simm.s32 $0x1;
	s19 =	simm.s32 $0x0;
	s7 =	smul.u32 $0x9E00, s0  }
0x6: {  	[smem:$0x7FF] =	sst s3;
	s1 =	sshll.u32 s5, $0x4;
	s9 =	smul.u32 $0x4F0, s0  }
0x7: {  	s8 =	ssub.s32 $0x2, s5;
	s10 =	smul.u32 $0x4F00, s5;
	s17 =	sshll.u32 s0, $0x6  }
0x8: {  	s6 =	sor.u32 s0, s1;
	s1 =	rddreg [dreg:$0x3];
	_ =	strace $0x80000047  }
0x9: {  	s31 =	sshrl.u32 s8, $0x1;
	s17 =	sor.u32 $0x1C02, s17;
	s6 =	smul.u32 $0x4EC, s6  }
0xa: {  	s30 =	sshrl.u32 s7, $0x2;
	s12 =	ssub.s32 s8, s31;
	s13 =	sadd.s32 s9, s10  }
0xb: {  	s11 =	sadd.s32 s11, s13;
	s12 =	smax.u32 s12, $0x1;
	s6 =	sadd.s32 s6, s4  }
0xc: {  	s13 =	simm.s32 $0x2;
	s4 =	sadd.s32 s30, s2;
	s5 =	sadd.s32 $0x2800, s6  }
0xd: {  	s6 =	sadd.s32 $0x700, s4;
	s7 =	sadd.s32 $0xE00, s4;
	s8 =	sadd.s32 $0x1500, s4  }
0xe: {  	v0 =	vimm.f32 $0.0e+00;
	v1 =	vimm.f32 $1.000000000e+00;
	s9 =	sadd.s32 $0x1C00, s4;
	s10 =	sadd.s32 $0x2300, s4;
	s18 =	sshrl.u32 s4, $0x3  }
.LBB2_1:
0xf: {  	[tilespmem:s3], [sflag:$0x2] =	stream.linear.gather [hbm4b:s5+s3], $0x2760, $0x38;
	[tilespmem:$0x55E0] =	vst v63  }
0x10: {  	_ =	swait.ge [sflag:s13], $0x2760  }
0x11: {  	[sflag:s13] =	ssyncset.done $0x0  }
0x12: {  	s20 =	simm.s32 $0x40;
	s21 =	simm.s32 $0x0;
	[sflag:s13] =	ssyncadd.s32 $0xFFFFD8A0  }
.LBB2_2:
0x13: {  	p0 =	sne.s32 s20, $0x1BC0;
	[tilespmem:s21+$0x2760] =	vst v0;
	s21 =	smov.u32 s20;
	s20 =	sadd.s32 $0x40, s20  }
.Ltmp0:
0x14: {  	(pc) =	sbr.rel @p0 .LBB2_2-.Ltmp0, $2  }
0x15: {  	_ =	sdelay $0x2  }
0x16: {  	s21 =	sshra.s32 s21, $0x2  }
0x17: {  	[tilespmem:s21+$0x2760] =	vst v0  }
0x18: {  	[spmem:s4] =	stream.linear.scatter [tilespmem:s14], [sflag:$0x2], $0x700, $0x38;
	[tilespmem:$0x55E0] =	vst v63  }
0x19: {  	_ =	swait.ge [sflag:s13], $0x700  }
0x1a: {  	[sflag:s13] =	ssyncset.done $0x0  }
0x1b: {  	[sflag:s13] =	ssyncadd.s32 $0xFFFFF900  }
0x1c: {  	[spmem:s6] =	stream.linear.scatter [tilespmem:s14], [sflag:$0x2], $0x700, $0x38;
	[tilespmem:$0x55E0] =	vst v63  }
0x1d: {  	_ =	swait.ge [sflag:s13], $0x700  }
0x1e: {  	[sflag:s13] =	ssyncset.done $0x0  }
0x1f: {  	[sflag:s13] =	ssyncadd.s32 $0xFFFFF900  }
0x20: {  	[spmem:s7] =	stream.linear.scatter [tilespmem:s14], [sflag:$0x2], $0x700, $0x38;
	[tilespmem:$0x55E0] =	vst v63  }
0x21: {  	_ =	swait.ge [sflag:s13], $0x700  }
0x22: {  	[sflag:s13] =	ssyncset.done $0x0  }
0x23: {  	[sflag:s13] =	ssyncadd.s32 $0xFFFFF900  }
0x24: {  	[spmem:s8] =	stream.linear.scatter [tilespmem:s14], [sflag:$0x2], $0x700, $0x38;
	[tilespmem:$0x55E0] =	vst v63  }
0x25: {  	_ =	swait.ge [sflag:s13], $0x700  }
0x26: {  	[sflag:s13] =	ssyncset.done $0x0  }
0x27: {  	[sflag:s13] =	ssyncadd.s32 $0xFFFFF900  }
0x28: {  	[spmem:s9] =	stream.linear.scatter [tilespmem:s14], [sflag:$0x2], $0x700, $0x38;
	[tilespmem:$0x55E0] =	vst v63  }
0x29: {  	_ =	swait.ge [sflag:s13], $0x700  }
0x2a: {  	[sflag:s13] =	ssyncset.done $0x0  }
0x2b: {  	[sflag:s13] =	ssyncadd.s32 $0xFFFFF900  }
0x2c: {  	[spmem:s10] =	stream.linear.scatter [tilespmem:s14], [sflag:$0x2], $0x480, $0x38;
	[tilespmem:$0x55E0] =	vst v63  }
0x2d: {  	_ =	swait.ge [sflag:s13], $0x480  }
0x2e: {  	[sflag:s13] =	ssyncset.done $0x0  }
0x2f: {  	s20 =	simm.s32 $0x40;
	s21 =	simm.s32 $0x0;
	[sflag:s13] =	ssyncadd.s32 $0xFFFFFB80  }
.LBB2_4:
0x30: {  	p0 =	sne.s32 s20, $0x1BC0;
	[tilespmem:s21+$0x2760] =	vst v1;
	s21 =	smov.u32 s20;
	s20 =	sadd.s32 $0x40, s20  }
.Ltmp1:
0x31: {  	(pc) =	sbr.rel @p0 .LBB2_4-.Ltmp1, $2  }
0x32: {  	_ =	sdelay $0x2  }
0x33: {  	s21 =	sshra.s32 s21, $0x2  }
0x34: {  	[tilespmem:s21+$0x2760] =	vst v1  }
0x35: {  	s20 =	simm.s32 $0x0;
	[bflag:$0x0] =	sbarrier.arrive $0xFFFF  }
.LBB2_6:
0x36: {  	p0 =	sne.s32 s20, $0x9BC0  }
.Ltmp2:
0x37: {  	_ = 	snop;
	(pc) =	sbr.rel @p0 .LBB2_6-.Ltmp2, $3  }
0x38: {  	_ =	sdelay $0x1  }
0x39: {  	s21 =	sshra.s32 s20, $0x2;
	s20 =	sadd.s32 $0x1C0, s20  }
0x3a: {  	[spmem:s2] =	stream.indirect.scatter.add.f32 [tilespmem:s14], [sflag:$0x1], $0x10, s21, s15, $0xb8;
	[tilespmem:$0x55E0] =	vst v63  }
0x3b: {  	_ =	swait.ge [sflag:s16], $0x700  }
0x3c: {  	s20 =	simm.s32 $0x59;
	[sflag:s16] =	ssyncset.done $0x0  }
.LBB2_8:
0x3d: {  	p0 =	sne.s32 s20, $0x1;
	s20 =	sadd.s32 $0xFFFFFFFF, s20;
	[sflag:s16] =	ssyncadd.s32 $0xFFFFF900  }
.Ltmp3:
0x3e: {  	(pc) =	sbr.rel @p0 .LBB2_8-.Ltmp3, $3  }
0x3f: {  	_ =	sdelay $0x1  }
0x40: {  	_ =	swait.ge [sflag:s16], $0x700  }
0x41: {  	[sflag:s16] =	ssyncset.done $0x0  }
0x42: {  	s19 =	sadd.s32 $0x1, s19  }
0x43: {  	[sflag:s16] =	ssyncadd.s32 $0xFFFFF900;
	p0 =	sne.s32 s19, s12  }
.Ltmp4:
0x44: {  	[bflag:$0x0] =	sbarrier.arrive $0xFFFF;
	(pc) =	sbr.rel @p0 .LBB2_1-.Ltmp4, $4  }
0x45: {  	[hbm:s11], [sflag:s17] =	dma.local [spmem:s18], $0x4F0  }
0x46: {  	_ =	swait.ge [sflag:s13], $0x4F0  }
0x47: {  	[sflag:s13] =	ssyncset.done $0x0  }
0x48: {  	[sflag:s13] =	ssyncadd.s32 $0xFFFFFB10  }
0x49: {  	_ =	sfence.sel $0x180000  }
0x4a: {  	[bflag:$0x0] =	sbarrier.arrive $0xFFFF  }
0x4b: {  	p0 =	sne.s32 s0, $0x0;
	_ =	strace $0x90000047  }
0x4c: {  	s0 =	sadd.s32 @!p0 $0x100000, s1;
	[bflag:$0x2] =	sbarrier.arrive $0xFFFF  }
0x4d: {  	[sflag:s0] =	ssyncadd.tile.s32 @!p0 $0x1;
	_ =	shalt  }
.Lfunc_end2:
_tile_overlayer_lowered:
.L_overlay_start_2:
0x4e: {  	(tag) =	ssettag $0x2  }
0x4f: {  	s0 =	rddreg [dreg:$0x0];
	s2 =	stileid.u32  }
0x50: {  	s1 =	rddreg [dreg:$0x1];
	p0 =	sne.s32 s2, $0x0  }
0x51: {  	s3 =	rddreg [dreg:$0x2];
	[bflag:$0x3] =	sbarrier.arrive $0xFFFF;
	s2 =	simm.s32 @!p0 $0x1C02  }
0x52: {  	[timem:s3], [sflag:s2] =	dma.local @!p0 [hbm:s0], s1  }
0x53: {  	s0 =	simm.s32 @!p0 $0x2  }
0x54: {  	_ =	swait.ge @!p0 [sflag:s0], s1  }
0x55: {  	s1 =	ssub.s32 @!p0 $0x0, s1;
	[sflag:s0] =	ssyncset.done @!p0 $0x0  }
0x56: {  	[sflag:s0] =	ssyncadd.s32 @!p0 s1  }
0x57: {  	[bflag:$0x3] =	sbarrier.arrive $0xFFFF  }
0x58: {  	_ =	shalt  }

</sc_bundles>
